<compile_context>
chip_gen: v7x
topology: tpu7x:2x2x1
jax: 0.10.2.dev20260603
libtpu: 0.0.44.dev20260713+nightly
codegen_flags: <defaults>
</compile_context>

<pallas_src>
import functools

import jax
import jax.numpy as jnp
from jax import lax
from jax.experimental import pallas as pl
from jax.experimental.pallas import tpu as pltpu
from jax.experimental.pallas import tpu_sc as plsc

NC = 2
NS = 16
NW = NC * NS
L = 16

B = 16384
D = 128
K = 20
CHUNK = 128
B_PER_W = B // NW
N_CHUNKS = B_PER_W // CHUNK


def _sc_body(cent_hbm, ctx_hbm, noise_hbm, w_i_hbm, w_o_hbm,
             spos_hbm, sneg_hbm,
             cidx0, cidx1, cidx2, cidx3, xidx0, xidx1, xidx2, xidx3,
             nidx0, nidx1, nidx2, nidx3,
             v0, v1, vp, acc0, acc1, spos, sneg,
             sem_i0, sem_i1, sem_m0, sem_m1, sem_p):
  sem_i = (sem_i0, sem_i1)
  sem_m = (sem_m0, sem_m1)
  cidx = (cidx0, cidx1, cidx2, cidx3)
  xidx = (xidx0, xidx1, xidx2, xidx3)
  nidx = (nidx0, nidx1, nidx2, nidx3)
  v = (v0, v1)
  acc = (acc0, acc1)

  wid = lax.axis_index("s") * NC + lax.axis_index("c")
  base = wid * B_PER_W
  zero = jnp.zeros((L,), jnp.float32)

  def prefetch_idx(c):
    cb = base + c * CHUNK
    return [
        pltpu.async_copy(cent_hbm.at[pl.ds(cb, CHUNK)], cidx[c], sem_i[c % 2]),
        pltpu.async_copy(ctx_hbm.at[pl.ds(cb, CHUNK)], xidx[c], sem_i[c % 2]),
        pltpu.async_copy(noise_hbm.at[:, pl.ds(cb, CHUNK)], nidx[c], sem_i[c % 2]),
    ]

  def zero_acc(c):
    p = c % 2

    def zrow(i, _):
      for j in range(D // L):
        acc[p][i, pl.ds(j * L, L)] = zero
      return 0

    lax.fori_loop(0, CHUNK, zrow, 0)

  def fire(c, idx_descs):
    p = c % 2
    for d in idx_descs:
      d.wait()
    g_v = pltpu.async_copy(w_i_hbm.at[cidx[c]], v[p], sem_m[p])
    adds = [
        pltpu.async_copy(w_o_hbm.at[nidx[c].at[k]], acc[p], sem_m[p], add=True)
        for k in range(K)
    ]
    return [g_v] + adds

  def fire_vp(c):
    return pltpu.async_copy(w_o_hbm.at[xidx[c]], vp, sem_p)

  idx_descs = [prefetch_idx(0), prefetch_idx(1)]
  zero_acc(0)
  descs = fire(0, idx_descs[0])
  vp_d = fire_vp(0)
  for c in range(N_CHUNKS):
    p = c % 2
    cb = base + c * CHUNK
    if c + 2 < N_CHUNKS:
      idx_descs.append(prefetch_idx(c + 2))
    nxt = None
    if c + 1 < N_CHUNKS:
      zero_acc(c + 1)
      nxt = fire(c + 1, idx_descs[c + 1])
    for d in descs:
      d.wait()
    vp_d.wait()

    def row(i, _):
      pos = jnp.zeros((L,), jnp.float32)
      neg = jnp.zeros((L,), jnp.float32)
      for j in range(D // L):
        vv = v[p][i, pl.ds(j * L, L)]
        pos = pos + vv * vp[i, pl.ds(j * L, L)]
        neg = neg + vv * acc[p][i, pl.ds(j * L, L)]
      spos[i, :] = pos
      sneg[i, :] = neg
      return 0

    lax.fori_loop(0, CHUNK, row, 0)
    if c + 1 < N_CHUNKS:
      vp_d = fire_vp(c + 1)
      descs = nxt
    pltpu.sync_copy(spos, spos_hbm.at[pl.ds(cb, CHUNK)])
    pltpu.sync_copy(sneg, sneg_hbm.at[pl.ds(cb, CHUNK)])


@functools.partial(
    pl.kernel,
    out_type=(
        jax.ShapeDtypeStruct((B, L), jnp.float32),
        jax.ShapeDtypeStruct((B, L), jnp.float32),
    ),
    mesh=plsc.VectorSubcoreMesh(core_axis_name="c", subcore_axis_name="s"),
    scratch_types=[
        pltpu.VMEM((CHUNK,), jnp.int32),
        pltpu.VMEM((CHUNK,), jnp.int32),
        pltpu.VMEM((CHUNK,), jnp.int32),
        pltpu.VMEM((CHUNK,), jnp.int32),
        pltpu.VMEM((CHUNK,), jnp.int32),
        pltpu.VMEM((CHUNK,), jnp.int32),
        pltpu.VMEM((CHUNK,), jnp.int32),
        pltpu.VMEM((CHUNK,), jnp.int32),
        pltpu.VMEM((K, CHUNK), jnp.int32),
        pltpu.VMEM((K, CHUNK), jnp.int32),
        pltpu.VMEM((K, CHUNK), jnp.int32),
        pltpu.VMEM((K, CHUNK), jnp.int32),
        pltpu.VMEM((CHUNK, D), jnp.float32),
        pltpu.VMEM((CHUNK, D), jnp.float32),
        pltpu.VMEM((CHUNK, D), jnp.float32),
        pltpu.VMEM((CHUNK, D), jnp.float32),
        pltpu.VMEM((CHUNK, D), jnp.float32),
        pltpu.VMEM((CHUNK, L), jnp.float32),
        pltpu.VMEM((CHUNK, L), jnp.float32),
        pltpu.SemaphoreType.DMA,
        pltpu.SemaphoreType.DMA,
        pltpu.SemaphoreType.DMA,
        pltpu.SemaphoreType.DMA,
        pltpu.SemaphoreType.DMA,
    ],
)
def _sc_gather_dots(*args):
  _sc_body(*args)


def _tc_finish_body(spos_ref, sneg_ref, out_ref):
  r_i = lax.broadcasted_iota(jnp.int32, (D, D // L), 0)
  c_i = lax.broadcasted_iota(jnp.int32, (D, D // L), 1)
  m = (r_i // L == c_i).astype(jnp.float32)
  pos = jnp.dot(spos_ref[:], m, preferred_element_type=jnp.float32)
  neg = jnp.dot(sneg_ref[:], m, preferred_element_type=jnp.float32)

  def log_sigmoid(x):
    return jnp.minimum(x, 0.0) - jnp.log(1.0 + jnp.exp(-jnp.abs(x)))

  loss = log_sigmoid(pos) + log_sigmoid(-neg)
  out_ref[0, 0] = -jnp.sum(loss) / B


def kernel(cent, ctx, noise, w_i, w_o):
  cent = cent.astype(jnp.int32)
  ctx = ctx.astype(jnp.int32)
  noise_t = noise.astype(jnp.int32).T

  spos, sneg = _sc_gather_dots(cent, ctx, noise_t, w_i, w_o)

  rows = B * L // D
  spos2 = spos.reshape(rows, D)
  sneg2 = sneg.reshape(rows, D)
  out = pl.pallas_call(
      _tc_finish_body,
      out_shape=jax.ShapeDtypeStruct((1, 1), jnp.float32),
      out_specs=pl.BlockSpec(memory_space=pltpu.SMEM),
  )(spos2, sneg2)
  return out[0, 0]

# --- scband reference (transcript-rebuilt; emitter-appended) ---
"""Pipeline reference for scband-skip-gram-3917010174366 (READ-ONLY COPY).

The authoritative reference and input builder live on the scoring server;
editing this copy changes nothing except your own understanding.
"""

import jax, jax.numpy as jnp
import numpy as np

NUM_EMBEDDINGS = 100000
EMBEDDING_DIM = 128
PADDING_IDX = 1
BATCH = 16384
N_NEG = 20


def setup_inputs(seed: int = 0) -> dict:
    key = jax.random.key(seed)
    k1, k2, k3, k4, k5 = jax.random.split(key, 5)
    cent = jax.random.randint(k1, (BATCH,), 0, NUM_EMBEDDINGS, dtype=jnp.int64) if jax.config.jax_enable_x64 else jax.random.randint(k1, (BATCH,), 0, NUM_EMBEDDINGS).astype(jnp.int32)
    ctx = jax.random.randint(k2, (BATCH,), 0, NUM_EMBEDDINGS).astype(cent.dtype)
    noise = jax.random.randint(k3, (BATCH, N_NEG), 0, NUM_EMBEDDINGS).astype(cent.dtype)
    init_range = (2.0 / (NUM_EMBEDDINGS + EMBEDDING_DIM)) ** 0.5
    w_i = jax.random.uniform(k4, (NUM_EMBEDDINGS, EMBEDDING_DIM), minval=-init_range, maxval=init_range, dtype=jnp.float32)
    w_o = jax.random.uniform(k5, (NUM_EMBEDDINGS, EMBEDDING_DIM), minval=-init_range, maxval=init_range, dtype=jnp.float32)
    return {"cent": cent, "ctx": ctx, "noise": noise, "w_i": w_i, "w_o": w_o}


def reference(cent, ctx, noise, w_i, w_o):
    # v = w_i(cent); v_prime = w_o(ctx)
    v = jnp.take(w_i, cent, axis=0)              # [B, d]
    v_prime = jnp.take(w_o, ctx, axis=0)         # [B, d]
    pos_val = jax.nn.log_sigmoid(jnp.sum(v_prime * v, axis=1))  # [B]
    v_hat = jnp.take(w_o, noise, axis=0)         # [B, K, d]
    # bmm(v_hat, v.unsqueeze(2)).squeeze(2) -> [B, K]
    neg_scores = jnp.einsum('bkd,bd->bk', v_hat, v)
    neg_val = jax.nn.log_sigmoid(-jnp.sum(neg_scores, axis=1))  # [B]
    loss = pos_val + neg_val
    return -jnp.mean(loss)

if __name__ == "__main__":
    import jax
    _d = setup_inputs()
    print(jax.jit(kernel)(*tuple(_d.values())))

</pallas_src>

<mosaic_0001>
#map = affine_map<(d0, d1) -> (0)>
#map1 = affine_map<(d0, d1) -> (0, 0)>
module attributes {stable_mosaic.version = 14 : i64} {
  func.func @_sc_gather_dots(%arg0: i32, %arg1: i32, %arg2: memref<16384xi32, #tpu.memory_space<hbm>>, %arg3: memref<16384xi32, #tpu.memory_space<hbm>>, %arg4: memref<20x16384xi32, #tpu.memory_space<hbm>>, %arg5: memref<100000x128xf32, #tpu.memory_space<hbm>>, %arg6: memref<100000x128xf32, #tpu.memory_space<hbm>>, %arg7: memref<16384x16xf32, #tpu.memory_space<hbm>>, %arg8: memref<16384x16xf32, #tpu.memory_space<hbm>>, %arg9: memref<128xi32, #tpu.memory_space<vmem>>, %arg10: memref<128xi32, #tpu.memory_space<vmem>>, %arg11: memref<128xi32, #tpu.memory_space<vmem>>, %arg12: memref<128xi32, #tpu.memory_space<vmem>>, %arg13: memref<128xi32, #tpu.memory_space<vmem>>, %arg14: memref<128xi32, #tpu.memory_space<vmem>>, %arg15: memref<128xi32, #tpu.memory_space<vmem>>, %arg16: memref<128xi32, #tpu.memory_space<vmem>>, %arg17: memref<20x128xi32, #tpu.memory_space<vmem>>, %arg18: memref<20x128xi32, #tpu.memory_space<vmem>>, %arg19: memref<20x128xi32, #tpu.memory_space<vmem>>, %arg20: memref<20x128xi32, #tpu.memory_space<vmem>>, %arg21: memref<128x128xf32, #tpu.memory_space<vmem>>, %arg22: memref<128x128xf32, #tpu.memory_space<vmem>>, %arg23: memref<128x128xf32, #tpu.memory_space<vmem>>, %arg24: memref<128x128xf32, #tpu.memory_space<vmem>>, %arg25: memref<128x128xf32, #tpu.memory_space<vmem>>, %arg26: memref<128x16xf32, #tpu.memory_space<vmem>>, %arg27: memref<128x16xf32, #tpu.memory_space<vmem>>, %arg28: memref<!tpu.dma_semaphore, #tpu.memory_space<semaphore_mem>>, %arg29: memref<!tpu.dma_semaphore, #tpu.memory_space<semaphore_mem>>, %arg30: memref<!tpu.dma_semaphore, #tpu.memory_space<semaphore_mem>>, %arg31: memref<!tpu.dma_semaphore, #tpu.memory_space<semaphore_mem>>, %arg32: memref<!tpu.dma_semaphore, #tpu.memory_space<semaphore_mem>>) attributes {dimension_semantics = [#tpu.dimension_semantics<core_parallel>, #tpu.dimension_semantics<subcore_parallel>], iteration_bounds = array<i64: 2, 16>, scalar_prefetch = 0 : i64, scratch_operands = 24 : i64, tpu.core_type = #tpu.core_type<sc_vector_subcore>, window_params = [{transform_indices = #map}, {transform_indices = #map}, {transform_indices = #map1}, {transform_indices = #map1}, {transform_indices = #map1}, {transform_indices = #map1}, {transform_indices = #map1}]} {
    %mul3A = arith.constant 2 : i32
    %mul3A_0 = arith.muli %arg1, %mul3A : i32
    %add3A = arith.addi %mul3A_0, %arg0 : i32
    %mul3A_1 = arith.constant 512 : i32
    %mul3A_2 = arith.muli %add3A, %mul3A_1 : i32
    %broadcast_in_dim3A = arith.constant 0.000000e+00 : f32
    %broadcast_in_dim3A_3 = vector.broadcast %broadcast_in_dim3A : f32 to vector<16xf32>
    %add3A_4 = arith.constant 0 : i32
    %add3A_5 = arith.addi %mul3A_2, %add3A_4 : i32
    %dma_start3A = tpu.memref_slice %arg2[%add3A_5] : memref<16384xi32, #tpu.memory_space<hbm>> -> memref<128xi32, #tpu.memory_space<hbm>>
    %dma_start3A_6 = tpu.memref_slice %arg2[%add3A_5] : memref<16384xi32, #tpu.memory_space<hbm>> -> memref<128xi32, #tpu.memory_space<hbm>>
    tpu.enqueue_dma source(%dma_start3A_6 : memref<128xi32, #tpu.memory_space<hbm>>) target(%arg9 : memref<128xi32, #tpu.memory_space<vmem>>) target_semaphore(%arg28 : memref<!tpu.dma_semaphore, #tpu.memory_space<semaphore_mem>>)
    %dma_start3A_7 = tpu.memref_slice %arg3[%add3A_5] : memref<16384xi32, #tpu.memory_space<hbm>> -> memref<128xi32, #tpu.memory_space<hbm>>
    %dma_start3A_8 = tpu.memref_slice %arg3[%add3A_5] : memref<16384xi32, #tpu.memory_space<hbm>> -> memref<128xi32, #tpu.memory_space<hbm>>
    tpu.enqueue_dma source(%dma_start3A_8 : memref<128xi32, #tpu.memory_space<hbm>>) target(%arg13 : memref<128xi32, #tpu.memory_space<vmem>>) target_semaphore(%arg28 : memref<!tpu.dma_semaphore, #tpu.memory_space<semaphore_mem>>)
    %dma_start3A_9 = arith.constant 0 : i32
    %dma_start3A_10 = tpu.memref_slice %arg4[%dma_start3A_9, %add3A_5] : memref<20x16384xi32, #tpu.memory_space<hbm>> -> memref<20x128xi32, #tpu.memory_space<hbm>>
    %dma_start3A_11 = arith.constant 0 : i32
    %dma_start3A_12 = tpu.memref_slice %arg4[%dma_start3A_11, %add3A_5] : memref<20x16384xi32, #tpu.memory_space<hbm>> -> memref<20x128xi32, #tpu.memory_space<hbm>>
    tpu.enqueue_dma source(%dma_start3A_12 : memref<20x128xi32, #tpu.memory_space<hbm>>) target(%arg17 : memref<20x128xi32, #tpu.memory_space<vmem>>) target_semaphore(%arg28 : memref<!tpu.dma_semaphore, #tpu.memory_space<semaphore_mem>>)
    %add3A_13 = arith.constant 128 : i32
    %add3A_14 = arith.addi %mul3A_2, %add3A_13 : i32
    %dma_start3A_15 = tpu.memref_slice %arg2[%add3A_14] : memref<16384xi32, #tpu.memory_space<hbm>> -> memref<128xi32, #tpu.memory_space<hbm>>
    %dma_start3A_16 = tpu.memref_slice %arg2[%add3A_14] : memref<16384xi32, #tpu.memory_space<hbm>> -> memref<128xi32, #tpu.memory_space<hbm>>
    tpu.enqueue_dma source(%dma_start3A_16 : memref<128xi32, #tpu.memory_space<hbm>>) target(%arg10 : memref<128xi32, #tpu.memory_space<vmem>>) target_semaphore(%arg29 : memref<!tpu.dma_semaphore, #tpu.memory_space<semaphore_mem>>)
    %dma_start3A_17 = tpu.memref_slice %arg3[%add3A_14] : memref<16384xi32, #tpu.memory_space<hbm>> -> memref<128xi32, #tpu.memory_space<hbm>>
    %dma_start3A_18 = tpu.memref_slice %arg3[%add3A_14] : memref<16384xi32, #tpu.memory_space<hbm>> -> memref<128xi32, #tpu.memory_space<hbm>>
    tpu.enqueue_dma source(%dma_start3A_18 : memref<128xi32, #tpu.memory_space<hbm>>) target(%arg14 : memref<128xi32, #tpu.memory_space<vmem>>) target_semaphore(%arg29 : memref<!tpu.dma_semaphore, #tpu.memory_space<semaphore_mem>>)
    %dma_start3A_19 = arith.constant 0 : i32
    %dma_start3A_20 = tpu.memref_slice %arg4[%dma_start3A_19, %add3A_14] : memref<20x16384xi32, #tpu.memory_space<hbm>> -> memref<20x128xi32, #tpu.memory_space<hbm>>
    %dma_start3A_21 = arith.constant 0 : i32
    %dma_start3A_22 = tpu.memref_slice %arg4[%dma_start3A_21, %add3A_14] : memref<20x16384xi32, #tpu.memory_space<hbm>> -> memref<20x128xi32, #tpu.memory_space<hbm>>
    tpu.enqueue_dma source(%dma_start3A_22 : memref<20x128xi32, #tpu.memory_space<hbm>>) target(%arg18 : memref<20x128xi32, #tpu.memory_space<vmem>>) target_semaphore(%arg29 : memref<!tpu.dma_semaphore, #tpu.memory_space<semaphore_mem>>)
    %scan3A = arith.constant 0 : i32
    %scan3A_23 = arith.constant 0 : i32
    %scan3A_24 = arith.constant 128 : i32
    %scan3A_25 = arith.addi %scan3A_23, %scan3A_24 : i32
    %scan3A_26 = arith.constant 1 : i32
    %scan3A_27 = scf.for %scan3A_1305 = %scan3A_23 to %scan3A_25 step %scan3A_26 iter_args(%scan3A_1306 = %scan3A) -> (i32)  : i32 {
      %swap3A = arith.index_cast %scan3A_1305 : i32 to index
      %swap3A_1307 = arith.constant 0 : index
      %swap3A_1308 = tpu.vector_load %arg24[%swap3A, %swap3A_1307] {strides = array<i32>} : memref<128x128xf32, #tpu.memory_space<vmem>>, vector<1x16xf32>,
      %swap3A_1309 = vector.shape_cast %swap3A_1308 : vector<1x16xf32> to vector<16xf32>
      %swap3A_1310 = vector.shape_cast %broadcast_in_dim3A_3 : vector<16xf32> to vector<1x16xf32>
      tpu.vector_store %arg24[%swap3A, %swap3A_1307], %swap3A_1310 {strides = array<i32>} : memref<128x128xf32, #tpu.memory_space<vmem>>, vector<1x16xf32>,
      %swap3A_1311 = arith.index_cast %scan3A_1305 : i32 to index
      %swap3A_1312 = arith.constant 16 : index
      %swap3A_1313 = tpu.vector_load %arg24[%swap3A_1311, %swap3A_1312] {strides = array<i32>} : memref<128x128xf32, #tpu.memory_space<vmem>>, vector<1x16xf32>,
      %swap3A_1314 = vector.shape_cast %swap3A_1313 : vector<1x16xf32> to vector<16xf32>
      %swap3A_1315 = vector.shape_cast %broadcast_in_dim3A_3 : vector<16xf32> to vector<1x16xf32>
      tpu.vector_store %arg24[%swap3A_1311, %swap3A_1312], %swap3A_1315 {strides = array<i32>} : memref<128x128xf32, #tpu.memory_space<vmem>>, vector<1x16xf32>,
      %swap3A_1316 = arith.index_cast %scan3A_1305 : i32 to index
      %swap3A_1317 = arith.constant 32 : index
      %swap3A_1318 = tpu.vector_load %arg24[%swap3A_1316, %swap3A_1317] {strides = array<i32>} : memref<128x128xf32, #tpu.memory_space<vmem>>, vector<1x16xf32>,
      %swap3A_1319 = vector.shape_cast %swap3A_1318 : vector<1x16xf32> to vector<16xf32>
      %swap3A_1320 = vector.shape_cast %broadcast_in_dim3A_3 : vector<16xf32> to vector<1x16xf32>
      tpu.vector_store %arg24[%swap3A_1316, %swap3A_1317], %swap3A_1320 {strides = array<i32>} : memref<128x128xf32, #tpu.memory_space<vmem>>, vector<1x16xf32>,
      %swap3A_1321 = arith.index_cast %scan3A_1305 : i32 to index
      %swap3A_1322 = arith.constant 48 : index
      %swap3A_1323 = tpu.vector_load %arg24[%swap3A_1321, %swap3A_1322] {strides = array<i32>} : memref<128x128xf32, #tpu.memory_space<vmem>>, vector<1x16xf32>,
      %swap3A_1324 = vector.shape_cast %swap3A_1323 : vector<1x16xf32> to vector<16xf32>
      %swap3A_1325 = vector.shape_cast %broadcast_in_dim3A_3 : vector<16xf32> to vector<1x16xf32>
      tpu.vector_store %arg24[%swap3A_1321, %swap3A_1322], %swap3A_1325 {strides = array<i32>} : memref<128x128xf32, #tpu.memory_space<vmem>>, vector<1x16xf32>,
      %swap3A_1326 = arith.index_cast %scan3A_1305 : i32 to index
      %swap3A_1327 = arith.constant 64 : index
      %swap3A_1328 = tpu.vector_load %arg24[%swap3A_1326, %swap3A_1327] {strides = array<i32>} : memref<128x128xf32, #tpu.memory_space<vmem>>, vector<1x16xf32>,
      %swap3A_1329 = vector.shape_cast %swap3A_1328 : vector<1x16xf32> to vector<16xf32>
      %swap3A_1330 = vector.shape_cast %broadcast_in_dim3A_3 : vector<16xf32> to vector<1x16xf32>
      tpu.vector_store %arg24[%swap3A_1326, %swap3A_1327], %swap3A_1330 {strides = array<i32>} : memref<128x128xf32, #tpu.memory_space<vmem>>, vector<1x16xf32>,
      %swap3A_1331 = arith.index_cast %scan3A_1305 : i32 to index
      %swap3A_1332 = arith.constant 80 : index
      %swap3A_1333 = tpu.vector_load %arg24[%swap3A_1331, %swap3A_1332] {strides = array<i32>} : memref<128x128xf32, #tpu.memory_space<vmem>>, vector<1x16xf32>,
      %swap3A_1334 = vector.shape_cast %swap3A_1333 : vector<1x16xf32> to vector<16xf32>
      %swap3A_1335 = vector.shape_cast %broadcast_in_dim3A_3 : vector<16xf32> to vector<1x16xf32>
      tpu.vector_store %arg24[%swap3A_1331, %swap3A_1332], %swap3A_1335 {strides = array<i32>} : memref<128x128xf32, #tpu.memory_space<vmem>>, vector<1x16xf32>,
      %swap3A_1336 = arith.index_cast %scan3A_1305 : i32 to index
      %swap3A_1337 = arith.constant 96 : index
      %swap3A_1338 = tpu.vector_load %arg24[%swap3A_1336, %swap3A_1337] {strides = array<i32>} : memref<128x128xf32, #tpu.memory_space<vmem>>, vector<1x16xf32>,
      %swap3A_1339 = vector.shape_cast %swap3A_1338 : vector<1x16xf32> to vector<16xf32>
      %swap3A_1340 = vector.shape_cast %broadcast_in_dim3A_3 : vector<16xf32> to vector<1x16xf32>
      tpu.vector_store %arg24[%swap3A_1336, %swap3A_1337], %swap3A_1340 {strides = array<i32>} : memref<128x128xf32, #tpu.memory_space<vmem>>, vector<1x16xf32>,
      %swap3A_1341 = arith.index_cast %scan3A_1305 : i32 to index
      %swap3A_1342 = arith.constant 112 : index
      %swap3A_1343 = tpu.vector_load %arg24[%swap3A_1341, %swap3A_1342] {strides = array<i32>} : memref<128x128xf32, #tpu.memory_space<vmem>>, vector<1x16xf32>,
      %swap3A_1344 = vector.shape_cast %swap3A_1343 : vector<1x16xf32> to vector<16xf32>
      %swap3A_1345 = vector.shape_cast %broadcast_in_dim3A_3 : vector<16xf32> to vector<1x16xf32>
      tpu.vector_store %arg24[%swap3A_1341, %swap3A_1342], %swap3A_1345 {strides = array<i32>} : memref<128x128xf32, #tpu.memory_space<vmem>>, vector<1x16xf32>,
      %scan3A_1346 = arith.constant 0 : i32
      scf.yield %scan3A_1346 : i32
    }
    %scan3A_28 = arith.constant 128 : i32
    %dma_wait3A = tpu.memref_slice %arg2[%add3A_5] : memref<16384xi32, #tpu.memory_space<hbm>> -> memref<128xi32, #tpu.memory_space<hbm>>
    %dma_wait3A_29 = tpu.memref_slice %arg2[%add3A_5] : memref<16384xi32, #tpu.memory_space<hbm>> -> memref<128xi32, #tpu.memory_space<hbm>>
    tpu.wait_dma2 semaphore(%arg28 : memref<!tpu.dma_semaphore, #tpu.memory_space<semaphore_mem>>) src(%dma_wait3A_29 : memref<128xi32, #tpu.memory_space<hbm>>) dst(%arg9 : memref<128xi32, #tpu.memory_space<vmem>>)
    %dma_wait3A_30 = tpu.memref_slice %arg3[%add3A_5] : memref<16384xi32, #tpu.memory_space<hbm>> -> memref<128xi32, #tpu.memory_space<hbm>>
    %dma_wait3A_31 = tpu.memref_slice %arg3[%add3A_5] : memref<16384xi32, #tpu.memory_space<hbm>> -> memref<128xi32, #tpu.memory_space<hbm>>
    tpu.wait_dma2 semaphore(%arg28 : memref<!tpu.dma_semaphore, #tpu.memory_space<semaphore_mem>>) src(%dma_wait3A_31 : memref<128xi32, #tpu.memory_space<hbm>>) dst(%arg13 : memref<128xi32, #tpu.memory_space<vmem>>)
    %dma_wait3A_32 = arith.constant 0 : i32
    %dma_wait3A_33 = tpu.memref_slice %arg4[%dma_wait3A_32, %add3A_5] : memref<20x16384xi32, #tpu.memory_space<hbm>> -> memref<20x128xi32, #tpu.memory_space<hbm>>
    %dma_wait3A_34 = arith.constant 0 : i32
    %dma_wait3A_35 = tpu.memref_slice %arg4[%dma_wait3A_34, %add3A_5] : memref<20x16384xi32, #tpu.memory_space<hbm>> -> memref<20x128xi32, #tpu.memory_space<hbm>>
    tpu.wait_dma2 semaphore(%arg28 : memref<!tpu.dma_semaphore, #tpu.memory_space<semaphore_mem>>) src(%dma_wait3A_35 : memref<20x128xi32, #tpu.memory_space<hbm>>) dst(%arg17 : memref<20x128xi32, #tpu.memory_space<vmem>>)
    %dma_start3A_36 = arith.constant 0 : i32
    %dma_start3A_37 = arith.constant 0 : i32
    %dma_start3A_38 = tpu.memref_slice %arg5[%dma_start3A_36, %dma_start3A_37] : memref<100000x128xf32, #tpu.memory_space<hbm>> -> memref<100000x128xf32, #tpu.memory_space<hbm>>
    tpu.enqueue_indirect_dma source(%dma_start3A_38 : memref<100000x128xf32, #tpu.memory_space<hbm>>) target(%arg21 : memref<128x128xf32, #tpu.memory_space<vmem>>) offsets(%arg9 : memref<128xi32, #tpu.memory_space<vmem>>) semaphore(%arg30 : memref<!tpu.dma_semaphore, #tpu.memory_space<semaphore_mem>>)
    %dma_start3A_39 = arith.constant 0 : i32
    %dma_start3A_40 = arith.constant 0 : i32
    %dma_start3A_41 = tpu.memref_slice %arg17[%dma_start3A_39, %dma_start3A_40] : memref<20x128xi32, #tpu.memory_space<vmem>> -> memref<1x128xi32, #tpu.memory_space<vmem>>
    %dma_start3A_42 = tpu.memref_squeeze %dma_start3A_41 : memref<1x128xi32, #tpu.memory_space<vmem>> -> memref<128xi32, #tpu.memory_space<vmem>>
    %dma_start3A_43 = arith.constant 0 : i32
    %dma_start3A_44 = arith.constant 0 : i32
    %dma_start3A_45 = tpu.memref_slice %arg6[%dma_start3A_43, %dma_start3A_44] : memref<100000x128xf32, #tpu.memory_space<hbm>> -> memref<100000x128xf32, #tpu.memory_space<hbm>>
    tpu.enqueue_indirect_dma source(%dma_start3A_45 : memref<100000x128xf32, #tpu.memory_space<hbm>>) target(%arg24 : memref<128x128xf32, #tpu.memory_space<vmem>>) offsets(%dma_start3A_42 : memref<128xi32, #tpu.memory_space<vmem>>) semaphore(%arg30 : memref<!tpu.dma_semaphore, #tpu.memory_space<semaphore_mem>>) {add = true}
    %dma_start3A_46 = arith.constant 1 : i32
    %dma_start3A_47 = arith.constant 0 : i32
    %dma_start3A_48 = tpu.memref_slice %arg17[%dma_start3A_46, %dma_start3A_47] : memref<20x128xi32, #tpu.memory_space<vmem>> -> memref<1x128xi32, #tpu.memory_space<vmem>>
    %dma_start3A_49 = tpu.memref_squeeze %dma_start3A_48 : memref<1x128xi32, #tpu.memory_space<vmem>> -> memref<128xi32, #tpu.memory_space<vmem>>
    %dma_start3A_50 = arith.constant 0 : i32
    %dma_start3A_51 = arith.constant 0 : i32
    %dma_start3A_52 = tpu.memref_slice %arg6[%dma_start3A_50, %dma_start3A_51] : memref<100000x128xf32, #tpu.memory_space<hbm>> -> memref<100000x128xf32, #tpu.memory_space<hbm>>
    tpu.enqueue_indirect_dma source(%dma_start3A_52 : memref<100000x128xf32, #tpu.memory_space<hbm>>) target(%arg24 : memref<128x128xf32, #tpu.memory_space<vmem>>) offsets(%dma_start3A_49 : memref<128xi32, #tpu.memory_space<vmem>>) semaphore(%arg30 : memref<!tpu.dma_semaphore, #tpu.memory_space<semaphore_mem>>) {add = true}
    %dma_start3A_53 = arith.constant 2 : i32
    %dma_start3A_54 = arith.constant 0 : i32
    %dma_start3A_55 = tpu.memref_slice %arg17[%dma_start3A_53, %dma_start3A_54] : memref<20x128xi32, #tpu.memory_space<vmem>> -> memref<1x128xi32, #tpu.memory_space<vmem>>
    %dma_start3A_56 = tpu.memref_squeeze %dma_start3A_55 : memref<1x128xi32, #tpu.memory_space<vmem>> -> memref<128xi32, #tpu.memory_space<vmem>>
    %dma_start3A_57 = arith.constant 0 : i32
    %dma_start3A_58 = arith.constant 0 : i32
    %dma_start3A_59 = tpu.memref_slice %arg6[%dma_start3A_57, %dma_start3A_58] : memref<100000x128xf32, #tpu.memory_space<hbm>> -> memref<100000x128xf32, #tpu.memory_space<hbm>>
    tpu.enqueue_indirect_dma source(%dma_start3A_59 : memref<100000x128xf32, #tpu.memory_space<hbm>>) target(%arg24 : memref<128x128xf32, #tpu.memory_space<vmem>>) offsets(%dma_start3A_56 : memref<128xi32, #tpu.memory_space<vmem>>) semaphore(%arg30 : memref<!tpu.dma_semaphore, #tpu.memory_space<semaphore_mem>>) {add = true}
    %dma_start3A_60 = arith.constant 3 : i32
    %dma_start3A_61 = arith.constant 0 : i32
    %dma_start3A_62 = tpu.memref_slice %arg17[%dma_start3A_60, %dma_start3A_61] : memref<20x128xi32, #tpu.memory_space<vmem>> -> memref<1x128xi32, #tpu.memory_space<vmem>>
    %dma_start3A_63 = tpu.memref_squeeze %dma_start3A_62 : memref<1x128xi32, #tpu.memory_space<vmem>> -> memref<128xi32, #tpu.memory_space<vmem>>
    %dma_start3A_64 = arith.constant 0 : i32
    %dma_start3A_65 = arith.constant 0 : i32
    %dma_start3A_66 = tpu.memref_slice %arg6[%dma_start3A_64, %dma_start3A_65] : memref<100000x128xf32, #tpu.memory_space<hbm>> -> memref<100000x128xf32, #tpu.memory_space<hbm>>
    tpu.enqueue_indirect_dma source(%dma_start3A_66 : memref<100000x128xf32, #tpu.memory_space<hbm>>) target(%arg24 : memref<128x128xf32, #tpu.memory_space<vmem>>) offsets(%dma_start3A_63 : memref<128xi32, #tpu.memory_space<vmem>>) semaphore(%arg30 : memref<!tpu.dma_semaphore, #tpu.memory_space<semaphore_mem>>) {add = true}
    %dma_start3A_67 = arith.constant 4 : i32
    %dma_start3A_68 = arith.constant 0 : i32
    %dma_start3A_69 = tpu.memref_slice %arg17[%dma_start3A_67, %dma_start3A_68] : memref<20x128xi32, #tpu.memory_space<vmem>> -> memref<1x128xi32, #tpu.memory_space<vmem>>
    %dma_start3A_70 = tpu.memref_squeeze %dma_start3A_69 : memref<1x128xi32, #tpu.memory_space<vmem>> -> memref<128xi32, #tpu.memory_space<vmem>>
    %dma_start3A_71 = arith.constant 0 : i32
    %dma_start3A_72 = arith.constant 0 : i32
    %dma_start3A_73 = tpu.memref_slice %arg6[%dma_start3A_71, %dma_start3A_72] : memref<100000x128xf32, #tpu.memory_space<hbm>> -> memref<100000x128xf32, #tpu.memory_space<hbm>>
    tpu.enqueue_indirect_dma source(%dma_start3A_73 : memref<100000x128xf32, #tpu.memory_space<hbm>>) target(%arg24 : memref<128x128xf32, #tpu.memory_space<vmem>>) offsets(%dma_start3A_70 : memref<128xi32, #tpu.memory_space<vmem>>) semaphore(%arg30 : memref<!tpu.dma_semaphore, #tpu.memory_space<semaphore_mem>>) {add = true}
    %dma_start3A_74 = arith.constant 5 : i32
    %dma_start3A_75 = arith.constant 0 : i32
    %dma_start3A_76 = tpu.memref_slice %arg17[%dma_start3A_74, %dma_start3A_75] : memref<20x128xi32, #tpu.memory_space<vmem>> -> memref<1x128xi32, #tpu.memory_space<vmem>>
    %dma_start3A_77 = tpu.memref_squeeze %dma_start3A_76 : memref<1x128xi32, #tpu.memory_space<vmem>> -> memref<128xi32, #tpu.memory_space<vmem>>
    %dma_start3A_78 = arith.constant 0 : i32
    %dma_start3A_79 = arith.constant 0 : i32
    %dma_start3A_80 = tpu.memref_slice %arg6[%dma_start3A_78, %dma_start3A_79] : memref<100000x128xf32, #tpu.memory_space<hbm>> -> memref<100000x128xf32, #tpu.memory_space<hbm>>
    tpu.enqueue_indirect_dma source(%dma_start3A_80 : memref<100000x128xf32, #tpu.memory_space<hbm>>) target(%arg24 : memref<128x128xf32, #tpu.memory_space<vmem>>) offsets(%dma_start3A_77 : memref<128xi32, #tpu.memory_space<vmem>>) semaphore(%arg30 : memref<!tpu.dma_semaphore, #tpu.memory_space<semaphore_mem>>) {add = true}
    %dma_start3A_81 = arith.constant 6 : i32
    %dma_start3A_82 = arith.constant 0 : i32
    %dma_start3A_83 = tpu.memref_slice %arg17[%dma_start3A_81, %dma_start3A_82] : memref<20x128xi32, #tpu.memory_space<vmem>> -> memref<1x128xi32, #tpu.memory_space<vmem>>
    %dma_start3A_84 = tpu.memref_squeeze %dma_start3A_83 : memref<1x128xi32, #tpu.memory_space<vmem>> -> memref<128xi32, #tpu.memory_space<vmem>>
    %dma_start3A_85 = arith.constant 0 : i32
    %dma_start3A_86 = arith.constant 0 : i32
    %dma_start3A_87 = tpu.memref_slice %arg6[%dma_start3A_85, %dma_start3A_86] : memref<100000x128xf32, #tpu.memory_space<hbm>> -> memref<100000x128xf32, #tpu.memory_space<hbm>>
    tpu.enqueue_indirect_dma source(%dma_start3A_87 : memref<100000x128xf32, #tpu.memory_space<hbm>>) target(%arg24 : memref<128x128xf32, #tpu.memory_space<vmem>>) offsets(%dma_start3A_84 : memref<128xi32, #tpu.memory_space<vmem>>) semaphore(%arg30 : memref<!tpu.dma_semaphore, #tpu.memory_space<semaphore_mem>>) {add = true}
    %dma_start3A_88 = arith.constant 7 : i32
    %dma_start3A_89 = arith.constant 0 : i32
    %dma_start3A_90 = tpu.memref_slice %arg17[%dma_start3A_88, %dma_start3A_89] : memref<20x128xi32, #tpu.memory_space<vmem>> -> memref<1x128xi32, #tpu.memory_space<vmem>>
    %dma_start3A_91 = tpu.memref_squeeze %dma_start3A_90 : memref<1x128xi32, #tpu.memory_space<vmem>> -> memref<128xi32, #tpu.memory_space<vmem>>
    %dma_start3A_92 = arith.constant 0 : i32
    %dma_start3A_93 = arith.constant 0 : i32
    %dma_start3A_94 = tpu.memref_slice %arg6[%dma_start3A_92, %dma_start3A_93] : memref<100000x128xf32, #tpu.memory_space<hbm>> -> memref<100000x128xf32, #tpu.memory_space<hbm>>
    tpu.enqueue_indirect_dma source(%dma_start3A_94 : memref<100000x128xf32, #tpu.memory_space<hbm>>) target(%arg24 : memref<128x128xf32, #tpu.memory_space<vmem>>) offsets(%dma_start3A_91 : memref<128xi32, #tpu.memory_space<vmem>>) semaphore(%arg30 : memref<!tpu.dma_semaphore, #tpu.memory_space<semaphore_mem>>) {add = true}
    %dma_start3A_95 = arith.constant 8 : i32
    %dma_start3A_96 = arith.constant 0 : i32
    %dma_start3A_97 = tpu.memref_slice %arg17[%dma_start3A_95, %dma_start3A_96] : memref<20x128xi32, #tpu.memory_space<vmem>> -> memref<1x128xi32, #tpu.memory_space<vmem>>
    %dma_start3A_98 = tpu.memref_squeeze %dma_start3A_97 : memref<1x128xi32, #tpu.memory_space<vmem>> -> memref<128xi32, #tpu.memory_space<vmem>>
    %dma_start3A_99 = arith.constant 0 : i32
    %dma_start3A_100 = arith.constant 0 : i32
    %dma_start3A_101 = tpu.memref_slice %arg6[%dma_start3A_99, %dma_start3A_100] : memref<100000x128xf32, #tpu.memory_space<hbm>> -> memref<100000x128xf32, #tpu.memory_space<hbm>>
    tpu.enqueue_indirect_dma source(%dma_start3A_101 : memref<100000x128xf32, #tpu.memory_space<hbm>>) target(%arg24 : memref<128x128xf32, #tpu.memory_space<vmem>>) offsets(%dma_start3A_98 : memref<128xi32, #tpu.memory_space<vmem>>) semaphore(%arg30 : memref<!tpu.dma_semaphore, #tpu.memory_space<semaphore_mem>>) {add = true}
    %dma_start3A_102 = arith.constant 9 : i32
    %dma_start3A_103 = arith.constant 0 : i32
    %dma_start3A_104 = tpu.memref_slice %arg17[%dma_start3A_102, %dma_start3A_103] : memref<20x128xi32, #tpu.memory_space<vmem>> -> memref<1x128xi32, #tpu.memory_space<vmem>>
    %dma_start3A_105 = tpu.memref_squeeze %dma_start3A_104 : memref<1x128xi32, #tpu.memory_space<vmem>> -> memref<128xi32, #tpu.memory_space<vmem>>
    %dma_start3A_106 = arith.constant 0 : i32
    %dma_start3A_107 = arith.constant 0 : i32
    %dma_start3A_108 = tpu.memref_slice %arg6[%dma_start3A_106, %dma_start3A_107] : memref<100000x128xf32, #tpu.memory_space<hbm>> -> memref<100000x128xf32, #tpu.memory_space<hbm>>
    tpu.enqueue_indirect_dma source(%dma_start3A_108 : memref<100000x128xf32, #tpu.memory_space<hbm>>) target(%arg24 : memref<128x128xf32, #tpu.memory_space<vmem>>) offsets(%dma_start3A_105 : memref<128xi32, #tpu.memory_space<vmem>>) semaphore(%arg30 : memref<!tpu.dma_semaphore, #tpu.memory_space<semaphore_mem>>) {add = true}
    %dma_start3A_109 = arith.constant 10 : i32
    %dma_start3A_110 = arith.constant 0 : i32
    %dma_start3A_111 = tpu.memref_slice %arg17[%dma_start3A_109, %dma_start3A_110] : memref<20x128xi32, #tpu.memory_space<vmem>> -> memref<1x128xi32, #tpu.memory_space<vmem>>
    %dma_start3A_112 = tpu.memref_squeeze %dma_start3A_111 : memref<1x128xi32, #tpu.memory_space<vmem>> -> memref<128xi32, #tpu.memory_space<vmem>>
    %dma_start3A_113 = arith.constant 0 : i32
    %dma_start3A_114 = arith.constant 0 : i32
    %dma_start3A_115 = tpu.memref_slice %arg6[%dma_start3A_113, %dma_start3A_114] : memref<100000x128xf32, #tpu.memory_space<hbm>> -> memref<100000x128xf32, #tpu.memory_space<hbm>>
    tpu.enqueue_indirect_dma source(%dma_start3A_115 : memref<100000x128xf32, #tpu.memory_space<hbm>>) target(%arg24 : memref<128x128xf32, #tpu.memory_space<vmem>>) offsets(%dma_start3A_112 : memref<128xi32, #tpu.memory_space<vmem>>) semaphore(%arg30 : memref<!tpu.dma_semaphore, #tpu.memory_space<semaphore_mem>>) {add = true}
    %dma_start3A_116 = arith.constant 11 : i32
    %dma_start3A_117 = arith.constant 0 : i32
    %dma_start3A_118 = tpu.memref_slice %arg17[%dma_start3A_116, %dma_start3A_117] : memref<20x128xi32, #tpu.memory_space<vmem>> -> memref<1x128xi32, #tpu.memory_space<vmem>>
    %dma_start3A_119 = tpu.memref_squeeze %dma_start3A_118 : memref<1x128xi32, #tpu.memory_space<vmem>> -> memref<128xi32, #tpu.memory_space<vmem>>
    %dma_start3A_120 = arith.constant 0 : i32
    %dma_start3A_121 = arith.constant 0 : i32
    %dma_start3A_122 = tpu.memref_slice %arg6[%dma_start3A_120, %dma_start3A_121] : memref<100000x128xf32, #tpu.memory_space<hbm>> -> memref<100000x128xf32, #tpu.memory_space<hbm>>
    tpu.enqueue_indirect_dma source(%dma_start3A_122 : memref<100000x128xf32, #tpu.memory_space<hbm>>) target(%arg24 : memref<128x128xf32, #tpu.memory_space<vmem>>) offsets(%dma_start3A_119 : memref<128xi32, #tpu.memory_space<vmem>>) semaphore(%arg30 : memref<!tpu.dma_semaphore, #tpu.memory_space<semaphore_mem>>) {add = true}
    %dma_start3A_123 = arith.constant 12 : i32
    %dma_start3A_124 = arith.constant 0 : i32
    %dma_start3A_125 = tpu.memref_slice %arg17[%dma_start3A_123, %dma_start3A_124] : memref<20x128xi32, #tpu.memory_space<vmem>> -> memref<1x128xi32, #tpu.memory_space<vmem>>
    %dma_start3A_126 = tpu.memref_squeeze %dma_start3A_125 : memref<1x128xi32, #tpu.memory_space<vmem>> -> memref<128xi32, #tpu.memory_space<vmem>>
    %dma_start3A_127 = arith.constant 0 : i32
    %dma_start3A_128 = arith.constant 0 : i32
    %dma_start3A_129 = tpu.memref_slice %arg6[%dma_start3A_127, %dma_start3A_128] : memref<100000x128xf32, #tpu.memory_space<hbm>> -> memref<100000x128xf32, #tpu.memory_space<hbm>>
    tpu.enqueue_indirect_dma source(%dma_start3A_129 : memref<100000x128xf32, #tpu.memory_space<hbm>>) target(%arg24 : memref<128x128xf32, #tpu.memory_space<vmem>>) offsets(%dma_start3A_126 : memref<128xi32, #tpu.memory_space<vmem>>) semaphore(%arg30 : memref<!tpu.dma_semaphore, #tpu.memory_space<semaphore_mem>>) {add = true}
    %dma_start3A_130 = arith.constant 13 : i32
    %dma_start3A_131 = arith.constant 0 : i32
    %dma_start3A_132 = tpu.memref_slice %arg17[%dma_start3A_130, %dma_start3A_131] : memref<20x128xi32, #tpu.memory_space<vmem>> -> memref<1x128xi32, #tpu.memory_space<vmem>>
    %dma_start3A_133 = tpu.memref_squeeze %dma_start3A_132 : memref<1x128xi32, #tpu.memory_space<vmem>> -> memref<128xi32, #tpu.memory_space<vmem>>
    %dma_start3A_134 = arith.constant 0 : i32
    %dma_start3A_135 = arith.constant 0 : i32
    %dma_start3A_136 = tpu.memref_slice %arg6[%dma_start3A_134, %dma_start3A_135] : memref<100000x128xf32, #tpu.memory_space<hbm>> -> memref<100000x128xf32, #tpu.memory_space<hbm>>
    tpu.enqueue_indirect_dma source(%dma_start3A_136 : memref<100000x128xf32, #tpu.memory_space<hbm>>) target(%arg24 : memref<128x128xf32, #tpu.memory_space<vmem>>) offsets(%dma_start3A_133 : memref<128xi32, #tpu.memory_space<vmem>>) semaphore(%arg30 : memref<!tpu.dma_semaphore, #tpu.memory_space<semaphore_mem>>) {add = true}
    %dma_start3A_137 = arith.constant 14 : i32
    %dma_start3A_138 = arith.constant 0 : i32
    %dma_start3A_139 = tpu.memref_slice %arg17[%dma_start3A_137, %dma_start3A_138] : memref<20x128xi32, #tpu.memory_space<vmem>> -> memref<1x128xi32, #tpu.memory_space<vmem>>
    %dma_start3A_140 = tpu.memref_squeeze %dma_start3A_139 : memref<1x128xi32, #tpu.memory_space<vmem>> -> memref<128xi32, #tpu.memory_space<vmem>>
    %dma_start3A_141 = arith.constant 0 : i32
    %dma_start3A_142 = arith.constant 0 : i32
    %dma_start3A_143 = tpu.memref_slice %arg6[%dma_start3A_141, %dma_start3A_142] : memref<100000x128xf32, #tpu.memory_space<hbm>> -> memref<100000x128xf32, #tpu.memory_space<hbm>>
    tpu.enqueue_indirect_dma source(%dma_start3A_143 : memref<100000x128xf32, #tpu.memory_space<hbm>>) target(%arg24 : memref<128x128xf32, #tpu.memory_space<vmem>>) offsets(%dma_start3A_140 : memref<128xi32, #tpu.memory_space<vmem>>) semaphore(%arg30 : memref<!tpu.dma_semaphore, #tpu.memory_space<semaphore_mem>>) {add = true}
    %dma_start3A_144 = arith.constant 15 : i32
    %dma_start3A_145 = arith.constant 0 : i32
    %dma_start3A_146 = tpu.memref_slice %arg17[%dma_start3A_144, %dma_start3A_145] : memref<20x128xi32, #tpu.memory_space<vmem>> -> memref<1x128xi32, #tpu.memory_space<vmem>>
    %dma_start3A_147 = tpu.memref_squeeze %dma_start3A_146 : memref<1x128xi32, #tpu.memory_space<vmem>> -> memref<128xi32, #tpu.memory_space<vmem>>
    %dma_start3A_148 = arith.constant 0 : i32
    %dma_start3A_149 = arith.constant 0 : i32
    %dma_start3A_150 = tpu.memref_slice %arg6[%dma_start3A_148, %dma_start3A_149] : memref<100000x128xf32, #tpu.memory_space<hbm>> -> memref<100000x128xf32, #tpu.memory_space<hbm>>
    tpu.enqueue_indirect_dma source(%dma_start3A_150 : memref<100000x128xf32, #tpu.memory_space<hbm>>) target(%arg24 : memref<128x128xf32, #tpu.memory_space<vmem>>) offsets(%dma_start3A_147 : memref<128xi32, #tpu.memory_space<vmem>>) semaphore(%arg30 : memref<!tpu.dma_semaphore, #tpu.memory_space<semaphore_mem>>) {add = true}
    %dma_start3A_151 = arith.constant 16 : i32
    %dma_start3A_152 = arith.constant 0 : i32
    %dma_start3A_153 = tpu.memref_slice %arg17[%dma_start3A_151, %dma_start3A_152] : memref<20x128xi32, #tpu.memory_space<vmem>> -> memref<1x128xi32, #tpu.memory_space<vmem>>
    %dma_start3A_154 = tpu.memref_squeeze %dma_start3A_153 : memref<1x128xi32, #tpu.memory_space<vmem>> -> memref<128xi32, #tpu.memory_space<vmem>>
    %dma_start3A_155 = arith.constant 0 : i32
    %dma_start3A_156 = arith.constant 0 : i32
    %dma_start3A_157 = tpu.memref_slice %arg6[%dma_start3A_155, %dma_start3A_156] : memref<100000x128xf32, #tpu.memory_space<hbm>> -> memref<100000x128xf32, #tpu.memory_space<hbm>>
    tpu.enqueue_indirect_dma source(%dma_start3A_157 : memref<100000x128xf32, #tpu.memory_space<hbm>>) target(%arg24 : memref<128x128xf32, #tpu.memory_space<vmem>>) offsets(%dma_start3A_154 : memref<128xi32, #tpu.memory_space<vmem>>) semaphore(%arg30 : memref<!tpu.dma_semaphore, #tpu.memory_space<semaphore_mem>>) {add = true}
    %dma_start3A_158 = arith.constant 17 : i32
    %dma_start3A_159 = arith.constant 0 : i32
    %dma_start3A_160 = tpu.memref_slice %arg17[%dma_start3A_158, %dma_start3A_159] : memref<20x128xi32, #tpu.memory_space<vmem>> -> memref<1x128xi32, #tpu.memory_space<vmem>>
    %dma_start3A_161 = tpu.memref_squeeze %dma_start3A_160 : memref<1x128xi32, #tpu.memory_space<vmem>> -> memref<128xi32, #tpu.memory_space<vmem>>
    %dma_start3A_162 = arith.constant 0 : i32
    %dma_start3A_163 = arith.constant 0 : i32
    %dma_start3A_164 = tpu.memref_slice %arg6[%dma_start3A_162, %dma_start3A_163] : memref<100000x128xf32, #tpu.memory_space<hbm>> -> memref<100000x128xf32, #tpu.memory_space<hbm>>
    tpu.enqueue_indirect_dma source(%dma_start3A_164 : memref<100000x128xf32, #tpu.memory_space<hbm>>) target(%arg24 : memref<128x128xf32, #tpu.memory_space<vmem>>) offsets(%dma_start3A_161 : memref<128xi32, #tpu.memory_space<vmem>>) semaphore(%arg30 : memref<!tpu.dma_semaphore, #tpu.memory_space<semaphore_mem>>) {add = true}
    %dma_start3A_165 = arith.constant 18 : i32
    %dma_start3A_166 = arith.constant 0 : i32
    %dma_start3A_167 = tpu.memref_slice %arg17[%dma_start3A_165, %dma_start3A_166] : memref<20x128xi32, #tpu.memory_space<vmem>> -> memref<1x128xi32, #tpu.memory_space<vmem>>
    %dma_start3A_168 = tpu.memref_squeeze %dma_start3A_167 : memref<1x128xi32, #tpu.memory_space<vmem>> -> memref<128xi32, #tpu.memory_space<vmem>>
    %dma_start3A_169 = arith.constant 0 : i32
    %dma_start3A_170 = arith.constant 0 : i32
    %dma_start3A_171 = tpu.memref_slice %arg6[%dma_start3A_169, %dma_start3A_170] : memref<100000x128xf32, #tpu.memory_space<hbm>> -> memref<100000x128xf32, #tpu.memory_space<hbm>>
    tpu.enqueue_indirect_dma source(%dma_start3A_171 : memref<100000x128xf32, #tpu.memory_space<hbm>>) target(%arg24 : memref<128x128xf32, #tpu.memory_space<vmem>>) offsets(%dma_start3A_168 : memref<128xi32, #tpu.memory_space<vmem>>) semaphore(%arg30 : memref<!tpu.dma_semaphore, #tpu.memory_space<semaphore_mem>>) {add = true}
    %dma_start3A_172 = arith.constant 19 : i32
    %dma_start3A_173 = arith.constant 0 : i32
    %dma_start3A_174 = tpu.memref_slice %arg17[%dma_start3A_172, %dma_start3A_173] : memref<20x128xi32, #tpu.memory_space<vmem>> -> memref<1x128xi32, #tpu.memory_space<vmem>>
    %dma_start3A_175 = tpu.memref_squeeze %dma_start3A_174 : memref<1x128xi32, #tpu.memory_space<vmem>> -> memref<128xi32, #tpu.memory_space<vmem>>
    %dma_start3A_176 = arith.constant 0 : i32
    %dma_start3A_177 = arith.constant 0 : i32
    %dma_start3A_178 = tpu.memref_slice %arg6[%dma_start3A_176, %dma_start3A_177] : memref<100000x128xf32, #tpu.memory_space<hbm>> -> memref<100000x128xf32, #tpu.memory_space<hbm>>
    tpu.enqueue_indirect_dma source(%dma_start3A_178 : memref<100000x128xf32, #tpu.memory_space<hbm>>) target(%arg24 : memref<128x128xf32, #tpu.memory_space<vmem>>) offsets(%dma_start3A_175 : memref<128xi32, #tpu.memory_space<vmem>>) semaphore(%arg30 : memref<!tpu.dma_semaphore, #tpu.memory_space<semaphore_mem>>) {add = true}
    %dma_start3A_179 = arith.constant 0 : i32
    %dma_start3A_180 = arith.constant 0 : i32
    %dma_start3A_181 = tpu.memref_slice %arg6[%dma_start3A_179, %dma_start3A_180] : memref<100000x128xf32, #tpu.memory_space<hbm>> -> memref<100000x128xf32, #tpu.memory_space<hbm>>
    tpu.enqueue_indirect_dma source(%dma_start3A_181 : memref<100000x128xf32, #tpu.memory_space<hbm>>) target(%arg23 : memref<128x128xf32, #tpu.memory_space<vmem>>) offsets(%arg13 : memref<128xi32, #tpu.memory_space<vmem>>) semaphore(%arg32 : memref<!tpu.dma_semaphore, #tpu.memory_space<semaphore_mem>>)
    %add3A_182 = arith.constant 0 : i32
    %add3A_183 = arith.addi %mul3A_2, %add3A_182 : i32
    %add3A_184 = arith.constant 256 : i32
    %add3A_185 = arith.addi %mul3A_2, %add3A_184 : i32
    %dma_start3A_186 = tpu.memref_slice %arg2[%add3A_185] : memref<16384xi32, #tpu.memory_space<hbm>> -> memref<128xi32, #tpu.memory_space<hbm>>
    %dma_start3A_187 = tpu.memref_slice %arg2[%add3A_185] : memref<16384xi32, #tpu.memory_space<hbm>> -> memref<128xi32, #tpu.memory_space<hbm>>
    tpu.enqueue_dma source(%dma_start3A_187 : memref<128xi32, #tpu.memory_space<hbm>>) target(%arg11 : memref<128xi32, #tpu.memory_space<vmem>>) target_semaphore(%arg28 : memref<!tpu.dma_semaphore, #tpu.memory_space<semaphore_mem>>)
    %dma_start3A_188 = tpu.memref_slice %arg3[%add3A_185] : memref<16384xi32, #tpu.memory_space<hbm>> -> memref<128xi32, #tpu.memory_space<hbm>>
    %dma_start3A_189 = tpu.memref_slice %arg3[%add3A_185] : memref<16384xi32, #tpu.memory_space<hbm>> -> memref<128xi32, #tpu.memory_space<hbm>>
    tpu.enqueue_dma source(%dma_start3A_189 : memref<128xi32, #tpu.memory_space<hbm>>) target(%arg15 : memref<128xi32, #tpu.memory_space<vmem>>) target_semaphore(%arg28 : memref<!tpu.dma_semaphore, #tpu.memory_space<semaphore_mem>>)
    %dma_start3A_190 = arith.constant 0 : i32
    %dma_start3A_191 = tpu.memref_slice %arg4[%dma_start3A_190, %add3A_185] : memref<20x16384xi32, #tpu.memory_space<hbm>> -> memref<20x128xi32, #tpu.memory_space<hbm>>
    %dma_start3A_192 = arith.constant 0 : i32
    %dma_start3A_193 = tpu.memref_slice %arg4[%dma_start3A_192, %add3A_185] : memref<20x16384xi32, #tpu.memory_space<hbm>> -> memref<20x128xi32, #tpu.memory_space<hbm>>
    tpu.enqueue_dma source(%dma_start3A_193 : memref<20x128xi32, #tpu.memory_space<hbm>>) target(%arg19 : memref<20x128xi32, #tpu.memory_space<vmem>>) target_semaphore(%arg28 : memref<!tpu.dma_semaphore, #tpu.memory_space<semaphore_mem>>)
    %scan3A_194 = arith.constant 0 : i32
    %scan3A_195 = arith.constant 0 : i32
    %scan3A_196 = arith.constant 128 : i32
    %scan3A_197 = arith.addi %scan3A_195, %scan3A_196 : i32
    %scan3A_198 = arith.constant 1 : i32
    %scan3A_199 = scf.for %scan3A_1305 = %scan3A_195 to %scan3A_197 step %scan3A_198 iter_args(%scan3A_1306 = %scan3A_194) -> (i32)  : i32 {
      %swap3A = arith.index_cast %scan3A_1305 : i32 to index
      %swap3A_1307 = arith.constant 0 : index
      %swap3A_1308 = tpu.vector_load %arg25[%swap3A, %swap3A_1307] {strides = array<i32>} : memref<128x128xf32, #tpu.memory_space<vmem>>, vector<1x16xf32>,
      %swap3A_1309 = vector.shape_cast %swap3A_1308 : vector<1x16xf32> to vector<16xf32>
      %swap3A_1310 = vector.shape_cast %broadcast_in_dim3A_3 : vector<16xf32> to vector<1x16xf32>
      tpu.vector_store %arg25[%swap3A, %swap3A_1307], %swap3A_1310 {strides = array<i32>} : memref<128x128xf32, #tpu.memory_space<vmem>>, vector<1x16xf32>,
      %swap3A_1311 = arith.index_cast %scan3A_1305 : i32 to index
      %swap3A_1312 = arith.constant 16 : index
      %swap3A_1313 = tpu.vector_load %arg25[%swap3A_1311, %swap3A_1312] {strides = array<i32>} : memref<128x128xf32, #tpu.memory_space<vmem>>, vector<1x16xf32>,
      %swap3A_1314 = vector.shape_cast %swap3A_1313 : vector<1x16xf32> to vector<16xf32>
      %swap3A_1315 = vector.shape_cast %broadcast_in_dim3A_3 : vector<16xf32> to vector<1x16xf32>
      tpu.vector_store %arg25[%swap3A_1311, %swap3A_1312], %swap3A_1315 {strides = array<i32>} : memref<128x128xf32, #tpu.memory_space<vmem>>, vector<1x16xf32>,
      %swap3A_1316 = arith.index_cast %scan3A_1305 : i32 to index
      %swap3A_1317 = arith.constant 32 : index
      %swap3A_1318 = tpu.vector_load %arg25[%swap3A_1316, %swap3A_1317] {strides = array<i32>} : memref<128x128xf32, #tpu.memory_space<vmem>>, vector<1x16xf32>,
      %swap3A_1319 = vector.shape_cast %swap3A_1318 : vector<1x16xf32> to vector<16xf32>
      %swap3A_1320 = vector.shape_cast %broadcast_in_dim3A_3 : vector<16xf32> to vector<1x16xf32>
      tpu.vector_store %arg25[%swap3A_1316, %swap3A_1317], %swap3A_1320 {strides = array<i32>} : memref<128x128xf32, #tpu.memory_space<vmem>>, vector<1x16xf32>,
      %swap3A_1321 = arith.index_cast %scan3A_1305 : i32 to index
      %swap3A_1322 = arith.constant 48 : index
      %swap3A_1323 = tpu.vector_load %arg25[%swap3A_1321, %swap3A_1322] {strides = array<i32>} : memref<128x128xf32, #tpu.memory_space<vmem>>, vector<1x16xf32>,
      %swap3A_1324 = vector.shape_cast %swap3A_1323 : vector<1x16xf32> to vector<16xf32>
      %swap3A_1325 = vector.shape_cast %broadcast_in_dim3A_3 : vector<16xf32> to vector<1x16xf32>
      tpu.vector_store %arg25[%swap3A_1321, %swap3A_1322], %swap3A_1325 {strides = array<i32>} : memref<128x128xf32, #tpu.memory_space<vmem>>, vector<1x16xf32>,
      %swap3A_1326 = arith.index_cast %scan3A_1305 : i32 to index
      %swap3A_1327 = arith.constant 64 : index
      %swap3A_1328 = tpu.vector_load %arg25[%swap3A_1326, %swap3A_1327] {strides = array<i32>} : memref<128x128xf32, #tpu.memory_space<vmem>>, vector<1x16xf32>,
      %swap3A_1329 = vector.shape_cast %swap3A_1328 : vector<1x16xf32> to vector<16xf32>
      %swap3A_1330 = vector.shape_cast %broadcast_in_dim3A_3 : vector<16xf32> to vector<1x16xf32>
      tpu.vector_store %arg25[%swap3A_1326, %swap3A_1327], %swap3A_1330 {strides = array<i32>} : memref<128x128xf32, #tpu.memory_space<vmem>>, vector<1x16xf32>,
      %swap3A_1331 = arith.index_cast %scan3A_1305 : i32 to index
      %swap3A_1332 = arith.constant 80 : index
      %swap3A_1333 = tpu.vector_load %arg25[%swap3A_1331, %swap3A_1332] {strides = array<i32>} : memref<128x128xf32, #tpu.memory_space<vmem>>, vector<1x16xf32>,
      %swap3A_1334 = vector.shape_cast %swap3A_1333 : vector<1x16xf32> to vector<16xf32>
      %swap3A_1335 = vector.shape_cast %broadcast_in_dim3A_3 : vector<16xf32> to vector<1x16xf32>
      tpu.vector_store %arg25[%swap3A_1331, %swap3A_1332], %swap3A_1335 {strides = array<i32>} : memref<128x128xf32, #tpu.memory_space<vmem>>, vector<1x16xf32>,
      %swap3A_1336 = arith.index_cast %scan3A_1305 : i32 to index
      %swap3A_1337 = arith.constant 96 : index
      %swap3A_1338 = tpu.vector_load %arg25[%swap3A_1336, %swap3A_1337] {strides = array<i32>} : memref<128x128xf32, #tpu.memory_space<vmem>>, vector<1x16xf32>,
      %swap3A_1339 = vector.shape_cast %swap3A_1338 : vector<1x16xf32> to vector<16xf32>
      %swap3A_1340 = vector.shape_cast %broadcast_in_dim3A_3 : vector<16xf32> to vector<1x16xf32>
      tpu.vector_store %arg25[%swap3A_1336, %swap3A_1337], %swap3A_1340 {strides = array<i32>} : memref<128x128xf32, #tpu.memory_space<vmem>>, vector<1x16xf32>,
      %swap3A_1341 = arith.index_cast %scan3A_1305 : i32 to index
      %swap3A_1342 = arith.constant 112 : index
      %swap3A_1343 = tpu.vector_load %arg25[%swap3A_1341, %swap3A_1342] {strides = array<i32>} : memref<128x128xf32, #tpu.memory_space<vmem>>, vector<1x16xf32>,
      %swap3A_1344 = vector.shape_cast %swap3A_1343 : vector<1x16xf32> to vector<16xf32>
      %swap3A_1345 = vector.shape_cast %broadcast_in_dim3A_3 : vector<16xf32> to vector<1x16xf32>
      tpu.vector_store %arg25[%swap3A_1341, %swap3A_1342], %swap3A_1345 {strides = array<i32>} : memref<128x128xf32, #tpu.memory_space<vmem>>, vector<1x16xf32>,
      %scan3A_1346 = arith.constant 0 : i32
      scf.yield %scan3A_1346 : i32
    }
    %scan3A_200 = arith.constant 128 : i32
    %dma_wait3A_201 = tpu.memref_slice %arg2[%add3A_14] : memref<16384xi32, #tpu.memory_space<hbm>> -> memref<128xi32, #tpu.memory_space<hbm>>
    %dma_wait3A_202 = tpu.memref_slice %arg2[%add3A_14] : memref<16384xi32, #tpu.memory_space<hbm>> -> memref<128xi32, #tpu.memory_space<hbm>>
    tpu.wait_dma2 semaphore(%arg29 : memref<!tpu.dma_semaphore, #tpu.memory_space<semaphore_mem>>) src(%dma_wait3A_202 : memref<128xi32, #tpu.memory_space<hbm>>) dst(%arg10 : memref<128xi32, #tpu.memory_space<vmem>>)
    %dma_wait3A_203 = tpu.memref_slice %arg3[%add3A_14] : memref<16384xi32, #tpu.memory_space<hbm>> -> memref<128xi32, #tpu.memory_space<hbm>>
    %dma_wait3A_204 = tpu.memref_slice %arg3[%add3A_14] : memref<16384xi32, #tpu.memory_space<hbm>> -> memref<128xi32, #tpu.memory_space<hbm>>
    tpu.wait_dma2 semaphore(%arg29 : memref<!tpu.dma_semaphore, #tpu.memory_space<semaphore_mem>>) src(%dma_wait3A_204 : memref<128xi32, #tpu.memory_space<hbm>>) dst(%arg14 : memref<128xi32, #tpu.memory_space<vmem>>)
    %dma_wait3A_205 = arith.constant 0 : i32
    %dma_wait3A_206 = tpu.memref_slice %arg4[%dma_wait3A_205, %add3A_14] : memref<20x16384xi32, #tpu.memory_space<hbm>> -> memref<20x128xi32, #tpu.memory_space<hbm>>
    %dma_wait3A_207 = arith.constant 0 : i32
    %dma_wait3A_208 = tpu.memref_slice %arg4[%dma_wait3A_207, %add3A_14] : memref<20x16384xi32, #tpu.memory_space<hbm>> -> memref<20x128xi32, #tpu.memory_space<hbm>>
    tpu.wait_dma2 semaphore(%arg29 : memref<!tpu.dma_semaphore, #tpu.memory_space<semaphore_mem>>) src(%dma_wait3A_208 : memref<20x128xi32, #tpu.memory_space<hbm>>) dst(%arg18 : memref<20x128xi32, #tpu.memory_space<vmem>>)
    %dma_start3A_209 = arith.constant 0 : i32
    %dma_start3A_210 = arith.constant 0 : i32
    %dma_start3A_211 = tpu.memref_slice %arg5[%dma_start3A_209, %dma_start3A_210] : memref<100000x128xf32, #tpu.memory_space<hbm>> -> memref<100000x128xf32, #tpu.memory_space<hbm>>
    tpu.enqueue_indirect_dma source(%dma_start3A_211 : memref<100000x128xf32, #tpu.memory_space<hbm>>) target(%arg22 : memref<128x128xf32, #tpu.memory_space<vmem>>) offsets(%arg10 : memref<128xi32, #tpu.memory_space<vmem>>) semaphore(%arg31 : memref<!tpu.dma_semaphore, #tpu.memory_space<semaphore_mem>>)
    %dma_start3A_212 = arith.constant 0 : i32
    %dma_start3A_213 = arith.constant 0 : i32
    %dma_start3A_214 = tpu.memref_slice %arg18[%dma_start3A_212, %dma_start3A_213] : memref<20x128xi32, #tpu.memory_space<vmem>> -> memref<1x128xi32, #tpu.memory_space<vmem>>
    %dma_start3A_215 = tpu.memref_squeeze %dma_start3A_214 : memref<1x128xi32, #tpu.memory_space<vmem>> -> memref<128xi32, #tpu.memory_space<vmem>>
    %dma_start3A_216 = arith.constant 0 : i32
    %dma_start3A_217 = arith.constant 0 : i32
    %dma_start3A_218 = tpu.memref_slice %arg6[%dma_start3A_216, %dma_start3A_217] : memref<100000x128xf32, #tpu.memory_space<hbm>> -> memref<100000x128xf32, #tpu.memory_space<hbm>>
    tpu.enqueue_indirect_dma source(%dma_start3A_218 : memref<100000x128xf32, #tpu.memory_space<hbm>>) target(%arg25 : memref<128x128xf32, #tpu.memory_space<vmem>>) offsets(%dma_start3A_215 : memref<128xi32, #tpu.memory_space<vmem>>) semaphore(%arg31 : memref<!tpu.dma_semaphore, #tpu.memory_space<semaphore_mem>>) {add = true}
    %dma_start3A_219 = arith.constant 1 : i32
    %dma_start3A_220 = arith.constant 0 : i32
    %dma_start3A_221 = tpu.memref_slice %arg18[%dma_start3A_219, %dma_start3A_220] : memref<20x128xi32, #tpu.memory_space<vmem>> -> memref<1x128xi32, #tpu.memory_space<vmem>>
    %dma_start3A_222 = tpu.memref_squeeze %dma_start3A_221 : memref<1x128xi32, #tpu.memory_space<vmem>> -> memref<128xi32, #tpu.memory_space<vmem>>
    %dma_start3A_223 = arith.constant 0 : i32
    %dma_start3A_224 = arith.constant 0 : i32
    %dma_start3A_225 = tpu.memref_slice %arg6[%dma_start3A_223, %dma_start3A_224] : memref<100000x128xf32, #tpu.memory_space<hbm>> -> memref<100000x128xf32, #tpu.memory_space<hbm>>
    tpu.enqueue_indirect_dma source(%dma_start3A_225 : memref<100000x128xf32, #tpu.memory_space<hbm>>) target(%arg25 : memref<128x128xf32, #tpu.memory_space<vmem>>) offsets(%dma_start3A_222 : memref<128xi32, #tpu.memory_space<vmem>>) semaphore(%arg31 : memref<!tpu.dma_semaphore, #tpu.memory_space<semaphore_mem>>) {add = true}
    %dma_start3A_226 = arith.constant 2 : i32
    %dma_start3A_227 = arith.constant 0 : i32
    %dma_start3A_228 = tpu.memref_slice %arg18[%dma_start3A_226, %dma_start3A_227] : memref<20x128xi32, #tpu.memory_space<vmem>> -> memref<1x128xi32, #tpu.memory_space<vmem>>
    %dma_start3A_229 = tpu.memref_squeeze %dma_start3A_228 : memref<1x128xi32, #tpu.memory_space<vmem>> -> memref<128xi32, #tpu.memory_space<vmem>>
    %dma_start3A_230 = arith.constant 0 : i32
    %dma_start3A_231 = arith.constant 0 : i32
    %dma_start3A_232 = tpu.memref_slice %arg6[%dma_start3A_230, %dma_start3A_231] : memref<100000x128xf32, #tpu.memory_space<hbm>> -> memref<100000x128xf32, #tpu.memory_space<hbm>>
    tpu.enqueue_indirect_dma source(%dma_start3A_232 : memref<100000x128xf32, #tpu.memory_space<hbm>>) target(%arg25 : memref<128x128xf32, #tpu.memory_space<vmem>>) offsets(%dma_start3A_229 : memref<128xi32, #tpu.memory_space<vmem>>) semaphore(%arg31 : memref<!tpu.dma_semaphore, #tpu.memory_space<semaphore_mem>>) {add = true}
    %dma_start3A_233 = arith.constant 3 : i32
    %dma_start3A_234 = arith.constant 0 : i32
    %dma_start3A_235 = tpu.memref_slice %arg18[%dma_start3A_233, %dma_start3A_234] : memref<20x128xi32, #tpu.memory_space<vmem>> -> memref<1x128xi32, #tpu.memory_space<vmem>>
    %dma_start3A_236 = tpu.memref_squeeze %dma_start3A_235 : memref<1x128xi32, #tpu.memory_space<vmem>> -> memref<128xi32, #tpu.memory_space<vmem>>
    %dma_start3A_237 = arith.constant 0 : i32
    %dma_start3A_238 = arith.constant 0 : i32
    %dma_start3A_239 = tpu.memref_slice %arg6[%dma_start3A_237, %dma_start3A_238] : memref<100000x128xf32, #tpu.memory_space<hbm>> -> memref<100000x128xf32, #tpu.memory_space<hbm>>
    tpu.enqueue_indirect_dma source(%dma_start3A_239 : memref<100000x128xf32, #tpu.memory_space<hbm>>) target(%arg25 : memref<128x128xf32, #tpu.memory_space<vmem>>) offsets(%dma_start3A_236 : memref<128xi32, #tpu.memory_space<vmem>>) semaphore(%arg31 : memref<!tpu.dma_semaphore, #tpu.memory_space<semaphore_mem>>) {add = true}
    %dma_start3A_240 = arith.constant 4 : i32
    %dma_start3A_241 = arith.constant 0 : i32
    %dma_start3A_242 = tpu.memref_slice %arg18[%dma_start3A_240, %dma_start3A_241] : memref<20x128xi32, #tpu.memory_space<vmem>> -> memref<1x128xi32, #tpu.memory_space<vmem>>
    %dma_start3A_243 = tpu.memref_squeeze %dma_start3A_242 : memref<1x128xi32, #tpu.memory_space<vmem>> -> memref<128xi32, #tpu.memory_space<vmem>>
    %dma_start3A_244 = arith.constant 0 : i32
    %dma_start3A_245 = arith.constant 0 : i32
    %dma_start3A_246 = tpu.memref_slice %arg6[%dma_start3A_244, %dma_start3A_245] : memref<100000x128xf32, #tpu.memory_space<hbm>> -> memref<100000x128xf32, #tpu.memory_space<hbm>>
    tpu.enqueue_indirect_dma source(%dma_start3A_246 : memref<100000x128xf32, #tpu.memory_space<hbm>>) target(%arg25 : memref<128x128xf32, #tpu.memory_space<vmem>>) offsets(%dma_start3A_243 : memref<128xi32, #tpu.memory_space<vmem>>) semaphore(%arg31 : memref<!tpu.dma_semaphore, #tpu.memory_space<semaphore_mem>>) {add = true}
    %dma_start3A_247 = arith.constant 5 : i32
    %dma_start3A_248 = arith.constant 0 : i32
    %dma_start3A_249 = tpu.memref_slice %arg18[%dma_start3A_247, %dma_start3A_248] : memref<20x128xi32, #tpu.memory_space<vmem>> -> memref<1x128xi32, #tpu.memory_space<vmem>>
    %dma_start3A_250 = tpu.memref_squeeze %dma_start3A_249 : memref<1x128xi32, #tpu.memory_space<vmem>> -> memref<128xi32, #tpu.memory_space<vmem>>
    %dma_start3A_251 = arith.constant 0 : i32
    %dma_start3A_252 = arith.constant 0 : i32
    %dma_start3A_253 = tpu.memref_slice %arg6[%dma_start3A_251, %dma_start3A_252] : memref<100000x128xf32, #tpu.memory_space<hbm>> -> memref<100000x128xf32, #tpu.memory_space<hbm>>
    tpu.enqueue_indirect_dma source(%dma_start3A_253 : memref<100000x128xf32, #tpu.memory_space<hbm>>) target(%arg25 : memref<128x128xf32, #tpu.memory_space<vmem>>) offsets(%dma_start3A_250 : memref<128xi32, #tpu.memory_space<vmem>>) semaphore(%arg31 : memref<!tpu.dma_semaphore, #tpu.memory_space<semaphore_mem>>) {add = true}
    %dma_start3A_254 = arith.constant 6 : i32
    %dma_start3A_255 = arith.constant 0 : i32
    %dma_start3A_256 = tpu.memref_slice %arg18[%dma_start3A_254, %dma_start3A_255] : memref<20x128xi32, #tpu.memory_space<vmem>> -> memref<1x128xi32, #tpu.memory_space<vmem>>
    %dma_start3A_257 = tpu.memref_squeeze %dma_start3A_256 : memref<1x128xi32, #tpu.memory_space<vmem>> -> memref<128xi32, #tpu.memory_space<vmem>>
    %dma_start3A_258 = arith.constant 0 : i32
    %dma_start3A_259 = arith.constant 0 : i32
    %dma_start3A_260 = tpu.memref_slice %arg6[%dma_start3A_258, %dma_start3A_259] : memref<100000x128xf32, #tpu.memory_space<hbm>> -> memref<100000x128xf32, #tpu.memory_space<hbm>>
    tpu.enqueue_indirect_dma source(%dma_start3A_260 : memref<100000x128xf32, #tpu.memory_space<hbm>>) target(%arg25 : memref<128x128xf32, #tpu.memory_space<vmem>>) offsets(%dma_start3A_257 : memref<128xi32, #tpu.memory_space<vmem>>) semaphore(%arg31 : memref<!tpu.dma_semaphore, #tpu.memory_space<semaphore_mem>>) {add = true}
    %dma_start3A_261 = arith.constant 7 : i32
    %dma_start3A_262 = arith.constant 0 : i32
    %dma_start3A_263 = tpu.memref_slice %arg18[%dma_start3A_261, %dma_start3A_262] : memref<20x128xi32, #tpu.memory_space<vmem>> -> memref<1x128xi32, #tpu.memory_space<vmem>>
    %dma_start3A_264 = tpu.memref_squeeze %dma_start3A_263 : memref<1x128xi32, #tpu.memory_space<vmem>> -> memref<128xi32, #tpu.memory_space<vmem>>
    %dma_start3A_265 = arith.constant 0 : i32
    %dma_start3A_266 = arith.constant 0 : i32
    %dma_start3A_267 = tpu.memref_slice %arg6[%dma_start3A_265, %dma_start3A_266] : memref<100000x128xf32, #tpu.memory_space<hbm>> -> memref<100000x128xf32, #tpu.memory_space<hbm>>
    tpu.enqueue_indirect_dma source(%dma_start3A_267 : memref<100000x128xf32, #tpu.memory_space<hbm>>) target(%arg25 : memref<128x128xf32, #tpu.memory_space<vmem>>) offsets(%dma_start3A_264 : memref<128xi32, #tpu.memory_space<vmem>>) semaphore(%arg31 : memref<!tpu.dma_semaphore, #tpu.memory_space<semaphore_mem>>) {add = true}
    %dma_start3A_268 = arith.constant 8 : i32
    %dma_start3A_269 = arith.constant 0 : i32
    %dma_start3A_270 = tpu.memref_slice %arg18[%dma_start3A_268, %dma_start3A_269] : memref<20x128xi32, #tpu.memory_space<vmem>> -> memref<1x128xi32, #tpu.memory_space<vmem>>
    %dma_start3A_271 = tpu.memref_squeeze %dma_start3A_270 : memref<1x128xi32, #tpu.memory_space<vmem>> -> memref<128xi32, #tpu.memory_space<vmem>>
    %dma_start3A_272 = arith.constant 0 : i32
    %dma_start3A_273 = arith.constant 0 : i32
    %dma_start3A_274 = tpu.memref_slice %arg6[%dma_start3A_272, %dma_start3A_273] : memref<100000x128xf32, #tpu.memory_space<hbm>> -> memref<100000x128xf32, #tpu.memory_space<hbm>>
    tpu.enqueue_indirect_dma source(%dma_start3A_274 : memref<100000x128xf32, #tpu.memory_space<hbm>>) target(%arg25 : memref<128x128xf32, #tpu.memory_space<vmem>>) offsets(%dma_start3A_271 : memref<128xi32, #tpu.memory_space<vmem>>) semaphore(%arg31 : memref<!tpu.dma_semaphore, #tpu.memory_space<semaphore_mem>>) {add = true}
    %dma_start3A_275 = arith.constant 9 : i32
    %dma_start3A_276 = arith.constant 0 : i32
    %dma_start3A_277 = tpu.memref_slice %arg18[%dma_start3A_275, %dma_start3A_276] : memref<20x128xi32, #tpu.memory_space<vmem>> -> memref<1x128xi32, #tpu.memory_space<vmem>>
    %dma_start3A_278 = tpu.memref_squeeze %dma_start3A_277 : memref<1x128xi32, #tpu.memory_space<vmem>> -> memref<128xi32, #tpu.memory_space<vmem>>
    %dma_start3A_279 = arith.constant 0 : i32
    %dma_start3A_280 = arith.constant 0 : i32
    %dma_start3A_281 = tpu.memref_slice %arg6[%dma_start3A_279, %dma_start3A_280] : memref<100000x128xf32, #tpu.memory_space<hbm>> -> memref<100000x128xf32, #tpu.memory_space<hbm>>
    tpu.enqueue_indirect_dma source(%dma_start3A_281 : memref<100000x128xf32, #tpu.memory_space<hbm>>) target(%arg25 : memref<128x128xf32, #tpu.memory_space<vmem>>) offsets(%dma_start3A_278 : memref<128xi32, #tpu.memory_space<vmem>>) semaphore(%arg31 : memref<!tpu.dma_semaphore, #tpu.memory_space<semaphore_mem>>) {add = true}
    %dma_start3A_282 = arith.constant 10 : i32
    %dma_start3A_283 = arith.constant 0 : i32
    %dma_start3A_284 = tpu.memref_slice %arg18[%dma_start3A_282, %dma_start3A_283] : memref<20x128xi32, #tpu.memory_space<vmem>> -> memref<1x128xi32, #tpu.memory_space<vmem>>
    %dma_start3A_285 = tpu.memref_squeeze %dma_start3A_284 : memref<1x128xi32, #tpu.memory_space<vmem>> -> memref<128xi32, #tpu.memory_space<vmem>>
    %dma_start3A_286 = arith.constant 0 : i32
    %dma_start3A_287 = arith.constant 0 : i32
    %dma_start3A_288 = tpu.memref_slice %arg6[%dma_start3A_286, %dma_start3A_287] : memref<100000x128xf32, #tpu.memory_space<hbm>> -> memref<100000x128xf32, #tpu.memory_space<hbm>>
    tpu.enqueue_indirect_dma source(%dma_start3A_288 : memref<100000x128xf32, #tpu.memory_space<hbm>>) target(%arg25 : memref<128x128xf32, #tpu.memory_space<vmem>>) offsets(%dma_start3A_285 : memref<128xi32, #tpu.memory_space<vmem>>) semaphore(%arg31 : memref<!tpu.dma_semaphore, #tpu.memory_space<semaphore_mem>>) {add = true}
    %dma_start3A_289 = arith.constant 11 : i32
    %dma_start3A_290 = arith.constant 0 : i32
    %dma_start3A_291 = tpu.memref_slice %arg18[%dma_start3A_289, %dma_start3A_290] : memref<20x128xi32, #tpu.memory_space<vmem>> -> memref<1x128xi32, #tpu.memory_space<vmem>>
    %dma_start3A_292 = tpu.memref_squeeze %dma_start3A_291 : memref<1x128xi32, #tpu.memory_space<vmem>> -> memref<128xi32, #tpu.memory_space<vmem>>
    %dma_start3A_293 = arith.constant 0 : i32
    %dma_start3A_294 = arith.constant 0 : i32
    %dma_start3A_295 = tpu.memref_slice %arg6[%dma_start3A_293, %dma_start3A_294] : memref<100000x128xf32, #tpu.memory_space<hbm>> -> memref<100000x128xf32, #tpu.memory_space<hbm>>
    tpu.enqueue_indirect_dma source(%dma_start3A_295 : memref<100000x128xf32, #tpu.memory_space<hbm>>) target(%arg25 : memref<128x128xf32, #tpu.memory_space<vmem>>) offsets(%dma_start3A_292 : memref<128xi32, #tpu.memory_space<vmem>>) semaphore(%arg31 : memref<!tpu.dma_semaphore, #tpu.memory_space<semaphore_mem>>) {add = true}
    %dma_start3A_296 = arith.constant 12 : i32
    %dma_start3A_297 = arith.constant 0 : i32
    %dma_start3A_298 = tpu.memref_slice %arg18[%dma_start3A_296, %dma_start3A_297] : memref<20x128xi32, #tpu.memory_space<vmem>> -> memref<1x128xi32, #tpu.memory_space<vmem>>
    %dma_start3A_299 = tpu.memref_squeeze %dma_start3A_298 : memref<1x128xi32, #tpu.memory_space<vmem>> -> memref<128xi32, #tpu.memory_space<vmem>>
    %dma_start3A_300 = arith.constant 0 : i32
    %dma_start3A_301 = arith.constant 0 : i32
    %dma_start3A_302 = tpu.memref_slice %arg6[%dma_start3A_300, %dma_start3A_301] : memref<100000x128xf32, #tpu.memory_space<hbm>> -> memref<100000x128xf32, #tpu.memory_space<hbm>>
    tpu.enqueue_indirect_dma source(%dma_start3A_302 : memref<100000x128xf32, #tpu.memory_space<hbm>>) target(%arg25 : memref<128x128xf32, #tpu.memory_space<vmem>>) offsets(%dma_start3A_299 : memref<128xi32, #tpu.memory_space<vmem>>) semaphore(%arg31 : memref<!tpu.dma_semaphore, #tpu.memory_space<semaphore_mem>>) {add = true}
    %dma_start3A_303 = arith.constant 13 : i32
    %dma_start3A_304 = arith.constant 0 : i32
    %dma_start3A_305 = tpu.memref_slice %arg18[%dma_start3A_303, %dma_start3A_304] : memref<20x128xi32, #tpu.memory_space<vmem>> -> memref<1x128xi32, #tpu.memory_space<vmem>>
    %dma_start3A_306 = tpu.memref_squeeze %dma_start3A_305 : memref<1x128xi32, #tpu.memory_space<vmem>> -> memref<128xi32, #tpu.memory_space<vmem>>
    %dma_start3A_307 = arith.constant 0 : i32
    %dma_start3A_308 = arith.constant 0 : i32
    %dma_start3A_309 = tpu.memref_slice %arg6[%dma_start3A_307, %dma_start3A_308] : memref<100000x128xf32, #tpu.memory_space<hbm>> -> memref<100000x128xf32, #tpu.memory_space<hbm>>
    tpu.enqueue_indirect_dma source(%dma_start3A_309 : memref<100000x128xf32, #tpu.memory_space<hbm>>) target(%arg25 : memref<128x128xf32, #tpu.memory_space<vmem>>) offsets(%dma_start3A_306 : memref<128xi32, #tpu.memory_space<vmem>>) semaphore(%arg31 : memref<!tpu.dma_semaphore, #tpu.memory_space<semaphore_mem>>) {add = true}
    %dma_start3A_310 = arith.constant 14 : i32
    %dma_start3A_311 = arith.constant 0 : i32
    %dma_start3A_312 = tpu.memref_slice %arg18[%dma_start3A_310, %dma_start3A_311] : memref<20x128xi32, #tpu.memory_space<vmem>> -> memref<1x128xi32, #tpu.memory_space<vmem>>
    %dma_start3A_313 = tpu.memref_squeeze %dma_start3A_312 : memref<1x128xi32, #tpu.memory_space<vmem>> -> memref<128xi32, #tpu.memory_space<vmem>>
    %dma_start3A_314 = arith.constant 0 : i32
    %dma_start3A_315 = arith.constant 0 : i32
    %dma_start3A_316 = tpu.memref_slice %arg6[%dma_start3A_314, %dma_start3A_315] : memref<100000x128xf32, #tpu.memory_space<hbm>> -> memref<100000x128xf32, #tpu.memory_space<hbm>>
    tpu.enqueue_indirect_dma source(%dma_start3A_316 : memref<100000x128xf32, #tpu.memory_space<hbm>>) target(%arg25 : memref<128x128xf32, #tpu.memory_space<vmem>>) offsets(%dma_start3A_313 : memref<128xi32, #tpu.memory_space<vmem>>) semaphore(%arg31 : memref<!tpu.dma_semaphore, #tpu.memory_space<semaphore_mem>>) {add = true}
    %dma_start3A_317 = arith.constant 15 : i32
    %dma_start3A_318 = arith.constant 0 : i32
    %dma_start3A_319 = tpu.memref_slice %arg18[%dma_start3A_317, %dma_start3A_318] : memref<20x128xi32, #tpu.memory_space<vmem>> -> memref<1x128xi32, #tpu.memory_space<vmem>>
    %dma_start3A_320 = tpu.memref_squeeze %dma_start3A_319 : memref<1x128xi32, #tpu.memory_space<vmem>> -> memref<128xi32, #tpu.memory_space<vmem>>
    %dma_start3A_321 = arith.constant 0 : i32
    %dma_start3A_322 = arith.constant 0 : i32
    %dma_start3A_323 = tpu.memref_slice %arg6[%dma_start3A_321, %dma_start3A_322] : memref<100000x128xf32, #tpu.memory_space<hbm>> -> memref<100000x128xf32, #tpu.memory_space<hbm>>
    tpu.enqueue_indirect_dma source(%dma_start3A_323 : memref<100000x128xf32, #tpu.memory_space<hbm>>) target(%arg25 : memref<128x128xf32, #tpu.memory_space<vmem>>) offsets(%dma_start3A_320 : memref<128xi32, #tpu.memory_space<vmem>>) semaphore(%arg31 : memref<!tpu.dma_semaphore, #tpu.memory_space<semaphore_mem>>) {add = true}
    %dma_start3A_324 = arith.constant 16 : i32
    %dma_start3A_325 = arith.constant 0 : i32
    %dma_start3A_326 = tpu.memref_slice %arg18[%dma_start3A_324, %dma_start3A_325] : memref<20x128xi32, #tpu.memory_space<vmem>> -> memref<1x128xi32, #tpu.memory_space<vmem>>
    %dma_start3A_327 = tpu.memref_squeeze %dma_start3A_326 : memref<1x128xi32, #tpu.memory_space<vmem>> -> memref<128xi32, #tpu.memory_space<vmem>>
    %dma_start3A_328 = arith.constant 0 : i32
    %dma_start3A_329 = arith.constant 0 : i32
    %dma_start3A_330 = tpu.memref_slice %arg6[%dma_start3A_328, %dma_start3A_329] : memref<100000x128xf32, #tpu.memory_space<hbm>> -> memref<100000x128xf32, #tpu.memory_space<hbm>>
    tpu.enqueue_indirect_dma source(%dma_start3A_330 : memref<100000x128xf32, #tpu.memory_space<hbm>>) target(%arg25 : memref<128x128xf32, #tpu.memory_space<vmem>>) offsets(%dma_start3A_327 : memref<128xi32, #tpu.memory_space<vmem>>) semaphore(%arg31 : memref<!tpu.dma_semaphore, #tpu.memory_space<semaphore_mem>>) {add = true}
    %dma_start3A_331 = arith.constant 17 : i32
    %dma_start3A_332 = arith.constant 0 : i32
    %dma_start3A_333 = tpu.memref_slice %arg18[%dma_start3A_331, %dma_start3A_332] : memref<20x128xi32, #tpu.memory_space<vmem>> -> memref<1x128xi32, #tpu.memory_space<vmem>>
    %dma_start3A_334 = tpu.memref_squeeze %dma_start3A_333 : memref<1x128xi32, #tpu.memory_space<vmem>> -> memref<128xi32, #tpu.memory_space<vmem>>
    %dma_start3A_335 = arith.constant 0 : i32
    %dma_start3A_336 = arith.constant 0 : i32
    %dma_start3A_337 = tpu.memref_slice %arg6[%dma_start3A_335, %dma_start3A_336] : memref<100000x128xf32, #tpu.memory_space<hbm>> -> memref<100000x128xf32, #tpu.memory_space<hbm>>
    tpu.enqueue_indirect_dma source(%dma_start3A_337 : memref<100000x128xf32, #tpu.memory_space<hbm>>) target(%arg25 : memref<128x128xf32, #tpu.memory_space<vmem>>) offsets(%dma_start3A_334 : memref<128xi32, #tpu.memory_space<vmem>>) semaphore(%arg31 : memref<!tpu.dma_semaphore, #tpu.memory_space<semaphore_mem>>) {add = true}
    %dma_start3A_338 = arith.constant 18 : i32
    %dma_start3A_339 = arith.constant 0 : i32
    %dma_start3A_340 = tpu.memref_slice %arg18[%dma_start3A_338, %dma_start3A_339] : memref<20x128xi32, #tpu.memory_space<vmem>> -> memref<1x128xi32, #tpu.memory_space<vmem>>
    %dma_start3A_341 = tpu.memref_squeeze %dma_start3A_340 : memref<1x128xi32, #tpu.memory_space<vmem>> -> memref<128xi32, #tpu.memory_space<vmem>>
    %dma_start3A_342 = arith.constant 0 : i32
    %dma_start3A_343 = arith.constant 0 : i32
    %dma_start3A_344 = tpu.memref_slice %arg6[%dma_start3A_342, %dma_start3A_343] : memref<100000x128xf32, #tpu.memory_space<hbm>> -> memref<100000x128xf32, #tpu.memory_space<hbm>>
    tpu.enqueue_indirect_dma source(%dma_start3A_344 : memref<100000x128xf32, #tpu.memory_space<hbm>>) target(%arg25 : memref<128x128xf32, #tpu.memory_space<vmem>>) offsets(%dma_start3A_341 : memref<128xi32, #tpu.memory_space<vmem>>) semaphore(%arg31 : memref<!tpu.dma_semaphore, #tpu.memory_space<semaphore_mem>>) {add = true}
    %dma_start3A_345 = arith.constant 19 : i32
    %dma_start3A_346 = arith.constant 0 : i32
    %dma_start3A_347 = tpu.memref_slice %arg18[%dma_start3A_345, %dma_start3A_346] : memref<20x128xi32, #tpu.memory_space<vmem>> -> memref<1x128xi32, #tpu.memory_space<vmem>>
    %dma_start3A_348 = tpu.memref_squeeze %dma_start3A_347 : memref<1x128xi32, #tpu.memory_space<vmem>> -> memref<128xi32, #tpu.memory_space<vmem>>
    %dma_start3A_349 = arith.constant 0 : i32
    %dma_start3A_350 = arith.constant 0 : i32
    %dma_start3A_351 = tpu.memref_slice %arg6[%dma_start3A_349, %dma_start3A_350] : memref<100000x128xf32, #tpu.memory_space<hbm>> -> memref<100000x128xf32, #tpu.memory_space<hbm>>
    tpu.enqueue_indirect_dma source(%dma_start3A_351 : memref<100000x128xf32, #tpu.memory_space<hbm>>) target(%arg25 : memref<128x128xf32, #tpu.memory_space<vmem>>) offsets(%dma_start3A_348 : memref<128xi32, #tpu.memory_space<vmem>>) semaphore(%arg31 : memref<!tpu.dma_semaphore, #tpu.memory_space<semaphore_mem>>) {add = true}
    %dma_wait3A_352 = arith.constant 0 : i32
    %dma_wait3A_353 = arith.constant 0 : i32
    %dma_wait3A_354 = tpu.memref_slice %arg5[%dma_wait3A_352, %dma_wait3A_353] : memref<100000x128xf32, #tpu.memory_space<hbm>> -> memref<100000x128xf32, #tpu.memory_space<hbm>>
    tpu.wait_indirect_dma semaphore(%arg30 : memref<!tpu.dma_semaphore, #tpu.memory_space<semaphore_mem>>) src(%dma_wait3A_354 : memref<100000x128xf32, #tpu.memory_space<hbm>>) dst(%arg21 : memref<128x128xf32, #tpu.memory_space<vmem>>)
    %dma_wait3A_355 = arith.constant 0 : i32
    %dma_wait3A_356 = arith.constant 0 : i32
    %dma_wait3A_357 = tpu.memref_slice %arg17[%dma_wait3A_355, %dma_wait3A_356] : memref<20x128xi32, #tpu.memory_space<vmem>> -> memref<1x128xi32, #tpu.memory_space<vmem>>
    %dma_wait3A_358 = tpu.memref_squeeze %dma_wait3A_357 : memref<1x128xi32, #tpu.memory_space<vmem>> -> memref<128xi32, #tpu.memory_space<vmem>>
    %dma_wait3A_359 = arith.constant 0 : i32
    %dma_wait3A_360 = arith.constant 0 : i32
    %dma_wait3A_361 = tpu.memref_slice %arg6[%dma_wait3A_359, %dma_wait3A_360] : memref<100000x128xf32, #tpu.memory_space<hbm>> -> memref<100000x128xf32, #tpu.memory_space<hbm>>
    tpu.wait_indirect_dma semaphore(%arg30 : memref<!tpu.dma_semaphore, #tpu.memory_space<semaphore_mem>>) src(%dma_wait3A_361 : memref<100000x128xf32, #tpu.memory_space<hbm>>) dst(%arg24 : memref<128x128xf32, #tpu.memory_space<vmem>>)
    %dma_wait3A_362 = arith.constant 1 : i32
    %dma_wait3A_363 = arith.constant 0 : i32
    %dma_wait3A_364 = tpu.memref_slice %arg17[%dma_wait3A_362, %dma_wait3A_363] : memref<20x128xi32, #tpu.memory_space<vmem>> -> memref<1x128xi32, #tpu.memory_space<vmem>>
    %dma_wait3A_365 = tpu.memref_squeeze %dma_wait3A_364 : memref<1x128xi32, #tpu.memory_space<vmem>> -> memref<128xi32, #tpu.memory_space<vmem>>
    %dma_wait3A_366 = arith.constant 0 : i32
    %dma_wait3A_367 = arith.constant 0 : i32
    %dma_wait3A_368 = tpu.memref_slice %arg6[%dma_wait3A_366, %dma_wait3A_367] : memref<100000x128xf32, #tpu.memory_space<hbm>> -> memref<100000x128xf32, #tpu.memory_space<hbm>>
    tpu.wait_indirect_dma semaphore(%arg30 : memref<!tpu.dma_semaphore, #tpu.memory_space<semaphore_mem>>) src(%dma_wait3A_368 : memref<100000x128xf32, #tpu.memory_space<hbm>>) dst(%arg24 : memref<128x128xf32, #tpu.memory_space<vmem>>)
    %dma_wait3A_369 = arith.constant 2 : i32
    %dma_wait3A_370 = arith.constant 0 : i32
    %dma_wait3A_371 = tpu.memref_slice %arg17[%dma_wait3A_369, %dma_wait3A_370] : memref<20x128xi32, #tpu.memory_space<vmem>> -> memref<1x128xi32, #tpu.memory_space<vmem>>
    %dma_wait3A_372 = tpu.memref_squeeze %dma_wait3A_371 : memref<1x128xi32, #tpu.memory_space<vmem>> -> memref<128xi32, #tpu.memory_space<vmem>>
    %dma_wait3A_373 = arith.constant 0 : i32
    %dma_wait3A_374 = arith.constant 0 : i32
    %dma_wait3A_375 = tpu.memref_slice %arg6[%dma_wait3A_373, %dma_wait3A_374] : memref<100000x128xf32, #tpu.memory_space<hbm>> -> memref<100000x128xf32, #tpu.memory_space<hbm>>
    tpu.wait_indirect_dma semaphore(%arg30 : memref<!tpu.dma_semaphore, #tpu.memory_space<semaphore_mem>>) src(%dma_wait3A_375 : memref<100000x128xf32, #tpu.memory_space<hbm>>) dst(%arg24 : memref<128x128xf32, #tpu.memory_space<vmem>>)
    %dma_wait3A_376 = arith.constant 3 : i32
    %dma_wait3A_377 = arith.constant 0 : i32
    %dma_wait3A_378 = tpu.memref_slice %arg17[%dma_wait3A_376, %dma_wait3A_377] : memref<20x128xi32, #tpu.memory_space<vmem>> -> memref<1x128xi32, #tpu.memory_space<vmem>>
    %dma_wait3A_379 = tpu.memref_squeeze %dma_wait3A_378 : memref<1x128xi32, #tpu.memory_space<vmem>> -> memref<128xi32, #tpu.memory_space<vmem>>
    %dma_wait3A_380 = arith.constant 0 : i32
    %dma_wait3A_381 = arith.constant 0 : i32
    %dma_wait3A_382 = tpu.memref_slice %arg6[%dma_wait3A_380, %dma_wait3A_381] : memref<100000x128xf32, #tpu.memory_space<hbm>> -> memref<100000x128xf32, #tpu.memory_space<hbm>>
    tpu.wait_indirect_dma semaphore(%arg30 : memref<!tpu.dma_semaphore, #tpu.memory_space<semaphore_mem>>) src(%dma_wait3A_382 : memref<100000x128xf32, #tpu.memory_space<hbm>>) dst(%arg24 : memref<128x128xf32, #tpu.memory_space<vmem>>)
    %dma_wait3A_383 = arith.constant 4 : i32
    %dma_wait3A_384 = arith.constant 0 : i32
    %dma_wait3A_385 = tpu.memref_slice %arg17[%dma_wait3A_383, %dma_wait3A_384] : memref<20x128xi32, #tpu.memory_space<vmem>> -> memref<1x128xi32, #tpu.memory_space<vmem>>
    %dma_wait3A_386 = tpu.memref_squeeze %dma_wait3A_385 : memref<1x128xi32, #tpu.memory_space<vmem>> -> memref<128xi32, #tpu.memory_space<vmem>>
    %dma_wait3A_387 = arith.constant 0 : i32
    %dma_wait3A_388 = arith.constant 0 : i32
    %dma_wait3A_389 = tpu.memref_slice %arg6[%dma_wait3A_387, %dma_wait3A_388] : memref<100000x128xf32, #tpu.memory_space<hbm>> -> memref<100000x128xf32, #tpu.memory_space<hbm>>
    tpu.wait_indirect_dma semaphore(%arg30 : memref<!tpu.dma_semaphore, #tpu.memory_space<semaphore_mem>>) src(%dma_wait3A_389 : memref<100000x128xf32, #tpu.memory_space<hbm>>) dst(%arg24 : memref<128x128xf32, #tpu.memory_space<vmem>>)
    %dma_wait3A_390 = arith.constant 5 : i32
    %dma_wait3A_391 = arith.constant 0 : i32
    %dma_wait3A_392 = tpu.memref_slice %arg17[%dma_wait3A_390, %dma_wait3A_391] : memref<20x128xi32, #tpu.memory_space<vmem>> -> memref<1x128xi32, #tpu.memory_space<vmem>>
    %dma_wait3A_393 = tpu.memref_squeeze %dma_wait3A_392 : memref<1x128xi32, #tpu.memory_space<vmem>> -> memref<128xi32, #tpu.memory_space<vmem>>
    %dma_wait3A_394 = arith.constant 0 : i32
    %dma_wait3A_395 = arith.constant 0 : i32
    %dma_wait3A_396 = tpu.memref_slice %arg6[%dma_wait3A_394, %dma_wait3A_395] : memref<100000x128xf32, #tpu.memory_space<hbm>> -> memref<100000x128xf32, #tpu.memory_space<hbm>>
    tpu.wait_indirect_dma semaphore(%arg30 : memref<!tpu.dma_semaphore, #tpu.memory_space<semaphore_mem>>) src(%dma_wait3A_396 : memref<100000x128xf32, #tpu.memory_space<hbm>>) dst(%arg24 : memref<128x128xf32, #tpu.memory_space<vmem>>)
    %dma_wait3A_397 = arith.constant 6 : i32
    %dma_wait3A_398 = arith.constant 0 : i32
    %dma_wait3A_399 = tpu.memref_slice %arg17[%dma_wait3A_397, %dma_wait3A_398] : memref<20x128xi32, #tpu.memory_space<vmem>> -> memref<1x128xi32, #tpu.memory_space<vmem>>
    %dma_wait3A_400 = tpu.memref_squeeze %dma_wait3A_399 : memref<1x128xi32, #tpu.memory_space<vmem>> -> memref<128xi32, #tpu.memory_space<vmem>>
    %dma_wait3A_401 = arith.constant 0 : i32
    %dma_wait3A_402 = arith.constant 0 : i32
    %dma_wait3A_403 = tpu.memref_slice %arg6[%dma_wait3A_401, %dma_wait3A_402] : memref<100000x128xf32, #tpu.memory_space<hbm>> -> memref<100000x128xf32, #tpu.memory_space<hbm>>
    tpu.wait_indirect_dma semaphore(%arg30 : memref<!tpu.dma_semaphore, #tpu.memory_space<semaphore_mem>>) src(%dma_wait3A_403 : memref<100000x128xf32, #tpu.memory_space<hbm>>) dst(%arg24 : memref<128x128xf32, #tpu.memory_space<vmem>>)
    %dma_wait3A_404 = arith.constant 7 : i32
    %dma_wait3A_405 = arith.constant 0 : i32
    %dma_wait3A_406 = tpu.memref_slice %arg17[%dma_wait3A_404, %dma_wait3A_405] : memref<20x128xi32, #tpu.memory_space<vmem>> -> memref<1x128xi32, #tpu.memory_space<vmem>>
    %dma_wait3A_407 = tpu.memref_squeeze %dma_wait3A_406 : memref<1x128xi32, #tpu.memory_space<vmem>> -> memref<128xi32, #tpu.memory_space<vmem>>
    %dma_wait3A_408 = arith.constant 0 : i32
    %dma_wait3A_409 = arith.constant 0 : i32
    %dma_wait3A_410 = tpu.memref_slice %arg6[%dma_wait3A_408, %dma_wait3A_409] : memref<100000x128xf32, #tpu.memory_space<hbm>> -> memref<100000x128xf32, #tpu.memory_space<hbm>>
    tpu.wait_indirect_dma semaphore(%arg30 : memref<!tpu.dma_semaphore, #tpu.memory_space<semaphore_mem>>) src(%dma_wait3A_410 : memref<100000x128xf32, #tpu.memory_space<hbm>>) dst(%arg24 : memref<128x128xf32, #tpu.memory_space<vmem>>)
    %dma_wait3A_411 = arith.constant 8 : i32
    %dma_wait3A_412 = arith.constant 0 : i32
    %dma_wait3A_413 = tpu.memref_slice %arg17[%dma_wait3A_411, %dma_wait3A_412] : memref<20x128xi32, #tpu.memory_space<vmem>> -> memref<1x128xi32, #tpu.memory_space<vmem>>
    %dma_wait3A_414 = tpu.memref_squeeze %dma_wait3A_413 : memref<1x128xi32, #tpu.memory_space<vmem>> -> memref<128xi32, #tpu.memory_space<vmem>>
    %dma_wait3A_415 = arith.constant 0 : i32
    %dma_wait3A_416 = arith.constant 0 : i32
    %dma_wait3A_417 = tpu.memref_slice %arg6[%dma_wait3A_415, %dma_wait3A_416] : memref<100000x128xf32, #tpu.memory_space<hbm>> -> memref<100000x128xf32, #tpu.memory_space<hbm>>
    tpu.wait_indirect_dma semaphore(%arg30 : memref<!tpu.dma_semaphore, #tpu.memory_space<semaphore_mem>>) src(%dma_wait3A_417 : memref<100000x128xf32, #tpu.memory_space<hbm>>) dst(%arg24 : memref<128x128xf32, #tpu.memory_space<vmem>>)
    %dma_wait3A_418 = arith.constant 9 : i32
    %dma_wait3A_419 = arith.constant 0 : i32
    %dma_wait3A_420 = tpu.memref_slice %arg17[%dma_wait3A_418, %dma_wait3A_419] : memref<20x128xi32, #tpu.memory_space<vmem>> -> memref<1x128xi32, #tpu.memory_space<vmem>>
    %dma_wait3A_421 = tpu.memref_squeeze %dma_wait3A_420 : memref<1x128xi32, #tpu.memory_space<vmem>> -> memref<128xi32, #tpu.memory_space<vmem>>
    %dma_wait3A_422 = arith.constant 0 : i32
    %dma_wait3A_423 = arith.constant 0 : i32
    %dma_wait3A_424 = tpu.memref_slice %arg6[%dma_wait3A_422, %dma_wait3A_423] : memref<100000x128xf32, #tpu.memory_space<hbm>> -> memref<100000x128xf32, #tpu.memory_space<hbm>>
    tpu.wait_indirect_dma semaphore(%arg30 : memref<!tpu.dma_semaphore, #tpu.memory_space<semaphore_mem>>) src(%dma_wait3A_424 : memref<100000x128xf32, #tpu.memory_space<hbm>>) dst(%arg24 : memref<128x128xf32, #tpu.memory_space<vmem>>)
    %dma_wait3A_425 = arith.constant 10 : i32
    %dma_wait3A_426 = arith.constant 0 : i32
    %dma_wait3A_427 = tpu.memref_slice %arg17[%dma_wait3A_425, %dma_wait3A_426] : memref<20x128xi32, #tpu.memory_space<vmem>> -> memref<1x128xi32, #tpu.memory_space<vmem>>
    %dma_wait3A_428 = tpu.memref_squeeze %dma_wait3A_427 : memref<1x128xi32, #tpu.memory_space<vmem>> -> memref<128xi32, #tpu.memory_space<vmem>>
    %dma_wait3A_429 = arith.constant 0 : i32
    %dma_wait3A_430 = arith.constant 0 : i32
    %dma_wait3A_431 = tpu.memref_slice %arg6[%dma_wait3A_429, %dma_wait3A_430] : memref<100000x128xf32, #tpu.memory_space<hbm>> -> memref<100000x128xf32, #tpu.memory_space<hbm>>
    tpu.wait_indirect_dma semaphore(%arg30 : memref<!tpu.dma_semaphore, #tpu.memory_space<semaphore_mem>>) src(%dma_wait3A_431 : memref<100000x128xf32, #tpu.memory_space<hbm>>) dst(%arg24 : memref<128x128xf32, #tpu.memory_space<vmem>>)
    %dma_wait3A_432 = arith.constant 11 : i32
    %dma_wait3A_433 = arith.constant 0 : i32
    %dma_wait3A_434 = tpu.memref_slice %arg17[%dma_wait3A_432, %dma_wait3A_433] : memref<20x128xi32, #tpu.memory_space<vmem>> -> memref<1x128xi32, #tpu.memory_space<vmem>>
    %dma_wait3A_435 = tpu.memref_squeeze %dma_wait3A_434 : memref<1x128xi32, #tpu.memory_space<vmem>> -> memref<128xi32, #tpu.memory_space<vmem>>
    %dma_wait3A_436 = arith.constant 0 : i32
    %dma_wait3A_437 = arith.constant 0 : i32
    %dma_wait3A_438 = tpu.memref_slice %arg6[%dma_wait3A_436, %dma_wait3A_437] : memref<100000x128xf32, #tpu.memory_space<hbm>> -> memref<100000x128xf32, #tpu.memory_space<hbm>>
    tpu.wait_indirect_dma semaphore(%arg30 : memref<!tpu.dma_semaphore, #tpu.memory_space<semaphore_mem>>) src(%dma_wait3A_438 : memref<100000x128xf32, #tpu.memory_space<hbm>>) dst(%arg24 : memref<128x128xf32, #tpu.memory_space<vmem>>)
    %dma_wait3A_439 = arith.constant 12 : i32
    %dma_wait3A_440 = arith.constant 0 : i32
    %dma_wait3A_441 = tpu.memref_slice %arg17[%dma_wait3A_439, %dma_wait3A_440] : memref<20x128xi32, #tpu.memory_space<vmem>> -> memref<1x128xi32, #tpu.memory_space<vmem>>
    %dma_wait3A_442 = tpu.memref_squeeze %dma_wait3A_441 : memref<1x128xi32, #tpu.memory_space<vmem>> -> memref<128xi32, #tpu.memory_space<vmem>>
    %dma_wait3A_443 = arith.constant 0 : i32
    %dma_wait3A_444 = arith.constant 0 : i32
    %dma_wait3A_445 = tpu.memref_slice %arg6[%dma_wait3A_443, %dma_wait3A_444] : memref<100000x128xf32, #tpu.memory_space<hbm>> -> memref<100000x128xf32, #tpu.memory_space<hbm>>
    tpu.wait_indirect_dma semaphore(%arg30 : memref<!tpu.dma_semaphore, #tpu.memory_space<semaphore_mem>>) src(%dma_wait3A_445 : memref<100000x128xf32, #tpu.memory_space<hbm>>) dst(%arg24 : memref<128x128xf32, #tpu.memory_space<vmem>>)
    %dma_wait3A_446 = arith.constant 13 : i32
    %dma_wait3A_447 = arith.constant 0 : i32
    %dma_wait3A_448 = tpu.memref_slice %arg17[%dma_wait3A_446, %dma_wait3A_447] : memref<20x128xi32, #tpu.memory_space<vmem>> -> memref<1x128xi32, #tpu.memory_space<vmem>>
    %dma_wait3A_449 = tpu.memref_squeeze %dma_wait3A_448 : memref<1x128xi32, #tpu.memory_space<vmem>> -> memref<128xi32, #tpu.memory_space<vmem>>
    %dma_wait3A_450 = arith.constant 0 : i32
    %dma_wait3A_451 = arith.constant 0 : i32
    %dma_wait3A_452 = tpu.memref_slice %arg6[%dma_wait3A_450, %dma_wait3A_451] : memref<100000x128xf32, #tpu.memory_space<hbm>> -> memref<100000x128xf32, #tpu.memory_space<hbm>>
    tpu.wait_indirect_dma semaphore(%arg30 : memref<!tpu.dma_semaphore, #tpu.memory_space<semaphore_mem>>) src(%dma_wait3A_452 : memref<100000x128xf32, #tpu.memory_space<hbm>>) dst(%arg24 : memref<128x128xf32, #tpu.memory_space<vmem>>)
    %dma_wait3A_453 = arith.constant 14 : i32
    %dma_wait3A_454 = arith.constant 0 : i32
    %dma_wait3A_455 = tpu.memref_slice %arg17[%dma_wait3A_453, %dma_wait3A_454] : memref<20x128xi32, #tpu.memory_space<vmem>> -> memref<1x128xi32, #tpu.memory_space<vmem>>
    %dma_wait3A_456 = tpu.memref_squeeze %dma_wait3A_455 : memref<1x128xi32, #tpu.memory_space<vmem>> -> memref<128xi32, #tpu.memory_space<vmem>>
    %dma_wait3A_457 = arith.constant 0 : i32
    %dma_wait3A_458 = arith.constant 0 : i32
    %dma_wait3A_459 = tpu.memref_slice %arg6[%dma_wait3A_457, %dma_wait3A_458] : memref<100000x128xf32, #tpu.memory_space<hbm>> -> memref<100000x128xf32, #tpu.memory_space<hbm>>
    tpu.wait_indirect_dma semaphore(%arg30 : memref<!tpu.dma_semaphore, #tpu.memory_space<semaphore_mem>>) src(%dma_wait3A_459 : memref<100000x128xf32, #tpu.memory_space<hbm>>) dst(%arg24 : memref<128x128xf32, #tpu.memory_space<vmem>>)
    %dma_wait3A_460 = arith.constant 15 : i32
    %dma_wait3A_461 = arith.constant 0 : i32
    %dma_wait3A_462 = tpu.memref_slice %arg17[%dma_wait3A_460, %dma_wait3A_461] : memref<20x128xi32, #tpu.memory_space<vmem>> -> memref<1x128xi32, #tpu.memory_space<vmem>>
    %dma_wait3A_463 = tpu.memref_squeeze %dma_wait3A_462 : memref<1x128xi32, #tpu.memory_space<vmem>> -> memref<128xi32, #tpu.memory_space<vmem>>
    %dma_wait3A_464 = arith.constant 0 : i32
    %dma_wait3A_465 = arith.constant 0 : i32
    %dma_wait3A_466 = tpu.memref_slice %arg6[%dma_wait3A_464, %dma_wait3A_465] : memref<100000x128xf32, #tpu.memory_space<hbm>> -> memref<100000x128xf32, #tpu.memory_space<hbm>>
    tpu.wait_indirect_dma semaphore(%arg30 : memref<!tpu.dma_semaphore, #tpu.memory_space<semaphore_mem>>) src(%dma_wait3A_466 : memref<100000x128xf32, #tpu.memory_space<hbm>>) dst(%arg24 : memref<128x128xf32, #tpu.memory_space<vmem>>)
    %dma_wait3A_467 = arith.constant 16 : i32
    %dma_wait3A_468 = arith.constant 0 : i32
    %dma_wait3A_469 = tpu.memref_slice %arg17[%dma_wait3A_467, %dma_wait3A_468] : memref<20x128xi32, #tpu.memory_space<vmem>> -> memref<1x128xi32, #tpu.memory_space<vmem>>
    %dma_wait3A_470 = tpu.memref_squeeze %dma_wait3A_469 : memref<1x128xi32, #tpu.memory_space<vmem>> -> memref<128xi32, #tpu.memory_space<vmem>>
    %dma_wait3A_471 = arith.constant 0 : i32
    %dma_wait3A_472 = arith.constant 0 : i32
    %dma_wait3A_473 = tpu.memref_slice %arg6[%dma_wait3A_471, %dma_wait3A_472] : memref<100000x128xf32, #tpu.memory_space<hbm>> -> memref<100000x128xf32, #tpu.memory_space<hbm>>
    tpu.wait_indirect_dma semaphore(%arg30 : memref<!tpu.dma_semaphore, #tpu.memory_space<semaphore_mem>>) src(%dma_wait3A_473 : memref<100000x128xf32, #tpu.memory_space<hbm>>) dst(%arg24 : memref<128x128xf32, #tpu.memory_space<vmem>>)
    %dma_wait3A_474 = arith.constant 17 : i32
    %dma_wait3A_475 = arith.constant 0 : i32
    %dma_wait3A_476 = tpu.memref_slice %arg17[%dma_wait3A_474, %dma_wait3A_475] : memref<20x128xi32, #tpu.memory_space<vmem>> -> memref<1x128xi32, #tpu.memory_space<vmem>>
    %dma_wait3A_477 = tpu.memref_squeeze %dma_wait3A_476 : memref<1x128xi32, #tpu.memory_space<vmem>> -> memref<128xi32, #tpu.memory_space<vmem>>
    %dma_wait3A_478 = arith.constant 0 : i32
    %dma_wait3A_479 = arith.constant 0 : i32
    %dma_wait3A_480 = tpu.memref_slice %arg6[%dma_wait3A_478, %dma_wait3A_479] : memref<100000x128xf32, #tpu.memory_space<hbm>> -> memref<100000x128xf32, #tpu.memory_space<hbm>>
    tpu.wait_indirect_dma semaphore(%arg30 : memref<!tpu.dma_semaphore, #tpu.memory_space<semaphore_mem>>) src(%dma_wait3A_480 : memref<100000x128xf32, #tpu.memory_space<hbm>>) dst(%arg24 : memref<128x128xf32, #tpu.memory_space<vmem>>)
    %dma_wait3A_481 = arith.constant 18 : i32
    %dma_wait3A_482 = arith.constant 0 : i32
    %dma_wait3A_483 = tpu.memref_slice %arg17[%dma_wait3A_481, %dma_wait3A_482] : memref<20x128xi32, #tpu.memory_space<vmem>> -> memref<1x128xi32, #tpu.memory_space<vmem>>
    %dma_wait3A_484 = tpu.memref_squeeze %dma_wait3A_483 : memref<1x128xi32, #tpu.memory_space<vmem>> -> memref<128xi32, #tpu.memory_space<vmem>>
    %dma_wait3A_485 = arith.constant 0 : i32
    %dma_wait3A_486 = arith.constant 0 : i32
    %dma_wait3A_487 = tpu.memref_slice %arg6[%dma_wait3A_485, %dma_wait3A_486] : memref<100000x128xf32, #tpu.memory_space<hbm>> -> memref<100000x128xf32, #tpu.memory_space<hbm>>
    tpu.wait_indirect_dma semaphore(%arg30 : memref<!tpu.dma_semaphore, #tpu.memory_space<semaphore_mem>>) src(%dma_wait3A_487 : memref<100000x128xf32, #tpu.memory_space<hbm>>) dst(%arg24 : memref<128x128xf32, #tpu.memory_space<vmem>>)
    %dma_wait3A_488 = arith.constant 19 : i32
    %dma_wait3A_489 = arith.constant 0 : i32
    %dma_wait3A_490 = tpu.memref_slice %arg17[%dma_wait3A_488, %dma_wait3A_489] : memref<20x128xi32, #tpu.memory_space<vmem>> -> memref<1x128xi32, #tpu.memory_space<vmem>>
    %dma_wait3A_491 = tpu.memref_squeeze %dma_wait3A_490 : memref<1x128xi32, #tpu.memory_space<vmem>> -> memref<128xi32, #tpu.memory_space<vmem>>
    %dma_wait3A_492 = arith.constant 0 : i32
    %dma_wait3A_493 = arith.constant 0 : i32
    %dma_wait3A_494 = tpu.memref_slice %arg6[%dma_wait3A_492, %dma_wait3A_493] : memref<100000x128xf32, #tpu.memory_space<hbm>> -> memref<100000x128xf32, #tpu.memory_space<hbm>>
    tpu.wait_indirect_dma semaphore(%arg30 : memref<!tpu.dma_semaphore, #tpu.memory_space<semaphore_mem>>) src(%dma_wait3A_494 : memref<100000x128xf32, #tpu.memory_space<hbm>>) dst(%arg24 : memref<128x128xf32, #tpu.memory_space<vmem>>)
    %dma_wait3A_495 = arith.constant 0 : i32
    %dma_wait3A_496 = arith.constant 0 : i32
    %dma_wait3A_497 = tpu.memref_slice %arg6[%dma_wait3A_495, %dma_wait3A_496] : memref<100000x128xf32, #tpu.memory_space<hbm>> -> memref<100000x128xf32, #tpu.memory_space<hbm>>
    tpu.wait_indirect_dma semaphore(%arg32 : memref<!tpu.dma_semaphore, #tpu.memory_space<semaphore_mem>>) src(%dma_wait3A_497 : memref<100000x128xf32, #tpu.memory_space<hbm>>) dst(%arg23 : memref<128x128xf32, #tpu.memory_space<vmem>>)
    %scan3A_498 = arith.constant 0 : i32
    %scan3A_499 = arith.constant 0 : i32
    %scan3A_500 = arith.constant 128 : i32
    %scan3A_501 = arith.addi %scan3A_499, %scan3A_500 : i32
    %scan3A_502 = arith.constant 1 : i32
    %scan3A_503 = scf.for %scan3A_1305 = %scan3A_499 to %scan3A_501 step %scan3A_502 iter_args(%scan3A_1306 = %scan3A_498) -> (i32)  : i32 {
      %broadcast_in_dim3A_1307 = arith.constant 0.000000e+00 : f32
      %broadcast_in_dim3A_1308 = vector.broadcast %broadcast_in_dim3A_1307 : f32 to vector<16xf32>
      %broadcast_in_dim3A_1309 = arith.constant 0.000000e+00 : f32
      %broadcast_in_dim3A_1310 = vector.broadcast %broadcast_in_dim3A_1309 : f32 to vector<16xf32>
      %get3A = arith.index_cast %scan3A_1305 : i32 to index
      %get3A_1311 = arith.constant 0 : index
      %get3A_1312 = tpu.vector_load %arg21[%get3A, %get3A_1311] {strides = array<i32>} : memref<128x128xf32, #tpu.memory_space<vmem>>, vector<1x16xf32>,
      %get3A_1313 = vector.shape_cast %get3A_1312 : vector<1x16xf32> to vector<16xf32>
      %get3A_1314 = arith.index_cast %scan3A_1305 : i32 to index
      %get3A_1315 = arith.constant 0 : index
      %get3A_1316 = tpu.vector_load %arg23[%get3A_1314, %get3A_1315] {strides = array<i32>} : memref<128x128xf32, #tpu.memory_space<vmem>>, vector<1x16xf32>,
      %get3A_1317 = vector.shape_cast %get3A_1316 : vector<1x16xf32> to vector<16xf32>
      %mul3A_1318 = arith.mulf %get3A_1313, %get3A_1317 : vector<16xf32>
      %add3A_1319 = arith.addf %broadcast_in_dim3A_1308, %mul3A_1318 : vector<16xf32>
      %get3A_1320 = arith.index_cast %scan3A_1305 : i32 to index
      %get3A_1321 = arith.constant 0 : index
      %get3A_1322 = tpu.vector_load %arg24[%get3A_1320, %get3A_1321] {strides = array<i32>} : memref<128x128xf32, #tpu.memory_space<vmem>>, vector<1x16xf32>,
      %get3A_1323 = vector.shape_cast %get3A_1322 : vector<1x16xf32> to vector<16xf32>
      %mul3A_1324 = arith.mulf %get3A_1313, %get3A_1323 : vector<16xf32>
      %add3A_1325 = arith.addf %broadcast_in_dim3A_1310, %mul3A_1324 : vector<16xf32>
      %get3A_1326 = arith.index_cast %scan3A_1305 : i32 to index
      %get3A_1327 = arith.constant 16 : index
      %get3A_1328 = tpu.vector_load %arg21[%get3A_1326, %get3A_1327] {strides = array<i32>} : memref<128x128xf32, #tpu.memory_space<vmem>>, vector<1x16xf32>,
      %get3A_1329 = vector.shape_cast %get3A_1328 : vector<1x16xf32> to vector<16xf32>
      %get3A_1330 = arith.index_cast %scan3A_1305 : i32 to index
      %get3A_1331 = arith.constant 16 : index
      %get3A_1332 = tpu.vector_load %arg23[%get3A_1330, %get3A_1331] {strides = array<i32>} : memref<128x128xf32, #tpu.memory_space<vmem>>, vector<1x16xf32>,
      %get3A_1333 = vector.shape_cast %get3A_1332 : vector<1x16xf32> to vector<16xf32>
      %mul3A_1334 = arith.mulf %get3A_1329, %get3A_1333 : vector<16xf32>
      %add3A_1335 = arith.addf %add3A_1319, %mul3A_1334 : vector<16xf32>
      %get3A_1336 = arith.index_cast %scan3A_1305 : i32 to index
      %get3A_1337 = arith.constant 16 : index
      %get3A_1338 = tpu.vector_load %arg24[%get3A_1336, %get3A_1337] {strides = array<i32>} : memref<128x128xf32, #tpu.memory_space<vmem>>, vector<1x16xf32>,
      %get3A_1339 = vector.shape_cast %get3A_1338 : vector<1x16xf32> to vector<16xf32>
      %mul3A_1340 = arith.mulf %get3A_1329, %get3A_1339 : vector<16xf32>
      %add3A_1341 = arith.addf %add3A_1325, %mul3A_1340 : vector<16xf32>
      %get3A_1342 = arith.index_cast %scan3A_1305 : i32 to index
      %get3A_1343 = arith.constant 32 : index
      %get3A_1344 = tpu.vector_load %arg21[%get3A_1342, %get3A_1343] {strides = array<i32>} : memref<128x128xf32, #tpu.memory_space<vmem>>, vector<1x16xf32>,
      %get3A_1345 = vector.shape_cast %get3A_1344 : vector<1x16xf32> to vector<16xf32>
      %get3A_1346 = arith.index_cast %scan3A_1305 : i32 to index
      %get3A_1347 = arith.constant 32 : index
      %get3A_1348 = tpu.vector_load %arg23[%get3A_1346, %get3A_1347] {strides = array<i32>} : memref<128x128xf32, #tpu.memory_space<vmem>>, vector<1x16xf32>,
      %get3A_1349 = vector.shape_cast %get3A_1348 : vector<1x16xf32> to vector<16xf32>
      %mul3A_1350 = arith.mulf %get3A_1345, %get3A_1349 : vector<16xf32>
      %add3A_1351 = arith.addf %add3A_1335, %mul3A_1350 : vector<16xf32>
      %get3A_1352 = arith.index_cast %scan3A_1305 : i32 to index
      %get3A_1353 = arith.constant 32 : index
      %get3A_1354 = tpu.vector_load %arg24[%get3A_1352, %get3A_1353] {strides = array<i32>} : memref<128x128xf32, #tpu.memory_space<vmem>>, vector<1x16xf32>,
      %get3A_1355 = vector.shape_cast %get3A_1354 : vector<1x16xf32> to vector<16xf32>
      %mul3A_1356 = arith.mulf %get3A_1345, %get3A_1355 : vector<16xf32>
      %add3A_1357 = arith.addf %add3A_1341, %mul3A_1356 : vector<16xf32>
      %get3A_1358 = arith.index_cast %scan3A_1305 : i32 to index
      %get3A_1359 = arith.constant 48 : index
      %get3A_1360 = tpu.vector_load %arg21[%get3A_1358, %get3A_1359] {strides = array<i32>} : memref<128x128xf32, #tpu.memory_space<vmem>>, vector<1x16xf32>,
      %get3A_1361 = vector.shape_cast %get3A_1360 : vector<1x16xf32> to vector<16xf32>
      %get3A_1362 = arith.index_cast %scan3A_1305 : i32 to index
      %get3A_1363 = arith.constant 48 : index
      %get3A_1364 = tpu.vector_load %arg23[%get3A_1362, %get3A_1363] {strides = array<i32>} : memref<128x128xf32, #tpu.memory_space<vmem>>, vector<1x16xf32>,
      %get3A_1365 = vector.shape_cast %get3A_1364 : vector<1x16xf32> to vector<16xf32>
      %mul3A_1366 = arith.mulf %get3A_1361, %get3A_1365 : vector<16xf32>
      %add3A_1367 = arith.addf %add3A_1351, %mul3A_1366 : vector<16xf32>
      %get3A_1368 = arith.index_cast %scan3A_1305 : i32 to index
      %get3A_1369 = arith.constant 48 : index
      %get3A_1370 = tpu.vector_load %arg24[%get3A_1368, %get3A_1369] {strides = array<i32>} : memref<128x128xf32, #tpu.memory_space<vmem>>, vector<1x16xf32>,
      %get3A_1371 = vector.shape_cast %get3A_1370 : vector<1x16xf32> to vector<16xf32>
      %mul3A_1372 = arith.mulf %get3A_1361, %get3A_1371 : vector<16xf32>
      %add3A_1373 = arith.addf %add3A_1357, %mul3A_1372 : vector<16xf32>
      %get3A_1374 = arith.index_cast %scan3A_1305 : i32 to index
      %get3A_1375 = arith.constant 64 : index
      %get3A_1376 = tpu.vector_load %arg21[%get3A_1374, %get3A_1375] {strides = array<i32>} : memref<128x128xf32, #tpu.memory_space<vmem>>, vector<1x16xf32>,
      %get3A_1377 = vector.shape_cast %get3A_1376 : vector<1x16xf32> to vector<16xf32>
      %get3A_1378 = arith.index_cast %scan3A_1305 : i32 to index
      %get3A_1379 = arith.constant 64 : index
      %get3A_1380 = tpu.vector_load %arg23[%get3A_1378, %get3A_1379] {strides = array<i32>} : memref<128x128xf32, #tpu.memory_space<vmem>>, vector<1x16xf32>,
      %get3A_1381 = vector.shape_cast %get3A_1380 : vector<1x16xf32> to vector<16xf32>
      %mul3A_1382 = arith.mulf %get3A_1377, %get3A_1381 : vector<16xf32>
      %add3A_1383 = arith.addf %add3A_1367, %mul3A_1382 : vector<16xf32>
      %get3A_1384 = arith.index_cast %scan3A_1305 : i32 to index
      %get3A_1385 = arith.constant 64 : index
      %get3A_1386 = tpu.vector_load %arg24[%get3A_1384, %get3A_1385] {strides = array<i32>} : memref<128x128xf32, #tpu.memory_space<vmem>>, vector<1x16xf32>,
      %get3A_1387 = vector.shape_cast %get3A_1386 : vector<1x16xf32> to vector<16xf32>
      %mul3A_1388 = arith.mulf %get3A_1377, %get3A_1387 : vector<16xf32>
      %add3A_1389 = arith.addf %add3A_1373, %mul3A_1388 : vector<16xf32>
      %get3A_1390 = arith.index_cast %scan3A_1305 : i32 to index
      %get3A_1391 = arith.constant 80 : index
      %get3A_1392 = tpu.vector_load %arg21[%get3A_1390, %get3A_1391] {strides = array<i32>} : memref<128x128xf32, #tpu.memory_space<vmem>>, vector<1x16xf32>,
      %get3A_1393 = vector.shape_cast %get3A_1392 : vector<1x16xf32> to vector<16xf32>
      %get3A_1394 = arith.index_cast %scan3A_1305 : i32 to index
      %get3A_1395 = arith.constant 80 : index
      %get3A_1396 = tpu.vector_load %arg23[%get3A_1394, %get3A_1395] {strides = array<i32>} : memref<128x128xf32, #tpu.memory_space<vmem>>, vector<1x16xf32>,
      %get3A_1397 = vector.shape_cast %get3A_1396 : vector<1x16xf32> to vector<16xf32>
      %mul3A_1398 = arith.mulf %get3A_1393, %get3A_1397 : vector<16xf32>
      %add3A_1399 = arith.addf %add3A_1383, %mul3A_1398 : vector<16xf32>
      %get3A_1400 = arith.index_cast %scan3A_1305 : i32 to index
      %get3A_1401 = arith.constant 80 : index
      %get3A_1402 = tpu.vector_load %arg24[%get3A_1400, %get3A_1401] {strides = array<i32>} : memref<128x128xf32, #tpu.memory_space<vmem>>, vector<1x16xf32>,
      %get3A_1403 = vector.shape_cast %get3A_1402 : vector<1x16xf32> to vector<16xf32>
      %mul3A_1404 = arith.mulf %get3A_1393, %get3A_1403 : vector<16xf32>
      %add3A_1405 = arith.addf %add3A_1389, %mul3A_1404 : vector<16xf32>
      %get3A_1406 = arith.index_cast %scan3A_1305 : i32 to index
      %get3A_1407 = arith.constant 96 : index
      %get3A_1408 = tpu.vector_load %arg21[%get3A_1406, %get3A_1407] {strides = array<i32>} : memref<128x128xf32, #tpu.memory_space<vmem>>, vector<1x16xf32>,
      %get3A_1409 = vector.shape_cast %get3A_1408 : vector<1x16xf32> to vector<16xf32>
      %get3A_1410 = arith.index_cast %scan3A_1305 : i32 to index
      %get3A_1411 = arith.constant 96 : index
      %get3A_1412 = tpu.vector_load %arg23[%get3A_1410, %get3A_1411] {strides = array<i32>} : memref<128x128xf32, #tpu.memory_space<vmem>>, vector<1x16xf32>,
      %get3A_1413 = vector.shape_cast %get3A_1412 : vector<1x16xf32> to vector<16xf32>
      %mul3A_1414 = arith.mulf %get3A_1409, %get3A_1413 : vector<16xf32>
      %add3A_1415 = arith.addf %add3A_1399, %mul3A_1414 : vector<16xf32>
      %get3A_1416 = arith.index_cast %scan3A_1305 : i32 to index
      %get3A_1417 = arith.constant 96 : index
      %get3A_1418 = tpu.vector_load %arg24[%get3A_1416, %get3A_1417] {strides = array<i32>} : memref<128x128xf32, #tpu.memory_space<vmem>>, vector<1x16xf32>,
      %get3A_1419 = vector.shape_cast %get3A_1418 : vector<1x16xf32> to vector<16xf32>
      %mul3A_1420 = arith.mulf %get3A_1409, %get3A_1419 : vector<16xf32>
      %add3A_1421 = arith.addf %add3A_1405, %mul3A_1420 : vector<16xf32>
      %get3A_1422 = arith.index_cast %scan3A_1305 : i32 to index
      %get3A_1423 = arith.constant 112 : index
      %get3A_1424 = tpu.vector_load %arg21[%get3A_1422, %get3A_1423] {strides = array<i32>} : memref<128x128xf32, #tpu.memory_space<vmem>>, vector<1x16xf32>,
      %get3A_1425 = vector.shape_cast %get3A_1424 : vector<1x16xf32> to vector<16xf32>
      %get3A_1426 = arith.index_cast %scan3A_1305 : i32 to index
      %get3A_1427 = arith.constant 112 : index
      %get3A_1428 = tpu.vector_load %arg23[%get3A_1426, %get3A_1427] {strides = array<i32>} : memref<128x128xf32, #tpu.memory_space<vmem>>, vector<1x16xf32>,
      %get3A_1429 = vector.shape_cast %get3A_1428 : vector<1x16xf32> to vector<16xf32>
      %mul3A_1430 = arith.mulf %get3A_1425, %get3A_1429 : vector<16xf32>
      %add3A_1431 = arith.addf %add3A_1415, %mul3A_1430 : vector<16xf32>
      %get3A_1432 = arith.index_cast %scan3A_1305 : i32 to index
      %get3A_1433 = arith.constant 112 : index
      %get3A_1434 = tpu.vector_load %arg24[%get3A_1432, %get3A_1433] {strides = array<i32>} : memref<128x128xf32, #tpu.memory_space<vmem>>, vector<1x16xf32>,
      %get3A_1435 = vector.shape_cast %get3A_1434 : vector<1x16xf32> to vector<16xf32>
      %mul3A_1436 = arith.mulf %get3A_1425, %get3A_1435 : vector<16xf32>
      %add3A_1437 = arith.addf %add3A_1421, %mul3A_1436 : vector<16xf32>
      %swap3A = arith.index_cast %scan3A_1305 : i32 to index
      %swap3A_1438 = arith.constant 0 : index
      %swap3A_1439 = tpu.vector_load %arg26[%swap3A, %swap3A_1438] {strides = array<i32>} : memref<128x16xf32, #tpu.memory_space<vmem>>, vector<1x16xf32>,
      %swap3A_1440 = vector.shape_cast %swap3A_1439 : vector<1x16xf32> to vector<16xf32>
      %swap3A_1441 = vector.shape_cast %add3A_1431 : vector<16xf32> to vector<1x16xf32>
      tpu.vector_store %arg26[%swap3A, %swap3A_1438], %swap3A_1441 {strides = array<i32>} : memref<128x16xf32, #tpu.memory_space<vmem>>, vector<1x16xf32>,
      %swap3A_1442 = arith.index_cast %scan3A_1305 : i32 to index
      %swap3A_1443 = arith.constant 0 : index
      %swap3A_1444 = tpu.vector_load %arg27[%swap3A_1442, %swap3A_1443] {strides = array<i32>} : memref<128x16xf32, #tpu.memory_space<vmem>>, vector<1x16xf32>,
      %swap3A_1445 = vector.shape_cast %swap3A_1444 : vector<1x16xf32> to vector<16xf32>
      %swap3A_1446 = vector.shape_cast %add3A_1437 : vector<16xf32> to vector<1x16xf32>
      tpu.vector_store %arg27[%swap3A_1442, %swap3A_1443], %swap3A_1446 {strides = array<i32>} : memref<128x16xf32, #tpu.memory_space<vmem>>, vector<1x16xf32>,
      %scan3A_1447 = arith.constant 0 : i32
      scf.yield %scan3A_1447 : i32
    }
    %scan3A_504 = arith.constant 128 : i32
    %dma_start3A_505 = arith.constant 0 : i32
    %dma_start3A_506 = arith.constant 0 : i32
    %dma_start3A_507 = tpu.memref_slice %arg6[%dma_start3A_505, %dma_start3A_506] : memref<100000x128xf32, #tpu.memory_space<hbm>> -> memref<100000x128xf32, #tpu.memory_space<hbm>>
    tpu.enqueue_indirect_dma source(%dma_start3A_507 : memref<100000x128xf32, #tpu.memory_space<hbm>>) target(%arg23 : memref<128x128xf32, #tpu.memory_space<vmem>>) offsets(%arg14 : memref<128xi32, #tpu.memory_space<vmem>>) semaphore(%arg32 : memref<!tpu.dma_semaphore, #tpu.memory_space<semaphore_mem>>)
    "tpu.region"() ({
      %run_scoped3A = tpu.sem_alloc : memref<!tpu.dma_semaphore, #tpu.memory_space<semaphore_mem>>
      %dma_start3A_1305 = arith.constant 0 : i32
      %dma_start3A_1306 = tpu.memref_slice %arg7[%add3A_183, %dma_start3A_1305] : memref<16384x16xf32, #tpu.memory_space<hbm>> -> memref<128x16xf32, #tpu.memory_space<hbm>>
      %dma_start3A_1307 = arith.constant 0 : i32
      %dma_start3A_1308 = tpu.memref_slice %arg7[%add3A_183, %dma_start3A_1307] : memref<16384x16xf32, #tpu.memory_space<hbm>> -> memref<128x16xf32, #tpu.memory_space<hbm>>
      tpu.enqueue_dma source(%arg26 : memref<128x16xf32, #tpu.memory_space<vmem>>) target(%dma_start3A_1308 : memref<128x16xf32, #tpu.memory_space<hbm>>) target_semaphore(%run_scoped3A : memref<!tpu.dma_semaphore, #tpu.memory_space<semaphore_mem>>)
      %dma_wait3A_1309 = arith.constant 0 : i32
      %dma_wait3A_1310 = tpu.memref_slice %arg7[%add3A_183, %dma_wait3A_1309] : memref<16384x16xf32, #tpu.memory_space<hbm>> -> memref<128x16xf32, #tpu.memory_space<hbm>>
      %dma_wait3A_1311 = arith.constant 0 : i32
      %dma_wait3A_1312 = tpu.memref_slice %arg7[%add3A_183, %dma_wait3A_1311] : memref<16384x16xf32, #tpu.memory_space<hbm>> -> memref<128x16xf32, #tpu.memory_space<hbm>>
      tpu.wait_dma2 semaphore(%run_scoped3A : memref<!tpu.dma_semaphore, #tpu.memory_space<semaphore_mem>>) src(%arg26 : memref<128x16xf32, #tpu.memory_space<vmem>>) dst(%dma_wait3A_1312 : memref<128x16xf32, #tpu.memory_space<hbm>>)
      tpu.yield
    }) : () -> ()
    "tpu.region"() ({
      %run_scoped3A = tpu.sem_alloc : memref<!tpu.dma_semaphore, #tpu.memory_space<semaphore_mem>>
      %dma_start3A_1305 = arith.constant 0 : i32
      %dma_start3A_1306 = tpu.memref_slice %arg8[%add3A_183, %dma_start3A_1305] : memref<16384x16xf32, #tpu.memory_space<hbm>> -> memref<128x16xf32, #tpu.memory_space<hbm>>
      %dma_start3A_1307 = arith.constant 0 : i32
      %dma_start3A_1308 = tpu.memref_slice %arg8[%add3A_183, %dma_start3A_1307] : memref<16384x16xf32, #tpu.memory_space<hbm>> -> memref<128x16xf32, #tpu.memory_space<hbm>>
      tpu.enqueue_dma source(%arg27 : memref<128x16xf32, #tpu.memory_space<vmem>>) target(%dma_start3A_1308 : memref<128x16xf32, #tpu.memory_space<hbm>>) target_semaphore(%run_scoped3A : memref<!tpu.dma_semaphore, #tpu.memory_space<semaphore_mem>>)
      %dma_wait3A_1309 = arith.constant 0 : i32
      %dma_wait3A_1310 = tpu.memref_slice %arg8[%add3A_183, %dma_wait3A_1309] : memref<16384x16xf32, #tpu.memory_space<hbm>> -> memref<128x16xf32, #tpu.memory_space<hbm>>
      %dma_wait3A_1311 = arith.constant 0 : i32
      %dma_wait3A_1312 = tpu.memref_slice %arg8[%add3A_183, %dma_wait3A_1311] : memref<16384x16xf32, #tpu.memory_space<hbm>> -> memref<128x16xf32, #tpu.memory_space<hbm>>
      tpu.wait_dma2 semaphore(%run_scoped3A : memref<!tpu.dma_semaphore, #tpu.memory_space<semaphore_mem>>) src(%arg27 : memref<128x16xf32, #tpu.memory_space<vmem>>) dst(%dma_wait3A_1312 : memref<128x16xf32, #tpu.memory_space<hbm>>)
      tpu.yield
    }) : () -> ()
    %add3A_508 = arith.constant 128 : i32
    %add3A_509 = arith.addi %mul3A_2, %add3A_508 : i32
    %add3A_510 = arith.constant 384 : i32
    %add3A_511 = arith.addi %mul3A_2, %add3A_510 : i32
    %dma_start3A_512 = tpu.memref_slice %arg2[%add3A_511] : memref<16384xi32, #tpu.memory_space<hbm>> -> memref<128xi32, #tpu.memory_space<hbm>>
    %dma_start3A_513 = tpu.memref_slice %arg2[%add3A_511] : memref<16384xi32, #tpu.memory_space<hbm>> -> memref<128xi32, #tpu.memory_space<hbm>>
    tpu.enqueue_dma source(%dma_start3A_513 : memref<128xi32, #tpu.memory_space<hbm>>) target(%arg12 : memref<128xi32, #tpu.memory_space<vmem>>) target_semaphore(%arg29 : memref<!tpu.dma_semaphore, #tpu.memory_space<semaphore_mem>>)
    %dma_start3A_514 = tpu.memref_slice %arg3[%add3A_511] : memref<16384xi32, #tpu.memory_space<hbm>> -> memref<128xi32, #tpu.memory_space<hbm>>
    %dma_start3A_515 = tpu.memref_slice %arg3[%add3A_511] : memref<16384xi32, #tpu.memory_space<hbm>> -> memref<128xi32, #tpu.memory_space<hbm>>
    tpu.enqueue_dma source(%dma_start3A_515 : memref<128xi32, #tpu.memory_space<hbm>>) target(%arg16 : memref<128xi32, #tpu.memory_space<vmem>>) target_semaphore(%arg29 : memref<!tpu.dma_semaphore, #tpu.memory_space<semaphore_mem>>)
    %dma_start3A_516 = arith.constant 0 : i32
    %dma_start3A_517 = tpu.memref_slice %arg4[%dma_start3A_516, %add3A_511] : memref<20x16384xi32, #tpu.memory_space<hbm>> -> memref<20x128xi32, #tpu.memory_space<hbm>>
    %dma_start3A_518 = arith.constant 0 : i32
    %dma_start3A_519 = tpu.memref_slice %arg4[%dma_start3A_518, %add3A_511] : memref<20x16384xi32, #tpu.memory_space<hbm>> -> memref<20x128xi32, #tpu.memory_space<hbm>>
    tpu.enqueue_dma source(%dma_start3A_519 : memref<20x128xi32, #tpu.memory_space<hbm>>) target(%arg20 : memref<20x128xi32, #tpu.memory_space<vmem>>) target_semaphore(%arg29 : memref<!tpu.dma_semaphore, #tpu.memory_space<semaphore_mem>>)
    %scan3A_520 = arith.constant 0 : i32
    %scan3A_521 = arith.constant 0 : i32
    %scan3A_522 = arith.constant 128 : i32
    %scan3A_523 = arith.addi %scan3A_521, %scan3A_522 : i32
    %scan3A_524 = arith.constant 1 : i32
    %scan3A_525 = scf.for %scan3A_1305 = %scan3A_521 to %scan3A_523 step %scan3A_524 iter_args(%scan3A_1306 = %scan3A_520) -> (i32)  : i32 {
      %swap3A = arith.index_cast %scan3A_1305 : i32 to index
      %swap3A_1307 = arith.constant 0 : index
      %swap3A_1308 = tpu.vector_load %arg24[%swap3A, %swap3A_1307] {strides = array<i32>} : memref<128x128xf32, #tpu.memory_space<vmem>>, vector<1x16xf32>,
      %swap3A_1309 = vector.shape_cast %swap3A_1308 : vector<1x16xf32> to vector<16xf32>
      %swap3A_1310 = vector.shape_cast %broadcast_in_dim3A_3 : vector<16xf32> to vector<1x16xf32>
      tpu.vector_store %arg24[%swap3A, %swap3A_1307], %swap3A_1310 {strides = array<i32>} : memref<128x128xf32, #tpu.memory_space<vmem>>, vector<1x16xf32>,
      %swap3A_1311 = arith.index_cast %scan3A_1305 : i32 to index
      %swap3A_1312 = arith.constant 16 : index
      %swap3A_1313 = tpu.vector_load %arg24[%swap3A_1311, %swap3A_1312] {strides = array<i32>} : memref<128x128xf32, #tpu.memory_space<vmem>>, vector<1x16xf32>,
      %swap3A_1314 = vector.shape_cast %swap3A_1313 : vector<1x16xf32> to vector<16xf32>
      %swap3A_1315 = vector.shape_cast %broadcast_in_dim3A_3 : vector<16xf32> to vector<1x16xf32>
      tpu.vector_store %arg24[%swap3A_1311, %swap3A_1312], %swap3A_1315 {strides = array<i32>} : memref<128x128xf32, #tpu.memory_space<vmem>>, vector<1x16xf32>,
      %swap3A_1316 = arith.index_cast %scan3A_1305 : i32 to index
      %swap3A_1317 = arith.constant 32 : index
      %swap3A_1318 = tpu.vector_load %arg24[%swap3A_1316, %swap3A_1317] {strides = array<i32>} : memref<128x128xf32, #tpu.memory_space<vmem>>, vector<1x16xf32>,
      %swap3A_1319 = vector.shape_cast %swap3A_1318 : vector<1x16xf32> to vector<16xf32>
      %swap3A_1320 = vector.shape_cast %broadcast_in_dim3A_3 : vector<16xf32> to vector<1x16xf32>
      tpu.vector_store %arg24[%swap3A_1316, %swap3A_1317], %swap3A_1320 {strides = array<i32>} : memref<128x128xf32, #tpu.memory_space<vmem>>, vector<1x16xf32>,
      %swap3A_1321 = arith.index_cast %scan3A_1305 : i32 to index
      %swap3A_1322 = arith.constant 48 : index
      %swap3A_1323 = tpu.vector_load %arg24[%swap3A_1321, %swap3A_1322] {strides = array<i32>} : memref<128x128xf32, #tpu.memory_space<vmem>>, vector<1x16xf32>,
      %swap3A_1324 = vector.shape_cast %swap3A_1323 : vector<1x16xf32> to vector<16xf32>
      %swap3A_1325 = vector.shape_cast %broadcast_in_dim3A_3 : vector<16xf32> to vector<1x16xf32>
      tpu.vector_store %arg24[%swap3A_1321, %swap3A_1322], %swap3A_1325 {strides = array<i32>} : memref<128x128xf32, #tpu.memory_space<vmem>>, vector<1x16xf32>,
      %swap3A_1326 = arith.index_cast %scan3A_1305 : i32 to index
      %swap3A_1327 = arith.constant 64 : index
      %swap3A_1328 = tpu.vector_load %arg24[%swap3A_1326, %swap3A_1327] {strides = array<i32>} : memref<128x128xf32, #tpu.memory_space<vmem>>, vector<1x16xf32>,
      %swap3A_1329 = vector.shape_cast %swap3A_1328 : vector<1x16xf32> to vector<16xf32>
      %swap3A_1330 = vector.shape_cast %broadcast_in_dim3A_3 : vector<16xf32> to vector<1x16xf32>
      tpu.vector_store %arg24[%swap3A_1326, %swap3A_1327], %swap3A_1330 {strides = array<i32>} : memref<128x128xf32, #tpu.memory_space<vmem>>, vector<1x16xf32>,
      %swap3A_1331 = arith.index_cast %scan3A_1305 : i32 to index
      %swap3A_1332 = arith.constant 80 : index
      %swap3A_1333 = tpu.vector_load %arg24[%swap3A_1331, %swap3A_1332] {strides = array<i32>} : memref<128x128xf32, #tpu.memory_space<vmem>>, vector<1x16xf32>,
      %swap3A_1334 = vector.shape_cast %swap3A_1333 : vector<1x16xf32> to vector<16xf32>
      %swap3A_1335 = vector.shape_cast %broadcast_in_dim3A_3 : vector<16xf32> to vector<1x16xf32>
      tpu.vector_store %arg24[%swap3A_1331, %swap3A_1332], %swap3A_1335 {strides = array<i32>} : memref<128x128xf32, #tpu.memory_space<vmem>>, vector<1x16xf32>,
      %swap3A_1336 = arith.index_cast %scan3A_1305 : i32 to index
      %swap3A_1337 = arith.constant 96 : index
      %swap3A_1338 = tpu.vector_load %arg24[%swap3A_1336, %swap3A_1337] {strides = array<i32>} : memref<128x128xf32, #tpu.memory_space<vmem>>, vector<1x16xf32>,
      %swap3A_1339 = vector.shape_cast %swap3A_1338 : vector<1x16xf32> to vector<16xf32>
      %swap3A_1340 = vector.shape_cast %broadcast_in_dim3A_3 : vector<16xf32> to vector<1x16xf32>
      tpu.vector_store %arg24[%swap3A_1336, %swap3A_1337], %swap3A_1340 {strides = array<i32>} : memref<128x128xf32, #tpu.memory_space<vmem>>, vector<1x16xf32>,
      %swap3A_1341 = arith.index_cast %scan3A_1305 : i32 to index
      %swap3A_1342 = arith.constant 112 : index
      %swap3A_1343 = tpu.vector_load %arg24[%swap3A_1341, %swap3A_1342] {strides = array<i32>} : memref<128x128xf32, #tpu.memory_space<vmem>>, vector<1x16xf32>,
      %swap3A_1344 = vector.shape_cast %swap3A_1343 : vector<1x16xf32> to vector<16xf32>
      %swap3A_1345 = vector.shape_cast %broadcast_in_dim3A_3 : vector<16xf32> to vector<1x16xf32>
      tpu.vector_store %arg24[%swap3A_1341, %swap3A_1342], %swap3A_1345 {strides = array<i32>} : memref<128x128xf32, #tpu.memory_space<vmem>>, vector<1x16xf32>,
      %scan3A_1346 = arith.constant 0 : i32
      scf.yield %scan3A_1346 : i32
    }
    %scan3A_526 = arith.constant 128 : i32
    %dma_wait3A_527 = tpu.memref_slice %arg2[%add3A_185] : memref<16384xi32, #tpu.memory_space<hbm>> -> memref<128xi32, #tpu.memory_space<hbm>>
    %dma_wait3A_528 = tpu.memref_slice %arg2[%add3A_185] : memref<16384xi32, #tpu.memory_space<hbm>> -> memref<128xi32, #tpu.memory_space<hbm>>
    tpu.wait_dma2 semaphore(%arg28 : memref<!tpu.dma_semaphore, #tpu.memory_space<semaphore_mem>>) src(%dma_wait3A_528 : memref<128xi32, #tpu.memory_space<hbm>>) dst(%arg11 : memref<128xi32, #tpu.memory_space<vmem>>)
    %dma_wait3A_529 = tpu.memref_slice %arg3[%add3A_185] : memref<16384xi32, #tpu.memory_space<hbm>> -> memref<128xi32, #tpu.memory_space<hbm>>
    %dma_wait3A_530 = tpu.memref_slice %arg3[%add3A_185] : memref<16384xi32, #tpu.memory_space<hbm>> -> memref<128xi32, #tpu.memory_space<hbm>>
    tpu.wait_dma2 semaphore(%arg28 : memref<!tpu.dma_semaphore, #tpu.memory_space<semaphore_mem>>) src(%dma_wait3A_530 : memref<128xi32, #tpu.memory_space<hbm>>) dst(%arg15 : memref<128xi32, #tpu.memory_space<vmem>>)
    %dma_wait3A_531 = arith.constant 0 : i32
    %dma_wait3A_532 = tpu.memref_slice %arg4[%dma_wait3A_531, %add3A_185] : memref<20x16384xi32, #tpu.memory_space<hbm>> -> memref<20x128xi32, #tpu.memory_space<hbm>>
    %dma_wait3A_533 = arith.constant 0 : i32
    %dma_wait3A_534 = tpu.memref_slice %arg4[%dma_wait3A_533, %add3A_185] : memref<20x16384xi32, #tpu.memory_space<hbm>> -> memref<20x128xi32, #tpu.memory_space<hbm>>
    tpu.wait_dma2 semaphore(%arg28 : memref<!tpu.dma_semaphore, #tpu.memory_space<semaphore_mem>>) src(%dma_wait3A_534 : memref<20x128xi32, #tpu.memory_space<hbm>>) dst(%arg19 : memref<20x128xi32, #tpu.memory_space<vmem>>)
    %dma_start3A_535 = arith.constant 0 : i32
    %dma_start3A_536 = arith.constant 0 : i32
    %dma_start3A_537 = tpu.memref_slice %arg5[%dma_start3A_535, %dma_start3A_536] : memref<100000x128xf32, #tpu.memory_space<hbm>> -> memref<100000x128xf32, #tpu.memory_space<hbm>>
    tpu.enqueue_indirect_dma source(%dma_start3A_537 : memref<100000x128xf32, #tpu.memory_space<hbm>>) target(%arg21 : memref<128x128xf32, #tpu.memory_space<vmem>>) offsets(%arg11 : memref<128xi32, #tpu.memory_space<vmem>>) semaphore(%arg30 : memref<!tpu.dma_semaphore, #tpu.memory_space<semaphore_mem>>)
    %dma_start3A_538 = arith.constant 0 : i32
    %dma_start3A_539 = arith.constant 0 : i32
    %dma_start3A_540 = tpu.memref_slice %arg19[%dma_start3A_538, %dma_start3A_539] : memref<20x128xi32, #tpu.memory_space<vmem>> -> memref<1x128xi32, #tpu.memory_space<vmem>>
    %dma_start3A_541 = tpu.memref_squeeze %dma_start3A_540 : memref<1x128xi32, #tpu.memory_space<vmem>> -> memref<128xi32, #tpu.memory_space<vmem>>
    %dma_start3A_542 = arith.constant 0 : i32
    %dma_start3A_543 = arith.constant 0 : i32
    %dma_start3A_544 = tpu.memref_slice %arg6[%dma_start3A_542, %dma_start3A_543] : memref<100000x128xf32, #tpu.memory_space<hbm>> -> memref<100000x128xf32, #tpu.memory_space<hbm>>
    tpu.enqueue_indirect_dma source(%dma_start3A_544 : memref<100000x128xf32, #tpu.memory_space<hbm>>) target(%arg24 : memref<128x128xf32, #tpu.memory_space<vmem>>) offsets(%dma_start3A_541 : memref<128xi32, #tpu.memory_space<vmem>>) semaphore(%arg30 : memref<!tpu.dma_semaphore, #tpu.memory_space<semaphore_mem>>) {add = true}
    %dma_start3A_545 = arith.constant 1 : i32
    %dma_start3A_546 = arith.constant 0 : i32
    %dma_start3A_547 = tpu.memref_slice %arg19[%dma_start3A_545, %dma_start3A_546] : memref<20x128xi32, #tpu.memory_space<vmem>> -> memref<1x128xi32, #tpu.memory_space<vmem>>
    %dma_start3A_548 = tpu.memref_squeeze %dma_start3A_547 : memref<1x128xi32, #tpu.memory_space<vmem>> -> memref<128xi32, #tpu.memory_space<vmem>>
    %dma_start3A_549 = arith.constant 0 : i32
    %dma_start3A_550 = arith.constant 0 : i32
    %dma_start3A_551 = tpu.memref_slice %arg6[%dma_start3A_549, %dma_start3A_550] : memref<100000x128xf32, #tpu.memory_space<hbm>> -> memref<100000x128xf32, #tpu.memory_space<hbm>>
    tpu.enqueue_indirect_dma source(%dma_start3A_551 : memref<100000x128xf32, #tpu.memory_space<hbm>>) target(%arg24 : memref<128x128xf32, #tpu.memory_space<vmem>>) offsets(%dma_start3A_548 : memref<128xi32, #tpu.memory_space<vmem>>) semaphore(%arg30 : memref<!tpu.dma_semaphore, #tpu.memory_space<semaphore_mem>>) {add = true}
    %dma_start3A_552 = arith.constant 2 : i32
    %dma_start3A_553 = arith.constant 0 : i32
    %dma_start3A_554 = tpu.memref_slice %arg19[%dma_start3A_552, %dma_start3A_553] : memref<20x128xi32, #tpu.memory_space<vmem>> -> memref<1x128xi32, #tpu.memory_space<vmem>>
    %dma_start3A_555 = tpu.memref_squeeze %dma_start3A_554 : memref<1x128xi32, #tpu.memory_space<vmem>> -> memref<128xi32, #tpu.memory_space<vmem>>
    %dma_start3A_556 = arith.constant 0 : i32
    %dma_start3A_557 = arith.constant 0 : i32
    %dma_start3A_558 = tpu.memref_slice %arg6[%dma_start3A_556, %dma_start3A_557] : memref<100000x128xf32, #tpu.memory_space<hbm>> -> memref<100000x128xf32, #tpu.memory_space<hbm>>
    tpu.enqueue_indirect_dma source(%dma_start3A_558 : memref<100000x128xf32, #tpu.memory_space<hbm>>) target(%arg24 : memref<128x128xf32, #tpu.memory_space<vmem>>) offsets(%dma_start3A_555 : memref<128xi32, #tpu.memory_space<vmem>>) semaphore(%arg30 : memref<!tpu.dma_semaphore, #tpu.memory_space<semaphore_mem>>) {add = true}
    %dma_start3A_559 = arith.constant 3 : i32
    %dma_start3A_560 = arith.constant 0 : i32
    %dma_start3A_561 = tpu.memref_slice %arg19[%dma_start3A_559, %dma_start3A_560] : memref<20x128xi32, #tpu.memory_space<vmem>> -> memref<1x128xi32, #tpu.memory_space<vmem>>
    %dma_start3A_562 = tpu.memref_squeeze %dma_start3A_561 : memref<1x128xi32, #tpu.memory_space<vmem>> -> memref<128xi32, #tpu.memory_space<vmem>>
    %dma_start3A_563 = arith.constant 0 : i32
    %dma_start3A_564 = arith.constant 0 : i32
    %dma_start3A_565 = tpu.memref_slice %arg6[%dma_start3A_563, %dma_start3A_564] : memref<100000x128xf32, #tpu.memory_space<hbm>> -> memref<100000x128xf32, #tpu.memory_space<hbm>>
    tpu.enqueue_indirect_dma source(%dma_start3A_565 : memref<100000x128xf32, #tpu.memory_space<hbm>>) target(%arg24 : memref<128x128xf32, #tpu.memory_space<vmem>>) offsets(%dma_start3A_562 : memref<128xi32, #tpu.memory_space<vmem>>) semaphore(%arg30 : memref<!tpu.dma_semaphore, #tpu.memory_space<semaphore_mem>>) {add = true}
    %dma_start3A_566 = arith.constant 4 : i32
    %dma_start3A_567 = arith.constant 0 : i32
    %dma_start3A_568 = tpu.memref_slice %arg19[%dma_start3A_566, %dma_start3A_567] : memref<20x128xi32, #tpu.memory_space<vmem>> -> memref<1x128xi32, #tpu.memory_space<vmem>>
    %dma_start3A_569 = tpu.memref_squeeze %dma_start3A_568 : memref<1x128xi32, #tpu.memory_space<vmem>> -> memref<128xi32, #tpu.memory_space<vmem>>
    %dma_start3A_570 = arith.constant 0 : i32
    %dma_start3A_571 = arith.constant 0 : i32
    %dma_start3A_572 = tpu.memref_slice %arg6[%dma_start3A_570, %dma_start3A_571] : memref<100000x128xf32, #tpu.memory_space<hbm>> -> memref<100000x128xf32, #tpu.memory_space<hbm>>
    tpu.enqueue_indirect_dma source(%dma_start3A_572 : memref<100000x128xf32, #tpu.memory_space<hbm>>) target(%arg24 : memref<128x128xf32, #tpu.memory_space<vmem>>) offsets(%dma_start3A_569 : memref<128xi32, #tpu.memory_space<vmem>>) semaphore(%arg30 : memref<!tpu.dma_semaphore, #tpu.memory_space<semaphore_mem>>) {add = true}
    %dma_start3A_573 = arith.constant 5 : i32
    %dma_start3A_574 = arith.constant 0 : i32
    %dma_start3A_575 = tpu.memref_slice %arg19[%dma_start3A_573, %dma_start3A_574] : memref<20x128xi32, #tpu.memory_space<vmem>> -> memref<1x128xi32, #tpu.memory_space<vmem>>
    %dma_start3A_576 = tpu.memref_squeeze %dma_start3A_575 : memref<1x128xi32, #tpu.memory_space<vmem>> -> memref<128xi32, #tpu.memory_space<vmem>>
    %dma_start3A_577 = arith.constant 0 : i32
    %dma_start3A_578 = arith.constant 0 : i32
    %dma_start3A_579 = tpu.memref_slice %arg6[%dma_start3A_577, %dma_start3A_578] : memref<100000x128xf32, #tpu.memory_space<hbm>> -> memref<100000x128xf32, #tpu.memory_space<hbm>>
    tpu.enqueue_indirect_dma source(%dma_start3A_579 : memref<100000x128xf32, #tpu.memory_space<hbm>>) target(%arg24 : memref<128x128xf32, #tpu.memory_space<vmem>>) offsets(%dma_start3A_576 : memref<128xi32, #tpu.memory_space<vmem>>) semaphore(%arg30 : memref<!tpu.dma_semaphore, #tpu.memory_space<semaphore_mem>>) {add = true}
    %dma_start3A_580 = arith.constant 6 : i32
    %dma_start3A_581 = arith.constant 0 : i32
    %dma_start3A_582 = tpu.memref_slice %arg19[%dma_start3A_580, %dma_start3A_581] : memref<20x128xi32, #tpu.memory_space<vmem>> -> memref<1x128xi32, #tpu.memory_space<vmem>>
    %dma_start3A_583 = tpu.memref_squeeze %dma_start3A_582 : memref<1x128xi32, #tpu.memory_space<vmem>> -> memref<128xi32, #tpu.memory_space<vmem>>
    %dma_start3A_584 = arith.constant 0 : i32
    %dma_start3A_585 = arith.constant 0 : i32
    %dma_start3A_586 = tpu.memref_slice %arg6[%dma_start3A_584, %dma_start3A_585] : memref<100000x128xf32, #tpu.memory_space<hbm>> -> memref<100000x128xf32, #tpu.memory_space<hbm>>
    tpu.enqueue_indirect_dma source(%dma_start3A_586 : memref<100000x128xf32, #tpu.memory_space<hbm>>) target(%arg24 : memref<128x128xf32, #tpu.memory_space<vmem>>) offsets(%dma_start3A_583 : memref<128xi32, #tpu.memory_space<vmem>>) semaphore(%arg30 : memref<!tpu.dma_semaphore, #tpu.memory_space<semaphore_mem>>) {add = true}
    %dma_start3A_587 = arith.constant 7 : i32
    %dma_start3A_588 = arith.constant 0 : i32
    %dma_start3A_589 = tpu.memref_slice %arg19[%dma_start3A_587, %dma_start3A_588] : memref<20x128xi32, #tpu.memory_space<vmem>> -> memref<1x128xi32, #tpu.memory_space<vmem>>
    %dma_start3A_590 = tpu.memref_squeeze %dma_start3A_589 : memref<1x128xi32, #tpu.memory_space<vmem>> -> memref<128xi32, #tpu.memory_space<vmem>>
    %dma_start3A_591 = arith.constant 0 : i32
    %dma_start3A_592 = arith.constant 0 : i32
    %dma_start3A_593 = tpu.memref_slice %arg6[%dma_start3A_591, %dma_start3A_592] : memref<100000x128xf32, #tpu.memory_space<hbm>> -> memref<100000x128xf32, #tpu.memory_space<hbm>>
    tpu.enqueue_indirect_dma source(%dma_start3A_593 : memref<100000x128xf32, #tpu.memory_space<hbm>>) target(%arg24 : memref<128x128xf32, #tpu.memory_space<vmem>>) offsets(%dma_start3A_590 : memref<128xi32, #tpu.memory_space<vmem>>) semaphore(%arg30 : memref<!tpu.dma_semaphore, #tpu.memory_space<semaphore_mem>>) {add = true}
    %dma_start3A_594 = arith.constant 8 : i32
    %dma_start3A_595 = arith.constant 0 : i32
    %dma_start3A_596 = tpu.memref_slice %arg19[%dma_start3A_594, %dma_start3A_595] : memref<20x128xi32, #tpu.memory_space<vmem>> -> memref<1x128xi32, #tpu.memory_space<vmem>>
    %dma_start3A_597 = tpu.memref_squeeze %dma_start3A_596 : memref<1x128xi32, #tpu.memory_space<vmem>> -> memref<128xi32, #tpu.memory_space<vmem>>
    %dma_start3A_598 = arith.constant 0 : i32
    %dma_start3A_599 = arith.constant 0 : i32
    %dma_start3A_600 = tpu.memref_slice %arg6[%dma_start3A_598, %dma_start3A_599] : memref<100000x128xf32, #tpu.memory_space<hbm>> -> memref<100000x128xf32, #tpu.memory_space<hbm>>
    tpu.enqueue_indirect_dma source(%dma_start3A_600 : memref<100000x128xf32, #tpu.memory_space<hbm>>) target(%arg24 : memref<128x128xf32, #tpu.memory_space<vmem>>) offsets(%dma_start3A_597 : memref<128xi32, #tpu.memory_space<vmem>>) semaphore(%arg30 : memref<!tpu.dma_semaphore, #tpu.memory_space<semaphore_mem>>) {add = true}
    %dma_start3A_601 = arith.constant 9 : i32
    %dma_start3A_602 = arith.constant 0 : i32
    %dma_start3A_603 = tpu.memref_slice %arg19[%dma_start3A_601, %dma_start3A_602] : memref<20x128xi32, #tpu.memory_space<vmem>> -> memref<1x128xi32, #tpu.memory_space<vmem>>
    %dma_start3A_604 = tpu.memref_squeeze %dma_start3A_603 : memref<1x128xi32, #tpu.memory_space<vmem>> -> memref<128xi32, #tpu.memory_space<vmem>>
    %dma_start3A_605 = arith.constant 0 : i32
    %dma_start3A_606 = arith.constant 0 : i32
    %dma_start3A_607 = tpu.memref_slice %arg6[%dma_start3A_605, %dma_start3A_606] : memref<100000x128xf32, #tpu.memory_space<hbm>> -> memref<100000x128xf32, #tpu.memory_space<hbm>>
    tpu.enqueue_indirect_dma source(%dma_start3A_607 : memref<100000x128xf32, #tpu.memory_space<hbm>>) target(%arg24 : memref<128x128xf32, #tpu.memory_space<vmem>>) offsets(%dma_start3A_604 : memref<128xi32, #tpu.memory_space<vmem>>) semaphore(%arg30 : memref<!tpu.dma_semaphore, #tpu.memory_space<semaphore_mem>>) {add = true}
    %dma_start3A_608 = arith.constant 10 : i32
    %dma_start3A_609 = arith.constant 0 : i32
    %dma_start3A_610 = tpu.memref_slice %arg19[%dma_start3A_608, %dma_start3A_609] : memref<20x128xi32, #tpu.memory_space<vmem>> -> memref<1x128xi32, #tpu.memory_space<vmem>>
    %dma_start3A_611 = tpu.memref_squeeze %dma_start3A_610 : memref<1x128xi32, #tpu.memory_space<vmem>> -> memref<128xi32, #tpu.memory_space<vmem>>
    %dma_start3A_612 = arith.constant 0 : i32
    %dma_start3A_613 = arith.constant 0 : i32
    %dma_start3A_614 = tpu.memref_slice %arg6[%dma_start3A_612, %dma_start3A_613] : memref<100000x128xf32, #tpu.memory_space<hbm>> -> memref<100000x128xf32, #tpu.memory_space<hbm>>
    tpu.enqueue_indirect_dma source(%dma_start3A_614 : memref<100000x128xf32, #tpu.memory_space<hbm>>) target(%arg24 : memref<128x128xf32, #tpu.memory_space<vmem>>) offsets(%dma_start3A_611 : memref<128xi32, #tpu.memory_space<vmem>>) semaphore(%arg30 : memref<!tpu.dma_semaphore, #tpu.memory_space<semaphore_mem>>) {add = true}
    %dma_start3A_615 = arith.constant 11 : i32
    %dma_start3A_616 = arith.constant 0 : i32
    %dma_start3A_617 = tpu.memref_slice %arg19[%dma_start3A_615, %dma_start3A_616] : memref<20x128xi32, #tpu.memory_space<vmem>> -> memref<1x128xi32, #tpu.memory_space<vmem>>
    %dma_start3A_618 = tpu.memref_squeeze %dma_start3A_617 : memref<1x128xi32, #tpu.memory_space<vmem>> -> memref<128xi32, #tpu.memory_space<vmem>>
    %dma_start3A_619 = arith.constant 0 : i32
    %dma_start3A_620 = arith.constant 0 : i32
    %dma_start3A_621 = tpu.memref_slice %arg6[%dma_start3A_619, %dma_start3A_620] : memref<100000x128xf32, #tpu.memory_space<hbm>> -> memref<100000x128xf32, #tpu.memory_space<hbm>>
    tpu.enqueue_indirect_dma source(%dma_start3A_621 : memref<100000x128xf32, #tpu.memory_space<hbm>>) target(%arg24 : memref<128x128xf32, #tpu.memory_space<vmem>>) offsets(%dma_start3A_618 : memref<128xi32, #tpu.memory_space<vmem>>) semaphore(%arg30 : memref<!tpu.dma_semaphore, #tpu.memory_space<semaphore_mem>>) {add = true}
    %dma_start3A_622 = arith.constant 12 : i32
    %dma_start3A_623 = arith.constant 0 : i32
    %dma_start3A_624 = tpu.memref_slice %arg19[%dma_start3A_622, %dma_start3A_623] : memref<20x128xi32, #tpu.memory_space<vmem>> -> memref<1x128xi32, #tpu.memory_space<vmem>>
    %dma_start3A_625 = tpu.memref_squeeze %dma_start3A_624 : memref<1x128xi32, #tpu.memory_space<vmem>> -> memref<128xi32, #tpu.memory_space<vmem>>
    %dma_start3A_626 = arith.constant 0 : i32
    %dma_start3A_627 = arith.constant 0 : i32
    %dma_start3A_628 = tpu.memref_slice %arg6[%dma_start3A_626, %dma_start3A_627] : memref<100000x128xf32, #tpu.memory_space<hbm>> -> memref<100000x128xf32, #tpu.memory_space<hbm>>
    tpu.enqueue_indirect_dma source(%dma_start3A_628 : memref<100000x128xf32, #tpu.memory_space<hbm>>) target(%arg24 : memref<128x128xf32, #tpu.memory_space<vmem>>) offsets(%dma_start3A_625 : memref<128xi32, #tpu.memory_space<vmem>>) semaphore(%arg30 : memref<!tpu.dma_semaphore, #tpu.memory_space<semaphore_mem>>) {add = true}
    %dma_start3A_629 = arith.constant 13 : i32
    %dma_start3A_630 = arith.constant 0 : i32
    %dma_start3A_631 = tpu.memref_slice %arg19[%dma_start3A_629, %dma_start3A_630] : memref<20x128xi32, #tpu.memory_space<vmem>> -> memref<1x128xi32, #tpu.memory_space<vmem>>
    %dma_start3A_632 = tpu.memref_squeeze %dma_start3A_631 : memref<1x128xi32, #tpu.memory_space<vmem>> -> memref<128xi32, #tpu.memory_space<vmem>>
    %dma_start3A_633 = arith.constant 0 : i32
    %dma_start3A_634 = arith.constant 0 : i32
    %dma_start3A_635 = tpu.memref_slice %arg6[%dma_start3A_633, %dma_start3A_634] : memref<100000x128xf32, #tpu.memory_space<hbm>> -> memref<100000x128xf32, #tpu.memory_space<hbm>>
    tpu.enqueue_indirect_dma source(%dma_start3A_635 : memref<100000x128xf32, #tpu.memory_space<hbm>>) target(%arg24 : memref<128x128xf32, #tpu.memory_space<vmem>>) offsets(%dma_start3A_632 : memref<128xi32, #tpu.memory_space<vmem>>) semaphore(%arg30 : memref<!tpu.dma_semaphore, #tpu.memory_space<semaphore_mem>>) {add = true}
    %dma_start3A_636 = arith.constant 14 : i32
    %dma_start3A_637 = arith.constant 0 : i32
    %dma_start3A_638 = tpu.memref_slice %arg19[%dma_start3A_636, %dma_start3A_637] : memref<20x128xi32, #tpu.memory_space<vmem>> -> memref<1x128xi32, #tpu.memory_space<vmem>>
    %dma_start3A_639 = tpu.memref_squeeze %dma_start3A_638 : memref<1x128xi32, #tpu.memory_space<vmem>> -> memref<128xi32, #tpu.memory_space<vmem>>
    %dma_start3A_640 = arith.constant 0 : i32
    %dma_start3A_641 = arith.constant 0 : i32
    %dma_start3A_642 = tpu.memref_slice %arg6[%dma_start3A_640, %dma_start3A_641] : memref<100000x128xf32, #tpu.memory_space<hbm>> -> memref<100000x128xf32, #tpu.memory_space<hbm>>
    tpu.enqueue_indirect_dma source(%dma_start3A_642 : memref<100000x128xf32, #tpu.memory_space<hbm>>) target(%arg24 : memref<128x128xf32, #tpu.memory_space<vmem>>) offsets(%dma_start3A_639 : memref<128xi32, #tpu.memory_space<vmem>>) semaphore(%arg30 : memref<!tpu.dma_semaphore, #tpu.memory_space<semaphore_mem>>) {add = true}
    %dma_start3A_643 = arith.constant 15 : i32
    %dma_start3A_644 = arith.constant 0 : i32
    %dma_start3A_645 = tpu.memref_slice %arg19[%dma_start3A_643, %dma_start3A_644] : memref<20x128xi32, #tpu.memory_space<vmem>> -> memref<1x128xi32, #tpu.memory_space<vmem>>
    %dma_start3A_646 = tpu.memref_squeeze %dma_start3A_645 : memref<1x128xi32, #tpu.memory_space<vmem>> -> memref<128xi32, #tpu.memory_space<vmem>>
    %dma_start3A_647 = arith.constant 0 : i32
    %dma_start3A_648 = arith.constant 0 : i32
    %dma_start3A_649 = tpu.memref_slice %arg6[%dma_start3A_647, %dma_start3A_648] : memref<100000x128xf32, #tpu.memory_space<hbm>> -> memref<100000x128xf32, #tpu.memory_space<hbm>>
    tpu.enqueue_indirect_dma source(%dma_start3A_649 : memref<100000x128xf32, #tpu.memory_space<hbm>>) target(%arg24 : memref<128x128xf32, #tpu.memory_space<vmem>>) offsets(%dma_start3A_646 : memref<128xi32, #tpu.memory_space<vmem>>) semaphore(%arg30 : memref<!tpu.dma_semaphore, #tpu.memory_space<semaphore_mem>>) {add = true}
    %dma_start3A_650 = arith.constant 16 : i32
    %dma_start3A_651 = arith.constant 0 : i32
    %dma_start3A_652 = tpu.memref_slice %arg19[%dma_start3A_650, %dma_start3A_651] : memref<20x128xi32, #tpu.memory_space<vmem>> -> memref<1x128xi32, #tpu.memory_space<vmem>>
    %dma_start3A_653 = tpu.memref_squeeze %dma_start3A_652 : memref<1x128xi32, #tpu.memory_space<vmem>> -> memref<128xi32, #tpu.memory_space<vmem>>
    %dma_start3A_654 = arith.constant 0 : i32
    %dma_start3A_655 = arith.constant 0 : i32
    %dma_start3A_656 = tpu.memref_slice %arg6[%dma_start3A_654, %dma_start3A_655] : memref<100000x128xf32, #tpu.memory_space<hbm>> -> memref<100000x128xf32, #tpu.memory_space<hbm>>
    tpu.enqueue_indirect_dma source(%dma_start3A_656 : memref<100000x128xf32, #tpu.memory_space<hbm>>) target(%arg24 : memref<128x128xf32, #tpu.memory_space<vmem>>) offsets(%dma_start3A_653 : memref<128xi32, #tpu.memory_space<vmem>>) semaphore(%arg30 : memref<!tpu.dma_semaphore, #tpu.memory_space<semaphore_mem>>) {add = true}
    %dma_start3A_657 = arith.constant 17 : i32
    %dma_start3A_658 = arith.constant 0 : i32
    %dma_start3A_659 = tpu.memref_slice %arg19[%dma_start3A_657, %dma_start3A_658] : memref<20x128xi32, #tpu.memory_space<vmem>> -> memref<1x128xi32, #tpu.memory_space<vmem>>
    %dma_start3A_660 = tpu.memref_squeeze %dma_start3A_659 : memref<1x128xi32, #tpu.memory_space<vmem>> -> memref<128xi32, #tpu.memory_space<vmem>>
    %dma_start3A_661 = arith.constant 0 : i32
    %dma_start3A_662 = arith.constant 0 : i32
    %dma_start3A_663 = tpu.memref_slice %arg6[%dma_start3A_661, %dma_start3A_662] : memref<100000x128xf32, #tpu.memory_space<hbm>> -> memref<100000x128xf32, #tpu.memory_space<hbm>>
    tpu.enqueue_indirect_dma source(%dma_start3A_663 : memref<100000x128xf32, #tpu.memory_space<hbm>>) target(%arg24 : memref<128x128xf32, #tpu.memory_space<vmem>>) offsets(%dma_start3A_660 : memref<128xi32, #tpu.memory_space<vmem>>) semaphore(%arg30 : memref<!tpu.dma_semaphore, #tpu.memory_space<semaphore_mem>>) {add = true}
    %dma_start3A_664 = arith.constant 18 : i32
    %dma_start3A_665 = arith.constant 0 : i32
    %dma_start3A_666 = tpu.memref_slice %arg19[%dma_start3A_664, %dma_start3A_665] : memref<20x128xi32, #tpu.memory_space<vmem>> -> memref<1x128xi32, #tpu.memory_space<vmem>>
    %dma_start3A_667 = tpu.memref_squeeze %dma_start3A_666 : memref<1x128xi32, #tpu.memory_space<vmem>> -> memref<128xi32, #tpu.memory_space<vmem>>
    %dma_start3A_668 = arith.constant 0 : i32
    %dma_start3A_669 = arith.constant 0 : i32
    %dma_start3A_670 = tpu.memref_slice %arg6[%dma_start3A_668, %dma_start3A_669] : memref<100000x128xf32, #tpu.memory_space<hbm>> -> memref<100000x128xf32, #tpu.memory_space<hbm>>
    tpu.enqueue_indirect_dma source(%dma_start3A_670 : memref<100000x128xf32, #tpu.memory_space<hbm>>) target(%arg24 : memref<128x128xf32, #tpu.memory_space<vmem>>) offsets(%dma_start3A_667 : memref<128xi32, #tpu.memory_space<vmem>>) semaphore(%arg30 : memref<!tpu.dma_semaphore, #tpu.memory_space<semaphore_mem>>) {add = true}
    %dma_start3A_671 = arith.constant 19 : i32
    %dma_start3A_672 = arith.constant 0 : i32
    %dma_start3A_673 = tpu.memref_slice %arg19[%dma_start3A_671, %dma_start3A_672] : memref<20x128xi32, #tpu.memory_space<vmem>> -> memref<1x128xi32, #tpu.memory_space<vmem>>
    %dma_start3A_674 = tpu.memref_squeeze %dma_start3A_673 : memref<1x128xi32, #tpu.memory_space<vmem>> -> memref<128xi32, #tpu.memory_space<vmem>>
    %dma_start3A_675 = arith.constant 0 : i32
    %dma_start3A_676 = arith.constant 0 : i32
    %dma_start3A_677 = tpu.memref_slice %arg6[%dma_start3A_675, %dma_start3A_676] : memref<100000x128xf32, #tpu.memory_space<hbm>> -> memref<100000x128xf32, #tpu.memory_space<hbm>>
    tpu.enqueue_indirect_dma source(%dma_start3A_677 : memref<100000x128xf32, #tpu.memory_space<hbm>>) target(%arg24 : memref<128x128xf32, #tpu.memory_space<vmem>>) offsets(%dma_start3A_674 : memref<128xi32, #tpu.memory_space<vmem>>) semaphore(%arg30 : memref<!tpu.dma_semaphore, #tpu.memory_space<semaphore_mem>>) {add = true}
    %dma_wait3A_678 = arith.constant 0 : i32
    %dma_wait3A_679 = arith.constant 0 : i32
    %dma_wait3A_680 = tpu.memref_slice %arg5[%dma_wait3A_678, %dma_wait3A_679] : memref<100000x128xf32, #tpu.memory_space<hbm>> -> memref<100000x128xf32, #tpu.memory_space<hbm>>
    tpu.wait_indirect_dma semaphore(%arg31 : memref<!tpu.dma_semaphore, #tpu.memory_space<semaphore_mem>>) src(%dma_wait3A_680 : memref<100000x128xf32, #tpu.memory_space<hbm>>) dst(%arg22 : memref<128x128xf32, #tpu.memory_space<vmem>>)
    %dma_wait3A_681 = arith.constant 0 : i32
    %dma_wait3A_682 = arith.constant 0 : i32
    %dma_wait3A_683 = tpu.memref_slice %arg18[%dma_wait3A_681, %dma_wait3A_682] : memref<20x128xi32, #tpu.memory_space<vmem>> -> memref<1x128xi32, #tpu.memory_space<vmem>>
    %dma_wait3A_684 = tpu.memref_squeeze %dma_wait3A_683 : memref<1x128xi32, #tpu.memory_space<vmem>> -> memref<128xi32, #tpu.memory_space<vmem>>
    %dma_wait3A_685 = arith.constant 0 : i32
    %dma_wait3A_686 = arith.constant 0 : i32
    %dma_wait3A_687 = tpu.memref_slice %arg6[%dma_wait3A_685, %dma_wait3A_686] : memref<100000x128xf32, #tpu.memory_space<hbm>> -> memref<100000x128xf32, #tpu.memory_space<hbm>>
    tpu.wait_indirect_dma semaphore(%arg31 : memref<!tpu.dma_semaphore, #tpu.memory_space<semaphore_mem>>) src(%dma_wait3A_687 : memref<100000x128xf32, #tpu.memory_space<hbm>>) dst(%arg25 : memref<128x128xf32, #tpu.memory_space<vmem>>)
    %dma_wait3A_688 = arith.constant 1 : i32
    %dma_wait3A_689 = arith.constant 0 : i32
    %dma_wait3A_690 = tpu.memref_slice %arg18[%dma_wait3A_688, %dma_wait3A_689] : memref<20x128xi32, #tpu.memory_space<vmem>> -> memref<1x128xi32, #tpu.memory_space<vmem>>
    %dma_wait3A_691 = tpu.memref_squeeze %dma_wait3A_690 : memref<1x128xi32, #tpu.memory_space<vmem>> -> memref<128xi32, #tpu.memory_space<vmem>>
    %dma_wait3A_692 = arith.constant 0 : i32
    %dma_wait3A_693 = arith.constant 0 : i32
    %dma_wait3A_694 = tpu.memref_slice %arg6[%dma_wait3A_692, %dma_wait3A_693] : memref<100000x128xf32, #tpu.memory_space<hbm>> -> memref<100000x128xf32, #tpu.memory_space<hbm>>
    tpu.wait_indirect_dma semaphore(%arg31 : memref<!tpu.dma_semaphore, #tpu.memory_space<semaphore_mem>>) src(%dma_wait3A_694 : memref<100000x128xf32, #tpu.memory_space<hbm>>) dst(%arg25 : memref<128x128xf32, #tpu.memory_space<vmem>>)
    %dma_wait3A_695 = arith.constant 2 : i32
    %dma_wait3A_696 = arith.constant 0 : i32
    %dma_wait3A_697 = tpu.memref_slice %arg18[%dma_wait3A_695, %dma_wait3A_696] : memref<20x128xi32, #tpu.memory_space<vmem>> -> memref<1x128xi32, #tpu.memory_space<vmem>>
    %dma_wait3A_698 = tpu.memref_squeeze %dma_wait3A_697 : memref<1x128xi32, #tpu.memory_space<vmem>> -> memref<128xi32, #tpu.memory_space<vmem>>
    %dma_wait3A_699 = arith.constant 0 : i32
    %dma_wait3A_700 = arith.constant 0 : i32
    %dma_wait3A_701 = tpu.memref_slice %arg6[%dma_wait3A_699, %dma_wait3A_700] : memref<100000x128xf32, #tpu.memory_space<hbm>> -> memref<100000x128xf32, #tpu.memory_space<hbm>>
    tpu.wait_indirect_dma semaphore(%arg31 : memref<!tpu.dma_semaphore, #tpu.memory_space<semaphore_mem>>) src(%dma_wait3A_701 : memref<100000x128xf32, #tpu.memory_space<hbm>>) dst(%arg25 : memref<128x128xf32, #tpu.memory_space<vmem>>)
    %dma_wait3A_702 = arith.constant 3 : i32
    %dma_wait3A_703 = arith.constant 0 : i32
    %dma_wait3A_704 = tpu.memref_slice %arg18[%dma_wait3A_702, %dma_wait3A_703] : memref<20x128xi32, #tpu.memory_space<vmem>> -> memref<1x128xi32, #tpu.memory_space<vmem>>
    %dma_wait3A_705 = tpu.memref_squeeze %dma_wait3A_704 : memref<1x128xi32, #tpu.memory_space<vmem>> -> memref<128xi32, #tpu.memory_space<vmem>>
    %dma_wait3A_706 = arith.constant 0 : i32
    %dma_wait3A_707 = arith.constant 0 : i32
    %dma_wait3A_708 = tpu.memref_slice %arg6[%dma_wait3A_706, %dma_wait3A_707] : memref<100000x128xf32, #tpu.memory_space<hbm>> -> memref<100000x128xf32, #tpu.memory_space<hbm>>
    tpu.wait_indirect_dma semaphore(%arg31 : memref<!tpu.dma_semaphore, #tpu.memory_space<semaphore_mem>>) src(%dma_wait3A_708 : memref<100000x128xf32, #tpu.memory_space<hbm>>) dst(%arg25 : memref<128x128xf32, #tpu.memory_space<vmem>>)
    %dma_wait3A_709 = arith.constant 4 : i32
    %dma_wait3A_710 = arith.constant 0 : i32
    %dma_wait3A_711 = tpu.memref_slice %arg18[%dma_wait3A_709, %dma_wait3A_710] : memref<20x128xi32, #tpu.memory_space<vmem>> -> memref<1x128xi32, #tpu.memory_space<vmem>>
    %dma_wait3A_712 = tpu.memref_squeeze %dma_wait3A_711 : memref<1x128xi32, #tpu.memory_space<vmem>> -> memref<128xi32, #tpu.memory_space<vmem>>
    %dma_wait3A_713 = arith.constant 0 : i32
    %dma_wait3A_714 = arith.constant 0 : i32
    %dma_wait3A_715 = tpu.memref_slice %arg6[%dma_wait3A_713, %dma_wait3A_714] : memref<100000x128xf32, #tpu.memory_space<hbm>> -> memref<100000x128xf32, #tpu.memory_space<hbm>>
    tpu.wait_indirect_dma semaphore(%arg31 : memref<!tpu.dma_semaphore, #tpu.memory_space<semaphore_mem>>) src(%dma_wait3A_715 : memref<100000x128xf32, #tpu.memory_space<hbm>>) dst(%arg25 : memref<128x128xf32, #tpu.memory_space<vmem>>)
    %dma_wait3A_716 = arith.constant 5 : i32
    %dma_wait3A_717 = arith.constant 0 : i32
    %dma_wait3A_718 = tpu.memref_slice %arg18[%dma_wait3A_716, %dma_wait3A_717] : memref<20x128xi32, #tpu.memory_space<vmem>> -> memref<1x128xi32, #tpu.memory_space<vmem>>
    %dma_wait3A_719 = tpu.memref_squeeze %dma_wait3A_718 : memref<1x128xi32, #tpu.memory_space<vmem>> -> memref<128xi32, #tpu.memory_space<vmem>>
    %dma_wait3A_720 = arith.constant 0 : i32
    %dma_wait3A_721 = arith.constant 0 : i32
    %dma_wait3A_722 = tpu.memref_slice %arg6[%dma_wait3A_720, %dma_wait3A_721] : memref<100000x128xf32, #tpu.memory_space<hbm>> -> memref<100000x128xf32, #tpu.memory_space<hbm>>
    tpu.wait_indirect_dma semaphore(%arg31 : memref<!tpu.dma_semaphore, #tpu.memory_space<semaphore_mem>>) src(%dma_wait3A_722 : memref<100000x128xf32, #tpu.memory_space<hbm>>) dst(%arg25 : memref<128x128xf32, #tpu.memory_space<vmem>>)
    %dma_wait3A_723 = arith.constant 6 : i32
    %dma_wait3A_724 = arith.constant 0 : i32
    %dma_wait3A_725 = tpu.memref_slice %arg18[%dma_wait3A_723, %dma_wait3A_724] : memref<20x128xi32, #tpu.memory_space<vmem>> -> memref<1x128xi32, #tpu.memory_space<vmem>>
    %dma_wait3A_726 = tpu.memref_squeeze %dma_wait3A_725 : memref<1x128xi32, #tpu.memory_space<vmem>> -> memref<128xi32, #tpu.memory_space<vmem>>
    %dma_wait3A_727 = arith.constant 0 : i32
    %dma_wait3A_728 = arith.constant 0 : i32
    %dma_wait3A_729 = tpu.memref_slice %arg6[%dma_wait3A_727, %dma_wait3A_728] : memref<100000x128xf32, #tpu.memory_space<hbm>> -> memref<100000x128xf32, #tpu.memory_space<hbm>>
    tpu.wait_indirect_dma semaphore(%arg31 : memref<!tpu.dma_semaphore, #tpu.memory_space<semaphore_mem>>) src(%dma_wait3A_729 : memref<100000x128xf32, #tpu.memory_space<hbm>>) dst(%arg25 : memref<128x128xf32, #tpu.memory_space<vmem>>)
    %dma_wait3A_730 = arith.constant 7 : i32
    %dma_wait3A_731 = arith.constant 0 : i32
    %dma_wait3A_732 = tpu.memref_slice %arg18[%dma_wait3A_730, %dma_wait3A_731] : memref<20x128xi32, #tpu.memory_space<vmem>> -> memref<1x128xi32, #tpu.memory_space<vmem>>
    %dma_wait3A_733 = tpu.memref_squeeze %dma_wait3A_732 : memref<1x128xi32, #tpu.memory_space<vmem>> -> memref<128xi32, #tpu.memory_space<vmem>>
    %dma_wait3A_734 = arith.constant 0 : i32
    %dma_wait3A_735 = arith.constant 0 : i32
    %dma_wait3A_736 = tpu.memref_slice %arg6[%dma_wait3A_734, %dma_wait3A_735] : memref<100000x128xf32, #tpu.memory_space<hbm>> -> memref<100000x128xf32, #tpu.memory_space<hbm>>
    tpu.wait_indirect_dma semaphore(%arg31 : memref<!tpu.dma_semaphore, #tpu.memory_space<semaphore_mem>>) src(%dma_wait3A_736 : memref<100000x128xf32, #tpu.memory_space<hbm>>) dst(%arg25 : memref<128x128xf32, #tpu.memory_space<vmem>>)
    %dma_wait3A_737 = arith.constant 8 : i32
    %dma_wait3A_738 = arith.constant 0 : i32
    %dma_wait3A_739 = tpu.memref_slice %arg18[%dma_wait3A_737, %dma_wait3A_738] : memref<20x128xi32, #tpu.memory_space<vmem>> -> memref<1x128xi32, #tpu.memory_space<vmem>>
    %dma_wait3A_740 = tpu.memref_squeeze %dma_wait3A_739 : memref<1x128xi32, #tpu.memory_space<vmem>> -> memref<128xi32, #tpu.memory_space<vmem>>
    %dma_wait3A_741 = arith.constant 0 : i32
    %dma_wait3A_742 = arith.constant 0 : i32
    %dma_wait3A_743 = tpu.memref_slice %arg6[%dma_wait3A_741, %dma_wait3A_742] : memref<100000x128xf32, #tpu.memory_space<hbm>> -> memref<100000x128xf32, #tpu.memory_space<hbm>>
    tpu.wait_indirect_dma semaphore(%arg31 : memref<!tpu.dma_semaphore, #tpu.memory_space<semaphore_mem>>) src(%dma_wait3A_743 : memref<100000x128xf32, #tpu.memory_space<hbm>>) dst(%arg25 : memref<128x128xf32, #tpu.memory_space<vmem>>)
    %dma_wait3A_744 = arith.constant 9 : i32
    %dma_wait3A_745 = arith.constant 0 : i32
    %dma_wait3A_746 = tpu.memref_slice %arg18[%dma_wait3A_744, %dma_wait3A_745] : memref<20x128xi32, #tpu.memory_space<vmem>> -> memref<1x128xi32, #tpu.memory_space<vmem>>
    %dma_wait3A_747 = tpu.memref_squeeze %dma_wait3A_746 : memref<1x128xi32, #tpu.memory_space<vmem>> -> memref<128xi32, #tpu.memory_space<vmem>>
    %dma_wait3A_748 = arith.constant 0 : i32
    %dma_wait3A_749 = arith.constant 0 : i32
    %dma_wait3A_750 = tpu.memref_slice %arg6[%dma_wait3A_748, %dma_wait3A_749] : memref<100000x128xf32, #tpu.memory_space<hbm>> -> memref<100000x128xf32, #tpu.memory_space<hbm>>
    tpu.wait_indirect_dma semaphore(%arg31 : memref<!tpu.dma_semaphore, #tpu.memory_space<semaphore_mem>>) src(%dma_wait3A_750 : memref<100000x128xf32, #tpu.memory_space<hbm>>) dst(%arg25 : memref<128x128xf32, #tpu.memory_space<vmem>>)
    %dma_wait3A_751 = arith.constant 10 : i32
    %dma_wait3A_752 = arith.constant 0 : i32
    %dma_wait3A_753 = tpu.memref_slice %arg18[%dma_wait3A_751, %dma_wait3A_752] : memref<20x128xi32, #tpu.memory_space<vmem>> -> memref<1x128xi32, #tpu.memory_space<vmem>>
    %dma_wait3A_754 = tpu.memref_squeeze %dma_wait3A_753 : memref<1x128xi32, #tpu.memory_space<vmem>> -> memref<128xi32, #tpu.memory_space<vmem>>
    %dma_wait3A_755 = arith.constant 0 : i32
    %dma_wait3A_756 = arith.constant 0 : i32
    %dma_wait3A_757 = tpu.memref_slice %arg6[%dma_wait3A_755, %dma_wait3A_756] : memref<100000x128xf32, #tpu.memory_space<hbm>> -> memref<100000x128xf32, #tpu.memory_space<hbm>>
    tpu.wait_indirect_dma semaphore(%arg31 : memref<!tpu.dma_semaphore, #tpu.memory_space<semaphore_mem>>) src(%dma_wait3A_757 : memref<100000x128xf32, #tpu.memory_space<hbm>>) dst(%arg25 : memref<128x128xf32, #tpu.memory_space<vmem>>)
    %dma_wait3A_758 = arith.constant 11 : i32
    %dma_wait3A_759 = arith.constant 0 : i32
    %dma_wait3A_760 = tpu.memref_slice %arg18[%dma_wait3A_758, %dma_wait3A_759] : memref<20x128xi32, #tpu.memory_space<vmem>> -> memref<1x128xi32, #tpu.memory_space<vmem>>
    %dma_wait3A_761 = tpu.memref_squeeze %dma_wait3A_760 : memref<1x128xi32, #tpu.memory_space<vmem>> -> memref<128xi32, #tpu.memory_space<vmem>>
    %dma_wait3A_762 = arith.constant 0 : i32
    %dma_wait3A_763 = arith.constant 0 : i32
    %dma_wait3A_764 = tpu.memref_slice %arg6[%dma_wait3A_762, %dma_wait3A_763] : memref<100000x128xf32, #tpu.memory_space<hbm>> -> memref<100000x128xf32, #tpu.memory_space<hbm>>
    tpu.wait_indirect_dma semaphore(%arg31 : memref<!tpu.dma_semaphore, #tpu.memory_space<semaphore_mem>>) src(%dma_wait3A_764 : memref<100000x128xf32, #tpu.memory_space<hbm>>) dst(%arg25 : memref<128x128xf32, #tpu.memory_space<vmem>>)
    %dma_wait3A_765 = arith.constant 12 : i32
    %dma_wait3A_766 = arith.constant 0 : i32
    %dma_wait3A_767 = tpu.memref_slice %arg18[%dma_wait3A_765, %dma_wait3A_766] : memref<20x128xi32, #tpu.memory_space<vmem>> -> memref<1x128xi32, #tpu.memory_space<vmem>>
    %dma_wait3A_768 = tpu.memref_squeeze %dma_wait3A_767 : memref<1x128xi32, #tpu.memory_space<vmem>> -> memref<128xi32, #tpu.memory_space<vmem>>
    %dma_wait3A_769 = arith.constant 0 : i32
    %dma_wait3A_770 = arith.constant 0 : i32
    %dma_wait3A_771 = tpu.memref_slice %arg6[%dma_wait3A_769, %dma_wait3A_770] : memref<100000x128xf32, #tpu.memory_space<hbm>> -> memref<100000x128xf32, #tpu.memory_space<hbm>>
    tpu.wait_indirect_dma semaphore(%arg31 : memref<!tpu.dma_semaphore, #tpu.memory_space<semaphore_mem>>) src(%dma_wait3A_771 : memref<100000x128xf32, #tpu.memory_space<hbm>>) dst(%arg25 : memref<128x128xf32, #tpu.memory_space<vmem>>)
    %dma_wait3A_772 = arith.constant 13 : i32
    %dma_wait3A_773 = arith.constant 0 : i32
    %dma_wait3A_774 = tpu.memref_slice %arg18[%dma_wait3A_772, %dma_wait3A_773] : memref<20x128xi32, #tpu.memory_space<vmem>> -> memref<1x128xi32, #tpu.memory_space<vmem>>
    %dma_wait3A_775 = tpu.memref_squeeze %dma_wait3A_774 : memref<1x128xi32, #tpu.memory_space<vmem>> -> memref<128xi32, #tpu.memory_space<vmem>>
    %dma_wait3A_776 = arith.constant 0 : i32
    %dma_wait3A_777 = arith.constant 0 : i32
    %dma_wait3A_778 = tpu.memref_slice %arg6[%dma_wait3A_776, %dma_wait3A_777] : memref<100000x128xf32, #tpu.memory_space<hbm>> -> memref<100000x128xf32, #tpu.memory_space<hbm>>
    tpu.wait_indirect_dma semaphore(%arg31 : memref<!tpu.dma_semaphore, #tpu.memory_space<semaphore_mem>>) src(%dma_wait3A_778 : memref<100000x128xf32, #tpu.memory_space<hbm>>) dst(%arg25 : memref<128x128xf32, #tpu.memory_space<vmem>>)
    %dma_wait3A_779 = arith.constant 14 : i32
    %dma_wait3A_780 = arith.constant 0 : i32
    %dma_wait3A_781 = tpu.memref_slice %arg18[%dma_wait3A_779, %dma_wait3A_780] : memref<20x128xi32, #tpu.memory_space<vmem>> -> memref<1x128xi32, #tpu.memory_space<vmem>>
    %dma_wait3A_782 = tpu.memref_squeeze %dma_wait3A_781 : memref<1x128xi32, #tpu.memory_space<vmem>> -> memref<128xi32, #tpu.memory_space<vmem>>
    %dma_wait3A_783 = arith.constant 0 : i32
    %dma_wait3A_784 = arith.constant 0 : i32
    %dma_wait3A_785 = tpu.memref_slice %arg6[%dma_wait3A_783, %dma_wait3A_784] : memref<100000x128xf32, #tpu.memory_space<hbm>> -> memref<100000x128xf32, #tpu.memory_space<hbm>>
    tpu.wait_indirect_dma semaphore(%arg31 : memref<!tpu.dma_semaphore, #tpu.memory_space<semaphore_mem>>) src(%dma_wait3A_785 : memref<100000x128xf32, #tpu.memory_space<hbm>>) dst(%arg25 : memref<128x128xf32, #tpu.memory_space<vmem>>)
    %dma_wait3A_786 = arith.constant 15 : i32
    %dma_wait3A_787 = arith.constant 0 : i32
    %dma_wait3A_788 = tpu.memref_slice %arg18[%dma_wait3A_786, %dma_wait3A_787] : memref<20x128xi32, #tpu.memory_space<vmem>> -> memref<1x128xi32, #tpu.memory_space<vmem>>
    %dma_wait3A_789 = tpu.memref_squeeze %dma_wait3A_788 : memref<1x128xi32, #tpu.memory_space<vmem>> -> memref<128xi32, #tpu.memory_space<vmem>>
    %dma_wait3A_790 = arith.constant 0 : i32
    %dma_wait3A_791 = arith.constant 0 : i32
    %dma_wait3A_792 = tpu.memref_slice %arg6[%dma_wait3A_790, %dma_wait3A_791] : memref<100000x128xf32, #tpu.memory_space<hbm>> -> memref<100000x128xf32, #tpu.memory_space<hbm>>
    tpu.wait_indirect_dma semaphore(%arg31 : memref<!tpu.dma_semaphore, #tpu.memory_space<semaphore_mem>>) src(%dma_wait3A_792 : memref<100000x128xf32, #tpu.memory_space<hbm>>) dst(%arg25 : memref<128x128xf32, #tpu.memory_space<vmem>>)
    %dma_wait3A_793 = arith.constant 16 : i32
    %dma_wait3A_794 = arith.constant 0 : i32
    %dma_wait3A_795 = tpu.memref_slice %arg18[%dma_wait3A_793, %dma_wait3A_794] : memref<20x128xi32, #tpu.memory_space<vmem>> -> memref<1x128xi32, #tpu.memory_space<vmem>>
    %dma_wait3A_796 = tpu.memref_squeeze %dma_wait3A_795 : memref<1x128xi32, #tpu.memory_space<vmem>> -> memref<128xi32, #tpu.memory_space<vmem>>
    %dma_wait3A_797 = arith.constant 0 : i32
    %dma_wait3A_798 = arith.constant 0 : i32
    %dma_wait3A_799 = tpu.memref_slice %arg6[%dma_wait3A_797, %dma_wait3A_798] : memref<100000x128xf32, #tpu.memory_space<hbm>> -> memref<100000x128xf32, #tpu.memory_space<hbm>>
    tpu.wait_indirect_dma semaphore(%arg31 : memref<!tpu.dma_semaphore, #tpu.memory_space<semaphore_mem>>) src(%dma_wait3A_799 : memref<100000x128xf32, #tpu.memory_space<hbm>>) dst(%arg25 : memref<128x128xf32, #tpu.memory_space<vmem>>)
    %dma_wait3A_800 = arith.constant 17 : i32
    %dma_wait3A_801 = arith.constant 0 : i32
    %dma_wait3A_802 = tpu.memref_slice %arg18[%dma_wait3A_800, %dma_wait3A_801] : memref<20x128xi32, #tpu.memory_space<vmem>> -> memref<1x128xi32, #tpu.memory_space<vmem>>
    %dma_wait3A_803 = tpu.memref_squeeze %dma_wait3A_802 : memref<1x128xi32, #tpu.memory_space<vmem>> -> memref<128xi32, #tpu.memory_space<vmem>>
    %dma_wait3A_804 = arith.constant 0 : i32
    %dma_wait3A_805 = arith.constant 0 : i32
    %dma_wait3A_806 = tpu.memref_slice %arg6[%dma_wait3A_804, %dma_wait3A_805] : memref<100000x128xf32, #tpu.memory_space<hbm>> -> memref<100000x128xf32, #tpu.memory_space<hbm>>
    tpu.wait_indirect_dma semaphore(%arg31 : memref<!tpu.dma_semaphore, #tpu.memory_space<semaphore_mem>>) src(%dma_wait3A_806 : memref<100000x128xf32, #tpu.memory_space<hbm>>) dst(%arg25 : memref<128x128xf32, #tpu.memory_space<vmem>>)
    %dma_wait3A_807 = arith.constant 18 : i32
    %dma_wait3A_808 = arith.constant 0 : i32
    %dma_wait3A_809 = tpu.memref_slice %arg18[%dma_wait3A_807, %dma_wait3A_808] : memref<20x128xi32, #tpu.memory_space<vmem>> -> memref<1x128xi32, #tpu.memory_space<vmem>>
    %dma_wait3A_810 = tpu.memref_squeeze %dma_wait3A_809 : memref<1x128xi32, #tpu.memory_space<vmem>> -> memref<128xi32, #tpu.memory_space<vmem>>
    %dma_wait3A_811 = arith.constant 0 : i32
    %dma_wait3A_812 = arith.constant 0 : i32
    %dma_wait3A_813 = tpu.memref_slice %arg6[%dma_wait3A_811, %dma_wait3A_812] : memref<100000x128xf32, #tpu.memory_space<hbm>> -> memref<100000x128xf32, #tpu.memory_space<hbm>>
    tpu.wait_indirect_dma semaphore(%arg31 : memref<!tpu.dma_semaphore, #tpu.memory_space<semaphore_mem>>) src(%dma_wait3A_813 : memref<100000x128xf32, #tpu.memory_space<hbm>>) dst(%arg25 : memref<128x128xf32, #tpu.memory_space<vmem>>)
    %dma_wait3A_814 = arith.constant 19 : i32
    %dma_wait3A_815 = arith.constant 0 : i32
    %dma_wait3A_816 = tpu.memref_slice %arg18[%dma_wait3A_814, %dma_wait3A_815] : memref<20x128xi32, #tpu.memory_space<vmem>> -> memref<1x128xi32, #tpu.memory_space<vmem>>
    %dma_wait3A_817 = tpu.memref_squeeze %dma_wait3A_816 : memref<1x128xi32, #tpu.memory_space<vmem>> -> memref<128xi32, #tpu.memory_space<vmem>>
    %dma_wait3A_818 = arith.constant 0 : i32
    %dma_wait3A_819 = arith.constant 0 : i32
    %dma_wait3A_820 = tpu.memref_slice %arg6[%dma_wait3A_818, %dma_wait3A_819] : memref<100000x128xf32, #tpu.memory_space<hbm>> -> memref<100000x128xf32, #tpu.memory_space<hbm>>
    tpu.wait_indirect_dma semaphore(%arg31 : memref<!tpu.dma_semaphore, #tpu.memory_space<semaphore_mem>>) src(%dma_wait3A_820 : memref<100000x128xf32, #tpu.memory_space<hbm>>) dst(%arg25 : memref<128x128xf32, #tpu.memory_space<vmem>>)
    %dma_wait3A_821 = arith.constant 0 : i32
    %dma_wait3A_822 = arith.constant 0 : i32
    %dma_wait3A_823 = tpu.memref_slice %arg6[%dma_wait3A_821, %dma_wait3A_822] : memref<100000x128xf32, #tpu.memory_space<hbm>> -> memref<100000x128xf32, #tpu.memory_space<hbm>>
    tpu.wait_indirect_dma semaphore(%arg32 : memref<!tpu.dma_semaphore, #tpu.memory_space<semaphore_mem>>) src(%dma_wait3A_823 : memref<100000x128xf32, #tpu.memory_space<hbm>>) dst(%arg23 : memref<128x128xf32, #tpu.memory_space<vmem>>)
    %scan3A_824 = arith.constant 0 : i32
    %scan3A_825 = arith.constant 0 : i32
    %scan3A_826 = arith.constant 128 : i32
    %scan3A_827 = arith.addi %scan3A_825, %scan3A_826 : i32
    %scan3A_828 = arith.constant 1 : i32
    %scan3A_829 = scf.for %scan3A_1305 = %scan3A_825 to %scan3A_827 step %scan3A_828 iter_args(%scan3A_1306 = %scan3A_824) -> (i32)  : i32 {
      %broadcast_in_dim3A_1307 = arith.constant 0.000000e+00 : f32
      %broadcast_in_dim3A_1308 = vector.broadcast %broadcast_in_dim3A_1307 : f32 to vector<16xf32>
      %broadcast_in_dim3A_1309 = arith.constant 0.000000e+00 : f32
      %broadcast_in_dim3A_1310 = vector.broadcast %broadcast_in_dim3A_1309 : f32 to vector<16xf32>
      %get3A = arith.index_cast %scan3A_1305 : i32 to index
      %get3A_1311 = arith.constant 0 : index
      %get3A_1312 = tpu.vector_load %arg22[%get3A, %get3A_1311] {strides = array<i32>} : memref<128x128xf32, #tpu.memory_space<vmem>>, vector<1x16xf32>,
      %get3A_1313 = vector.shape_cast %get3A_1312 : vector<1x16xf32> to vector<16xf32>
      %get3A_1314 = arith.index_cast %scan3A_1305 : i32 to index
      %get3A_1315 = arith.constant 0 : index
      %get3A_1316 = tpu.vector_load %arg23[%get3A_1314, %get3A_1315] {strides = array<i32>} : memref<128x128xf32, #tpu.memory_space<vmem>>, vector<1x16xf32>,
      %get3A_1317 = vector.shape_cast %get3A_1316 : vector<1x16xf32> to vector<16xf32>
      %mul3A_1318 = arith.mulf %get3A_1313, %get3A_1317 : vector<16xf32>
      %add3A_1319 = arith.addf %broadcast_in_dim3A_1308, %mul3A_1318 : vector<16xf32>
      %get3A_1320 = arith.index_cast %scan3A_1305 : i32 to index
      %get3A_1321 = arith.constant 0 : index
      %get3A_1322 = tpu.vector_load %arg25[%get3A_1320, %get3A_1321] {strides = array<i32>} : memref<128x128xf32, #tpu.memory_space<vmem>>, vector<1x16xf32>,
      %get3A_1323 = vector.shape_cast %get3A_1322 : vector<1x16xf32> to vector<16xf32>
      %mul3A_1324 = arith.mulf %get3A_1313, %get3A_1323 : vector<16xf32>
      %add3A_1325 = arith.addf %broadcast_in_dim3A_1310, %mul3A_1324 : vector<16xf32>
      %get3A_1326 = arith.index_cast %scan3A_1305 : i32 to index
      %get3A_1327 = arith.constant 16 : index
      %get3A_1328 = tpu.vector_load %arg22[%get3A_1326, %get3A_1327] {strides = array<i32>} : memref<128x128xf32, #tpu.memory_space<vmem>>, vector<1x16xf32>,
      %get3A_1329 = vector.shape_cast %get3A_1328 : vector<1x16xf32> to vector<16xf32>
      %get3A_1330 = arith.index_cast %scan3A_1305 : i32 to index
      %get3A_1331 = arith.constant 16 : index
      %get3A_1332 = tpu.vector_load %arg23[%get3A_1330, %get3A_1331] {strides = array<i32>} : memref<128x128xf32, #tpu.memory_space<vmem>>, vector<1x16xf32>,
      %get3A_1333 = vector.shape_cast %get3A_1332 : vector<1x16xf32> to vector<16xf32>
      %mul3A_1334 = arith.mulf %get3A_1329, %get3A_1333 : vector<16xf32>
      %add3A_1335 = arith.addf %add3A_1319, %mul3A_1334 : vector<16xf32>
      %get3A_1336 = arith.index_cast %scan3A_1305 : i32 to index
      %get3A_1337 = arith.constant 16 : index
      %get3A_1338 = tpu.vector_load %arg25[%get3A_1336, %get3A_1337] {strides = array<i32>} : memref<128x128xf32, #tpu.memory_space<vmem>>, vector<1x16xf32>,
      %get3A_1339 = vector.shape_cast %get3A_1338 : vector<1x16xf32> to vector<16xf32>
      %mul3A_1340 = arith.mulf %get3A_1329, %get3A_1339 : vector<16xf32>
      %add3A_1341 = arith.addf %add3A_1325, %mul3A_1340 : vector<16xf32>
      %get3A_1342 = arith.index_cast %scan3A_1305 : i32 to index
      %get3A_1343 = arith.constant 32 : index
      %get3A_1344 = tpu.vector_load %arg22[%get3A_1342, %get3A_1343] {strides = array<i32>} : memref<128x128xf32, #tpu.memory_space<vmem>>, vector<1x16xf32>,
      %get3A_1345 = vector.shape_cast %get3A_1344 : vector<1x16xf32> to vector<16xf32>
      %get3A_1346 = arith.index_cast %scan3A_1305 : i32 to index
      %get3A_1347 = arith.constant 32 : index
      %get3A_1348 = tpu.vector_load %arg23[%get3A_1346, %get3A_1347] {strides = array<i32>} : memref<128x128xf32, #tpu.memory_space<vmem>>, vector<1x16xf32>,
      %get3A_1349 = vector.shape_cast %get3A_1348 : vector<1x16xf32> to vector<16xf32>
      %mul3A_1350 = arith.mulf %get3A_1345, %get3A_1349 : vector<16xf32>
      %add3A_1351 = arith.addf %add3A_1335, %mul3A_1350 : vector<16xf32>
      %get3A_1352 = arith.index_cast %scan3A_1305 : i32 to index
      %get3A_1353 = arith.constant 32 : index
      %get3A_1354 = tpu.vector_load %arg25[%get3A_1352, %get3A_1353] {strides = array<i32>} : memref<128x128xf32, #tpu.memory_space<vmem>>, vector<1x16xf32>,
      %get3A_1355 = vector.shape_cast %get3A_1354 : vector<1x16xf32> to vector<16xf32>
      %mul3A_1356 = arith.mulf %get3A_1345, %get3A_1355 : vector<16xf32>
      %add3A_1357 = arith.addf %add3A_1341, %mul3A_1356 : vector<16xf32>
      %get3A_1358 = arith.index_cast %scan3A_1305 : i32 to index
      %get3A_1359 = arith.constant 48 : index
      %get3A_1360 = tpu.vector_load %arg22[%get3A_1358, %get3A_1359] {strides = array<i32>} : memref<128x128xf32, #tpu.memory_space<vmem>>, vector<1x16xf32>,
      %get3A_1361 = vector.shape_cast %get3A_1360 : vector<1x16xf32> to vector<16xf32>
      %get3A_1362 = arith.index_cast %scan3A_1305 : i32 to index
      %get3A_1363 = arith.constant 48 : index
      %get3A_1364 = tpu.vector_load %arg23[%get3A_1362, %get3A_1363] {strides = array<i32>} : memref<128x128xf32, #tpu.memory_space<vmem>>, vector<1x16xf32>,
      %get3A_1365 = vector.shape_cast %get3A_1364 : vector<1x16xf32> to vector<16xf32>
      %mul3A_1366 = arith.mulf %get3A_1361, %get3A_1365 : vector<16xf32>
      %add3A_1367 = arith.addf %add3A_1351, %mul3A_1366 : vector<16xf32>
      %get3A_1368 = arith.index_cast %scan3A_1305 : i32 to index
      %get3A_1369 = arith.constant 48 : index
      %get3A_1370 = tpu.vector_load %arg25[%get3A_1368, %get3A_1369] {strides = array<i32>} : memref<128x128xf32, #tpu.memory_space<vmem>>, vector<1x16xf32>,
      %get3A_1371 = vector.shape_cast %get3A_1370 : vector<1x16xf32> to vector<16xf32>
      %mul3A_1372 = arith.mulf %get3A_1361, %get3A_1371 : vector<16xf32>
      %add3A_1373 = arith.addf %add3A_1357, %mul3A_1372 : vector<16xf32>
      %get3A_1374 = arith.index_cast %scan3A_1305 : i32 to index
      %get3A_1375 = arith.constant 64 : index
      %get3A_1376 = tpu.vector_load %arg22[%get3A_1374, %get3A_1375] {strides = array<i32>} : memref<128x128xf32, #tpu.memory_space<vmem>>, vector<1x16xf32>,
      %get3A_1377 = vector.shape_cast %get3A_1376 : vector<1x16xf32> to vector<16xf32>
      %get3A_1378 = arith.index_cast %scan3A_1305 : i32 to index
      %get3A_1379 = arith.constant 64 : index
      %get3A_1380 = tpu.vector_load %arg23[%get3A_1378, %get3A_1379] {strides = array<i32>} : memref<128x128xf32, #tpu.memory_space<vmem>>, vector<1x16xf32>,
      %get3A_1381 = vector.shape_cast %get3A_1380 : vector<1x16xf32> to vector<16xf32>
      %mul3A_1382 = arith.mulf %get3A_1377, %get3A_1381 : vector<16xf32>
      %add3A_1383 = arith.addf %add3A_1367, %mul3A_1382 : vector<16xf32>
      %get3A_1384 = arith.index_cast %scan3A_1305 : i32 to index
      %get3A_1385 = arith.constant 64 : index
      %get3A_1386 = tpu.vector_load %arg25[%get3A_1384, %get3A_1385] {strides = array<i32>} : memref<128x128xf32, #tpu.memory_space<vmem>>, vector<1x16xf32>,
      %get3A_1387 = vector.shape_cast %get3A_1386 : vector<1x16xf32> to vector<16xf32>
      %mul3A_1388 = arith.mulf %get3A_1377, %get3A_1387 : vector<16xf32>
      %add3A_1389 = arith.addf %add3A_1373, %mul3A_1388 : vector<16xf32>
      %get3A_1390 = arith.index_cast %scan3A_1305 : i32 to index
      %get3A_1391 = arith.constant 80 : index
      %get3A_1392 = tpu.vector_load %arg22[%get3A_1390, %get3A_1391] {strides = array<i32>} : memref<128x128xf32, #tpu.memory_space<vmem>>, vector<1x16xf32>,
      %get3A_1393 = vector.shape_cast %get3A_1392 : vector<1x16xf32> to vector<16xf32>
      %get3A_1394 = arith.index_cast %scan3A_1305 : i32 to index
      %get3A_1395 = arith.constant 80 : index
      %get3A_1396 = tpu.vector_load %arg23[%get3A_1394, %get3A_1395] {strides = array<i32>} : memref<128x128xf32, #tpu.memory_space<vmem>>, vector<1x16xf32>,
      %get3A_1397 = vector.shape_cast %get3A_1396 : vector<1x16xf32> to vector<16xf32>
      %mul3A_1398 = arith.mulf %get3A_1393, %get3A_1397 : vector<16xf32>
      %add3A_1399 = arith.addf %add3A_1383, %mul3A_1398 : vector<16xf32>
      %get3A_1400 = arith.index_cast %scan3A_1305 : i32 to index
      %get3A_1401 = arith.constant 80 : index
      %get3A_1402 = tpu.vector_load %arg25[%get3A_1400, %get3A_1401] {strides = array<i32>} : memref<128x128xf32, #tpu.memory_space<vmem>>, vector<1x16xf32>,
      %get3A_1403 = vector.shape_cast %get3A_1402 : vector<1x16xf32> to vector<16xf32>
      %mul3A_1404 = arith.mulf %get3A_1393, %get3A_1403 : vector<16xf32>
      %add3A_1405 = arith.addf %add3A_1389, %mul3A_1404 : vector<16xf32>
      %get3A_1406 = arith.index_cast %scan3A_1305 : i32 to index
      %get3A_1407 = arith.constant 96 : index
      %get3A_1408 = tpu.vector_load %arg22[%get3A_1406, %get3A_1407] {strides = array<i32>} : memref<128x128xf32, #tpu.memory_space<vmem>>, vector<1x16xf32>,
      %get3A_1409 = vector.shape_cast %get3A_1408 : vector<1x16xf32> to vector<16xf32>
      %get3A_1410 = arith.index_cast %scan3A_1305 : i32 to index
      %get3A_1411 = arith.constant 96 : index
      %get3A_1412 = tpu.vector_load %arg23[%get3A_1410, %get3A_1411] {strides = array<i32>} : memref<128x128xf32, #tpu.memory_space<vmem>>, vector<1x16xf32>,
      %get3A_1413 = vector.shape_cast %get3A_1412 : vector<1x16xf32> to vector<16xf32>
      %mul3A_1414 = arith.mulf %get3A_1409, %get3A_1413 : vector<16xf32>
      %add3A_1415 = arith.addf %add3A_1399, %mul3A_1414 : vector<16xf32>
      %get3A_1416 = arith.index_cast %scan3A_1305 : i32 to index
      %get3A_1417 = arith.constant 96 : index
      %get3A_1418 = tpu.vector_load %arg25[%get3A_1416, %get3A_1417] {strides = array<i32>} : memref<128x128xf32, #tpu.memory_space<vmem>>, vector<1x16xf32>,
      %get3A_1419 = vector.shape_cast %get3A_1418 : vector<1x16xf32> to vector<16xf32>
      %mul3A_1420 = arith.mulf %get3A_1409, %get3A_1419 : vector<16xf32>
      %add3A_1421 = arith.addf %add3A_1405, %mul3A_1420 : vector<16xf32>
      %get3A_1422 = arith.index_cast %scan3A_1305 : i32 to index
      %get3A_1423 = arith.constant 112 : index
      %get3A_1424 = tpu.vector_load %arg22[%get3A_1422, %get3A_1423] {strides = array<i32>} : memref<128x128xf32, #tpu.memory_space<vmem>>, vector<1x16xf32>,
      %get3A_1425 = vector.shape_cast %get3A_1424 : vector<1x16xf32> to vector<16xf32>
      %get3A_1426 = arith.index_cast %scan3A_1305 : i32 to index
      %get3A_1427 = arith.constant 112 : index
      %get3A_1428 = tpu.vector_load %arg23[%get3A_1426, %get3A_1427] {strides = array<i32>} : memref<128x128xf32, #tpu.memory_space<vmem>>, vector<1x16xf32>,
      %get3A_1429 = vector.shape_cast %get3A_1428 : vector<1x16xf32> to vector<16xf32>
      %mul3A_1430 = arith.mulf %get3A_1425, %get3A_1429 : vector<16xf32>
      %add3A_1431 = arith.addf %add3A_1415, %mul3A_1430 : vector<16xf32>
      %get3A_1432 = arith.index_cast %scan3A_1305 : i32 to index
      %get3A_1433 = arith.constant 112 : index
      %get3A_1434 = tpu.vector_load %arg25[%get3A_1432, %get3A_1433] {strides = array<i32>} : memref<128x128xf32, #tpu.memory_space<vmem>>, vector<1x16xf32>,
      %get3A_1435 = vector.shape_cast %get3A_1434 : vector<1x16xf32> to vector<16xf32>
      %mul3A_1436 = arith.mulf %get3A_1425, %get3A_1435 : vector<16xf32>
      %add3A_1437 = arith.addf %add3A_1421, %mul3A_1436 : vector<16xf32>
      %swap3A = arith.index_cast %scan3A_1305 : i32 to index
      %swap3A_1438 = arith.constant 0 : index
      %swap3A_1439 = tpu.vector_load %arg26[%swap3A, %swap3A_1438] {strides = array<i32>} : memref<128x16xf32, #tpu.memory_space<vmem>>, vector<1x16xf32>,
      %swap3A_1440 = vector.shape_cast %swap3A_1439 : vector<1x16xf32> to vector<16xf32>
      %swap3A_1441 = vector.shape_cast %add3A_1431 : vector<16xf32> to vector<1x16xf32>
      tpu.vector_store %arg26[%swap3A, %swap3A_1438], %swap3A_1441 {strides = array<i32>} : memref<128x16xf32, #tpu.memory_space<vmem>>, vector<1x16xf32>,
      %swap3A_1442 = arith.index_cast %scan3A_1305 : i32 to index
      %swap3A_1443 = arith.constant 0 : index
      %swap3A_1444 = tpu.vector_load %arg27[%swap3A_1442, %swap3A_1443] {strides = array<i32>} : memref<128x16xf32, #tpu.memory_space<vmem>>, vector<1x16xf32>,
      %swap3A_1445 = vector.shape_cast %swap3A_1444 : vector<1x16xf32> to vector<16xf32>
      %swap3A_1446 = vector.shape_cast %add3A_1437 : vector<16xf32> to vector<1x16xf32>
      tpu.vector_store %arg27[%swap3A_1442, %swap3A_1443], %swap3A_1446 {strides = array<i32>} : memref<128x16xf32, #tpu.memory_space<vmem>>, vector<1x16xf32>,
      %scan3A_1447 = arith.constant 0 : i32
      scf.yield %scan3A_1447 : i32
    }
    %scan3A_830 = arith.constant 128 : i32
    %dma_start3A_831 = arith.constant 0 : i32
    %dma_start3A_832 = arith.constant 0 : i32
    %dma_start3A_833 = tpu.memref_slice %arg6[%dma_start3A_831, %dma_start3A_832] : memref<100000x128xf32, #tpu.memory_space<hbm>> -> memref<100000x128xf32, #tpu.memory_space<hbm>>
    tpu.enqueue_indirect_dma source(%dma_start3A_833 : memref<100000x128xf32, #tpu.memory_space<hbm>>) target(%arg23 : memref<128x128xf32, #tpu.memory_space<vmem>>) offsets(%arg15 : memref<128xi32, #tpu.memory_space<vmem>>) semaphore(%arg32 : memref<!tpu.dma_semaphore, #tpu.memory_space<semaphore_mem>>)
    "tpu.region"() ({
      %run_scoped3A = tpu.sem_alloc : memref<!tpu.dma_semaphore, #tpu.memory_space<semaphore_mem>>
      %dma_start3A_1305 = arith.constant 0 : i32
      %dma_start3A_1306 = tpu.memref_slice %arg7[%add3A_509, %dma_start3A_1305] : memref<16384x16xf32, #tpu.memory_space<hbm>> -> memref<128x16xf32, #tpu.memory_space<hbm>>
      %dma_start3A_1307 = arith.constant 0 : i32
      %dma_start3A_1308 = tpu.memref_slice %arg7[%add3A_509, %dma_start3A_1307] : memref<16384x16xf32, #tpu.memory_space<hbm>> -> memref<128x16xf32, #tpu.memory_space<hbm>>
      tpu.enqueue_dma source(%arg26 : memref<128x16xf32, #tpu.memory_space<vmem>>) target(%dma_start3A_1308 : memref<128x16xf32, #tpu.memory_space<hbm>>) target_semaphore(%run_scoped3A : memref<!tpu.dma_semaphore, #tpu.memory_space<semaphore_mem>>)
      %dma_wait3A_1309 = arith.constant 0 : i32
      %dma_wait3A_1310 = tpu.memref_slice %arg7[%add3A_509, %dma_wait3A_1309] : memref<16384x16xf32, #tpu.memory_space<hbm>> -> memref<128x16xf32, #tpu.memory_space<hbm>>
      %dma_wait3A_1311 = arith.constant 0 : i32
      %dma_wait3A_1312 = tpu.memref_slice %arg7[%add3A_509, %dma_wait3A_1311] : memref<16384x16xf32, #tpu.memory_space<hbm>> -> memref<128x16xf32, #tpu.memory_space<hbm>>
      tpu.wait_dma2 semaphore(%run_scoped3A : memref<!tpu.dma_semaphore, #tpu.memory_space<semaphore_mem>>) src(%arg26 : memref<128x16xf32, #tpu.memory_space<vmem>>) dst(%dma_wait3A_1312 : memref<128x16xf32, #tpu.memory_space<hbm>>)
      tpu.yield
    }) : () -> ()
    "tpu.region"() ({
      %run_scoped3A = tpu.sem_alloc : memref<!tpu.dma_semaphore, #tpu.memory_space<semaphore_mem>>
      %dma_start3A_1305 = arith.constant 0 : i32
      %dma_start3A_1306 = tpu.memref_slice %arg8[%add3A_509, %dma_start3A_1305] : memref<16384x16xf32, #tpu.memory_space<hbm>> -> memref<128x16xf32, #tpu.memory_space<hbm>>
      %dma_start3A_1307 = arith.constant 0 : i32
      %dma_start3A_1308 = tpu.memref_slice %arg8[%add3A_509, %dma_start3A_1307] : memref<16384x16xf32, #tpu.memory_space<hbm>> -> memref<128x16xf32, #tpu.memory_space<hbm>>
      tpu.enqueue_dma source(%arg27 : memref<128x16xf32, #tpu.memory_space<vmem>>) target(%dma_start3A_1308 : memref<128x16xf32, #tpu.memory_space<hbm>>) target_semaphore(%run_scoped3A : memref<!tpu.dma_semaphore, #tpu.memory_space<semaphore_mem>>)
      %dma_wait3A_1309 = arith.constant 0 : i32
      %dma_wait3A_1310 = tpu.memref_slice %arg8[%add3A_509, %dma_wait3A_1309] : memref<16384x16xf32, #tpu.memory_space<hbm>> -> memref<128x16xf32, #tpu.memory_space<hbm>>
      %dma_wait3A_1311 = arith.constant 0 : i32
      %dma_wait3A_1312 = tpu.memref_slice %arg8[%add3A_509, %dma_wait3A_1311] : memref<16384x16xf32, #tpu.memory_space<hbm>> -> memref<128x16xf32, #tpu.memory_space<hbm>>
      tpu.wait_dma2 semaphore(%run_scoped3A : memref<!tpu.dma_semaphore, #tpu.memory_space<semaphore_mem>>) src(%arg27 : memref<128x16xf32, #tpu.memory_space<vmem>>) dst(%dma_wait3A_1312 : memref<128x16xf32, #tpu.memory_space<hbm>>)
      tpu.yield
    }) : () -> ()
    %add3A_834 = arith.constant 256 : i32
    %add3A_835 = arith.addi %mul3A_2, %add3A_834 : i32
    %scan3A_836 = arith.constant 0 : i32
    %scan3A_837 = arith.constant 0 : i32
    %scan3A_838 = arith.constant 128 : i32
    %scan3A_839 = arith.addi %scan3A_837, %scan3A_838 : i32
    %scan3A_840 = arith.constant 1 : i32
    %scan3A_841 = scf.for %scan3A_1305 = %scan3A_837 to %scan3A_839 step %scan3A_840 iter_args(%scan3A_1306 = %scan3A_836) -> (i32)  : i32 {
      %swap3A = arith.index_cast %scan3A_1305 : i32 to index
      %swap3A_1307 = arith.constant 0 : index
      %swap3A_1308 = tpu.vector_load %arg25[%swap3A, %swap3A_1307] {strides = array<i32>} : memref<128x128xf32, #tpu.memory_space<vmem>>, vector<1x16xf32>,
      %swap3A_1309 = vector.shape_cast %swap3A_1308 : vector<1x16xf32> to vector<16xf32>
      %swap3A_1310 = vector.shape_cast %broadcast_in_dim3A_3 : vector<16xf32> to vector<1x16xf32>
      tpu.vector_store %arg25[%swap3A, %swap3A_1307], %swap3A_1310 {strides = array<i32>} : memref<128x128xf32, #tpu.memory_space<vmem>>, vector<1x16xf32>,
      %swap3A_1311 = arith.index_cast %scan3A_1305 : i32 to index
      %swap3A_1312 = arith.constant 16 : index
      %swap3A_1313 = tpu.vector_load %arg25[%swap3A_1311, %swap3A_1312] {strides = array<i32>} : memref<128x128xf32, #tpu.memory_space<vmem>>, vector<1x16xf32>,
      %swap3A_1314 = vector.shape_cast %swap3A_1313 : vector<1x16xf32> to vector<16xf32>
      %swap3A_1315 = vector.shape_cast %broadcast_in_dim3A_3 : vector<16xf32> to vector<1x16xf32>
      tpu.vector_store %arg25[%swap3A_1311, %swap3A_1312], %swap3A_1315 {strides = array<i32>} : memref<128x128xf32, #tpu.memory_space<vmem>>, vector<1x16xf32>,
      %swap3A_1316 = arith.index_cast %scan3A_1305 : i32 to index
      %swap3A_1317 = arith.constant 32 : index
      %swap3A_1318 = tpu.vector_load %arg25[%swap3A_1316, %swap3A_1317] {strides = array<i32>} : memref<128x128xf32, #tpu.memory_space<vmem>>, vector<1x16xf32>,
      %swap3A_1319 = vector.shape_cast %swap3A_1318 : vector<1x16xf32> to vector<16xf32>
      %swap3A_1320 = vector.shape_cast %broadcast_in_dim3A_3 : vector<16xf32> to vector<1x16xf32>
      tpu.vector_store %arg25[%swap3A_1316, %swap3A_1317], %swap3A_1320 {strides = array<i32>} : memref<128x128xf32, #tpu.memory_space<vmem>>, vector<1x16xf32>,
      %swap3A_1321 = arith.index_cast %scan3A_1305 : i32 to index
      %swap3A_1322 = arith.constant 48 : index
      %swap3A_1323 = tpu.vector_load %arg25[%swap3A_1321, %swap3A_1322] {strides = array<i32>} : memref<128x128xf32, #tpu.memory_space<vmem>>, vector<1x16xf32>,
      %swap3A_1324 = vector.shape_cast %swap3A_1323 : vector<1x16xf32> to vector<16xf32>
      %swap3A_1325 = vector.shape_cast %broadcast_in_dim3A_3 : vector<16xf32> to vector<1x16xf32>
      tpu.vector_store %arg25[%swap3A_1321, %swap3A_1322], %swap3A_1325 {strides = array<i32>} : memref<128x128xf32, #tpu.memory_space<vmem>>, vector<1x16xf32>,
      %swap3A_1326 = arith.index_cast %scan3A_1305 : i32 to index
      %swap3A_1327 = arith.constant 64 : index
      %swap3A_1328 = tpu.vector_load %arg25[%swap3A_1326, %swap3A_1327] {strides = array<i32>} : memref<128x128xf32, #tpu.memory_space<vmem>>, vector<1x16xf32>,
      %swap3A_1329 = vector.shape_cast %swap3A_1328 : vector<1x16xf32> to vector<16xf32>
      %swap3A_1330 = vector.shape_cast %broadcast_in_dim3A_3 : vector<16xf32> to vector<1x16xf32>
      tpu.vector_store %arg25[%swap3A_1326, %swap3A_1327], %swap3A_1330 {strides = array<i32>} : memref<128x128xf32, #tpu.memory_space<vmem>>, vector<1x16xf32>,
      %swap3A_1331 = arith.index_cast %scan3A_1305 : i32 to index
      %swap3A_1332 = arith.constant 80 : index
      %swap3A_1333 = tpu.vector_load %arg25[%swap3A_1331, %swap3A_1332] {strides = array<i32>} : memref<128x128xf32, #tpu.memory_space<vmem>>, vector<1x16xf32>,
      %swap3A_1334 = vector.shape_cast %swap3A_1333 : vector<1x16xf32> to vector<16xf32>
      %swap3A_1335 = vector.shape_cast %broadcast_in_dim3A_3 : vector<16xf32> to vector<1x16xf32>
      tpu.vector_store %arg25[%swap3A_1331, %swap3A_1332], %swap3A_1335 {strides = array<i32>} : memref<128x128xf32, #tpu.memory_space<vmem>>, vector<1x16xf32>,
      %swap3A_1336 = arith.index_cast %scan3A_1305 : i32 to index
      %swap3A_1337 = arith.constant 96 : index
      %swap3A_1338 = tpu.vector_load %arg25[%swap3A_1336, %swap3A_1337] {strides = array<i32>} : memref<128x128xf32, #tpu.memory_space<vmem>>, vector<1x16xf32>,
      %swap3A_1339 = vector.shape_cast %swap3A_1338 : vector<1x16xf32> to vector<16xf32>
      %swap3A_1340 = vector.shape_cast %broadcast_in_dim3A_3 : vector<16xf32> to vector<1x16xf32>
      tpu.vector_store %arg25[%swap3A_1336, %swap3A_1337], %swap3A_1340 {strides = array<i32>} : memref<128x128xf32, #tpu.memory_space<vmem>>, vector<1x16xf32>,
      %swap3A_1341 = arith.index_cast %scan3A_1305 : i32 to index
      %swap3A_1342 = arith.constant 112 : index
      %swap3A_1343 = tpu.vector_load %arg25[%swap3A_1341, %swap3A_1342] {strides = array<i32>} : memref<128x128xf32, #tpu.memory_space<vmem>>, vector<1x16xf32>,
      %swap3A_1344 = vector.shape_cast %swap3A_1343 : vector<1x16xf32> to vector<16xf32>
      %swap3A_1345 = vector.shape_cast %broadcast_in_dim3A_3 : vector<16xf32> to vector<1x16xf32>
      tpu.vector_store %arg25[%swap3A_1341, %swap3A_1342], %swap3A_1345 {strides = array<i32>} : memref<128x128xf32, #tpu.memory_space<vmem>>, vector<1x16xf32>,
      %scan3A_1346 = arith.constant 0 : i32
      scf.yield %scan3A_1346 : i32
    }
    %scan3A_842 = arith.constant 128 : i32
    %dma_wait3A_843 = tpu.memref_slice %arg2[%add3A_511] : memref<16384xi32, #tpu.memory_space<hbm>> -> memref<128xi32, #tpu.memory_space<hbm>>
    %dma_wait3A_844 = tpu.memref_slice %arg2[%add3A_511] : memref<16384xi32, #tpu.memory_space<hbm>> -> memref<128xi32, #tpu.memory_space<hbm>>
    tpu.wait_dma2 semaphore(%arg29 : memref<!tpu.dma_semaphore, #tpu.memory_space<semaphore_mem>>) src(%dma_wait3A_844 : memref<128xi32, #tpu.memory_space<hbm>>) dst(%arg12 : memref<128xi32, #tpu.memory_space<vmem>>)
    %dma_wait3A_845 = tpu.memref_slice %arg3[%add3A_511] : memref<16384xi32, #tpu.memory_space<hbm>> -> memref<128xi32, #tpu.memory_space<hbm>>
    %dma_wait3A_846 = tpu.memref_slice %arg3[%add3A_511] : memref<16384xi32, #tpu.memory_space<hbm>> -> memref<128xi32, #tpu.memory_space<hbm>>
    tpu.wait_dma2 semaphore(%arg29 : memref<!tpu.dma_semaphore, #tpu.memory_space<semaphore_mem>>) src(%dma_wait3A_846 : memref<128xi32, #tpu.memory_space<hbm>>) dst(%arg16 : memref<128xi32, #tpu.memory_space<vmem>>)
    %dma_wait3A_847 = arith.constant 0 : i32
    %dma_wait3A_848 = tpu.memref_slice %arg4[%dma_wait3A_847, %add3A_511] : memref<20x16384xi32, #tpu.memory_space<hbm>> -> memref<20x128xi32, #tpu.memory_space<hbm>>
    %dma_wait3A_849 = arith.constant 0 : i32
    %dma_wait3A_850 = tpu.memref_slice %arg4[%dma_wait3A_849, %add3A_511] : memref<20x16384xi32, #tpu.memory_space<hbm>> -> memref<20x128xi32, #tpu.memory_space<hbm>>
    tpu.wait_dma2 semaphore(%arg29 : memref<!tpu.dma_semaphore, #tpu.memory_space<semaphore_mem>>) src(%dma_wait3A_850 : memref<20x128xi32, #tpu.memory_space<hbm>>) dst(%arg20 : memref<20x128xi32, #tpu.memory_space<vmem>>)
    %dma_start3A_851 = arith.constant 0 : i32
    %dma_start3A_852 = arith.constant 0 : i32
    %dma_start3A_853 = tpu.memref_slice %arg5[%dma_start3A_851, %dma_start3A_852] : memref<100000x128xf32, #tpu.memory_space<hbm>> -> memref<100000x128xf32, #tpu.memory_space<hbm>>
    tpu.enqueue_indirect_dma source(%dma_start3A_853 : memref<100000x128xf32, #tpu.memory_space<hbm>>) target(%arg22 : memref<128x128xf32, #tpu.memory_space<vmem>>) offsets(%arg12 : memref<128xi32, #tpu.memory_space<vmem>>) semaphore(%arg31 : memref<!tpu.dma_semaphore, #tpu.memory_space<semaphore_mem>>)
    %dma_start3A_854 = arith.constant 0 : i32
    %dma_start3A_855 = arith.constant 0 : i32
    %dma_start3A_856 = tpu.memref_slice %arg20[%dma_start3A_854, %dma_start3A_855] : memref<20x128xi32, #tpu.memory_space<vmem>> -> memref<1x128xi32, #tpu.memory_space<vmem>>
    %dma_start3A_857 = tpu.memref_squeeze %dma_start3A_856 : memref<1x128xi32, #tpu.memory_space<vmem>> -> memref<128xi32, #tpu.memory_space<vmem>>
    %dma_start3A_858 = arith.constant 0 : i32
    %dma_start3A_859 = arith.constant 0 : i32
    %dma_start3A_860 = tpu.memref_slice %arg6[%dma_start3A_858, %dma_start3A_859] : memref<100000x128xf32, #tpu.memory_space<hbm>> -> memref<100000x128xf32, #tpu.memory_space<hbm>>
    tpu.enqueue_indirect_dma source(%dma_start3A_860 : memref<100000x128xf32, #tpu.memory_space<hbm>>) target(%arg25 : memref<128x128xf32, #tpu.memory_space<vmem>>) offsets(%dma_start3A_857 : memref<128xi32, #tpu.memory_space<vmem>>) semaphore(%arg31 : memref<!tpu.dma_semaphore, #tpu.memory_space<semaphore_mem>>) {add = true}
    %dma_start3A_861 = arith.constant 1 : i32
    %dma_start3A_862 = arith.constant 0 : i32
    %dma_start3A_863 = tpu.memref_slice %arg20[%dma_start3A_861, %dma_start3A_862] : memref<20x128xi32, #tpu.memory_space<vmem>> -> memref<1x128xi32, #tpu.memory_space<vmem>>
    %dma_start3A_864 = tpu.memref_squeeze %dma_start3A_863 : memref<1x128xi32, #tpu.memory_space<vmem>> -> memref<128xi32, #tpu.memory_space<vmem>>
    %dma_start3A_865 = arith.constant 0 : i32
    %dma_start3A_866 = arith.constant 0 : i32
    %dma_start3A_867 = tpu.memref_slice %arg6[%dma_start3A_865, %dma_start3A_866] : memref<100000x128xf32, #tpu.memory_space<hbm>> -> memref<100000x128xf32, #tpu.memory_space<hbm>>
    tpu.enqueue_indirect_dma source(%dma_start3A_867 : memref<100000x128xf32, #tpu.memory_space<hbm>>) target(%arg25 : memref<128x128xf32, #tpu.memory_space<vmem>>) offsets(%dma_start3A_864 : memref<128xi32, #tpu.memory_space<vmem>>) semaphore(%arg31 : memref<!tpu.dma_semaphore, #tpu.memory_space<semaphore_mem>>) {add = true}
    %dma_start3A_868 = arith.constant 2 : i32
    %dma_start3A_869 = arith.constant 0 : i32
    %dma_start3A_870 = tpu.memref_slice %arg20[%dma_start3A_868, %dma_start3A_869] : memref<20x128xi32, #tpu.memory_space<vmem>> -> memref<1x128xi32, #tpu.memory_space<vmem>>
    %dma_start3A_871 = tpu.memref_squeeze %dma_start3A_870 : memref<1x128xi32, #tpu.memory_space<vmem>> -> memref<128xi32, #tpu.memory_space<vmem>>
    %dma_start3A_872 = arith.constant 0 : i32
    %dma_start3A_873 = arith.constant 0 : i32
    %dma_start3A_874 = tpu.memref_slice %arg6[%dma_start3A_872, %dma_start3A_873] : memref<100000x128xf32, #tpu.memory_space<hbm>> -> memref<100000x128xf32, #tpu.memory_space<hbm>>
    tpu.enqueue_indirect_dma source(%dma_start3A_874 : memref<100000x128xf32, #tpu.memory_space<hbm>>) target(%arg25 : memref<128x128xf32, #tpu.memory_space<vmem>>) offsets(%dma_start3A_871 : memref<128xi32, #tpu.memory_space<vmem>>) semaphore(%arg31 : memref<!tpu.dma_semaphore, #tpu.memory_space<semaphore_mem>>) {add = true}
    %dma_start3A_875 = arith.constant 3 : i32
    %dma_start3A_876 = arith.constant 0 : i32
    %dma_start3A_877 = tpu.memref_slice %arg20[%dma_start3A_875, %dma_start3A_876] : memref<20x128xi32, #tpu.memory_space<vmem>> -> memref<1x128xi32, #tpu.memory_space<vmem>>
    %dma_start3A_878 = tpu.memref_squeeze %dma_start3A_877 : memref<1x128xi32, #tpu.memory_space<vmem>> -> memref<128xi32, #tpu.memory_space<vmem>>
    %dma_start3A_879 = arith.constant 0 : i32
    %dma_start3A_880 = arith.constant 0 : i32
    %dma_start3A_881 = tpu.memref_slice %arg6[%dma_start3A_879, %dma_start3A_880] : memref<100000x128xf32, #tpu.memory_space<hbm>> -> memref<100000x128xf32, #tpu.memory_space<hbm>>
    tpu.enqueue_indirect_dma source(%dma_start3A_881 : memref<100000x128xf32, #tpu.memory_space<hbm>>) target(%arg25 : memref<128x128xf32, #tpu.memory_space<vmem>>) offsets(%dma_start3A_878 : memref<128xi32, #tpu.memory_space<vmem>>) semaphore(%arg31 : memref<!tpu.dma_semaphore, #tpu.memory_space<semaphore_mem>>) {add = true}
    %dma_start3A_882 = arith.constant 4 : i32
    %dma_start3A_883 = arith.constant 0 : i32
    %dma_start3A_884 = tpu.memref_slice %arg20[%dma_start3A_882, %dma_start3A_883] : memref<20x128xi32, #tpu.memory_space<vmem>> -> memref<1x128xi32, #tpu.memory_space<vmem>>
    %dma_start3A_885 = tpu.memref_squeeze %dma_start3A_884 : memref<1x128xi32, #tpu.memory_space<vmem>> -> memref<128xi32, #tpu.memory_space<vmem>>
    %dma_start3A_886 = arith.constant 0 : i32
    %dma_start3A_887 = arith.constant 0 : i32
    %dma_start3A_888 = tpu.memref_slice %arg6[%dma_start3A_886, %dma_start3A_887] : memref<100000x128xf32, #tpu.memory_space<hbm>> -> memref<100000x128xf32, #tpu.memory_space<hbm>>
    tpu.enqueue_indirect_dma source(%dma_start3A_888 : memref<100000x128xf32, #tpu.memory_space<hbm>>) target(%arg25 : memref<128x128xf32, #tpu.memory_space<vmem>>) offsets(%dma_start3A_885 : memref<128xi32, #tpu.memory_space<vmem>>) semaphore(%arg31 : memref<!tpu.dma_semaphore, #tpu.memory_space<semaphore_mem>>) {add = true}
    %dma_start3A_889 = arith.constant 5 : i32
    %dma_start3A_890 = arith.constant 0 : i32
    %dma_start3A_891 = tpu.memref_slice %arg20[%dma_start3A_889, %dma_start3A_890] : memref<20x128xi32, #tpu.memory_space<vmem>> -> memref<1x128xi32, #tpu.memory_space<vmem>>
    %dma_start3A_892 = tpu.memref_squeeze %dma_start3A_891 : memref<1x128xi32, #tpu.memory_space<vmem>> -> memref<128xi32, #tpu.memory_space<vmem>>
    %dma_start3A_893 = arith.constant 0 : i32
    %dma_start3A_894 = arith.constant 0 : i32
    %dma_start3A_895 = tpu.memref_slice %arg6[%dma_start3A_893, %dma_start3A_894] : memref<100000x128xf32, #tpu.memory_space<hbm>> -> memref<100000x128xf32, #tpu.memory_space<hbm>>
    tpu.enqueue_indirect_dma source(%dma_start3A_895 : memref<100000x128xf32, #tpu.memory_space<hbm>>) target(%arg25 : memref<128x128xf32, #tpu.memory_space<vmem>>) offsets(%dma_start3A_892 : memref<128xi32, #tpu.memory_space<vmem>>) semaphore(%arg31 : memref<!tpu.dma_semaphore, #tpu.memory_space<semaphore_mem>>) {add = true}
    %dma_start3A_896 = arith.constant 6 : i32
    %dma_start3A_897 = arith.constant 0 : i32
    %dma_start3A_898 = tpu.memref_slice %arg20[%dma_start3A_896, %dma_start3A_897] : memref<20x128xi32, #tpu.memory_space<vmem>> -> memref<1x128xi32, #tpu.memory_space<vmem>>
    %dma_start3A_899 = tpu.memref_squeeze %dma_start3A_898 : memref<1x128xi32, #tpu.memory_space<vmem>> -> memref<128xi32, #tpu.memory_space<vmem>>
    %dma_start3A_900 = arith.constant 0 : i32
    %dma_start3A_901 = arith.constant 0 : i32
    %dma_start3A_902 = tpu.memref_slice %arg6[%dma_start3A_900, %dma_start3A_901] : memref<100000x128xf32, #tpu.memory_space<hbm>> -> memref<100000x128xf32, #tpu.memory_space<hbm>>
    tpu.enqueue_indirect_dma source(%dma_start3A_902 : memref<100000x128xf32, #tpu.memory_space<hbm>>) target(%arg25 : memref<128x128xf32, #tpu.memory_space<vmem>>) offsets(%dma_start3A_899 : memref<128xi32, #tpu.memory_space<vmem>>) semaphore(%arg31 : memref<!tpu.dma_semaphore, #tpu.memory_space<semaphore_mem>>) {add = true}
    %dma_start3A_903 = arith.constant 7 : i32
    %dma_start3A_904 = arith.constant 0 : i32
    %dma_start3A_905 = tpu.memref_slice %arg20[%dma_start3A_903, %dma_start3A_904] : memref<20x128xi32, #tpu.memory_space<vmem>> -> memref<1x128xi32, #tpu.memory_space<vmem>>
    %dma_start3A_906 = tpu.memref_squeeze %dma_start3A_905 : memref<1x128xi32, #tpu.memory_space<vmem>> -> memref<128xi32, #tpu.memory_space<vmem>>
    %dma_start3A_907 = arith.constant 0 : i32
    %dma_start3A_908 = arith.constant 0 : i32
    %dma_start3A_909 = tpu.memref_slice %arg6[%dma_start3A_907, %dma_start3A_908] : memref<100000x128xf32, #tpu.memory_space<hbm>> -> memref<100000x128xf32, #tpu.memory_space<hbm>>
    tpu.enqueue_indirect_dma source(%dma_start3A_909 : memref<100000x128xf32, #tpu.memory_space<hbm>>) target(%arg25 : memref<128x128xf32, #tpu.memory_space<vmem>>) offsets(%dma_start3A_906 : memref<128xi32, #tpu.memory_space<vmem>>) semaphore(%arg31 : memref<!tpu.dma_semaphore, #tpu.memory_space<semaphore_mem>>) {add = true}
    %dma_start3A_910 = arith.constant 8 : i32
    %dma_start3A_911 = arith.constant 0 : i32
    %dma_start3A_912 = tpu.memref_slice %arg20[%dma_start3A_910, %dma_start3A_911] : memref<20x128xi32, #tpu.memory_space<vmem>> -> memref<1x128xi32, #tpu.memory_space<vmem>>
    %dma_start3A_913 = tpu.memref_squeeze %dma_start3A_912 : memref<1x128xi32, #tpu.memory_space<vmem>> -> memref<128xi32, #tpu.memory_space<vmem>>
    %dma_start3A_914 = arith.constant 0 : i32
    %dma_start3A_915 = arith.constant 0 : i32
    %dma_start3A_916 = tpu.memref_slice %arg6[%dma_start3A_914, %dma_start3A_915] : memref<100000x128xf32, #tpu.memory_space<hbm>> -> memref<100000x128xf32, #tpu.memory_space<hbm>>
    tpu.enqueue_indirect_dma source(%dma_start3A_916 : memref<100000x128xf32, #tpu.memory_space<hbm>>) target(%arg25 : memref<128x128xf32, #tpu.memory_space<vmem>>) offsets(%dma_start3A_913 : memref<128xi32, #tpu.memory_space<vmem>>) semaphore(%arg31 : memref<!tpu.dma_semaphore, #tpu.memory_space<semaphore_mem>>) {add = true}
    %dma_start3A_917 = arith.constant 9 : i32
    %dma_start3A_918 = arith.constant 0 : i32
    %dma_start3A_919 = tpu.memref_slice %arg20[%dma_start3A_917, %dma_start3A_918] : memref<20x128xi32, #tpu.memory_space<vmem>> -> memref<1x128xi32, #tpu.memory_space<vmem>>
    %dma_start3A_920 = tpu.memref_squeeze %dma_start3A_919 : memref<1x128xi32, #tpu.memory_space<vmem>> -> memref<128xi32, #tpu.memory_space<vmem>>
    %dma_start3A_921 = arith.constant 0 : i32
    %dma_start3A_922 = arith.constant 0 : i32
    %dma_start3A_923 = tpu.memref_slice %arg6[%dma_start3A_921, %dma_start3A_922] : memref<100000x128xf32, #tpu.memory_space<hbm>> -> memref<100000x128xf32, #tpu.memory_space<hbm>>
    tpu.enqueue_indirect_dma source(%dma_start3A_923 : memref<100000x128xf32, #tpu.memory_space<hbm>>) target(%arg25 : memref<128x128xf32, #tpu.memory_space<vmem>>) offsets(%dma_start3A_920 : memref<128xi32, #tpu.memory_space<vmem>>) semaphore(%arg31 : memref<!tpu.dma_semaphore, #tpu.memory_space<semaphore_mem>>) {add = true}
    %dma_start3A_924 = arith.constant 10 : i32
    %dma_start3A_925 = arith.constant 0 : i32
    %dma_start3A_926 = tpu.memref_slice %arg20[%dma_start3A_924, %dma_start3A_925] : memref<20x128xi32, #tpu.memory_space<vmem>> -> memref<1x128xi32, #tpu.memory_space<vmem>>
    %dma_start3A_927 = tpu.memref_squeeze %dma_start3A_926 : memref<1x128xi32, #tpu.memory_space<vmem>> -> memref<128xi32, #tpu.memory_space<vmem>>
    %dma_start3A_928 = arith.constant 0 : i32
    %dma_start3A_929 = arith.constant 0 : i32
    %dma_start3A_930 = tpu.memref_slice %arg6[%dma_start3A_928, %dma_start3A_929] : memref<100000x128xf32, #tpu.memory_space<hbm>> -> memref<100000x128xf32, #tpu.memory_space<hbm>>
    tpu.enqueue_indirect_dma source(%dma_start3A_930 : memref<100000x128xf32, #tpu.memory_space<hbm>>) target(%arg25 : memref<128x128xf32, #tpu.memory_space<vmem>>) offsets(%dma_start3A_927 : memref<128xi32, #tpu.memory_space<vmem>>) semaphore(%arg31 : memref<!tpu.dma_semaphore, #tpu.memory_space<semaphore_mem>>) {add = true}
    %dma_start3A_931 = arith.constant 11 : i32
    %dma_start3A_932 = arith.constant 0 : i32
    %dma_start3A_933 = tpu.memref_slice %arg20[%dma_start3A_931, %dma_start3A_932] : memref<20x128xi32, #tpu.memory_space<vmem>> -> memref<1x128xi32, #tpu.memory_space<vmem>>
    %dma_start3A_934 = tpu.memref_squeeze %dma_start3A_933 : memref<1x128xi32, #tpu.memory_space<vmem>> -> memref<128xi32, #tpu.memory_space<vmem>>
    %dma_start3A_935 = arith.constant 0 : i32
    %dma_start3A_936 = arith.constant 0 : i32
    %dma_start3A_937 = tpu.memref_slice %arg6[%dma_start3A_935, %dma_start3A_936] : memref<100000x128xf32, #tpu.memory_space<hbm>> -> memref<100000x128xf32, #tpu.memory_space<hbm>>
    tpu.enqueue_indirect_dma source(%dma_start3A_937 : memref<100000x128xf32, #tpu.memory_space<hbm>>) target(%arg25 : memref<128x128xf32, #tpu.memory_space<vmem>>) offsets(%dma_start3A_934 : memref<128xi32, #tpu.memory_space<vmem>>) semaphore(%arg31 : memref<!tpu.dma_semaphore, #tpu.memory_space<semaphore_mem>>) {add = true}
    %dma_start3A_938 = arith.constant 12 : i32
    %dma_start3A_939 = arith.constant 0 : i32
    %dma_start3A_940 = tpu.memref_slice %arg20[%dma_start3A_938, %dma_start3A_939] : memref<20x128xi32, #tpu.memory_space<vmem>> -> memref<1x128xi32, #tpu.memory_space<vmem>>
    %dma_start3A_941 = tpu.memref_squeeze %dma_start3A_940 : memref<1x128xi32, #tpu.memory_space<vmem>> -> memref<128xi32, #tpu.memory_space<vmem>>
    %dma_start3A_942 = arith.constant 0 : i32
    %dma_start3A_943 = arith.constant 0 : i32
    %dma_start3A_944 = tpu.memref_slice %arg6[%dma_start3A_942, %dma_start3A_943] : memref<100000x128xf32, #tpu.memory_space<hbm>> -> memref<100000x128xf32, #tpu.memory_space<hbm>>
    tpu.enqueue_indirect_dma source(%dma_start3A_944 : memref<100000x128xf32, #tpu.memory_space<hbm>>) target(%arg25 : memref<128x128xf32, #tpu.memory_space<vmem>>) offsets(%dma_start3A_941 : memref<128xi32, #tpu.memory_space<vmem>>) semaphore(%arg31 : memref<!tpu.dma_semaphore, #tpu.memory_space<semaphore_mem>>) {add = true}
    %dma_start3A_945 = arith.constant 13 : i32
    %dma_start3A_946 = arith.constant 0 : i32
    %dma_start3A_947 = tpu.memref_slice %arg20[%dma_start3A_945, %dma_start3A_946] : memref<20x128xi32, #tpu.memory_space<vmem>> -> memref<1x128xi32, #tpu.memory_space<vmem>>
    %dma_start3A_948 = tpu.memref_squeeze %dma_start3A_947 : memref<1x128xi32, #tpu.memory_space<vmem>> -> memref<128xi32, #tpu.memory_space<vmem>>
    %dma_start3A_949 = arith.constant 0 : i32
    %dma_start3A_950 = arith.constant 0 : i32
    %dma_start3A_951 = tpu.memref_slice %arg6[%dma_start3A_949, %dma_start3A_950] : memref<100000x128xf32, #tpu.memory_space<hbm>> -> memref<100000x128xf32, #tpu.memory_space<hbm>>
    tpu.enqueue_indirect_dma source(%dma_start3A_951 : memref<100000x128xf32, #tpu.memory_space<hbm>>) target(%arg25 : memref<128x128xf32, #tpu.memory_space<vmem>>) offsets(%dma_start3A_948 : memref<128xi32, #tpu.memory_space<vmem>>) semaphore(%arg31 : memref<!tpu.dma_semaphore, #tpu.memory_space<semaphore_mem>>) {add = true}
    %dma_start3A_952 = arith.constant 14 : i32
    %dma_start3A_953 = arith.constant 0 : i32
    %dma_start3A_954 = tpu.memref_slice %arg20[%dma_start3A_952, %dma_start3A_953] : memref<20x128xi32, #tpu.memory_space<vmem>> -> memref<1x128xi32, #tpu.memory_space<vmem>>
    %dma_start3A_955 = tpu.memref_squeeze %dma_start3A_954 : memref<1x128xi32, #tpu.memory_space<vmem>> -> memref<128xi32, #tpu.memory_space<vmem>>
    %dma_start3A_956 = arith.constant 0 : i32
    %dma_start3A_957 = arith.constant 0 : i32
    %dma_start3A_958 = tpu.memref_slice %arg6[%dma_start3A_956, %dma_start3A_957] : memref<100000x128xf32, #tpu.memory_space<hbm>> -> memref<100000x128xf32, #tpu.memory_space<hbm>>
    tpu.enqueue_indirect_dma source(%dma_start3A_958 : memref<100000x128xf32, #tpu.memory_space<hbm>>) target(%arg25 : memref<128x128xf32, #tpu.memory_space<vmem>>) offsets(%dma_start3A_955 : memref<128xi32, #tpu.memory_space<vmem>>) semaphore(%arg31 : memref<!tpu.dma_semaphore, #tpu.memory_space<semaphore_mem>>) {add = true}
    %dma_start3A_959 = arith.constant 15 : i32
    %dma_start3A_960 = arith.constant 0 : i32
    %dma_start3A_961 = tpu.memref_slice %arg20[%dma_start3A_959, %dma_start3A_960] : memref<20x128xi32, #tpu.memory_space<vmem>> -> memref<1x128xi32, #tpu.memory_space<vmem>>
    %dma_start3A_962 = tpu.memref_squeeze %dma_start3A_961 : memref<1x128xi32, #tpu.memory_space<vmem>> -> memref<128xi32, #tpu.memory_space<vmem>>
    %dma_start3A_963 = arith.constant 0 : i32
    %dma_start3A_964 = arith.constant 0 : i32
    %dma_start3A_965 = tpu.memref_slice %arg6[%dma_start3A_963, %dma_start3A_964] : memref<100000x128xf32, #tpu.memory_space<hbm>> -> memref<100000x128xf32, #tpu.memory_space<hbm>>
    tpu.enqueue_indirect_dma source(%dma_start3A_965 : memref<100000x128xf32, #tpu.memory_space<hbm>>) target(%arg25 : memref<128x128xf32, #tpu.memory_space<vmem>>) offsets(%dma_start3A_962 : memref<128xi32, #tpu.memory_space<vmem>>) semaphore(%arg31 : memref<!tpu.dma_semaphore, #tpu.memory_space<semaphore_mem>>) {add = true}
    %dma_start3A_966 = arith.constant 16 : i32
    %dma_start3A_967 = arith.constant 0 : i32
    %dma_start3A_968 = tpu.memref_slice %arg20[%dma_start3A_966, %dma_start3A_967] : memref<20x128xi32, #tpu.memory_space<vmem>> -> memref<1x128xi32, #tpu.memory_space<vmem>>
    %dma_start3A_969 = tpu.memref_squeeze %dma_start3A_968 : memref<1x128xi32, #tpu.memory_space<vmem>> -> memref<128xi32, #tpu.memory_space<vmem>>
    %dma_start3A_970 = arith.constant 0 : i32
    %dma_start3A_971 = arith.constant 0 : i32
    %dma_start3A_972 = tpu.memref_slice %arg6[%dma_start3A_970, %dma_start3A_971] : memref<100000x128xf32, #tpu.memory_space<hbm>> -> memref<100000x128xf32, #tpu.memory_space<hbm>>
    tpu.enqueue_indirect_dma source(%dma_start3A_972 : memref<100000x128xf32, #tpu.memory_space<hbm>>) target(%arg25 : memref<128x128xf32, #tpu.memory_space<vmem>>) offsets(%dma_start3A_969 : memref<128xi32, #tpu.memory_space<vmem>>) semaphore(%arg31 : memref<!tpu.dma_semaphore, #tpu.memory_space<semaphore_mem>>) {add = true}
    %dma_start3A_973 = arith.constant 17 : i32
    %dma_start3A_974 = arith.constant 0 : i32
    %dma_start3A_975 = tpu.memref_slice %arg20[%dma_start3A_973, %dma_start3A_974] : memref<20x128xi32, #tpu.memory_space<vmem>> -> memref<1x128xi32, #tpu.memory_space<vmem>>
    %dma_start3A_976 = tpu.memref_squeeze %dma_start3A_975 : memref<1x128xi32, #tpu.memory_space<vmem>> -> memref<128xi32, #tpu.memory_space<vmem>>
    %dma_start3A_977 = arith.constant 0 : i32
    %dma_start3A_978 = arith.constant 0 : i32
    %dma_start3A_979 = tpu.memref_slice %arg6[%dma_start3A_977, %dma_start3A_978] : memref<100000x128xf32, #tpu.memory_space<hbm>> -> memref<100000x128xf32, #tpu.memory_space<hbm>>
    tpu.enqueue_indirect_dma source(%dma_start3A_979 : memref<100000x128xf32, #tpu.memory_space<hbm>>) target(%arg25 : memref<128x128xf32, #tpu.memory_space<vmem>>) offsets(%dma_start3A_976 : memref<128xi32, #tpu.memory_space<vmem>>) semaphore(%arg31 : memref<!tpu.dma_semaphore, #tpu.memory_space<semaphore_mem>>) {add = true}
    %dma_start3A_980 = arith.constant 18 : i32
    %dma_start3A_981 = arith.constant 0 : i32
    %dma_start3A_982 = tpu.memref_slice %arg20[%dma_start3A_980, %dma_start3A_981] : memref<20x128xi32, #tpu.memory_space<vmem>> -> memref<1x128xi32, #tpu.memory_space<vmem>>
    %dma_start3A_983 = tpu.memref_squeeze %dma_start3A_982 : memref<1x128xi32, #tpu.memory_space<vmem>> -> memref<128xi32, #tpu.memory_space<vmem>>
    %dma_start3A_984 = arith.constant 0 : i32
    %dma_start3A_985 = arith.constant 0 : i32
    %dma_start3A_986 = tpu.memref_slice %arg6[%dma_start3A_984, %dma_start3A_985] : memref<100000x128xf32, #tpu.memory_space<hbm>> -> memref<100000x128xf32, #tpu.memory_space<hbm>>
    tpu.enqueue_indirect_dma source(%dma_start3A_986 : memref<100000x128xf32, #tpu.memory_space<hbm>>) target(%arg25 : memref<128x128xf32, #tpu.memory_space<vmem>>) offsets(%dma_start3A_983 : memref<128xi32, #tpu.memory_space<vmem>>) semaphore(%arg31 : memref<!tpu.dma_semaphore, #tpu.memory_space<semaphore_mem>>) {add = true}
    %dma_start3A_987 = arith.constant 19 : i32
    %dma_start3A_988 = arith.constant 0 : i32
    %dma_start3A_989 = tpu.memref_slice %arg20[%dma_start3A_987, %dma_start3A_988] : memref<20x128xi32, #tpu.memory_space<vmem>> -> memref<1x128xi32, #tpu.memory_space<vmem>>
    %dma_start3A_990 = tpu.memref_squeeze %dma_start3A_989 : memref<1x128xi32, #tpu.memory_space<vmem>> -> memref<128xi32, #tpu.memory_space<vmem>>
    %dma_start3A_991 = arith.constant 0 : i32
    %dma_start3A_992 = arith.constant 0 : i32
    %dma_start3A_993 = tpu.memref_slice %arg6[%dma_start3A_991, %dma_start3A_992] : memref<100000x128xf32, #tpu.memory_space<hbm>> -> memref<100000x128xf32, #tpu.memory_space<hbm>>
    tpu.enqueue_indirect_dma source(%dma_start3A_993 : memref<100000x128xf32, #tpu.memory_space<hbm>>) target(%arg25 : memref<128x128xf32, #tpu.memory_space<vmem>>) offsets(%dma_start3A_990 : memref<128xi32, #tpu.memory_space<vmem>>) semaphore(%arg31 : memref<!tpu.dma_semaphore, #tpu.memory_space<semaphore_mem>>) {add = true}
    %dma_wait3A_994 = arith.constant 0 : i32
    %dma_wait3A_995 = arith.constant 0 : i32
    %dma_wait3A_996 = tpu.memref_slice %arg5[%dma_wait3A_994, %dma_wait3A_995] : memref<100000x128xf32, #tpu.memory_space<hbm>> -> memref<100000x128xf32, #tpu.memory_space<hbm>>
    tpu.wait_indirect_dma semaphore(%arg30 : memref<!tpu.dma_semaphore, #tpu.memory_space<semaphore_mem>>) src(%dma_wait3A_996 : memref<100000x128xf32, #tpu.memory_space<hbm>>) dst(%arg21 : memref<128x128xf32, #tpu.memory_space<vmem>>)
    %dma_wait3A_997 = arith.constant 0 : i32
    %dma_wait3A_998 = arith.constant 0 : i32
    %dma_wait3A_999 = tpu.memref_slice %arg19[%dma_wait3A_997, %dma_wait3A_998] : memref<20x128xi32, #tpu.memory_space<vmem>> -> memref<1x128xi32, #tpu.memory_space<vmem>>
    %dma_wait3A_1000 = tpu.memref_squeeze %dma_wait3A_999 : memref<1x128xi32, #tpu.memory_space<vmem>> -> memref<128xi32, #tpu.memory_space<vmem>>
    %dma_wait3A_1001 = arith.constant 0 : i32
    %dma_wait3A_1002 = arith.constant 0 : i32
    %dma_wait3A_1003 = tpu.memref_slice %arg6[%dma_wait3A_1001, %dma_wait3A_1002] : memref<100000x128xf32, #tpu.memory_space<hbm>> -> memref<100000x128xf32, #tpu.memory_space<hbm>>
    tpu.wait_indirect_dma semaphore(%arg30 : memref<!tpu.dma_semaphore, #tpu.memory_space<semaphore_mem>>) src(%dma_wait3A_1003 : memref<100000x128xf32, #tpu.memory_space<hbm>>) dst(%arg24 : memref<128x128xf32, #tpu.memory_space<vmem>>)
    %dma_wait3A_1004 = arith.constant 1 : i32
    %dma_wait3A_1005 = arith.constant 0 : i32
    %dma_wait3A_1006 = tpu.memref_slice %arg19[%dma_wait3A_1004, %dma_wait3A_1005] : memref<20x128xi32, #tpu.memory_space<vmem>> -> memref<1x128xi32, #tpu.memory_space<vmem>>
    %dma_wait3A_1007 = tpu.memref_squeeze %dma_wait3A_1006 : memref<1x128xi32, #tpu.memory_space<vmem>> -> memref<128xi32, #tpu.memory_space<vmem>>
    %dma_wait3A_1008 = arith.constant 0 : i32
    %dma_wait3A_1009 = arith.constant 0 : i32
    %dma_wait3A_1010 = tpu.memref_slice %arg6[%dma_wait3A_1008, %dma_wait3A_1009] : memref<100000x128xf32, #tpu.memory_space<hbm>> -> memref<100000x128xf32, #tpu.memory_space<hbm>>
    tpu.wait_indirect_dma semaphore(%arg30 : memref<!tpu.dma_semaphore, #tpu.memory_space<semaphore_mem>>) src(%dma_wait3A_1010 : memref<100000x128xf32, #tpu.memory_space<hbm>>) dst(%arg24 : memref<128x128xf32, #tpu.memory_space<vmem>>)
    %dma_wait3A_1011 = arith.constant 2 : i32
    %dma_wait3A_1012 = arith.constant 0 : i32
    %dma_wait3A_1013 = tpu.memref_slice %arg19[%dma_wait3A_1011, %dma_wait3A_1012] : memref<20x128xi32, #tpu.memory_space<vmem>> -> memref<1x128xi32, #tpu.memory_space<vmem>>
    %dma_wait3A_1014 = tpu.memref_squeeze %dma_wait3A_1013 : memref<1x128xi32, #tpu.memory_space<vmem>> -> memref<128xi32, #tpu.memory_space<vmem>>
    %dma_wait3A_1015 = arith.constant 0 : i32
    %dma_wait3A_1016 = arith.constant 0 : i32
    %dma_wait3A_1017 = tpu.memref_slice %arg6[%dma_wait3A_1015, %dma_wait3A_1016] : memref<100000x128xf32, #tpu.memory_space<hbm>> -> memref<100000x128xf32, #tpu.memory_space<hbm>>
    tpu.wait_indirect_dma semaphore(%arg30 : memref<!tpu.dma_semaphore, #tpu.memory_space<semaphore_mem>>) src(%dma_wait3A_1017 : memref<100000x128xf32, #tpu.memory_space<hbm>>) dst(%arg24 : memref<128x128xf32, #tpu.memory_space<vmem>>)
    %dma_wait3A_1018 = arith.constant 3 : i32
    %dma_wait3A_1019 = arith.constant 0 : i32
    %dma_wait3A_1020 = tpu.memref_slice %arg19[%dma_wait3A_1018, %dma_wait3A_1019] : memref<20x128xi32, #tpu.memory_space<vmem>> -> memref<1x128xi32, #tpu.memory_space<vmem>>
    %dma_wait3A_1021 = tpu.memref_squeeze %dma_wait3A_1020 : memref<1x128xi32, #tpu.memory_space<vmem>> -> memref<128xi32, #tpu.memory_space<vmem>>
    %dma_wait3A_1022 = arith.constant 0 : i32
    %dma_wait3A_1023 = arith.constant 0 : i32
    %dma_wait3A_1024 = tpu.memref_slice %arg6[%dma_wait3A_1022, %dma_wait3A_1023] : memref<100000x128xf32, #tpu.memory_space<hbm>> -> memref<100000x128xf32, #tpu.memory_space<hbm>>
    tpu.wait_indirect_dma semaphore(%arg30 : memref<!tpu.dma_semaphore, #tpu.memory_space<semaphore_mem>>) src(%dma_wait3A_1024 : memref<100000x128xf32, #tpu.memory_space<hbm>>) dst(%arg24 : memref<128x128xf32, #tpu.memory_space<vmem>>)
    %dma_wait3A_1025 = arith.constant 4 : i32
    %dma_wait3A_1026 = arith.constant 0 : i32
    %dma_wait3A_1027 = tpu.memref_slice %arg19[%dma_wait3A_1025, %dma_wait3A_1026] : memref<20x128xi32, #tpu.memory_space<vmem>> -> memref<1x128xi32, #tpu.memory_space<vmem>>
    %dma_wait3A_1028 = tpu.memref_squeeze %dma_wait3A_1027 : memref<1x128xi32, #tpu.memory_space<vmem>> -> memref<128xi32, #tpu.memory_space<vmem>>
    %dma_wait3A_1029 = arith.constant 0 : i32
    %dma_wait3A_1030 = arith.constant 0 : i32
    %dma_wait3A_1031 = tpu.memref_slice %arg6[%dma_wait3A_1029, %dma_wait3A_1030] : memref<100000x128xf32, #tpu.memory_space<hbm>> -> memref<100000x128xf32, #tpu.memory_space<hbm>>
    tpu.wait_indirect_dma semaphore(%arg30 : memref<!tpu.dma_semaphore, #tpu.memory_space<semaphore_mem>>) src(%dma_wait3A_1031 : memref<100000x128xf32, #tpu.memory_space<hbm>>) dst(%arg24 : memref<128x128xf32, #tpu.memory_space<vmem>>)
    %dma_wait3A_1032 = arith.constant 5 : i32
    %dma_wait3A_1033 = arith.constant 0 : i32
    %dma_wait3A_1034 = tpu.memref_slice %arg19[%dma_wait3A_1032, %dma_wait3A_1033] : memref<20x128xi32, #tpu.memory_space<vmem>> -> memref<1x128xi32, #tpu.memory_space<vmem>>
    %dma_wait3A_1035 = tpu.memref_squeeze %dma_wait3A_1034 : memref<1x128xi32, #tpu.memory_space<vmem>> -> memref<128xi32, #tpu.memory_space<vmem>>
    %dma_wait3A_1036 = arith.constant 0 : i32
    %dma_wait3A_1037 = arith.constant 0 : i32
    %dma_wait3A_1038 = tpu.memref_slice %arg6[%dma_wait3A_1036, %dma_wait3A_1037] : memref<100000x128xf32, #tpu.memory_space<hbm>> -> memref<100000x128xf32, #tpu.memory_space<hbm>>
    tpu.wait_indirect_dma semaphore(%arg30 : memref<!tpu.dma_semaphore, #tpu.memory_space<semaphore_mem>>) src(%dma_wait3A_1038 : memref<100000x128xf32, #tpu.memory_space<hbm>>) dst(%arg24 : memref<128x128xf32, #tpu.memory_space<vmem>>)
    %dma_wait3A_1039 = arith.constant 6 : i32
    %dma_wait3A_1040 = arith.constant 0 : i32
    %dma_wait3A_1041 = tpu.memref_slice %arg19[%dma_wait3A_1039, %dma_wait3A_1040] : memref<20x128xi32, #tpu.memory_space<vmem>> -> memref<1x128xi32, #tpu.memory_space<vmem>>
    %dma_wait3A_1042 = tpu.memref_squeeze %dma_wait3A_1041 : memref<1x128xi32, #tpu.memory_space<vmem>> -> memref<128xi32, #tpu.memory_space<vmem>>
    %dma_wait3A_1043 = arith.constant 0 : i32
    %dma_wait3A_1044 = arith.constant 0 : i32
    %dma_wait3A_1045 = tpu.memref_slice %arg6[%dma_wait3A_1043, %dma_wait3A_1044] : memref<100000x128xf32, #tpu.memory_space<hbm>> -> memref<100000x128xf32, #tpu.memory_space<hbm>>
    tpu.wait_indirect_dma semaphore(%arg30 : memref<!tpu.dma_semaphore, #tpu.memory_space<semaphore_mem>>) src(%dma_wait3A_1045 : memref<100000x128xf32, #tpu.memory_space<hbm>>) dst(%arg24 : memref<128x128xf32, #tpu.memory_space<vmem>>)
    %dma_wait3A_1046 = arith.constant 7 : i32
    %dma_wait3A_1047 = arith.constant 0 : i32
    %dma_wait3A_1048 = tpu.memref_slice %arg19[%dma_wait3A_1046, %dma_wait3A_1047] : memref<20x128xi32, #tpu.memory_space<vmem>> -> memref<1x128xi32, #tpu.memory_space<vmem>>
    %dma_wait3A_1049 = tpu.memref_squeeze %dma_wait3A_1048 : memref<1x128xi32, #tpu.memory_space<vmem>> -> memref<128xi32, #tpu.memory_space<vmem>>
    %dma_wait3A_1050 = arith.constant 0 : i32
    %dma_wait3A_1051 = arith.constant 0 : i32
    %dma_wait3A_1052 = tpu.memref_slice %arg6[%dma_wait3A_1050, %dma_wait3A_1051] : memref<100000x128xf32, #tpu.memory_space<hbm>> -> memref<100000x128xf32, #tpu.memory_space<hbm>>
    tpu.wait_indirect_dma semaphore(%arg30 : memref<!tpu.dma_semaphore, #tpu.memory_space<semaphore_mem>>) src(%dma_wait3A_1052 : memref<100000x128xf32, #tpu.memory_space<hbm>>) dst(%arg24 : memref<128x128xf32, #tpu.memory_space<vmem>>)
    %dma_wait3A_1053 = arith.constant 8 : i32
    %dma_wait3A_1054 = arith.constant 0 : i32
    %dma_wait3A_1055 = tpu.memref_slice %arg19[%dma_wait3A_1053, %dma_wait3A_1054] : memref<20x128xi32, #tpu.memory_space<vmem>> -> memref<1x128xi32, #tpu.memory_space<vmem>>
    %dma_wait3A_1056 = tpu.memref_squeeze %dma_wait3A_1055 : memref<1x128xi32, #tpu.memory_space<vmem>> -> memref<128xi32, #tpu.memory_space<vmem>>
    %dma_wait3A_1057 = arith.constant 0 : i32
    %dma_wait3A_1058 = arith.constant 0 : i32
    %dma_wait3A_1059 = tpu.memref_slice %arg6[%dma_wait3A_1057, %dma_wait3A_1058] : memref<100000x128xf32, #tpu.memory_space<hbm>> -> memref<100000x128xf32, #tpu.memory_space<hbm>>
    tpu.wait_indirect_dma semaphore(%arg30 : memref<!tpu.dma_semaphore, #tpu.memory_space<semaphore_mem>>) src(%dma_wait3A_1059 : memref<100000x128xf32, #tpu.memory_space<hbm>>) dst(%arg24 : memref<128x128xf32, #tpu.memory_space<vmem>>)
    %dma_wait3A_1060 = arith.constant 9 : i32
    %dma_wait3A_1061 = arith.constant 0 : i32
    %dma_wait3A_1062 = tpu.memref_slice %arg19[%dma_wait3A_1060, %dma_wait3A_1061] : memref<20x128xi32, #tpu.memory_space<vmem>> -> memref<1x128xi32, #tpu.memory_space<vmem>>
    %dma_wait3A_1063 = tpu.memref_squeeze %dma_wait3A_1062 : memref<1x128xi32, #tpu.memory_space<vmem>> -> memref<128xi32, #tpu.memory_space<vmem>>
    %dma_wait3A_1064 = arith.constant 0 : i32
    %dma_wait3A_1065 = arith.constant 0 : i32
    %dma_wait3A_1066 = tpu.memref_slice %arg6[%dma_wait3A_1064, %dma_wait3A_1065] : memref<100000x128xf32, #tpu.memory_space<hbm>> -> memref<100000x128xf32, #tpu.memory_space<hbm>>
    tpu.wait_indirect_dma semaphore(%arg30 : memref<!tpu.dma_semaphore, #tpu.memory_space<semaphore_mem>>) src(%dma_wait3A_1066 : memref<100000x128xf32, #tpu.memory_space<hbm>>) dst(%arg24 : memref<128x128xf32, #tpu.memory_space<vmem>>)
    %dma_wait3A_1067 = arith.constant 10 : i32
    %dma_wait3A_1068 = arith.constant 0 : i32
    %dma_wait3A_1069 = tpu.memref_slice %arg19[%dma_wait3A_1067, %dma_wait3A_1068] : memref<20x128xi32, #tpu.memory_space<vmem>> -> memref<1x128xi32, #tpu.memory_space<vmem>>
    %dma_wait3A_1070 = tpu.memref_squeeze %dma_wait3A_1069 : memref<1x128xi32, #tpu.memory_space<vmem>> -> memref<128xi32, #tpu.memory_space<vmem>>
    %dma_wait3A_1071 = arith.constant 0 : i32
    %dma_wait3A_1072 = arith.constant 0 : i32
    %dma_wait3A_1073 = tpu.memref_slice %arg6[%dma_wait3A_1071, %dma_wait3A_1072] : memref<100000x128xf32, #tpu.memory_space<hbm>> -> memref<100000x128xf32, #tpu.memory_space<hbm>>
    tpu.wait_indirect_dma semaphore(%arg30 : memref<!tpu.dma_semaphore, #tpu.memory_space<semaphore_mem>>) src(%dma_wait3A_1073 : memref<100000x128xf32, #tpu.memory_space<hbm>>) dst(%arg24 : memref<128x128xf32, #tpu.memory_space<vmem>>)
    %dma_wait3A_1074 = arith.constant 11 : i32
    %dma_wait3A_1075 = arith.constant 0 : i32
    %dma_wait3A_1076 = tpu.memref_slice %arg19[%dma_wait3A_1074, %dma_wait3A_1075] : memref<20x128xi32, #tpu.memory_space<vmem>> -> memref<1x128xi32, #tpu.memory_space<vmem>>
    %dma_wait3A_1077 = tpu.memref_squeeze %dma_wait3A_1076 : memref<1x128xi32, #tpu.memory_space<vmem>> -> memref<128xi32, #tpu.memory_space<vmem>>
    %dma_wait3A_1078 = arith.constant 0 : i32
    %dma_wait3A_1079 = arith.constant 0 : i32
    %dma_wait3A_1080 = tpu.memref_slice %arg6[%dma_wait3A_1078, %dma_wait3A_1079] : memref<100000x128xf32, #tpu.memory_space<hbm>> -> memref<100000x128xf32, #tpu.memory_space<hbm>>
    tpu.wait_indirect_dma semaphore(%arg30 : memref<!tpu.dma_semaphore, #tpu.memory_space<semaphore_mem>>) src(%dma_wait3A_1080 : memref<100000x128xf32, #tpu.memory_space<hbm>>) dst(%arg24 : memref<128x128xf32, #tpu.memory_space<vmem>>)
    %dma_wait3A_1081 = arith.constant 12 : i32
    %dma_wait3A_1082 = arith.constant 0 : i32
    %dma_wait3A_1083 = tpu.memref_slice %arg19[%dma_wait3A_1081, %dma_wait3A_1082] : memref<20x128xi32, #tpu.memory_space<vmem>> -> memref<1x128xi32, #tpu.memory_space<vmem>>
    %dma_wait3A_1084 = tpu.memref_squeeze %dma_wait3A_1083 : memref<1x128xi32, #tpu.memory_space<vmem>> -> memref<128xi32, #tpu.memory_space<vmem>>
    %dma_wait3A_1085 = arith.constant 0 : i32
    %dma_wait3A_1086 = arith.constant 0 : i32
    %dma_wait3A_1087 = tpu.memref_slice %arg6[%dma_wait3A_1085, %dma_wait3A_1086] : memref<100000x128xf32, #tpu.memory_space<hbm>> -> memref<100000x128xf32, #tpu.memory_space<hbm>>
    tpu.wait_indirect_dma semaphore(%arg30 : memref<!tpu.dma_semaphore, #tpu.memory_space<semaphore_mem>>) src(%dma_wait3A_1087 : memref<100000x128xf32, #tpu.memory_space<hbm>>) dst(%arg24 : memref<128x128xf32, #tpu.memory_space<vmem>>)
    %dma_wait3A_1088 = arith.constant 13 : i32
    %dma_wait3A_1089 = arith.constant 0 : i32
    %dma_wait3A_1090 = tpu.memref_slice %arg19[%dma_wait3A_1088, %dma_wait3A_1089] : memref<20x128xi32, #tpu.memory_space<vmem>> -> memref<1x128xi32, #tpu.memory_space<vmem>>
    %dma_wait3A_1091 = tpu.memref_squeeze %dma_wait3A_1090 : memref<1x128xi32, #tpu.memory_space<vmem>> -> memref<128xi32, #tpu.memory_space<vmem>>
    %dma_wait3A_1092 = arith.constant 0 : i32
    %dma_wait3A_1093 = arith.constant 0 : i32
    %dma_wait3A_1094 = tpu.memref_slice %arg6[%dma_wait3A_1092, %dma_wait3A_1093] : memref<100000x128xf32, #tpu.memory_space<hbm>> -> memref<100000x128xf32, #tpu.memory_space<hbm>>
    tpu.wait_indirect_dma semaphore(%arg30 : memref<!tpu.dma_semaphore, #tpu.memory_space<semaphore_mem>>) src(%dma_wait3A_1094 : memref<100000x128xf32, #tpu.memory_space<hbm>>) dst(%arg24 : memref<128x128xf32, #tpu.memory_space<vmem>>)
    %dma_wait3A_1095 = arith.constant 14 : i32
    %dma_wait3A_1096 = arith.constant 0 : i32
    %dma_wait3A_1097 = tpu.memref_slice %arg19[%dma_wait3A_1095, %dma_wait3A_1096] : memref<20x128xi32, #tpu.memory_space<vmem>> -> memref<1x128xi32, #tpu.memory_space<vmem>>
    %dma_wait3A_1098 = tpu.memref_squeeze %dma_wait3A_1097 : memref<1x128xi32, #tpu.memory_space<vmem>> -> memref<128xi32, #tpu.memory_space<vmem>>
    %dma_wait3A_1099 = arith.constant 0 : i32
    %dma_wait3A_1100 = arith.constant 0 : i32
    %dma_wait3A_1101 = tpu.memref_slice %arg6[%dma_wait3A_1099, %dma_wait3A_1100] : memref<100000x128xf32, #tpu.memory_space<hbm>> -> memref<100000x128xf32, #tpu.memory_space<hbm>>
    tpu.wait_indirect_dma semaphore(%arg30 : memref<!tpu.dma_semaphore, #tpu.memory_space<semaphore_mem>>) src(%dma_wait3A_1101 : memref<100000x128xf32, #tpu.memory_space<hbm>>) dst(%arg24 : memref<128x128xf32, #tpu.memory_space<vmem>>)
    %dma_wait3A_1102 = arith.constant 15 : i32
    %dma_wait3A_1103 = arith.constant 0 : i32
    %dma_wait3A_1104 = tpu.memref_slice %arg19[%dma_wait3A_1102, %dma_wait3A_1103] : memref<20x128xi32, #tpu.memory_space<vmem>> -> memref<1x128xi32, #tpu.memory_space<vmem>>
    %dma_wait3A_1105 = tpu.memref_squeeze %dma_wait3A_1104 : memref<1x128xi32, #tpu.memory_space<vmem>> -> memref<128xi32, #tpu.memory_space<vmem>>
    %dma_wait3A_1106 = arith.constant 0 : i32
    %dma_wait3A_1107 = arith.constant 0 : i32
    %dma_wait3A_1108 = tpu.memref_slice %arg6[%dma_wait3A_1106, %dma_wait3A_1107] : memref<100000x128xf32, #tpu.memory_space<hbm>> -> memref<100000x128xf32, #tpu.memory_space<hbm>>
    tpu.wait_indirect_dma semaphore(%arg30 : memref<!tpu.dma_semaphore, #tpu.memory_space<semaphore_mem>>) src(%dma_wait3A_1108 : memref<100000x128xf32, #tpu.memory_space<hbm>>) dst(%arg24 : memref<128x128xf32, #tpu.memory_space<vmem>>)
    %dma_wait3A_1109 = arith.constant 16 : i32
    %dma_wait3A_1110 = arith.constant 0 : i32
    %dma_wait3A_1111 = tpu.memref_slice %arg19[%dma_wait3A_1109, %dma_wait3A_1110] : memref<20x128xi32, #tpu.memory_space<vmem>> -> memref<1x128xi32, #tpu.memory_space<vmem>>
    %dma_wait3A_1112 = tpu.memref_squeeze %dma_wait3A_1111 : memref<1x128xi32, #tpu.memory_space<vmem>> -> memref<128xi32, #tpu.memory_space<vmem>>
    %dma_wait3A_1113 = arith.constant 0 : i32
    %dma_wait3A_1114 = arith.constant 0 : i32
    %dma_wait3A_1115 = tpu.memref_slice %arg6[%dma_wait3A_1113, %dma_wait3A_1114] : memref<100000x128xf32, #tpu.memory_space<hbm>> -> memref<100000x128xf32, #tpu.memory_space<hbm>>
    tpu.wait_indirect_dma semaphore(%arg30 : memref<!tpu.dma_semaphore, #tpu.memory_space<semaphore_mem>>) src(%dma_wait3A_1115 : memref<100000x128xf32, #tpu.memory_space<hbm>>) dst(%arg24 : memref<128x128xf32, #tpu.memory_space<vmem>>)
    %dma_wait3A_1116 = arith.constant 17 : i32
    %dma_wait3A_1117 = arith.constant 0 : i32
    %dma_wait3A_1118 = tpu.memref_slice %arg19[%dma_wait3A_1116, %dma_wait3A_1117] : memref<20x128xi32, #tpu.memory_space<vmem>> -> memref<1x128xi32, #tpu.memory_space<vmem>>
    %dma_wait3A_1119 = tpu.memref_squeeze %dma_wait3A_1118 : memref<1x128xi32, #tpu.memory_space<vmem>> -> memref<128xi32, #tpu.memory_space<vmem>>
    %dma_wait3A_1120 = arith.constant 0 : i32
    %dma_wait3A_1121 = arith.constant 0 : i32
    %dma_wait3A_1122 = tpu.memref_slice %arg6[%dma_wait3A_1120, %dma_wait3A_1121] : memref<100000x128xf32, #tpu.memory_space<hbm>> -> memref<100000x128xf32, #tpu.memory_space<hbm>>
    tpu.wait_indirect_dma semaphore(%arg30 : memref<!tpu.dma_semaphore, #tpu.memory_space<semaphore_mem>>) src(%dma_wait3A_1122 : memref<100000x128xf32, #tpu.memory_space<hbm>>) dst(%arg24 : memref<128x128xf32, #tpu.memory_space<vmem>>)
    %dma_wait3A_1123 = arith.constant 18 : i32
    %dma_wait3A_1124 = arith.constant 0 : i32
    %dma_wait3A_1125 = tpu.memref_slice %arg19[%dma_wait3A_1123, %dma_wait3A_1124] : memref<20x128xi32, #tpu.memory_space<vmem>> -> memref<1x128xi32, #tpu.memory_space<vmem>>
    %dma_wait3A_1126 = tpu.memref_squeeze %dma_wait3A_1125 : memref<1x128xi32, #tpu.memory_space<vmem>> -> memref<128xi32, #tpu.memory_space<vmem>>
    %dma_wait3A_1127 = arith.constant 0 : i32
    %dma_wait3A_1128 = arith.constant 0 : i32
    %dma_wait3A_1129 = tpu.memref_slice %arg6[%dma_wait3A_1127, %dma_wait3A_1128] : memref<100000x128xf32, #tpu.memory_space<hbm>> -> memref<100000x128xf32, #tpu.memory_space<hbm>>
    tpu.wait_indirect_dma semaphore(%arg30 : memref<!tpu.dma_semaphore, #tpu.memory_space<semaphore_mem>>) src(%dma_wait3A_1129 : memref<100000x128xf32, #tpu.memory_space<hbm>>) dst(%arg24 : memref<128x128xf32, #tpu.memory_space<vmem>>)
    %dma_wait3A_1130 = arith.constant 19 : i32
    %dma_wait3A_1131 = arith.constant 0 : i32
    %dma_wait3A_1132 = tpu.memref_slice %arg19[%dma_wait3A_1130, %dma_wait3A_1131] : memref<20x128xi32, #tpu.memory_space<vmem>> -> memref<1x128xi32, #tpu.memory_space<vmem>>
    %dma_wait3A_1133 = tpu.memref_squeeze %dma_wait3A_1132 : memref<1x128xi32, #tpu.memory_space<vmem>> -> memref<128xi32, #tpu.memory_space<vmem>>
    %dma_wait3A_1134 = arith.constant 0 : i32
    %dma_wait3A_1135 = arith.constant 0 : i32
    %dma_wait3A_1136 = tpu.memref_slice %arg6[%dma_wait3A_1134, %dma_wait3A_1135] : memref<100000x128xf32, #tpu.memory_space<hbm>> -> memref<100000x128xf32, #tpu.memory_space<hbm>>
    tpu.wait_indirect_dma semaphore(%arg30 : memref<!tpu.dma_semaphore, #tpu.memory_space<semaphore_mem>>) src(%dma_wait3A_1136 : memref<100000x128xf32, #tpu.memory_space<hbm>>) dst(%arg24 : memref<128x128xf32, #tpu.memory_space<vmem>>)
    %dma_wait3A_1137 = arith.constant 0 : i32
    %dma_wait3A_1138 = arith.constant 0 : i32
    %dma_wait3A_1139 = tpu.memref_slice %arg6[%dma_wait3A_1137, %dma_wait3A_1138] : memref<100000x128xf32, #tpu.memory_space<hbm>> -> memref<100000x128xf32, #tpu.memory_space<hbm>>
    tpu.wait_indirect_dma semaphore(%arg32 : memref<!tpu.dma_semaphore, #tpu.memory_space<semaphore_mem>>) src(%dma_wait3A_1139 : memref<100000x128xf32, #tpu.memory_space<hbm>>) dst(%arg23 : memref<128x128xf32, #tpu.memory_space<vmem>>)
    %scan3A_1140 = arith.constant 0 : i32
    %scan3A_1141 = arith.constant 0 : i32
    %scan3A_1142 = arith.constant 128 : i32
    %scan3A_1143 = arith.addi %scan3A_1141, %scan3A_1142 : i32
    %scan3A_1144 = arith.constant 1 : i32
    %scan3A_1145 = scf.for %scan3A_1305 = %scan3A_1141 to %scan3A_1143 step %scan3A_1144 iter_args(%scan3A_1306 = %scan3A_1140) -> (i32)  : i32 {
      %broadcast_in_dim3A_1307 = arith.constant 0.000000e+00 : f32
      %broadcast_in_dim3A_1308 = vector.broadcast %broadcast_in_dim3A_1307 : f32 to vector<16xf32>
      %broadcast_in_dim3A_1309 = arith.constant 0.000000e+00 : f32
      %broadcast_in_dim3A_1310 = vector.broadcast %broadcast_in_dim3A_1309 : f32 to vector<16xf32>
      %get3A = arith.index_cast %scan3A_1305 : i32 to index
      %get3A_1311 = arith.constant 0 : index
      %get3A_1312 = tpu.vector_load %arg21[%get3A, %get3A_1311] {strides = array<i32>} : memref<128x128xf32, #tpu.memory_space<vmem>>, vector<1x16xf32>,
      %get3A_1313 = vector.shape_cast %get3A_1312 : vector<1x16xf32> to vector<16xf32>
      %get3A_1314 = arith.index_cast %scan3A_1305 : i32 to index
      %get3A_1315 = arith.constant 0 : index
      %get3A_1316 = tpu.vector_load %arg23[%get3A_1314, %get3A_1315] {strides = array<i32>} : memref<128x128xf32, #tpu.memory_space<vmem>>, vector<1x16xf32>,
      %get3A_1317 = vector.shape_cast %get3A_1316 : vector<1x16xf32> to vector<16xf32>
      %mul3A_1318 = arith.mulf %get3A_1313, %get3A_1317 : vector<16xf32>
      %add3A_1319 = arith.addf %broadcast_in_dim3A_1308, %mul3A_1318 : vector<16xf32>
      %get3A_1320 = arith.index_cast %scan3A_1305 : i32 to index
      %get3A_1321 = arith.constant 0 : index
      %get3A_1322 = tpu.vector_load %arg24[%get3A_1320, %get3A_1321] {strides = array<i32>} : memref<128x128xf32, #tpu.memory_space<vmem>>, vector<1x16xf32>,
      %get3A_1323 = vector.shape_cast %get3A_1322 : vector<1x16xf32> to vector<16xf32>
      %mul3A_1324 = arith.mulf %get3A_1313, %get3A_1323 : vector<16xf32>
      %add3A_1325 = arith.addf %broadcast_in_dim3A_1310, %mul3A_1324 : vector<16xf32>
      %get3A_1326 = arith.index_cast %scan3A_1305 : i32 to index
      %get3A_1327 = arith.constant 16 : index
      %get3A_1328 = tpu.vector_load %arg21[%get3A_1326, %get3A_1327] {strides = array<i32>} : memref<128x128xf32, #tpu.memory_space<vmem>>, vector<1x16xf32>,
      %get3A_1329 = vector.shape_cast %get3A_1328 : vector<1x16xf32> to vector<16xf32>
      %get3A_1330 = arith.index_cast %scan3A_1305 : i32 to index
      %get3A_1331 = arith.constant 16 : index
      %get3A_1332 = tpu.vector_load %arg23[%get3A_1330, %get3A_1331] {strides = array<i32>} : memref<128x128xf32, #tpu.memory_space<vmem>>, vector<1x16xf32>,
      %get3A_1333 = vector.shape_cast %get3A_1332 : vector<1x16xf32> to vector<16xf32>
      %mul3A_1334 = arith.mulf %get3A_1329, %get3A_1333 : vector<16xf32>
      %add3A_1335 = arith.addf %add3A_1319, %mul3A_1334 : vector<16xf32>
      %get3A_1336 = arith.index_cast %scan3A_1305 : i32 to index
      %get3A_1337 = arith.constant 16 : index
      %get3A_1338 = tpu.vector_load %arg24[%get3A_1336, %get3A_1337] {strides = array<i32>} : memref<128x128xf32, #tpu.memory_space<vmem>>, vector<1x16xf32>,
      %get3A_1339 = vector.shape_cast %get3A_1338 : vector<1x16xf32> to vector<16xf32>
      %mul3A_1340 = arith.mulf %get3A_1329, %get3A_1339 : vector<16xf32>
      %add3A_1341 = arith.addf %add3A_1325, %mul3A_1340 : vector<16xf32>
      %get3A_1342 = arith.index_cast %scan3A_1305 : i32 to index
      %get3A_1343 = arith.constant 32 : index
      %get3A_1344 = tpu.vector_load %arg21[%get3A_1342, %get3A_1343] {strides = array<i32>} : memref<128x128xf32, #tpu.memory_space<vmem>>, vector<1x16xf32>,
      %get3A_1345 = vector.shape_cast %get3A_1344 : vector<1x16xf32> to vector<16xf32>
      %get3A_1346 = arith.index_cast %scan3A_1305 : i32 to index
      %get3A_1347 = arith.constant 32 : index
      %get3A_1348 = tpu.vector_load %arg23[%get3A_1346, %get3A_1347] {strides = array<i32>} : memref<128x128xf32, #tpu.memory_space<vmem>>, vector<1x16xf32>,
      %get3A_1349 = vector.shape_cast %get3A_1348 : vector<1x16xf32> to vector<16xf32>
      %mul3A_1350 = arith.mulf %get3A_1345, %get3A_1349 : vector<16xf32>
      %add3A_1351 = arith.addf %add3A_1335, %mul3A_1350 : vector<16xf32>
      %get3A_1352 = arith.index_cast %scan3A_1305 : i32 to index
      %get3A_1353 = arith.constant 32 : index
      %get3A_1354 = tpu.vector_load %arg24[%get3A_1352, %get3A_1353] {strides = array<i32>} : memref<128x128xf32, #tpu.memory_space<vmem>>, vector<1x16xf32>,
      %get3A_1355 = vector.shape_cast %get3A_1354 : vector<1x16xf32> to vector<16xf32>
      %mul3A_1356 = arith.mulf %get3A_1345, %get3A_1355 : vector<16xf32>
      %add3A_1357 = arith.addf %add3A_1341, %mul3A_1356 : vector<16xf32>
      %get3A_1358 = arith.index_cast %scan3A_1305 : i32 to index
      %get3A_1359 = arith.constant 48 : index
      %get3A_1360 = tpu.vector_load %arg21[%get3A_1358, %get3A_1359] {strides = array<i32>} : memref<128x128xf32, #tpu.memory_space<vmem>>, vector<1x16xf32>,
      %get3A_1361 = vector.shape_cast %get3A_1360 : vector<1x16xf32> to vector<16xf32>
      %get3A_1362 = arith.index_cast %scan3A_1305 : i32 to index
      %get3A_1363 = arith.constant 48 : index
      %get3A_1364 = tpu.vector_load %arg23[%get3A_1362, %get3A_1363] {strides = array<i32>} : memref<128x128xf32, #tpu.memory_space<vmem>>, vector<1x16xf32>,
      %get3A_1365 = vector.shape_cast %get3A_1364 : vector<1x16xf32> to vector<16xf32>
      %mul3A_1366 = arith.mulf %get3A_1361, %get3A_1365 : vector<16xf32>
      %add3A_1367 = arith.addf %add3A_1351, %mul3A_1366 : vector<16xf32>
      %get3A_1368 = arith.index_cast %scan3A_1305 : i32 to index
      %get3A_1369 = arith.constant 48 : index
      %get3A_1370 = tpu.vector_load %arg24[%get3A_1368, %get3A_1369] {strides = array<i32>} : memref<128x128xf32, #tpu.memory_space<vmem>>, vector<1x16xf32>,
      %get3A_1371 = vector.shape_cast %get3A_1370 : vector<1x16xf32> to vector<16xf32>
      %mul3A_1372 = arith.mulf %get3A_1361, %get3A_1371 : vector<16xf32>
      %add3A_1373 = arith.addf %add3A_1357, %mul3A_1372 : vector<16xf32>
      %get3A_1374 = arith.index_cast %scan3A_1305 : i32 to index
      %get3A_1375 = arith.constant 64 : index
      %get3A_1376 = tpu.vector_load %arg21[%get3A_1374, %get3A_1375] {strides = array<i32>} : memref<128x128xf32, #tpu.memory_space<vmem>>, vector<1x16xf32>,
      %get3A_1377 = vector.shape_cast %get3A_1376 : vector<1x16xf32> to vector<16xf32>
      %get3A_1378 = arith.index_cast %scan3A_1305 : i32 to index
      %get3A_1379 = arith.constant 64 : index
      %get3A_1380 = tpu.vector_load %arg23[%get3A_1378, %get3A_1379] {strides = array<i32>} : memref<128x128xf32, #tpu.memory_space<vmem>>, vector<1x16xf32>,
      %get3A_1381 = vector.shape_cast %get3A_1380 : vector<1x16xf32> to vector<16xf32>
      %mul3A_1382 = arith.mulf %get3A_1377, %get3A_1381 : vector<16xf32>
      %add3A_1383 = arith.addf %add3A_1367, %mul3A_1382 : vector<16xf32>
      %get3A_1384 = arith.index_cast %scan3A_1305 : i32 to index
      %get3A_1385 = arith.constant 64 : index
      %get3A_1386 = tpu.vector_load %arg24[%get3A_1384, %get3A_1385] {strides = array<i32>} : memref<128x128xf32, #tpu.memory_space<vmem>>, vector<1x16xf32>,
      %get3A_1387 = vector.shape_cast %get3A_1386 : vector<1x16xf32> to vector<16xf32>
      %mul3A_1388 = arith.mulf %get3A_1377, %get3A_1387 : vector<16xf32>
      %add3A_1389 = arith.addf %add3A_1373, %mul3A_1388 : vector<16xf32>
      %get3A_1390 = arith.index_cast %scan3A_1305 : i32 to index
      %get3A_1391 = arith.constant 80 : index
      %get3A_1392 = tpu.vector_load %arg21[%get3A_1390, %get3A_1391] {strides = array<i32>} : memref<128x128xf32, #tpu.memory_space<vmem>>, vector<1x16xf32>,
      %get3A_1393 = vector.shape_cast %get3A_1392 : vector<1x16xf32> to vector<16xf32>
      %get3A_1394 = arith.index_cast %scan3A_1305 : i32 to index
      %get3A_1395 = arith.constant 80 : index
      %get3A_1396 = tpu.vector_load %arg23[%get3A_1394, %get3A_1395] {strides = array<i32>} : memref<128x128xf32, #tpu.memory_space<vmem>>, vector<1x16xf32>,
      %get3A_1397 = vector.shape_cast %get3A_1396 : vector<1x16xf32> to vector<16xf32>
      %mul3A_1398 = arith.mulf %get3A_1393, %get3A_1397 : vector<16xf32>
      %add3A_1399 = arith.addf %add3A_1383, %mul3A_1398 : vector<16xf32>
      %get3A_1400 = arith.index_cast %scan3A_1305 : i32 to index
      %get3A_1401 = arith.constant 80 : index
      %get3A_1402 = tpu.vector_load %arg24[%get3A_1400, %get3A_1401] {strides = array<i32>} : memref<128x128xf32, #tpu.memory_space<vmem>>, vector<1x16xf32>,
      %get3A_1403 = vector.shape_cast %get3A_1402 : vector<1x16xf32> to vector<16xf32>
      %mul3A_1404 = arith.mulf %get3A_1393, %get3A_1403 : vector<16xf32>
      %add3A_1405 = arith.addf %add3A_1389, %mul3A_1404 : vector<16xf32>
      %get3A_1406 = arith.index_cast %scan3A_1305 : i32 to index
      %get3A_1407 = arith.constant 96 : index
      %get3A_1408 = tpu.vector_load %arg21[%get3A_1406, %get3A_1407] {strides = array<i32>} : memref<128x128xf32, #tpu.memory_space<vmem>>, vector<1x16xf32>,
      %get3A_1409 = vector.shape_cast %get3A_1408 : vector<1x16xf32> to vector<16xf32>
      %get3A_1410 = arith.index_cast %scan3A_1305 : i32 to index
      %get3A_1411 = arith.constant 96 : index
      %get3A_1412 = tpu.vector_load %arg23[%get3A_1410, %get3A_1411] {strides = array<i32>} : memref<128x128xf32, #tpu.memory_space<vmem>>, vector<1x16xf32>,
      %get3A_1413 = vector.shape_cast %get3A_1412 : vector<1x16xf32> to vector<16xf32>
      %mul3A_1414 = arith.mulf %get3A_1409, %get3A_1413 : vector<16xf32>
      %add3A_1415 = arith.addf %add3A_1399, %mul3A_1414 : vector<16xf32>
      %get3A_1416 = arith.index_cast %scan3A_1305 : i32 to index
      %get3A_1417 = arith.constant 96 : index
      %get3A_1418 = tpu.vector_load %arg24[%get3A_1416, %get3A_1417] {strides = array<i32>} : memref<128x128xf32, #tpu.memory_space<vmem>>, vector<1x16xf32>,
      %get3A_1419 = vector.shape_cast %get3A_1418 : vector<1x16xf32> to vector<16xf32>
      %mul3A_1420 = arith.mulf %get3A_1409, %get3A_1419 : vector<16xf32>
      %add3A_1421 = arith.addf %add3A_1405, %mul3A_1420 : vector<16xf32>
      %get3A_1422 = arith.index_cast %scan3A_1305 : i32 to index
      %get3A_1423 = arith.constant 112 : index
      %get3A_1424 = tpu.vector_load %arg21[%get3A_1422, %get3A_1423] {strides = array<i32>} : memref<128x128xf32, #tpu.memory_space<vmem>>, vector<1x16xf32>,
      %get3A_1425 = vector.shape_cast %get3A_1424 : vector<1x16xf32> to vector<16xf32>
      %get3A_1426 = arith.index_cast %scan3A_1305 : i32 to index
      %get3A_1427 = arith.constant 112 : index
      %get3A_1428 = tpu.vector_load %arg23[%get3A_1426, %get3A_1427] {strides = array<i32>} : memref<128x128xf32, #tpu.memory_space<vmem>>, vector<1x16xf32>,
      %get3A_1429 = vector.shape_cast %get3A_1428 : vector<1x16xf32> to vector<16xf32>
      %mul3A_1430 = arith.mulf %get3A_1425, %get3A_1429 : vector<16xf32>
      %add3A_1431 = arith.addf %add3A_1415, %mul3A_1430 : vector<16xf32>
      %get3A_1432 = arith.index_cast %scan3A_1305 : i32 to index
      %get3A_1433 = arith.constant 112 : index
      %get3A_1434 = tpu.vector_load %arg24[%get3A_1432, %get3A_1433] {strides = array<i32>} : memref<128x128xf32, #tpu.memory_space<vmem>>, vector<1x16xf32>,
      %get3A_1435 = vector.shape_cast %get3A_1434 : vector<1x16xf32> to vector<16xf32>
      %mul3A_1436 = arith.mulf %get3A_1425, %get3A_1435 : vector<16xf32>
      %add3A_1437 = arith.addf %add3A_1421, %mul3A_1436 : vector<16xf32>
      %swap3A = arith.index_cast %scan3A_1305 : i32 to index
      %swap3A_1438 = arith.constant 0 : index
      %swap3A_1439 = tpu.vector_load %arg26[%swap3A, %swap3A_1438] {strides = array<i32>} : memref<128x16xf32, #tpu.memory_space<vmem>>, vector<1x16xf32>,
      %swap3A_1440 = vector.shape_cast %swap3A_1439 : vector<1x16xf32> to vector<16xf32>
      %swap3A_1441 = vector.shape_cast %add3A_1431 : vector<16xf32> to vector<1x16xf32>
      tpu.vector_store %arg26[%swap3A, %swap3A_1438], %swap3A_1441 {strides = array<i32>} : memref<128x16xf32, #tpu.memory_space<vmem>>, vector<1x16xf32>,
      %swap3A_1442 = arith.index_cast %scan3A_1305 : i32 to index
      %swap3A_1443 = arith.constant 0 : index
      %swap3A_1444 = tpu.vector_load %arg27[%swap3A_1442, %swap3A_1443] {strides = array<i32>} : memref<128x16xf32, #tpu.memory_space<vmem>>, vector<1x16xf32>,
      %swap3A_1445 = vector.shape_cast %swap3A_1444 : vector<1x16xf32> to vector<16xf32>
      %swap3A_1446 = vector.shape_cast %add3A_1437 : vector<16xf32> to vector<1x16xf32>
      tpu.vector_store %arg27[%swap3A_1442, %swap3A_1443], %swap3A_1446 {strides = array<i32>} : memref<128x16xf32, #tpu.memory_space<vmem>>, vector<1x16xf32>,
      %scan3A_1447 = arith.constant 0 : i32
      scf.yield %scan3A_1447 : i32
    }
    %scan3A_1146 = arith.constant 128 : i32
    %dma_start3A_1147 = arith.constant 0 : i32
    %dma_start3A_1148 = arith.constant 0 : i32
    %dma_start3A_1149 = tpu.memref_slice %arg6[%dma_start3A_1147, %dma_start3A_1148] : memref<100000x128xf32, #tpu.memory_space<hbm>> -> memref<100000x128xf32, #tpu.memory_space<hbm>>
    tpu.enqueue_indirect_dma source(%dma_start3A_1149 : memref<100000x128xf32, #tpu.memory_space<hbm>>) target(%arg23 : memref<128x128xf32, #tpu.memory_space<vmem>>) offsets(%arg16 : memref<128xi32, #tpu.memory_space<vmem>>) semaphore(%arg32 : memref<!tpu.dma_semaphore, #tpu.memory_space<semaphore_mem>>)
    "tpu.region"() ({
      %run_scoped3A = tpu.sem_alloc : memref<!tpu.dma_semaphore, #tpu.memory_space<semaphore_mem>>
      %dma_start3A_1305 = arith.constant 0 : i32
      %dma_start3A_1306 = tpu.memref_slice %arg7[%add3A_835, %dma_start3A_1305] : memref<16384x16xf32, #tpu.memory_space<hbm>> -> memref<128x16xf32, #tpu.memory_space<hbm>>
      %dma_start3A_1307 = arith.constant 0 : i32
      %dma_start3A_1308 = tpu.memref_slice %arg7[%add3A_835, %dma_start3A_1307] : memref<16384x16xf32, #tpu.memory_space<hbm>> -> memref<128x16xf32, #tpu.memory_space<hbm>>
      tpu.enqueue_dma source(%arg26 : memref<128x16xf32, #tpu.memory_space<vmem>>) target(%dma_start3A_1308 : memref<128x16xf32, #tpu.memory_space<hbm>>) target_semaphore(%run_scoped3A : memref<!tpu.dma_semaphore, #tpu.memory_space<semaphore_mem>>)
      %dma_wait3A_1309 = arith.constant 0 : i32
      %dma_wait3A_1310 = tpu.memref_slice %arg7[%add3A_835, %dma_wait3A_1309] : memref<16384x16xf32, #tpu.memory_space<hbm>> -> memref<128x16xf32, #tpu.memory_space<hbm>>
      %dma_wait3A_1311 = arith.constant 0 : i32
      %dma_wait3A_1312 = tpu.memref_slice %arg7[%add3A_835, %dma_wait3A_1311] : memref<16384x16xf32, #tpu.memory_space<hbm>> -> memref<128x16xf32, #tpu.memory_space<hbm>>
      tpu.wait_dma2 semaphore(%run_scoped3A : memref<!tpu.dma_semaphore, #tpu.memory_space<semaphore_mem>>) src(%arg26 : memref<128x16xf32, #tpu.memory_space<vmem>>) dst(%dma_wait3A_1312 : memref<128x16xf32, #tpu.memory_space<hbm>>)
      tpu.yield
    }) : () -> ()
    "tpu.region"() ({
      %run_scoped3A = tpu.sem_alloc : memref<!tpu.dma_semaphore, #tpu.memory_space<semaphore_mem>>
      %dma_start3A_1305 = arith.constant 0 : i32
      %dma_start3A_1306 = tpu.memref_slice %arg8[%add3A_835, %dma_start3A_1305] : memref<16384x16xf32, #tpu.memory_space<hbm>> -> memref<128x16xf32, #tpu.memory_space<hbm>>
      %dma_start3A_1307 = arith.constant 0 : i32
      %dma_start3A_1308 = tpu.memref_slice %arg8[%add3A_835, %dma_start3A_1307] : memref<16384x16xf32, #tpu.memory_space<hbm>> -> memref<128x16xf32, #tpu.memory_space<hbm>>
      tpu.enqueue_dma source(%arg27 : memref<128x16xf32, #tpu.memory_space<vmem>>) target(%dma_start3A_1308 : memref<128x16xf32, #tpu.memory_space<hbm>>) target_semaphore(%run_scoped3A : memref<!tpu.dma_semaphore, #tpu.memory_space<semaphore_mem>>)
      %dma_wait3A_1309 = arith.constant 0 : i32
      %dma_wait3A_1310 = tpu.memref_slice %arg8[%add3A_835, %dma_wait3A_1309] : memref<16384x16xf32, #tpu.memory_space<hbm>> -> memref<128x16xf32, #tpu.memory_space<hbm>>
      %dma_wait3A_1311 = arith.constant 0 : i32
      %dma_wait3A_1312 = tpu.memref_slice %arg8[%add3A_835, %dma_wait3A_1311] : memref<16384x16xf32, #tpu.memory_space<hbm>> -> memref<128x16xf32, #tpu.memory_space<hbm>>
      tpu.wait_dma2 semaphore(%run_scoped3A : memref<!tpu.dma_semaphore, #tpu.memory_space<semaphore_mem>>) src(%arg27 : memref<128x16xf32, #tpu.memory_space<vmem>>) dst(%dma_wait3A_1312 : memref<128x16xf32, #tpu.memory_space<hbm>>)
      tpu.yield
    }) : () -> ()
    %add3A_1150 = arith.constant 384 : i32
    %add3A_1151 = arith.addi %mul3A_2, %add3A_1150 : i32
    %dma_wait3A_1152 = arith.constant 0 : i32
    %dma_wait3A_1153 = arith.constant 0 : i32
    %dma_wait3A_1154 = tpu.memref_slice %arg5[%dma_wait3A_1152, %dma_wait3A_1153] : memref<100000x128xf32, #tpu.memory_space<hbm>> -> memref<100000x128xf32, #tpu.memory_space<hbm>>
    tpu.wait_indirect_dma semaphore(%arg31 : memref<!tpu.dma_semaphore, #tpu.memory_space<semaphore_mem>>) src(%dma_wait3A_1154 : memref<100000x128xf32, #tpu.memory_space<hbm>>) dst(%arg22 : memref<128x128xf32, #tpu.memory_space<vmem>>)
    %dma_wait3A_1155 = arith.constant 0 : i32
    %dma_wait3A_1156 = arith.constant 0 : i32
    %dma_wait3A_1157 = tpu.memref_slice %arg20[%dma_wait3A_1155, %dma_wait3A_1156] : memref<20x128xi32, #tpu.memory_space<vmem>> -> memref<1x128xi32, #tpu.memory_space<vmem>>
    %dma_wait3A_1158 = tpu.memref_squeeze %dma_wait3A_1157 : memref<1x128xi32, #tpu.memory_space<vmem>> -> memref<128xi32, #tpu.memory_space<vmem>>
    %dma_wait3A_1159 = arith.constant 0 : i32
    %dma_wait3A_1160 = arith.constant 0 : i32
    %dma_wait3A_1161 = tpu.memref_slice %arg6[%dma_wait3A_1159, %dma_wait3A_1160] : memref<100000x128xf32, #tpu.memory_space<hbm>> -> memref<100000x128xf32, #tpu.memory_space<hbm>>
    tpu.wait_indirect_dma semaphore(%arg31 : memref<!tpu.dma_semaphore, #tpu.memory_space<semaphore_mem>>) src(%dma_wait3A_1161 : memref<100000x128xf32, #tpu.memory_space<hbm>>) dst(%arg25 : memref<128x128xf32, #tpu.memory_space<vmem>>)
    %dma_wait3A_1162 = arith.constant 1 : i32
    %dma_wait3A_1163 = arith.constant 0 : i32
    %dma_wait3A_1164 = tpu.memref_slice %arg20[%dma_wait3A_1162, %dma_wait3A_1163] : memref<20x128xi32, #tpu.memory_space<vmem>> -> memref<1x128xi32, #tpu.memory_space<vmem>>
    %dma_wait3A_1165 = tpu.memref_squeeze %dma_wait3A_1164 : memref<1x128xi32, #tpu.memory_space<vmem>> -> memref<128xi32, #tpu.memory_space<vmem>>
    %dma_wait3A_1166 = arith.constant 0 : i32
    %dma_wait3A_1167 = arith.constant 0 : i32
    %dma_wait3A_1168 = tpu.memref_slice %arg6[%dma_wait3A_1166, %dma_wait3A_1167] : memref<100000x128xf32, #tpu.memory_space<hbm>> -> memref<100000x128xf32, #tpu.memory_space<hbm>>
    tpu.wait_indirect_dma semaphore(%arg31 : memref<!tpu.dma_semaphore, #tpu.memory_space<semaphore_mem>>) src(%dma_wait3A_1168 : memref<100000x128xf32, #tpu.memory_space<hbm>>) dst(%arg25 : memref<128x128xf32, #tpu.memory_space<vmem>>)
    %dma_wait3A_1169 = arith.constant 2 : i32
    %dma_wait3A_1170 = arith.constant 0 : i32
    %dma_wait3A_1171 = tpu.memref_slice %arg20[%dma_wait3A_1169, %dma_wait3A_1170] : memref<20x128xi32, #tpu.memory_space<vmem>> -> memref<1x128xi32, #tpu.memory_space<vmem>>
    %dma_wait3A_1172 = tpu.memref_squeeze %dma_wait3A_1171 : memref<1x128xi32, #tpu.memory_space<vmem>> -> memref<128xi32, #tpu.memory_space<vmem>>
    %dma_wait3A_1173 = arith.constant 0 : i32
    %dma_wait3A_1174 = arith.constant 0 : i32
    %dma_wait3A_1175 = tpu.memref_slice %arg6[%dma_wait3A_1173, %dma_wait3A_1174] : memref<100000x128xf32, #tpu.memory_space<hbm>> -> memref<100000x128xf32, #tpu.memory_space<hbm>>
    tpu.wait_indirect_dma semaphore(%arg31 : memref<!tpu.dma_semaphore, #tpu.memory_space<semaphore_mem>>) src(%dma_wait3A_1175 : memref<100000x128xf32, #tpu.memory_space<hbm>>) dst(%arg25 : memref<128x128xf32, #tpu.memory_space<vmem>>)
    %dma_wait3A_1176 = arith.constant 3 : i32
    %dma_wait3A_1177 = arith.constant 0 : i32
    %dma_wait3A_1178 = tpu.memref_slice %arg20[%dma_wait3A_1176, %dma_wait3A_1177] : memref<20x128xi32, #tpu.memory_space<vmem>> -> memref<1x128xi32, #tpu.memory_space<vmem>>
    %dma_wait3A_1179 = tpu.memref_squeeze %dma_wait3A_1178 : memref<1x128xi32, #tpu.memory_space<vmem>> -> memref<128xi32, #tpu.memory_space<vmem>>
    %dma_wait3A_1180 = arith.constant 0 : i32
    %dma_wait3A_1181 = arith.constant 0 : i32
    %dma_wait3A_1182 = tpu.memref_slice %arg6[%dma_wait3A_1180, %dma_wait3A_1181] : memref<100000x128xf32, #tpu.memory_space<hbm>> -> memref<100000x128xf32, #tpu.memory_space<hbm>>
    tpu.wait_indirect_dma semaphore(%arg31 : memref<!tpu.dma_semaphore, #tpu.memory_space<semaphore_mem>>) src(%dma_wait3A_1182 : memref<100000x128xf32, #tpu.memory_space<hbm>>) dst(%arg25 : memref<128x128xf32, #tpu.memory_space<vmem>>)
    %dma_wait3A_1183 = arith.constant 4 : i32
    %dma_wait3A_1184 = arith.constant 0 : i32
    %dma_wait3A_1185 = tpu.memref_slice %arg20[%dma_wait3A_1183, %dma_wait3A_1184] : memref<20x128xi32, #tpu.memory_space<vmem>> -> memref<1x128xi32, #tpu.memory_space<vmem>>
    %dma_wait3A_1186 = tpu.memref_squeeze %dma_wait3A_1185 : memref<1x128xi32, #tpu.memory_space<vmem>> -> memref<128xi32, #tpu.memory_space<vmem>>
    %dma_wait3A_1187 = arith.constant 0 : i32
    %dma_wait3A_1188 = arith.constant 0 : i32
    %dma_wait3A_1189 = tpu.memref_slice %arg6[%dma_wait3A_1187, %dma_wait3A_1188] : memref<100000x128xf32, #tpu.memory_space<hbm>> -> memref<100000x128xf32, #tpu.memory_space<hbm>>
    tpu.wait_indirect_dma semaphore(%arg31 : memref<!tpu.dma_semaphore, #tpu.memory_space<semaphore_mem>>) src(%dma_wait3A_1189 : memref<100000x128xf32, #tpu.memory_space<hbm>>) dst(%arg25 : memref<128x128xf32, #tpu.memory_space<vmem>>)
    %dma_wait3A_1190 = arith.constant 5 : i32
    %dma_wait3A_1191 = arith.constant 0 : i32
    %dma_wait3A_1192 = tpu.memref_slice %arg20[%dma_wait3A_1190, %dma_wait3A_1191] : memref<20x128xi32, #tpu.memory_space<vmem>> -> memref<1x128xi32, #tpu.memory_space<vmem>>
    %dma_wait3A_1193 = tpu.memref_squeeze %dma_wait3A_1192 : memref<1x128xi32, #tpu.memory_space<vmem>> -> memref<128xi32, #tpu.memory_space<vmem>>
    %dma_wait3A_1194 = arith.constant 0 : i32
    %dma_wait3A_1195 = arith.constant 0 : i32
    %dma_wait3A_1196 = tpu.memref_slice %arg6[%dma_wait3A_1194, %dma_wait3A_1195] : memref<100000x128xf32, #tpu.memory_space<hbm>> -> memref<100000x128xf32, #tpu.memory_space<hbm>>
    tpu.wait_indirect_dma semaphore(%arg31 : memref<!tpu.dma_semaphore, #tpu.memory_space<semaphore_mem>>) src(%dma_wait3A_1196 : memref<100000x128xf32, #tpu.memory_space<hbm>>) dst(%arg25 : memref<128x128xf32, #tpu.memory_space<vmem>>)
    %dma_wait3A_1197 = arith.constant 6 : i32
    %dma_wait3A_1198 = arith.constant 0 : i32
    %dma_wait3A_1199 = tpu.memref_slice %arg20[%dma_wait3A_1197, %dma_wait3A_1198] : memref<20x128xi32, #tpu.memory_space<vmem>> -> memref<1x128xi32, #tpu.memory_space<vmem>>
    %dma_wait3A_1200 = tpu.memref_squeeze %dma_wait3A_1199 : memref<1x128xi32, #tpu.memory_space<vmem>> -> memref<128xi32, #tpu.memory_space<vmem>>
    %dma_wait3A_1201 = arith.constant 0 : i32
    %dma_wait3A_1202 = arith.constant 0 : i32
    %dma_wait3A_1203 = tpu.memref_slice %arg6[%dma_wait3A_1201, %dma_wait3A_1202] : memref<100000x128xf32, #tpu.memory_space<hbm>> -> memref<100000x128xf32, #tpu.memory_space<hbm>>
    tpu.wait_indirect_dma semaphore(%arg31 : memref<!tpu.dma_semaphore, #tpu.memory_space<semaphore_mem>>) src(%dma_wait3A_1203 : memref<100000x128xf32, #tpu.memory_space<hbm>>) dst(%arg25 : memref<128x128xf32, #tpu.memory_space<vmem>>)
    %dma_wait3A_1204 = arith.constant 7 : i32
    %dma_wait3A_1205 = arith.constant 0 : i32
    %dma_wait3A_1206 = tpu.memref_slice %arg20[%dma_wait3A_1204, %dma_wait3A_1205] : memref<20x128xi32, #tpu.memory_space<vmem>> -> memref<1x128xi32, #tpu.memory_space<vmem>>
    %dma_wait3A_1207 = tpu.memref_squeeze %dma_wait3A_1206 : memref<1x128xi32, #tpu.memory_space<vmem>> -> memref<128xi32, #tpu.memory_space<vmem>>
    %dma_wait3A_1208 = arith.constant 0 : i32
    %dma_wait3A_1209 = arith.constant 0 : i32
    %dma_wait3A_1210 = tpu.memref_slice %arg6[%dma_wait3A_1208, %dma_wait3A_1209] : memref<100000x128xf32, #tpu.memory_space<hbm>> -> memref<100000x128xf32, #tpu.memory_space<hbm>>
    tpu.wait_indirect_dma semaphore(%arg31 : memref<!tpu.dma_semaphore, #tpu.memory_space<semaphore_mem>>) src(%dma_wait3A_1210 : memref<100000x128xf32, #tpu.memory_space<hbm>>) dst(%arg25 : memref<128x128xf32, #tpu.memory_space<vmem>>)
    %dma_wait3A_1211 = arith.constant 8 : i32
    %dma_wait3A_1212 = arith.constant 0 : i32
    %dma_wait3A_1213 = tpu.memref_slice %arg20[%dma_wait3A_1211, %dma_wait3A_1212] : memref<20x128xi32, #tpu.memory_space<vmem>> -> memref<1x128xi32, #tpu.memory_space<vmem>>
    %dma_wait3A_1214 = tpu.memref_squeeze %dma_wait3A_1213 : memref<1x128xi32, #tpu.memory_space<vmem>> -> memref<128xi32, #tpu.memory_space<vmem>>
    %dma_wait3A_1215 = arith.constant 0 : i32
    %dma_wait3A_1216 = arith.constant 0 : i32
    %dma_wait3A_1217 = tpu.memref_slice %arg6[%dma_wait3A_1215, %dma_wait3A_1216] : memref<100000x128xf32, #tpu.memory_space<hbm>> -> memref<100000x128xf32, #tpu.memory_space<hbm>>
    tpu.wait_indirect_dma semaphore(%arg31 : memref<!tpu.dma_semaphore, #tpu.memory_space<semaphore_mem>>) src(%dma_wait3A_1217 : memref<100000x128xf32, #tpu.memory_space<hbm>>) dst(%arg25 : memref<128x128xf32, #tpu.memory_space<vmem>>)
    %dma_wait3A_1218 = arith.constant 9 : i32
    %dma_wait3A_1219 = arith.constant 0 : i32
    %dma_wait3A_1220 = tpu.memref_slice %arg20[%dma_wait3A_1218, %dma_wait3A_1219] : memref<20x128xi32, #tpu.memory_space<vmem>> -> memref<1x128xi32, #tpu.memory_space<vmem>>
    %dma_wait3A_1221 = tpu.memref_squeeze %dma_wait3A_1220 : memref<1x128xi32, #tpu.memory_space<vmem>> -> memref<128xi32, #tpu.memory_space<vmem>>
    %dma_wait3A_1222 = arith.constant 0 : i32
    %dma_wait3A_1223 = arith.constant 0 : i32
    %dma_wait3A_1224 = tpu.memref_slice %arg6[%dma_wait3A_1222, %dma_wait3A_1223] : memref<100000x128xf32, #tpu.memory_space<hbm>> -> memref<100000x128xf32, #tpu.memory_space<hbm>>
    tpu.wait_indirect_dma semaphore(%arg31 : memref<!tpu.dma_semaphore, #tpu.memory_space<semaphore_mem>>) src(%dma_wait3A_1224 : memref<100000x128xf32, #tpu.memory_space<hbm>>) dst(%arg25 : memref<128x128xf32, #tpu.memory_space<vmem>>)
    %dma_wait3A_1225 = arith.constant 10 : i32
    %dma_wait3A_1226 = arith.constant 0 : i32
    %dma_wait3A_1227 = tpu.memref_slice %arg20[%dma_wait3A_1225, %dma_wait3A_1226] : memref<20x128xi32, #tpu.memory_space<vmem>> -> memref<1x128xi32, #tpu.memory_space<vmem>>
    %dma_wait3A_1228 = tpu.memref_squeeze %dma_wait3A_1227 : memref<1x128xi32, #tpu.memory_space<vmem>> -> memref<128xi32, #tpu.memory_space<vmem>>
    %dma_wait3A_1229 = arith.constant 0 : i32
    %dma_wait3A_1230 = arith.constant 0 : i32
    %dma_wait3A_1231 = tpu.memref_slice %arg6[%dma_wait3A_1229, %dma_wait3A_1230] : memref<100000x128xf32, #tpu.memory_space<hbm>> -> memref<100000x128xf32, #tpu.memory_space<hbm>>
    tpu.wait_indirect_dma semaphore(%arg31 : memref<!tpu.dma_semaphore, #tpu.memory_space<semaphore_mem>>) src(%dma_wait3A_1231 : memref<100000x128xf32, #tpu.memory_space<hbm>>) dst(%arg25 : memref<128x128xf32, #tpu.memory_space<vmem>>)
    %dma_wait3A_1232 = arith.constant 11 : i32
    %dma_wait3A_1233 = arith.constant 0 : i32
    %dma_wait3A_1234 = tpu.memref_slice %arg20[%dma_wait3A_1232, %dma_wait3A_1233] : memref<20x128xi32, #tpu.memory_space<vmem>> -> memref<1x128xi32, #tpu.memory_space<vmem>>
    %dma_wait3A_1235 = tpu.memref_squeeze %dma_wait3A_1234 : memref<1x128xi32, #tpu.memory_space<vmem>> -> memref<128xi32, #tpu.memory_space<vmem>>
    %dma_wait3A_1236 = arith.constant 0 : i32
    %dma_wait3A_1237 = arith.constant 0 : i32
    %dma_wait3A_1238 = tpu.memref_slice %arg6[%dma_wait3A_1236, %dma_wait3A_1237] : memref<100000x128xf32, #tpu.memory_space<hbm>> -> memref<100000x128xf32, #tpu.memory_space<hbm>>
    tpu.wait_indirect_dma semaphore(%arg31 : memref<!tpu.dma_semaphore, #tpu.memory_space<semaphore_mem>>) src(%dma_wait3A_1238 : memref<100000x128xf32, #tpu.memory_space<hbm>>) dst(%arg25 : memref<128x128xf32, #tpu.memory_space<vmem>>)
    %dma_wait3A_1239 = arith.constant 12 : i32
    %dma_wait3A_1240 = arith.constant 0 : i32
    %dma_wait3A_1241 = tpu.memref_slice %arg20[%dma_wait3A_1239, %dma_wait3A_1240] : memref<20x128xi32, #tpu.memory_space<vmem>> -> memref<1x128xi32, #tpu.memory_space<vmem>>
    %dma_wait3A_1242 = tpu.memref_squeeze %dma_wait3A_1241 : memref<1x128xi32, #tpu.memory_space<vmem>> -> memref<128xi32, #tpu.memory_space<vmem>>
    %dma_wait3A_1243 = arith.constant 0 : i32
    %dma_wait3A_1244 = arith.constant 0 : i32
    %dma_wait3A_1245 = tpu.memref_slice %arg6[%dma_wait3A_1243, %dma_wait3A_1244] : memref<100000x128xf32, #tpu.memory_space<hbm>> -> memref<100000x128xf32, #tpu.memory_space<hbm>>
    tpu.wait_indirect_dma semaphore(%arg31 : memref<!tpu.dma_semaphore, #tpu.memory_space<semaphore_mem>>) src(%dma_wait3A_1245 : memref<100000x128xf32, #tpu.memory_space<hbm>>) dst(%arg25 : memref<128x128xf32, #tpu.memory_space<vmem>>)
    %dma_wait3A_1246 = arith.constant 13 : i32
    %dma_wait3A_1247 = arith.constant 0 : i32
    %dma_wait3A_1248 = tpu.memref_slice %arg20[%dma_wait3A_1246, %dma_wait3A_1247] : memref<20x128xi32, #tpu.memory_space<vmem>> -> memref<1x128xi32, #tpu.memory_space<vmem>>
    %dma_wait3A_1249 = tpu.memref_squeeze %dma_wait3A_1248 : memref<1x128xi32, #tpu.memory_space<vmem>> -> memref<128xi32, #tpu.memory_space<vmem>>
    %dma_wait3A_1250 = arith.constant 0 : i32
    %dma_wait3A_1251 = arith.constant 0 : i32
    %dma_wait3A_1252 = tpu.memref_slice %arg6[%dma_wait3A_1250, %dma_wait3A_1251] : memref<100000x128xf32, #tpu.memory_space<hbm>> -> memref<100000x128xf32, #tpu.memory_space<hbm>>
    tpu.wait_indirect_dma semaphore(%arg31 : memref<!tpu.dma_semaphore, #tpu.memory_space<semaphore_mem>>) src(%dma_wait3A_1252 : memref<100000x128xf32, #tpu.memory_space<hbm>>) dst(%arg25 : memref<128x128xf32, #tpu.memory_space<vmem>>)
    %dma_wait3A_1253 = arith.constant 14 : i32
    %dma_wait3A_1254 = arith.constant 0 : i32
    %dma_wait3A_1255 = tpu.memref_slice %arg20[%dma_wait3A_1253, %dma_wait3A_1254] : memref<20x128xi32, #tpu.memory_space<vmem>> -> memref<1x128xi32, #tpu.memory_space<vmem>>
    %dma_wait3A_1256 = tpu.memref_squeeze %dma_wait3A_1255 : memref<1x128xi32, #tpu.memory_space<vmem>> -> memref<128xi32, #tpu.memory_space<vmem>>
    %dma_wait3A_1257 = arith.constant 0 : i32
    %dma_wait3A_1258 = arith.constant 0 : i32
    %dma_wait3A_1259 = tpu.memref_slice %arg6[%dma_wait3A_1257, %dma_wait3A_1258] : memref<100000x128xf32, #tpu.memory_space<hbm>> -> memref<100000x128xf32, #tpu.memory_space<hbm>>
    tpu.wait_indirect_dma semaphore(%arg31 : memref<!tpu.dma_semaphore, #tpu.memory_space<semaphore_mem>>) src(%dma_wait3A_1259 : memref<100000x128xf32, #tpu.memory_space<hbm>>) dst(%arg25 : memref<128x128xf32, #tpu.memory_space<vmem>>)
    %dma_wait3A_1260 = arith.constant 15 : i32
    %dma_wait3A_1261 = arith.constant 0 : i32
    %dma_wait3A_1262 = tpu.memref_slice %arg20[%dma_wait3A_1260, %dma_wait3A_1261] : memref<20x128xi32, #tpu.memory_space<vmem>> -> memref<1x128xi32, #tpu.memory_space<vmem>>
    %dma_wait3A_1263 = tpu.memref_squeeze %dma_wait3A_1262 : memref<1x128xi32, #tpu.memory_space<vmem>> -> memref<128xi32, #tpu.memory_space<vmem>>
    %dma_wait3A_1264 = arith.constant 0 : i32
    %dma_wait3A_1265 = arith.constant 0 : i32
    %dma_wait3A_1266 = tpu.memref_slice %arg6[%dma_wait3A_1264, %dma_wait3A_1265] : memref<100000x128xf32, #tpu.memory_space<hbm>> -> memref<100000x128xf32, #tpu.memory_space<hbm>>
    tpu.wait_indirect_dma semaphore(%arg31 : memref<!tpu.dma_semaphore, #tpu.memory_space<semaphore_mem>>) src(%dma_wait3A_1266 : memref<100000x128xf32, #tpu.memory_space<hbm>>) dst(%arg25 : memref<128x128xf32, #tpu.memory_space<vmem>>)
    %dma_wait3A_1267 = arith.constant 16 : i32
    %dma_wait3A_1268 = arith.constant 0 : i32
    %dma_wait3A_1269 = tpu.memref_slice %arg20[%dma_wait3A_1267, %dma_wait3A_1268] : memref<20x128xi32, #tpu.memory_space<vmem>> -> memref<1x128xi32, #tpu.memory_space<vmem>>
    %dma_wait3A_1270 = tpu.memref_squeeze %dma_wait3A_1269 : memref<1x128xi32, #tpu.memory_space<vmem>> -> memref<128xi32, #tpu.memory_space<vmem>>
    %dma_wait3A_1271 = arith.constant 0 : i32
    %dma_wait3A_1272 = arith.constant 0 : i32
    %dma_wait3A_1273 = tpu.memref_slice %arg6[%dma_wait3A_1271, %dma_wait3A_1272] : memref<100000x128xf32, #tpu.memory_space<hbm>> -> memref<100000x128xf32, #tpu.memory_space<hbm>>
    tpu.wait_indirect_dma semaphore(%arg31 : memref<!tpu.dma_semaphore, #tpu.memory_space<semaphore_mem>>) src(%dma_wait3A_1273 : memref<100000x128xf32, #tpu.memory_space<hbm>>) dst(%arg25 : memref<128x128xf32, #tpu.memory_space<vmem>>)
    %dma_wait3A_1274 = arith.constant 17 : i32
    %dma_wait3A_1275 = arith.constant 0 : i32
    %dma_wait3A_1276 = tpu.memref_slice %arg20[%dma_wait3A_1274, %dma_wait3A_1275] : memref<20x128xi32, #tpu.memory_space<vmem>> -> memref<1x128xi32, #tpu.memory_space<vmem>>
    %dma_wait3A_1277 = tpu.memref_squeeze %dma_wait3A_1276 : memref<1x128xi32, #tpu.memory_space<vmem>> -> memref<128xi32, #tpu.memory_space<vmem>>
    %dma_wait3A_1278 = arith.constant 0 : i32
    %dma_wait3A_1279 = arith.constant 0 : i32
    %dma_wait3A_1280 = tpu.memref_slice %arg6[%dma_wait3A_1278, %dma_wait3A_1279] : memref<100000x128xf32, #tpu.memory_space<hbm>> -> memref<100000x128xf32, #tpu.memory_space<hbm>>
    tpu.wait_indirect_dma semaphore(%arg31 : memref<!tpu.dma_semaphore, #tpu.memory_space<semaphore_mem>>) src(%dma_wait3A_1280 : memref<100000x128xf32, #tpu.memory_space<hbm>>) dst(%arg25 : memref<128x128xf32, #tpu.memory_space<vmem>>)
    %dma_wait3A_1281 = arith.constant 18 : i32
    %dma_wait3A_1282 = arith.constant 0 : i32
    %dma_wait3A_1283 = tpu.memref_slice %arg20[%dma_wait3A_1281, %dma_wait3A_1282] : memref<20x128xi32, #tpu.memory_space<vmem>> -> memref<1x128xi32, #tpu.memory_space<vmem>>
    %dma_wait3A_1284 = tpu.memref_squeeze %dma_wait3A_1283 : memref<1x128xi32, #tpu.memory_space<vmem>> -> memref<128xi32, #tpu.memory_space<vmem>>
    %dma_wait3A_1285 = arith.constant 0 : i32
    %dma_wait3A_1286 = arith.constant 0 : i32
    %dma_wait3A_1287 = tpu.memref_slice %arg6[%dma_wait3A_1285, %dma_wait3A_1286] : memref<100000x128xf32, #tpu.memory_space<hbm>> -> memref<100000x128xf32, #tpu.memory_space<hbm>>
    tpu.wait_indirect_dma semaphore(%arg31 : memref<!tpu.dma_semaphore, #tpu.memory_space<semaphore_mem>>) src(%dma_wait3A_1287 : memref<100000x128xf32, #tpu.memory_space<hbm>>) dst(%arg25 : memref<128x128xf32, #tpu.memory_space<vmem>>)
    %dma_wait3A_1288 = arith.constant 19 : i32
    %dma_wait3A_1289 = arith.constant 0 : i32
    %dma_wait3A_1290 = tpu.memref_slice %arg20[%dma_wait3A_1288, %dma_wait3A_1289] : memref<20x128xi32, #tpu.memory_space<vmem>> -> memref<1x128xi32, #tpu.memory_space<vmem>>
    %dma_wait3A_1291 = tpu.memref_squeeze %dma_wait3A_1290 : memref<1x128xi32, #tpu.memory_space<vmem>> -> memref<128xi32, #tpu.memory_space<vmem>>
    %dma_wait3A_1292 = arith.constant 0 : i32
    %dma_wait3A_1293 = arith.constant 0 : i32
    %dma_wait3A_1294 = tpu.memref_slice %arg6[%dma_wait3A_1292, %dma_wait3A_1293] : memref<100000x128xf32, #tpu.memory_space<hbm>> -> memref<100000x128xf32, #tpu.memory_space<hbm>>
    tpu.wait_indirect_dma semaphore(%arg31 : memref<!tpu.dma_semaphore, #tpu.memory_space<semaphore_mem>>) src(%dma_wait3A_1294 : memref<100000x128xf32, #tpu.memory_space<hbm>>) dst(%arg25 : memref<128x128xf32, #tpu.memory_space<vmem>>)
    %dma_wait3A_1295 = arith.constant 0 : i32
    %dma_wait3A_1296 = arith.constant 0 : i32
    %dma_wait3A_1297 = tpu.memref_slice %arg6[%dma_wait3A_1295, %dma_wait3A_1296] : memref<100000x128xf32, #tpu.memory_space<hbm>> -> memref<100000x128xf32, #tpu.memory_space<hbm>>
    tpu.wait_indirect_dma semaphore(%arg32 : memref<!tpu.dma_semaphore, #tpu.memory_space<semaphore_mem>>) src(%dma_wait3A_1297 : memref<100000x128xf32, #tpu.memory_space<hbm>>) dst(%arg23 : memref<128x128xf32, #tpu.memory_space<vmem>>)
    %scan3A_1298 = arith.constant 0 : i32
    %scan3A_1299 = arith.constant 0 : i32
    %scan3A_1300 = arith.constant 128 : i32
    %scan3A_1301 = arith.addi %scan3A_1299, %scan3A_1300 : i32
    %scan3A_1302 = arith.constant 1 : i32
    %scan3A_1303 = scf.for %scan3A_1305 = %scan3A_1299 to %scan3A_1301 step %scan3A_1302 iter_args(%scan3A_1306 = %scan3A_1298) -> (i32)  : i32 {
      %broadcast_in_dim3A_1307 = arith.constant 0.000000e+00 : f32
      %broadcast_in_dim3A_1308 = vector.broadcast %broadcast_in_dim3A_1307 : f32 to vector<16xf32>
      %broadcast_in_dim3A_1309 = arith.constant 0.000000e+00 : f32
      %broadcast_in_dim3A_1310 = vector.broadcast %broadcast_in_dim3A_1309 : f32 to vector<16xf32>
      %get3A = arith.index_cast %scan3A_1305 : i32 to index
      %get3A_1311 = arith.constant 0 : index
      %get3A_1312 = tpu.vector_load %arg22[%get3A, %get3A_1311] {strides = array<i32>} : memref<128x128xf32, #tpu.memory_space<vmem>>, vector<1x16xf32>,
      %get3A_1313 = vector.shape_cast %get3A_1312 : vector<1x16xf32> to vector<16xf32>
      %get3A_1314 = arith.index_cast %scan3A_1305 : i32 to index
      %get3A_1315 = arith.constant 0 : index
      %get3A_1316 = tpu.vector_load %arg23[%get3A_1314, %get3A_1315] {strides = array<i32>} : memref<128x128xf32, #tpu.memory_space<vmem>>, vector<1x16xf32>,
      %get3A_1317 = vector.shape_cast %get3A_1316 : vector<1x16xf32> to vector<16xf32>
      %mul3A_1318 = arith.mulf %get3A_1313, %get3A_1317 : vector<16xf32>
      %add3A_1319 = arith.addf %broadcast_in_dim3A_1308, %mul3A_1318 : vector<16xf32>
      %get3A_1320 = arith.index_cast %scan3A_1305 : i32 to index
      %get3A_1321 = arith.constant 0 : index
      %get3A_1322 = tpu.vector_load %arg25[%get3A_1320, %get3A_1321] {strides = array<i32>} : memref<128x128xf32, #tpu.memory_space<vmem>>, vector<1x16xf32>,
      %get3A_1323 = vector.shape_cast %get3A_1322 : vector<1x16xf32> to vector<16xf32>
      %mul3A_1324 = arith.mulf %get3A_1313, %get3A_1323 : vector<16xf32>
      %add3A_1325 = arith.addf %broadcast_in_dim3A_1310, %mul3A_1324 : vector<16xf32>
      %get3A_1326 = arith.index_cast %scan3A_1305 : i32 to index
      %get3A_1327 = arith.constant 16 : index
      %get3A_1328 = tpu.vector_load %arg22[%get3A_1326, %get3A_1327] {strides = array<i32>} : memref<128x128xf32, #tpu.memory_space<vmem>>, vector<1x16xf32>,
      %get3A_1329 = vector.shape_cast %get3A_1328 : vector<1x16xf32> to vector<16xf32>
      %get3A_1330 = arith.index_cast %scan3A_1305 : i32 to index
      %get3A_1331 = arith.constant 16 : index
      %get3A_1332 = tpu.vector_load %arg23[%get3A_1330, %get3A_1331] {strides = array<i32>} : memref<128x128xf32, #tpu.memory_space<vmem>>, vector<1x16xf32>,
      %get3A_1333 = vector.shape_cast %get3A_1332 : vector<1x16xf32> to vector<16xf32>
      %mul3A_1334 = arith.mulf %get3A_1329, %get3A_1333 : vector<16xf32>
      %add3A_1335 = arith.addf %add3A_1319, %mul3A_1334 : vector<16xf32>
      %get3A_1336 = arith.index_cast %scan3A_1305 : i32 to index
      %get3A_1337 = arith.constant 16 : index
      %get3A_1338 = tpu.vector_load %arg25[%get3A_1336, %get3A_1337] {strides = array<i32>} : memref<128x128xf32, #tpu.memory_space<vmem>>, vector<1x16xf32>,
      %get3A_1339 = vector.shape_cast %get3A_1338 : vector<1x16xf32> to vector<16xf32>
      %mul3A_1340 = arith.mulf %get3A_1329, %get3A_1339 : vector<16xf32>
      %add3A_1341 = arith.addf %add3A_1325, %mul3A_1340 : vector<16xf32>
      %get3A_1342 = arith.index_cast %scan3A_1305 : i32 to index
      %get3A_1343 = arith.constant 32 : index
      %get3A_1344 = tpu.vector_load %arg22[%get3A_1342, %get3A_1343] {strides = array<i32>} : memref<128x128xf32, #tpu.memory_space<vmem>>, vector<1x16xf32>,
      %get3A_1345 = vector.shape_cast %get3A_1344 : vector<1x16xf32> to vector<16xf32>
      %get3A_1346 = arith.index_cast %scan3A_1305 : i32 to index
      %get3A_1347 = arith.constant 32 : index
      %get3A_1348 = tpu.vector_load %arg23[%get3A_1346, %get3A_1347] {strides = array<i32>} : memref<128x128xf32, #tpu.memory_space<vmem>>, vector<1x16xf32>,
      %get3A_1349 = vector.shape_cast %get3A_1348 : vector<1x16xf32> to vector<16xf32>
      %mul3A_1350 = arith.mulf %get3A_1345, %get3A_1349 : vector<16xf32>
      %add3A_1351 = arith.addf %add3A_1335, %mul3A_1350 : vector<16xf32>
      %get3A_1352 = arith.index_cast %scan3A_1305 : i32 to index
      %get3A_1353 = arith.constant 32 : index
      %get3A_1354 = tpu.vector_load %arg25[%get3A_1352, %get3A_1353] {strides = array<i32>} : memref<128x128xf32, #tpu.memory_space<vmem>>, vector<1x16xf32>,
      %get3A_1355 = vector.shape_cast %get3A_1354 : vector<1x16xf32> to vector<16xf32>
      %mul3A_1356 = arith.mulf %get3A_1345, %get3A_1355 : vector<16xf32>
      %add3A_1357 = arith.addf %add3A_1341, %mul3A_1356 : vector<16xf32>
      %get3A_1358 = arith.index_cast %scan3A_1305 : i32 to index
      %get3A_1359 = arith.constant 48 : index
      %get3A_1360 = tpu.vector_load %arg22[%get3A_1358, %get3A_1359] {strides = array<i32>} : memref<128x128xf32, #tpu.memory_space<vmem>>, vector<1x16xf32>,
      %get3A_1361 = vector.shape_cast %get3A_1360 : vector<1x16xf32> to vector<16xf32>
      %get3A_1362 = arith.index_cast %scan3A_1305 : i32 to index
      %get3A_1363 = arith.constant 48 : index
      %get3A_1364 = tpu.vector_load %arg23[%get3A_1362, %get3A_1363] {strides = array<i32>} : memref<128x128xf32, #tpu.memory_space<vmem>>, vector<1x16xf32>,
      %get3A_1365 = vector.shape_cast %get3A_1364 : vector<1x16xf32> to vector<16xf32>
      %mul3A_1366 = arith.mulf %get3A_1361, %get3A_1365 : vector<16xf32>
      %add3A_1367 = arith.addf %add3A_1351, %mul3A_1366 : vector<16xf32>
      %get3A_1368 = arith.index_cast %scan3A_1305 : i32 to index
      %get3A_1369 = arith.constant 48 : index
      %get3A_1370 = tpu.vector_load %arg25[%get3A_1368, %get3A_1369] {strides = array<i32>} : memref<128x128xf32, #tpu.memory_space<vmem>>, vector<1x16xf32>,
      %get3A_1371 = vector.shape_cast %get3A_1370 : vector<1x16xf32> to vector<16xf32>
      %mul3A_1372 = arith.mulf %get3A_1361, %get3A_1371 : vector<16xf32>
      %add3A_1373 = arith.addf %add3A_1357, %mul3A_1372 : vector<16xf32>
      %get3A_1374 = arith.index_cast %scan3A_1305 : i32 to index
      %get3A_1375 = arith.constant 64 : index
      %get3A_1376 = tpu.vector_load %arg22[%get3A_1374, %get3A_1375] {strides = array<i32>} : memref<128x128xf32, #tpu.memory_space<vmem>>, vector<1x16xf32>,
      %get3A_1377 = vector.shape_cast %get3A_1376 : vector<1x16xf32> to vector<16xf32>
      %get3A_1378 = arith.index_cast %scan3A_1305 : i32 to index
      %get3A_1379 = arith.constant 64 : index
      %get3A_1380 = tpu.vector_load %arg23[%get3A_1378, %get3A_1379] {strides = array<i32>} : memref<128x128xf32, #tpu.memory_space<vmem>>, vector<1x16xf32>,
      %get3A_1381 = vector.shape_cast %get3A_1380 : vector<1x16xf32> to vector<16xf32>
      %mul3A_1382 = arith.mulf %get3A_1377, %get3A_1381 : vector<16xf32>
      %add3A_1383 = arith.addf %add3A_1367, %mul3A_1382 : vector<16xf32>
      %get3A_1384 = arith.index_cast %scan3A_1305 : i32 to index
      %get3A_1385 = arith.constant 64 : index
      %get3A_1386 = tpu.vector_load %arg25[%get3A_1384, %get3A_1385] {strides = array<i32>} : memref<128x128xf32, #tpu.memory_space<vmem>>, vector<1x16xf32>,
      %get3A_1387 = vector.shape_cast %get3A_1386 : vector<1x16xf32> to vector<16xf32>
      %mul3A_1388 = arith.mulf %get3A_1377, %get3A_1387 : vector<16xf32>
      %add3A_1389 = arith.addf %add3A_1373, %mul3A_1388 : vector<16xf32>
      %get3A_1390 = arith.index_cast %scan3A_1305 : i32 to index
      %get3A_1391 = arith.constant 80 : index
      %get3A_1392 = tpu.vector_load %arg22[%get3A_1390, %get3A_1391] {strides = array<i32>} : memref<128x128xf32, #tpu.memory_space<vmem>>, vector<1x16xf32>,
      %get3A_1393 = vector.shape_cast %get3A_1392 : vector<1x16xf32> to vector<16xf32>
      %get3A_1394 = arith.index_cast %scan3A_1305 : i32 to index
      %get3A_1395 = arith.constant 80 : index
      %get3A_1396 = tpu.vector_load %arg23[%get3A_1394, %get3A_1395] {strides = array<i32>} : memref<128x128xf32, #tpu.memory_space<vmem>>, vector<1x16xf32>,
      %get3A_1397 = vector.shape_cast %get3A_1396 : vector<1x16xf32> to vector<16xf32>
      %mul3A_1398 = arith.mulf %get3A_1393, %get3A_1397 : vector<16xf32>
      %add3A_1399 = arith.addf %add3A_1383, %mul3A_1398 : vector<16xf32>
      %get3A_1400 = arith.index_cast %scan3A_1305 : i32 to index
      %get3A_1401 = arith.constant 80 : index
      %get3A_1402 = tpu.vector_load %arg25[%get3A_1400, %get3A_1401] {strides = array<i32>} : memref<128x128xf32, #tpu.memory_space<vmem>>, vector<1x16xf32>,
      %get3A_1403 = vector.shape_cast %get3A_1402 : vector<1x16xf32> to vector<16xf32>
      %mul3A_1404 = arith.mulf %get3A_1393, %get3A_1403 : vector<16xf32>
      %add3A_1405 = arith.addf %add3A_1389, %mul3A_1404 : vector<16xf32>
      %get3A_1406 = arith.index_cast %scan3A_1305 : i32 to index
      %get3A_1407 = arith.constant 96 : index
      %get3A_1408 = tpu.vector_load %arg22[%get3A_1406, %get3A_1407] {strides = array<i32>} : memref<128x128xf32, #tpu.memory_space<vmem>>, vector<1x16xf32>,
      %get3A_1409 = vector.shape_cast %get3A_1408 : vector<1x16xf32> to vector<16xf32>
      %get3A_1410 = arith.index_cast %scan3A_1305 : i32 to index
      %get3A_1411 = arith.constant 96 : index
      %get3A_1412 = tpu.vector_load %arg23[%get3A_1410, %get3A_1411] {strides = array<i32>} : memref<128x128xf32, #tpu.memory_space<vmem>>, vector<1x16xf32>,
      %get3A_1413 = vector.shape_cast %get3A_1412 : vector<1x16xf32> to vector<16xf32>
      %mul3A_1414 = arith.mulf %get3A_1409, %get3A_1413 : vector<16xf32>
      %add3A_1415 = arith.addf %add3A_1399, %mul3A_1414 : vector<16xf32>
      %get3A_1416 = arith.index_cast %scan3A_1305 : i32 to index
      %get3A_1417 = arith.constant 96 : index
      %get3A_1418 = tpu.vector_load %arg25[%get3A_1416, %get3A_1417] {strides = array<i32>} : memref<128x128xf32, #tpu.memory_space<vmem>>, vector<1x16xf32>,
      %get3A_1419 = vector.shape_cast %get3A_1418 : vector<1x16xf32> to vector<16xf32>
      %mul3A_1420 = arith.mulf %get3A_1409, %get3A_1419 : vector<16xf32>
      %add3A_1421 = arith.addf %add3A_1405, %mul3A_1420 : vector<16xf32>
      %get3A_1422 = arith.index_cast %scan3A_1305 : i32 to index
      %get3A_1423 = arith.constant 112 : index
      %get3A_1424 = tpu.vector_load %arg22[%get3A_1422, %get3A_1423] {strides = array<i32>} : memref<128x128xf32, #tpu.memory_space<vmem>>, vector<1x16xf32>,
      %get3A_1425 = vector.shape_cast %get3A_1424 : vector<1x16xf32> to vector<16xf32>
      %get3A_1426 = arith.index_cast %scan3A_1305 : i32 to index
      %get3A_1427 = arith.constant 112 : index
      %get3A_1428 = tpu.vector_load %arg23[%get3A_1426, %get3A_1427] {strides = array<i32>} : memref<128x128xf32, #tpu.memory_space<vmem>>, vector<1x16xf32>,
      %get3A_1429 = vector.shape_cast %get3A_1428 : vector<1x16xf32> to vector<16xf32>
      %mul3A_1430 = arith.mulf %get3A_1425, %get3A_1429 : vector<16xf32>
      %add3A_1431 = arith.addf %add3A_1415, %mul3A_1430 : vector<16xf32>
      %get3A_1432 = arith.index_cast %scan3A_1305 : i32 to index
      %get3A_1433 = arith.constant 112 : index
      %get3A_1434 = tpu.vector_load %arg25[%get3A_1432, %get3A_1433] {strides = array<i32>} : memref<128x128xf32, #tpu.memory_space<vmem>>, vector<1x16xf32>,
      %get3A_1435 = vector.shape_cast %get3A_1434 : vector<1x16xf32> to vector<16xf32>
      %mul3A_1436 = arith.mulf %get3A_1425, %get3A_1435 : vector<16xf32>
      %add3A_1437 = arith.addf %add3A_1421, %mul3A_1436 : vector<16xf32>
      %swap3A = arith.index_cast %scan3A_1305 : i32 to index
      %swap3A_1438 = arith.constant 0 : index
      %swap3A_1439 = tpu.vector_load %arg26[%swap3A, %swap3A_1438] {strides = array<i32>} : memref<128x16xf32, #tpu.memory_space<vmem>>, vector<1x16xf32>,
      %swap3A_1440 = vector.shape_cast %swap3A_1439 : vector<1x16xf32> to vector<16xf32>
      %swap3A_1441 = vector.shape_cast %add3A_1431 : vector<16xf32> to vector<1x16xf32>
      tpu.vector_store %arg26[%swap3A, %swap3A_1438], %swap3A_1441 {strides = array<i32>} : memref<128x16xf32, #tpu.memory_space<vmem>>, vector<1x16xf32>,
      %swap3A_1442 = arith.index_cast %scan3A_1305 : i32 to index
      %swap3A_1443 = arith.constant 0 : index
      %swap3A_1444 = tpu.vector_load %arg27[%swap3A_1442, %swap3A_1443] {strides = array<i32>} : memref<128x16xf32, #tpu.memory_space<vmem>>, vector<1x16xf32>,
      %swap3A_1445 = vector.shape_cast %swap3A_1444 : vector<1x16xf32> to vector<16xf32>
      %swap3A_1446 = vector.shape_cast %add3A_1437 : vector<16xf32> to vector<1x16xf32>
      tpu.vector_store %arg27[%swap3A_1442, %swap3A_1443], %swap3A_1446 {strides = array<i32>} : memref<128x16xf32, #tpu.memory_space<vmem>>, vector<1x16xf32>,
      %scan3A_1447 = arith.constant 0 : i32
      scf.yield %scan3A_1447 : i32
    }
    %scan3A_1304 = arith.constant 128 : i32
    "tpu.region"() ({
      %run_scoped3A = tpu.sem_alloc : memref<!tpu.dma_semaphore, #tpu.memory_space<semaphore_mem>>
      %dma_start3A_1305 = arith.constant 0 : i32
      %dma_start3A_1306 = tpu.memref_slice %arg7[%add3A_1151, %dma_start3A_1305] : memref<16384x16xf32, #tpu.memory_space<hbm>> -> memref<128x16xf32, #tpu.memory_space<hbm>>
      %dma_start3A_1307 = arith.constant 0 : i32
      %dma_start3A_1308 = tpu.memref_slice %arg7[%add3A_1151, %dma_start3A_1307] : memref<16384x16xf32, #tpu.memory_space<hbm>> -> memref<128x16xf32, #tpu.memory_space<hbm>>
      tpu.enqueue_dma source(%arg26 : memref<128x16xf32, #tpu.memory_space<vmem>>) target(%dma_start3A_1308 : memref<128x16xf32, #tpu.memory_space<hbm>>) target_semaphore(%run_scoped3A : memref<!tpu.dma_semaphore, #tpu.memory_space<semaphore_mem>>)
      %dma_wait3A_1309 = arith.constant 0 : i32
      %dma_wait3A_1310 = tpu.memref_slice %arg7[%add3A_1151, %dma_wait3A_1309] : memref<16384x16xf32, #tpu.memory_space<hbm>> -> memref<128x16xf32, #tpu.memory_space<hbm>>
      %dma_wait3A_1311 = arith.constant 0 : i32
      %dma_wait3A_1312 = tpu.memref_slice %arg7[%add3A_1151, %dma_wait3A_1311] : memref<16384x16xf32, #tpu.memory_space<hbm>> -> memref<128x16xf32, #tpu.memory_space<hbm>>
      tpu.wait_dma2 semaphore(%run_scoped3A : memref<!tpu.dma_semaphore, #tpu.memory_space<semaphore_mem>>) src(%arg26 : memref<128x16xf32, #tpu.memory_space<vmem>>) dst(%dma_wait3A_1312 : memref<128x16xf32, #tpu.memory_space<hbm>>)
      tpu.yield
    }) : () -> ()
    "tpu.region"() ({
      %run_scoped3A = tpu.sem_alloc : memref<!tpu.dma_semaphore, #tpu.memory_space<semaphore_mem>>
      %dma_start3A_1305 = arith.constant 0 : i32
      %dma_start3A_1306 = tpu.memref_slice %arg8[%add3A_1151, %dma_start3A_1305] : memref<16384x16xf32, #tpu.memory_space<hbm>> -> memref<128x16xf32, #tpu.memory_space<hbm>>
      %dma_start3A_1307 = arith.constant 0 : i32
      %dma_start3A_1308 = tpu.memref_slice %arg8[%add3A_1151, %dma_start3A_1307] : memref<16384x16xf32, #tpu.memory_space<hbm>> -> memref<128x16xf32, #tpu.memory_space<hbm>>
      tpu.enqueue_dma source(%arg27 : memref<128x16xf32, #tpu.memory_space<vmem>>) target(%dma_start3A_1308 : memref<128x16xf32, #tpu.memory_space<hbm>>) target_semaphore(%run_scoped3A : memref<!tpu.dma_semaphore, #tpu.memory_space<semaphore_mem>>)
      %dma_wait3A_1309 = arith.constant 0 : i32
      %dma_wait3A_1310 = tpu.memref_slice %arg8[%add3A_1151, %dma_wait3A_1309] : memref<16384x16xf32, #tpu.memory_space<hbm>> -> memref<128x16xf32, #tpu.memory_space<hbm>>
      %dma_wait3A_1311 = arith.constant 0 : i32
      %dma_wait3A_1312 = tpu.memref_slice %arg8[%add3A_1151, %dma_wait3A_1311] : memref<16384x16xf32, #tpu.memory_space<hbm>> -> memref<128x16xf32, #tpu.memory_space<hbm>>
      tpu.wait_dma2 semaphore(%run_scoped3A : memref<!tpu.dma_semaphore, #tpu.memory_space<semaphore_mem>>) src(%arg27 : memref<128x16xf32, #tpu.memory_space<vmem>>) dst(%dma_wait3A_1312 : memref<128x16xf32, #tpu.memory_space<hbm>>)
      tpu.yield
    }) : () -> ()
    return
  }
}

module attributes {stable_mosaic.version = 14 : i64} {
  func.func @_tc_finish_body(%arg0: memref<2048x128xf32, #tpu.memory_space<vmem>>, %arg1: memref<2048x128xf32, #tpu.memory_space<vmem>>, %arg2: memref<1x1xf32, #tpu.memory_space<smem>>) attributes {dimension_semantics = [], scalar_prefetch = 0 : i64, scratch_operands = 0 : i64, tpu.core_type = #tpu.core_type<tc>} {
    %iota3A = tpu.iota {dimensions = array<i32: 0>} : vector<128x8xi32>
    %iota3A_0 = tpu.iota {dimensions = array<i32: 1>} : vector<128x8xi32>
    %jit3A = arith.constant 16 : i32
    %div3A = vector.broadcast %jit3A : i32 to vector<128x8xi32>
    %div3A_1 = arith.divsi %iota3A, %div3A : vector<128x8xi32>
    %sign3A = arith.constant 0 : i32
    %sign3A_2 = vector.broadcast %sign3A : i32 to vector<128x8xi32>
    %sign3A_3 = arith.cmpi sgt, %iota3A, %sign3A_2 : vector<128x8xi32>
    %sign3A_4 = arith.extui %sign3A_3 : vector<128x8xi1> to vector<128x8xi32>
    %sign3A_5 = arith.constant 0 : i32
    %sign3A_6 = vector.broadcast %sign3A_5 : i32 to vector<128x8xi32>
    %sign3A_7 = arith.cmpi slt, %iota3A, %sign3A_6 : vector<128x8xi32>
    %sign3A_8 = arith.extui %sign3A_7 : vector<128x8xi1> to vector<128x8xi32>
    %sign3A_9 = arith.subi %sign3A_4, %sign3A_8 : vector<128x8xi32>
    %sign3A_10 = arith.constant 0 : i32
    %sign3A_11 = arith.cmpi sgt, %jit3A, %sign3A_10 : i32
    %sign3A_12 = arith.extui %sign3A_11 : i1 to i32
    %sign3A_13 = arith.constant 0 : i32
    %sign3A_14 = arith.cmpi slt, %jit3A, %sign3A_13 : i32
    %sign3A_15 = arith.extui %sign3A_14 : i1 to i32
    %sign3A_16 = arith.subi %sign3A_12, %sign3A_15 : i32
    %ne3A = vector.broadcast %sign3A_16 : i32 to vector<128x8xi32>
    %ne3A_17 = arith.cmpi ne, %sign3A_9, %ne3A : vector<128x8xi32>
    %rem3A = vector.broadcast %jit3A : i32 to vector<128x8xi32>
    %rem3A_18 = arith.remsi %iota3A, %rem3A : vector<128x8xi32>
    %ne3A_19 = arith.constant 0 : i32
    %ne3A_20 = vector.broadcast %ne3A_19 : i32 to vector<128x8xi32>
    %ne3A_21 = arith.cmpi ne, %rem3A_18, %ne3A_20 : vector<128x8xi32>
    %and3A = arith.andi %ne3A_17, %ne3A_21 : vector<128x8xi1>
    %sub3A = arith.constant 1 : i32
    %sub3A_22 = vector.broadcast %sub3A : i32 to vector<128x8xi32>
    %sub3A_23 = arith.subi %div3A_1, %sub3A_22 : vector<128x8xi32>
    %select_n3A = arith.select %and3A, %sub3A_23, %div3A_1 : vector<128x8xi1>, vector<128x8xi32>
    %eq3A = arith.cmpi eq, %select_n3A, %iota3A_0 : vector<128x8xi32>
    %convert_element_type3A = arith.extui %eq3A : vector<128x8xi1> to vector<128x8xi32>
    %convert_element_type3A_24 = arith.sitofp %convert_element_type3A : vector<128x8xi32> to vector<128x8xf32>
    %get3A = arith.constant 0 : index
    %get3A_25 = arith.constant 0 : index
    %get3A_26 = vector.load %arg0[%get3A, %get3A_25] : memref<2048x128xf32, #tpu.memory_space<vmem>>, vector<2048x128xf32>
    %dot_general3A = arith.constant dense<0.000000e+00> : vector<2048x8xf32>
    %dot_general3A_27 = tpu.matmul %get3A_26, %convert_element_type3A_24, %dot_general3A {dimension_numbers = #tpu.dot_dimension_numbers<[1], [0], [0], [1], [0, 0, 1, 1], [], []>, transpose_lhs_hint = false} : vector<2048x128xf32>, vector<128x8xf32>, vector<2048x8xf32> -> vector<2048x8xf32>
    %get3A_28 = arith.constant 0 : index
    %get3A_29 = arith.constant 0 : index
    %get3A_30 = vector.load %arg1[%get3A_28, %get3A_29] : memref<2048x128xf32, #tpu.memory_space<vmem>>, vector<2048x128xf32>
    %dot_general3A_31 = arith.constant dense<0.000000e+00> : vector<2048x8xf32>
    %dot_general3A_32 = tpu.matmul %get3A_30, %convert_element_type3A_24, %dot_general3A_31 {dimension_numbers = #tpu.dot_dimension_numbers<[1], [0], [0], [1], [0, 0, 1, 1], [], []>, transpose_lhs_hint = false} : vector<2048x128xf32>, vector<128x8xf32>, vector<2048x8xf32> -> vector<2048x8xf32>
    %min3A = arith.constant 0.000000e+00 : f32
    %min3A_33 = vector.broadcast %min3A : f32 to vector<2048x8xf32>
    %min3A_34 = arith.minimumf %dot_general3A_27, %min3A_33 : vector<2048x8xf32>
    %abs3A = math.absf %dot_general3A_27 : vector<2048x8xf32>
    %neg3A = arith.constant 0.000000e+00 : f32
    %neg3A_35 = vector.broadcast %neg3A : f32 to vector<2048x8xf32>
    %neg3A_36 = arith.subf %neg3A_35, %abs3A : vector<2048x8xf32>
    %exp3A = math.exp %neg3A_36 : vector<2048x8xf32>
    %add3A = arith.constant 1.000000e+00 : f32
    %add3A_37 = vector.broadcast %add3A : f32 to vector<2048x8xf32>
    %add3A_38 = arith.addf %add3A_37, %exp3A : vector<2048x8xf32>
    %log3A = math.log %add3A_38 : vector<2048x8xf32>
    %sub3A_39 = arith.subf %min3A_34, %log3A : vector<2048x8xf32>
    %neg3A_40 = arith.constant 0.000000e+00 : f32
    %neg3A_41 = vector.broadcast %neg3A_40 : f32 to vector<2048x8xf32>
    %neg3A_42 = arith.subf %neg3A_41, %dot_general3A_32 : vector<2048x8xf32>
    %min3A_43 = arith.constant 0.000000e+00 : f32
    %min3A_44 = vector.broadcast %min3A_43 : f32 to vector<2048x8xf32>
    %min3A_45 = arith.minimumf %neg3A_42, %min3A_44 : vector<2048x8xf32>
    %abs3A_46 = math.absf %neg3A_42 : vector<2048x8xf32>
    %neg3A_47 = arith.constant 0.000000e+00 : f32
    %neg3A_48 = vector.broadcast %neg3A_47 : f32 to vector<2048x8xf32>
    %neg3A_49 = arith.subf %neg3A_48, %abs3A_46 : vector<2048x8xf32>
    %exp3A_50 = math.exp %neg3A_49 : vector<2048x8xf32>
    %add3A_51 = arith.constant 1.000000e+00 : f32
    %add3A_52 = vector.broadcast %add3A_51 : f32 to vector<2048x8xf32>
    %add3A_53 = arith.addf %add3A_52, %exp3A_50 : vector<2048x8xf32>
    %log3A_54 = math.log %add3A_53 : vector<2048x8xf32>
    %sub3A_55 = arith.subf %min3A_45, %log3A_54 : vector<2048x8xf32>
    %add3A_56 = arith.addf %sub3A_39, %sub3A_55 : vector<2048x8xf32>
    %reduce_sum3A = vector.shape_cast %add3A_56 : vector<2048x8xf32> to vector<1x2048x8xf32>
    %reduce_sum3A_57 = arith.constant dense<0.000000e+00> : vector<1xf32>
    %reduce_sum3A_58 = vector.multi_reduction <add>, %reduce_sum3A, %reduce_sum3A_57 [1, 2] : vector<1x2048x8xf32> to vector<1xf32>
    %reduce_sum3A_59 = vector.shape_cast %reduce_sum3A_58 : vector<1xf32> to vector<1x1x1xf32>
    %reduce_sum3A_60 = vector.extract %reduce_sum3A_59[0, 0, 0] : f32 from vector<1x1x1xf32>
    %neg3A_61 = arith.constant 0.000000e+00 : f32
    %neg3A_62 = arith.subf %neg3A_61, %reduce_sum3A_60 : f32
    %div3A_63 = arith.constant 1.638400e+04 : f32
    %div3A_64 = arith.divf %neg3A_62, %div3A_63 : f32
    %swap3A = arith.constant 0 : index
    %swap3A_65 = arith.constant 0 : index
    %swap3A_66 = memref.load %arg2[%swap3A, %swap3A_65] : memref<1x1xf32, #tpu.memory_space<smem>>
    memref.store %div3A_64, %arg2[%swap3A, %swap3A_65] : memref<1x1xf32, #tpu.memory_space<smem>>
    return
  }
}

</mosaic_0001>

<sc_bundles>
// kernel: kernel.4.cloned.1.call-start
scs
__scs_entry_jumppad:
0x0: {  	(pc) =	sbr.rel $0x88, $3  }
0x1: {  	(tag) =	ssettag $0x0;
	lr =	simm.s32 $0x1  }
0x2: {  	[smem:$0x3F9C] =	sst lr;
	_ =	strace $0xD0000000  }
0x3: {  	_ = 	snop  }
0x4: {  	_ = 	snop  }
0x5: {  	_ = 	snop  }
0x6: {  	_ = 	snop  }
0x7: {  	_ = 	snop  }
__scs_overlays_trampoline_lowered:
0x8: {  	[smem:$0x3FAB] =	sst s0  }
0x9: {  	[smem:$0x3FAC] =	sst s1  }
0xa: {  	[smem:$0x3FAD] =	sst s2  }
0xb: {  	[smem:$0x3FAE] =	sst s3  }
0xc: {  	[smem:$0x3FAF] =	sst s4  }
0xd: {  	[smem:$0x3FB0] =	sst s5  }
0xe: {  	[smem:$0x3FB1] =	sst s6  }
0xf: {  	[smem:$0x3FB2] =	sst s7  }
0x10: {  	[smem:$0x3FB3] =	sst s8  }
0x11: {  	[smem:$0x3FB4] =	sst s9;
	s0 =	simm.s32 @!p0 $0x0  }
0x12: {  	s1 =	sld [smem:$0x3F9A];
	s0 =	simm.s32 @p0 $0x1  }
0x13: {  	[smem:$0x3FB5] =	sst s0;
	s0 =	simm.s32 @!p1 $0x0  }
0x14: {  	s2 =	sld [smem:$0x3F99];
	s0 =	simm.s32 @p1 $0x1  }
0x15: {  	[smem:$0x3FB6] =	sst s0;
	s0 =	simm.s32 @!p2 $0x0  }
0x16: {  	s3 =	sld [smem:$0x3FDB];
	s0 =	simm.s32 @p2 $0x1  }
0x17: {  	s4 =	simm.s32 $0x1BF5;
	[smem:$0x3FB8] =	sst s0  }
0x18: {  	s0 =	sld [smem:$0x3F9B];
	_ =	swait.ge [sflag:s4], $0x0  }
0x19: {  	s7 =	sld [smem:$0x3F9C]  }
0x1a: {  	s8 =	sadd.s32 $0xFFFFE003, lr  }
0x1b: {  	s9 =	sadd.s32 $0xFFFFFEF7, lr;
	s5 =	simm.s32 $0xFFFFFFFF;
	p2 =	slt.u32 s8, $0xFFFFF086  }
0x1c: {  	p1 =	slt.u32 s9, $0xF7A;
	s5 =	simm.s32 @!p2 $0x0  }
0x1d: {  	s5 =	simm.s32 @p1 $0x1;
	p0 =	seq.s32 s7, s2  }
0x1e: {  	s7 =	smul.u32 @!p0 $0xF7A, s2;
	p2 =	seq.s32 @!p0 s5, $0x0  }
0x1f: {  	s9 =	smul.u32 $0xF7A, s1;
	s8 =	simm.s32 @!p0 $0x1BF5;
	p2 =	por !p2, p0  }
0x20: {  	[sflag:s8] =	ssyncset.s32 @!p0 $0xFFFFF086;
	s6 =	sadd.s32 @!p0 s3, s7;
	s7 =	simm.s32 @!p0 $0x108  }
0x21: {  	s3 =	sadd.s32 s3, s9;
	s6 =	sadd.s32 @!p0 $0x88, s6;
	s7 =	simm.s32 @p2 $0x1082  }
0x22: {  	[simem:s7], [sflag:s8] =	dma.local @!p0 [hbm:s6], $0xF7A  }
0x23: {  	s9 =	sor.u32 $0xD0000000, s2;
	s6 =	simm.s32 $0x108;
	_ =	swait.ge @!p0 [sflag:s8], $0x0  }
0x24: {  	s3 =	sadd.s32 $0x88, s3;
	s6 =	simm.s32 @!p1 $0x1082;
	[sflag:s4] =	ssyncset.s32 $0xFFFFF086  }
0x25: {  	[simem:s6], [sflag:s4] =	dma.local [hbm:s3], $0xF7A  }
0x26: {  	[smem:$0x3F9C] =	sst s1;
	(tag) =	ssettag s2;
	_ =	strace s9  }
0x27: {  	s1 =	sld [smem:$0x3FAC]  }
0x28: {  	s2 =	sld [smem:$0x3FAD]  }
0x29: {  	s4 =	sld [smem:$0x3FAF]  }
0x2a: {  	p0 =	seq.s32 s5, $0x0;
	s5 =	sld [smem:$0x3FB0]  }
0x2b: {  	s6 =	sld [smem:$0x3FB1]  }
0x2c: {  	s7 =	sld [smem:$0x3FB2]  }
0x2d: {  	s3 =	simm.s32 $0x108;
	s8 =	sld [smem:$0x3FB3]  }
0x2e: {  	s3 =	simm.s32 @!p0 $0x1082;
	s9 =	sld [smem:$0x3FB4]  }
0x2f: {  	lr =	sadd.s32 s0, s3;
	s0 =	sld [smem:$0x3FAB]  }
0x30: {  	s3 =	sld [smem:$0x3FAE]  }
0x31: {  	[smem:$0x3FB7] =	sst s10  }
0x32: {  	s10 =	sld [smem:$0x3FB5];
	_ =	sdelay $0x3  }
0x33: {  	p0 =	seq.s32 s10, $0x1;
	s10 =	sld [smem:$0x3FB7];
	_ =	sdelay $0x3  }
0x34: {  	[smem:$0x3FB7] =	sst s10  }
0x35: {  	s10 =	sld [smem:$0x3FB6];
	_ =	sdelay $0x3  }
0x36: {  	p1 =	seq.s32 s10, $0x1;
	s10 =	sld [smem:$0x3FB7];
	_ =	sdelay $0x3  }
0x37: {  	[smem:$0x3FB7] =	sst s10  }
0x38: {  	s10 =	sld [smem:$0x3FB8]  }
0x39: {  	_ = 	snop;
	(pc) =	sbr.ind lr, $3  }
0x3a: {  	_ = 	snop  }
0x3b: {  	_ = 	snop  }
0x3c: {  	p2 =	seq.s32 s10, $0x1;
	s10 =	sld [smem:$0x3FB7]  }
0x3d: {  	_ =	shalt  }
0x3e: {  	_ =	shalt  }
0x3f: {  	_ =	shalt  }
0x40: {  	_ =	shalt  }
0x41: {  	_ =	shalt  }
0x42: {  	_ =	shalt  }
0x43: {  	_ =	shalt  }
0x44: {  	_ =	shalt  }
0x45: {  	_ =	shalt  }
0x46: {  	_ =	shalt  }
0x47: {  	_ =	shalt  }
0x48: {  	_ =	shalt  }
0x49: {  	_ =	shalt  }
0x4a: {  	_ =	shalt  }
0x4b: {  	_ =	shalt  }
0x4c: {  	_ =	shalt  }
0x4d: {  	_ =	shalt  }
0x4e: {  	_ =	shalt  }
0x4f: {  	_ =	shalt  }
0x50: {  	_ =	shalt  }
0x51: {  	_ =	shalt  }
0x52: {  	_ =	shalt  }
0x53: {  	_ =	shalt  }
0x54: {  	_ =	shalt  }
0x55: {  	_ =	shalt  }
0x56: {  	_ =	shalt  }
0x57: {  	_ =	shalt  }
0x58: {  	_ =	shalt  }
0x59: {  	_ =	shalt  }
0x5a: {  	_ =	shalt  }
0x5b: {  	_ =	shalt  }
0x5c: {  	_ =	shalt  }
0x5d: {  	_ =	shalt  }
0x5e: {  	_ =	shalt  }
0x5f: {  	_ =	shalt  }
0x60: {  	_ =	shalt  }
0x61: {  	_ =	shalt  }
0x62: {  	_ =	shalt  }
0x63: {  	_ =	shalt  }
0x64: {  	_ =	shalt  }
0x65: {  	_ =	shalt  }
0x66: {  	_ =	shalt  }
0x67: {  	_ =	shalt  }
0x68: {  	_ =	shalt  }
0x69: {  	_ =	shalt  }
0x6a: {  	_ =	shalt  }
0x6b: {  	_ =	shalt  }
0x6c: {  	_ =	shalt  }
0x6d: {  	_ =	shalt  }
0x6e: {  	_ =	shalt  }
0x6f: {  	_ =	shalt  }
0x70: {  	_ =	shalt  }
0x71: {  	_ =	shalt  }
0x72: {  	_ =	shalt  }
0x73: {  	_ =	shalt  }
0x74: {  	_ =	shalt  }
0x75: {  	_ =	shalt  }
0x76: {  	_ =	shalt  }
0x77: {  	_ =	shalt  }
0x78: {  	_ =	shalt  }
0x79: {  	_ =	shalt  }
0x7a: {  	_ =	shalt  }
0x7b: {  	_ =	shalt  }
0x7c: {  	_ =	shalt  }
0x7d: {  	_ =	shalt  }
0x7e: {  	_ =	shalt  }
0x7f: {  	_ =	shalt  }
0x80: {  	_ =	shalt  }
0x81: {  	_ =	shalt  }
0x82: {  	_ =	shalt  }
0x83: {  	_ =	shalt  }
0x84: {  	_ =	shalt  }
0x85: {  	_ =	shalt  }
0x86: {  	_ =	shalt  }
0x87: {  	_ =	shalt  }
.Lfunc_end0:
.L_simem_size_0:
called_computation_lowered:
.L_overlay_start_0:
0x88: {  	s2 =	sld [smem:$0x3FD9]  }
0x89: {  	s3 =	sld [smem:$0x3FFE];
	_ =	sdelay $0x1  }
0x8a: {  	s1 =	srdreg.scid  }
0x8b: {  	s0 =	sand.u32 $0x1, s1  }
0x8c: {  	s17 =	sshll.u32 s0, $0xA;
	s2 =	sadd.s32 s3, s2  }
0x8d: {  	s2 =	sadd.s32 s2, s17  }
0x8e: {  	[smem:$0x3FC3] =	sst s2  }
0x8f: {  	_ = 	snop  }
0x90: {  	s2 =	sld [smem:$0x3FC9]  }
0x91: {  	s18 =	sld [smem:$0x3FC8]  }
0x92: {  	s4 =	sld [smem:$0x3FC7]  }
0x93: {  	s5 =	sld [smem:$0x3FC6]  }
0x94: {  	s6 =	sld [smem:$0x3FC5];
	(tm) =	ssettm $0x1  }
0x95: {  	s7 =	sld [smem:$0x3FFB];
	_ =	sdelay $0x3  }
0x96: {  	_ =	strace s7  }
0x97: {  	s7 =	sld [smem:$0x3FFC];
	_ =	sdelay $0x3  }
0x98: {  	_ =	strace s7  }
0x99: {  	s7 =	sld [smem:$0x3FFD];
	_ =	sdelay $0x3  }
0x9a: {  	_ =	strace s7  }
0x9b: {  	_ =	strace $0x8FFFFFFF  }
0x9c: {  	s19 =	sld [smem:$0x3FDB];
	_ =	sdelay $0x1  }
0x9d: {  	s8 =	simm.s32 $_scs_section_size  }
0x9e: {  	s9 =	simm.s32 $_size__tile_overlayer_lowered;
	s10 =	simm.s32 $_tile_overlayer_lowered  }
0x9f: {  	s22 =	simm.s32 $0x1BFF;
	s21 =	sshll.u32 s10, $0x1;
	s7 =	sadd.s32 s8, s19  }
0xa0: {  	s11 =	simm.s32 $0x0;
	s20 =	sshll.u32 s9, $0x1;
	s9 =	sadd.s32 s21, s7  }
0xa1: {  	[timem:s11], [sflag:s22] =	dma.local [hbm:s9], s20  }
0xa2: {  	_ =	swait.ge [sflag:s22], s20  }
0xa3: {  	s8 =	ssub.s32 $0x0, s20;
	[sflag:s22] =	ssyncset.done $0x0  }
0xa4: {  	[sflag:s22] =	ssyncadd.s32 s8;
	_ =	sdelay $0x1  }
0xa5: {  	s23 =	simm.s32 $0x1B8B  }
0xa6: {  	_ =	swait.ge [sflag:s23], $0x1  }
0xa7: {  	[sflag:s23] =	ssyncset.done $0x0  }
0xa8: {  	s25 =	simm.s32 $0x1B8E;
	s24 =	sld [smem:$0x3FFE];
	[sflag:s23] =	ssyncadd.s32 $0xFFFFFFFF  }
0xa9: {  	s26 =	simm.s32 $execute0_lowered;
	[smem:$0x3FD2] =	sst s25  }
0xaa: {  	s9 =	sshll.u32 s26, $0x1;
	_ =	strace $0x80000046;
	[dreg:$0x1] =	wrdreg $0xFFFFFFFF  }
0xab: {  	s28 =	simm.s32 $_size_execute0_lowered;
	s7 =	sadd.s32 s7, s9;
	[dreg:$0x0] =	wrdreg $0x0  }
0xac: {  	s9 =	sshll.u32 s28, $0x1;
	[dreg:$0x2] =	wrdreg s7  }
0xad: {  	[dreg:$0x3] =	wrdreg s9  }
0xae: {  	[dreg:$0x4] =	wrdreg $0xC0  }
0xaf: {  	_ =	task [dreg:s11], $0x5FFFF  }
0xb0: {  	[dreg:$0x1] =	wrdreg $0xFFFFFFFF  }
0xb1: {  	[dreg:$0x0] =	wrdreg $0x60  }
0xb2: {  	[dreg:$0x2] =	wrdreg s2  }
0xb3: {  	[dreg:$0x3] =	wrdreg s18  }
0xb4: {  	[dreg:$0x4] =	wrdreg s4  }
0xb5: {  	[dreg:$0x5] =	wrdreg s5  }
0xb6: {  	[dreg:$0x6] =	wrdreg s6  }
0xb7: {  	[dreg:$0x7] =	wrdreg s24  }
0xb8: {  	[dreg:$0x8] =	wrdreg $0x9  }
0xb9: {  	_ =	task.clear_ibuf [dreg:s11], $0x9FFFF;
	_ =	strace $0x90000046  }
0xba: {  	s29 =	simm.s32 $0x9;
	_ =	strace $0x80000048  }
0xbb: {  	_ =	swait.ge [sflag:s29], $0x1  }
0xbc: {  	[sflag:s29] =	ssyncadd.s32 $0xFFFFFFFF  }
0xbd: {  	_ =	strace $0x90000048  }
0xbe: {  	_ =	sfence  }
0xbf: {  	s30 =	sld [smem:$0x0];
	_ =	sdelay $0x2  }
0xc0: {  	s31 =	sshll.u32 s1, $0xD;
	s1 =	sshrl.u32 s1, $0x2  }
0xc1: {  	s3 =	sand.u32 $0x4000, s31;
	s1 =	sadd.s32 s1, s30  }
0xc2: {  	s0 =	sor.u32 s3, s0;
	s1 =	sshll.u32 s1, $0x11  }
0xc3: {  	s0 =	sor.u32 s1, s0  }
0xc4: {  	s0 =	sadd.s32 $0x8F2B, s0  }
0xc5: {  	[sflag:s0] =	ssyncadd.remote.s32 $0x1  }
0xc6: {  	_ =	sfence.sel $0xFFFF  }
0xc7: {  	[dreg:$0x0] =	wrdreg $0xFFFFFFFF;
	(pc) =	sbr.abs _section_cstart, $3  }
0xc8: {  	[dreg:$0x1] =	wrdreg $0xFFFFFFFF  }
0xc9: {  	_ =	task.clear_ibuf [dreg:s11], $0x2FFFF;
	_ =	strace $0x9FFFFFFF  }
0xca: {  	(tm) =	ssettm $0x7FFFFFFF  }
0xcb: {  	_ =	shalt  }
tec
execute0_lowered:
.L_overlay_start_1:
0x0: {  	(tag) =	ssettag $0x1  }
0x1: {  	s1 =	rddreg [dreg:$0x0]  }
0x2: {  	s4 =	rddreg [dreg:$0x1]  }
0x3: {  	s5 =	rddreg [dreg:$0x2]  }
0x4: {  	s0 =	rddreg [dreg:$0x3]  }
0x5: {  	s2 =	rddreg [dreg:$0x4]  }
0x6: {  	s6 =	rddreg [dreg:$0x5];
	s7 =	srdreg.scid;
	s3 =	simm.s32 $0x0  }
0x7: {  	s8 =	stileid.u32;
	s30 =	simm.s32 $0x20000;
	s31 =	simm.s32 $0x400  }
0x8: {  	s29 =	simm.s32 $0xB400;
	s28 =	simm.s32 $0x0;
	s7 =	sand.u32 $0x1, s7  }
0x9: {  	[smem:$0x7FF] =	sst s3;
	s8 =	sshll.u32 s8, $0xA;
	s9 =	sshll.u32 s7, $0x9  }
0xa: {  	s10 =	sadd.s32 $0xA00, s6;
	s7 =	ssub.s32 $0x2, s7;
	s8 =	sor.u32 s9, s8  }
0xb: {  	s11 =	sadd.s32 $0x40A00, s6;
	s20 =	sshrl.u32 s7, $0x1;
	s9 =	sshrl.u32 s8, $0x3  }
0xc: {  	s7 =	ssub.s32 s7, s20;
	s13 =	sor.u32 $0x80, s8;
	s14 =	sor.u32 $0x100, s8  }
0xd: {  	s6 =	sadd.s32 s5, s8;
	s25 =	sshll.u32 s8, $0x4;
	s8 =	sor.u32 $0x180, s8  }
0xe: {  	s21 =	sadd.s32 s1, s9;
	s22 =	sadd.s32 s4, s9;
	s23 =	sshrl.u32 s13, $0x3  }
0xf: {  	s24 =	sshrl.u32 s14, $0x3;
	s16 =	sadd.s32 s10, s25;
	s26 =	sshrl.u32 s8, $0x3  }
0x10: {  	s17 =	sadd.s32 s5, s8;
	s18 =	sshll.u32 s14, $0x4;
	[dreg:$0x7] =	wrdreg s21  }
0x11: {  	[dreg:$0x8] =	wrdreg s22;
	s12 =	sadd.s32 s1, s23;
	s9 =	sadd.s32 s4, s23  }
0x12: {  	s15 =	sadd.s32 s1, s24;
	[dreg:$0xd] =	wrdreg s16;
	s1 =	sadd.s32 s1, s26  }
0x13: {  	s16 =	sshll.u32 s13, $0x4;
	s20 =	sadd.s32 s10, s18;
	[dreg:$0x9] =	wrdreg s12  }
0x14: {  	s21 =	sadd.s32 s11, s18;
	s22 =	sshll.u32 s8, $0x4;
	[dreg:$0xa] =	wrdreg s9  }
0x15: {  	s18 =	simm.s32 $0x200;
	s8 =	simm.s32 $0x1;
	[dreg:$0xb] =	wrdreg s15  }
0x16: {  	s9 =	sadd.s32 s5, s13;
	s12 =	sadd.s32 s4, s24;
	[dreg:$0xf] =	wrdreg s1  }
0x17: {  	s15 =	sadd.s32 s11, s25;
	s19 =	sadd.s32 s10, s16;
	[dreg:$0x13] =	wrdreg s20  }
0x18: {  	s1 =	sadd.s32 s11, s16;
	[dreg:$0x14] =	wrdreg s21;
	s23 =	sadd.s32 s10, s22  }
0x19: {  	s24 =	smax.u32 s7, $0x1;
	s25 =	sadd.s32 $0x8000, s6;
	[dreg:$0xc] =	wrdreg s12  }
0x1a: {  	s7 =	simm.s32 $0x13400;
	s16 =	simm.s32 $0x3;
	[dreg:$0xe] =	wrdreg s15  }
0x1b: {  	s10 =	simm.s32 $0x5;
	s20 =	simm.s32 $0x6;
	[dreg:$0x11] =	wrdreg s19  }
0x1c: {  	s21 =	simm.s32 $0x1B400;
	s12 =	sadd.s32 s5, s14;
	[dreg:$0x12] =	wrdreg s1  }
0x1d: {  	s15 =	sadd.s32 s4, s26;
	[dreg:$0x15] =	wrdreg s23;
	s1 =	sadd.s32 s11, s22  }
0x1e: {  	s26 =	sadd.s32 $0x8000, s9;
	s11 =	simm.s32 $0xF400;
	[dreg:$0x10] =	wrdreg s15  }
0x1f: {  	s14 =	simm.s32 $0x2400;
	s5 =	simm.s32 $0x2;
	[dreg:$0x16] =	wrdreg s1  }
0x20: {  	s19 =	simm.s32 $0x17400;
	_ =	strace $0x80000047;
	[dreg:$0x17] =	wrdreg s24  }
0x21: {  	s22 =	simm.s32 $0x180;
	s23 =	simm.s32 $0x380;
	[dreg:$0x18] =	wrdreg s25  }
0x22: {  	s1 =	simm.s32 $0x80;
	s15 =	simm.s32 $0x7400;
	[dreg:$0x19] =	wrdreg s26  }
0x23: {  	v0 =	vimm.f32 $0.0e+00;
	s24 =	simm.s32 $0x2800;
	s25 =	simm.s32 $0x3000;
	s26 =	simm.s32 $0x4  }
.LBB2_1:
0x24: {  	s4 =	rddreg [dreg:$0x7]  }
0x25: {  	[tilespmem:s3], [sflag:$0x1] =	stream.linear.gather [hbm4b:s4+s3], $0x80, $0x38;
	[tilespmem:$0x1F400] =	vst v63  }
0x26: {  	s13 =	rddreg [dreg:$0x8]  }
0x27: {  	[tilespmem:s18], [sflag:$0x1] =	stream.linear.gather [hbm4b:s13+s3], $0x80, $0x38;
	[tilespmem:$0x1F400] =	vst v63  }
0x28: {  	_ = 	snop  }
0x29: {  	[tilespmem:s31], [sflag:$0x1] =	stream.strided.gather [hbm4b:s6+s31], $0x800, s30, s31, $0x38;
	[tilespmem:$0x1F400] =	vst v63  }
0x2a: {  	s4 =	rddreg [dreg:$0x18];
	s13 =	simm.s32 $0xC00  }
0x2b: {  	[tilespmem:s13], [sflag:$0x1] =	stream.linear.gather [hbm4b:s4+s3], $0x200, $0x38;
	[tilespmem:$0x1F400] =	vst v63  }
0x2c: {  	s13 =	rddreg [dreg:$0x9]  }
0x2d: {  	[tilespmem:s1], [sflag:$0x2] =	stream.linear.gather [hbm4b:s13+s3], $0x80, $0x38;
	[tilespmem:$0x1F400] =	vst v63  }
0x2e: {  	s4 =	rddreg [dreg:$0xa];
	s13 =	simm.s32 $0x280  }
0x2f: {  	[tilespmem:s13], [sflag:$0x2] =	stream.linear.gather [hbm4b:s4+s3], $0x80, $0x38;
	[tilespmem:$0x1F400] =	vst v63  }
0x30: {  	s13 =	simm.s32 $0x1000  }
0x31: {  	[tilespmem:s13], [sflag:$0x2] =	stream.strided.gather [hbm4b:s9+s31], $0x800, s30, s31, $0x38;
	[tilespmem:$0x1F400] =	vst v63  }
0x32: {  	s4 =	rddreg [dreg:$0x19];
	s13 =	simm.s32 $0x1800  }
0x33: {  	[tilespmem:s13], [sflag:$0x2] =	stream.linear.gather [hbm4b:s4+s3], $0x200, $0x38;
	[tilespmem:$0x1F400] =	vst v63  }
0x34: {  	s4 =	simm.s32 $0x0;
	s13 =	simm.s32 $0x200  }
.LBB2_2:
0x35: {  	p0 =	sne.s32 s13, $0xFE00;
	[tilespmem:s4+$0xF470] =	vst v0  }
0x36: {  	[tilespmem:s4+$0xF400] =	vst v0  }
0x37: {  	[tilespmem:s4+$0xF410] =	vst v0  }
.Ltmp0:
0x38: {  	[tilespmem:s4+$0xF420] =	vst v0;
	(pc) =	sbr.rel @p0 .LBB2_2-.Ltmp0, $4  }
0x39: {  	[tilespmem:s4+$0xF430] =	vst v0  }
0x3a: {  	[tilespmem:s4+$0xF440] =	vst v0  }
0x3b: {  	[tilespmem:s4+$0xF450] =	vst v0  }
0x3c: {  	[tilespmem:s4+$0xF460] =	vst v0;
	s4 =	sshra.s32 s13, $0x2;
	s13 =	sadd.s32 $0x200, s13  }
0x3d: {  	[tilespmem:s4+$0xF470] =	vst v0  }
0x3e: {  	[tilespmem:s4+$0xF400] =	vst v0  }
0x3f: {  	[tilespmem:s4+$0xF410] =	vst v0  }
0x40: {  	[tilespmem:s4+$0xF420] =	vst v0  }
0x41: {  	[tilespmem:s4+$0xF430] =	vst v0  }
0x42: {  	[tilespmem:s4+$0xF440] =	vst v0  }
0x43: {  	[tilespmem:s4+$0xF450] =	vst v0  }
0x44: {  	[tilespmem:s4+$0xF460] =	vst v0  }
0x45: {  	_ =	swait.ge [sflag:s8], $0x80  }
0x46: {  	[sflag:s8] =	ssyncset.done $0x0  }
0x47: {  	[sflag:s8] =	ssyncadd.s32 $0xFFFFFF80  }
0x48: {  	_ =	swait.ge [sflag:s8], $0x80  }
0x49: {  	[sflag:s8] =	ssyncset.done $0x0  }
0x4a: {  	[sflag:s8] =	ssyncadd.s32 $0xFFFFFF80  }
0x4b: {  	_ =	swait.ge [sflag:s8], $0xA00  }
0x4c: {  	[sflag:s8] =	ssyncset.done $0x0  }
0x4d: {  	s4 =	simm.s32 $0x0;
	s13 =	simm.s32 $0x3400;
	[sflag:s8] =	ssyncadd.s32 $0xFFFFF600  }
0x4e: {  	[tilespmem:s13], [sflag:$0x3] =	stream.indirect.gather [hbm4b:s0+s1], $0x80, s4, s1, $0xb8;
	[tilespmem:$0x1F400] =	vst v63  }
0x4f: {  	_ = 	snop  }
0x50: {  	[tilespmem:s11], [sflag:$0x3] =	stream.indirect.gather.add.f32 [hbm:s2], $0x80, s31, s1, $0xb8;
	[tilespmem:$0x1F400] =	vst v63  }
0x51: {  	s13 =	simm.s32 $0x480  }
0x52: {  	[tilespmem:s11], [sflag:$0x3] =	stream.indirect.gather.add.f32 [hbm:s2], $0x80, s13, s1, $0xb8;
	[tilespmem:$0x1F400] =	vst v63  }
0x53: {  	s13 =	simm.s32 $0x500  }
0x54: {  	[tilespmem:s11], [sflag:$0x3] =	stream.indirect.gather.add.f32 [hbm:s2], $0x80, s13, s1, $0xb8;
	[tilespmem:$0x1F400] =	vst v63  }
0x55: {  	s13 =	simm.s32 $0x580  }
0x56: {  	[tilespmem:s11], [sflag:$0x3] =	stream.indirect.gather.add.f32 [hbm:s2], $0x80, s13, s1, $0xb8;
	[tilespmem:$0x1F400] =	vst v63  }
0x57: {  	s13 =	simm.s32 $0x600  }
0x58: {  	[tilespmem:s11], [sflag:$0x3] =	stream.indirect.gather.add.f32 [hbm:s2], $0x80, s13, s1, $0xb8;
	[tilespmem:$0x1F400] =	vst v63  }
0x59: {  	s13 =	simm.s32 $0x680  }
0x5a: {  	[tilespmem:s11], [sflag:$0x3] =	stream.indirect.gather.add.f32 [hbm:s2], $0x80, s13, s1, $0xb8;
	[tilespmem:$0x1F400] =	vst v63  }
0x5b: {  	s13 =	simm.s32 $0x700  }
0x5c: {  	[tilespmem:s11], [sflag:$0x3] =	stream.indirect.gather.add.f32 [hbm:s2], $0x80, s13, s1, $0xb8;
	[tilespmem:$0x1F400] =	vst v63  }
0x5d: {  	s13 =	simm.s32 $0x780  }
0x5e: {  	[tilespmem:s11], [sflag:$0x3] =	stream.indirect.gather.add.f32 [hbm:s2], $0x80, s13, s1, $0xb8;
	[tilespmem:$0x1F400] =	vst v63  }
0x5f: {  	s13 =	simm.s32 $0x800  }
0x60: {  	[tilespmem:s11], [sflag:$0x3] =	stream.indirect.gather.add.f32 [hbm:s2], $0x80, s13, s1, $0xb8;
	[tilespmem:$0x1F400] =	vst v63  }
0x61: {  	s13 =	simm.s32 $0x880  }
0x62: {  	[tilespmem:s11], [sflag:$0x3] =	stream.indirect.gather.add.f32 [hbm:s2], $0x80, s13, s1, $0xb8;
	[tilespmem:$0x1F400] =	vst v63  }
0x63: {  	s13 =	simm.s32 $0x900  }
0x64: {  	[tilespmem:s11], [sflag:$0x3] =	stream.indirect.gather.add.f32 [hbm:s2], $0x80, s13, s1, $0xb8;
	[tilespmem:$0x1F400] =	vst v63  }
0x65: {  	s13 =	simm.s32 $0x980  }
0x66: {  	[tilespmem:s11], [sflag:$0x3] =	stream.indirect.gather.add.f32 [hbm:s2], $0x80, s13, s1, $0xb8;
	[tilespmem:$0x1F400] =	vst v63  }
0x67: {  	s13 =	simm.s32 $0xA00  }
0x68: {  	[tilespmem:s11], [sflag:$0x3] =	stream.indirect.gather.add.f32 [hbm:s2], $0x80, s13, s1, $0xb8;
	[tilespmem:$0x1F400] =	vst v63  }
0x69: {  	s13 =	simm.s32 $0xA80  }
0x6a: {  	[tilespmem:s11], [sflag:$0x3] =	stream.indirect.gather.add.f32 [hbm:s2], $0x80, s13, s1, $0xb8;
	[tilespmem:$0x1F400] =	vst v63  }
0x6b: {  	s13 =	simm.s32 $0xB00  }
0x6c: {  	[tilespmem:s11], [sflag:$0x3] =	stream.indirect.gather.add.f32 [hbm:s2], $0x80, s13, s1, $0xb8;
	[tilespmem:$0x1F400] =	vst v63  }
0x6d: {  	s13 =	simm.s32 $0xB80  }
0x6e: {  	[tilespmem:s11], [sflag:$0x3] =	stream.indirect.gather.add.f32 [hbm:s2], $0x80, s13, s1, $0xb8;
	[tilespmem:$0x1F400] =	vst v63  }
0x6f: {  	s13 =	simm.s32 $0xC00  }
0x70: {  	[tilespmem:s11], [sflag:$0x3] =	stream.indirect.gather.add.f32 [hbm:s2], $0x80, s13, s1, $0xb8;
	[tilespmem:$0x1F400] =	vst v63  }
0x71: {  	s13 =	simm.s32 $0xC80  }
0x72: {  	[tilespmem:s11], [sflag:$0x3] =	stream.indirect.gather.add.f32 [hbm:s2], $0x80, s13, s1, $0xb8;
	[tilespmem:$0x1F400] =	vst v63  }
0x73: {  	s13 =	simm.s32 $0xD00  }
0x74: {  	[tilespmem:s11], [sflag:$0x3] =	stream.indirect.gather.add.f32 [hbm:s2], $0x80, s13, s1, $0xb8;
	[tilespmem:$0x1F400] =	vst v63  }
0x75: {  	s13 =	simm.s32 $0xD80  }
0x76: {  	[tilespmem:s11], [sflag:$0x3] =	stream.indirect.gather.add.f32 [hbm:s2], $0x80, s13, s1, $0xb8;
	[tilespmem:$0x1F400] =	vst v63  }
0x77: {  	_ = 	snop  }
0x78: {  	[tilespmem:s29], [sflag:$0x5] =	stream.indirect.gather [hbm4b:s2+s1], $0x80, s18, s1, $0xb8;
	[tilespmem:$0x1F400] =	vst v63  }
0x79: {  	s13 =	rddreg [dreg:$0xb];
	s18 =	simm.s32 $0x100  }
0x7a: {  	[tilespmem:s18], [sflag:$0x1] =	stream.linear.gather [hbm4b:s13+s4], $0x80, $0x38;
	[tilespmem:$0x1F400] =	vst v63  }
0x7b: {  	s13 =	rddreg [dreg:$0xc];
	s18 =	simm.s32 $0x300  }
0x7c: {  	[tilespmem:s18], [sflag:$0x1] =	stream.linear.gather [hbm4b:s13+s4], $0x80, $0x38;
	[tilespmem:$0x1F400] =	vst v63  }
0x7d: {  	s18 =	simm.s32 $0x1C00  }
0x7e: {  	[tilespmem:s18], [sflag:$0x1] =	stream.strided.gather [hbm4b:s12+s31], $0x800, s30, s31, $0x38;
	[tilespmem:$0x1F400] =	vst v63  }
0x7f: {  	s18 =	sadd.s32 $0x8000, s12  }
0x80: {  	[tilespmem:s14], [sflag:$0x1] =	stream.linear.gather [hbm4b:s18+s4], $0x200, $0x38;
	[tilespmem:$0x1F400] =	vst v63  }
0x81: {  	s13 =	simm.s32 $0x200;
	s4 =	simm.s32 $0x0  }
.LBB2_4:
0x82: {  	p0 =	sne.s32 s13, $0xFE00;
	[tilespmem:s4+$0x13470] =	vst v0  }
0x83: {  	[tilespmem:s4+$0x13400] =	vst v0  }
0x84: {  	[tilespmem:s4+$0x13410] =	vst v0  }
.Ltmp1:
0x85: {  	[tilespmem:s4+$0x13420] =	vst v0;
	(pc) =	sbr.rel @p0 .LBB2_4-.Ltmp1, $4  }
0x86: {  	[tilespmem:s4+$0x13430] =	vst v0  }
0x87: {  	[tilespmem:s4+$0x13440] =	vst v0  }
0x88: {  	[tilespmem:s4+$0x13450] =	vst v0  }
0x89: {  	[tilespmem:s4+$0x13460] =	vst v0;
	s4 =	sshra.s32 s13, $0x2;
	s13 =	sadd.s32 $0x200, s13  }
0x8a: {  	[tilespmem:s4+$0x13470] =	vst v0  }
0x8b: {  	[tilespmem:s4+$0x13400] =	vst v0  }
0x8c: {  	[tilespmem:s4+$0x13410] =	vst v0  }
0x8d: {  	[tilespmem:s4+$0x13420] =	vst v0  }
0x8e: {  	[tilespmem:s4+$0x13430] =	vst v0  }
0x8f: {  	[tilespmem:s4+$0x13440] =	vst v0  }
0x90: {  	[tilespmem:s4+$0x13450] =	vst v0  }
0x91: {  	[tilespmem:s4+$0x13460] =	vst v0  }
0x92: {  	_ =	swait.ge [sflag:s5], $0x80  }
0x93: {  	[sflag:s5] =	ssyncset.done $0x0  }
0x94: {  	[sflag:s5] =	ssyncadd.s32 $0xFFFFFF80  }
0x95: {  	_ =	swait.ge [sflag:s5], $0x80  }
0x96: {  	[sflag:s5] =	ssyncset.done $0x0  }
0x97: {  	[sflag:s5] =	ssyncadd.s32 $0xFFFFFF80  }
0x98: {  	_ =	swait.ge [sflag:s5], $0xA00  }
0x99: {  	[sflag:s5] =	ssyncset.done $0x0  }
0x9a: {  	[sflag:s5] =	ssyncadd.s32 $0xFFFFF600  }
0x9b: {  	[tilespmem:s15], [sflag:$0x4] =	stream.indirect.gather [hbm4b:s0+s1], $0x80, s1, s1, $0xb8;
	[tilespmem:$0x1F400] =	vst v63  }
0x9c: {  	s13 =	simm.s32 $0x1000  }
0x9d: {  	[tilespmem:s7], [sflag:$0x4] =	stream.indirect.gather.add.f32 [hbm:s2], $0x80, s13, s1, $0xb8;
	[tilespmem:$0x1F400] =	vst v63  }
0x9e: {  	s18 =	simm.s32 $0x1080  }
0x9f: {  	[tilespmem:s7], [sflag:$0x4] =	stream.indirect.gather.add.f32 [hbm:s2], $0x80, s18, s1, $0xb8;
	[tilespmem:$0x1F400] =	vst v63  }
0xa0: {  	s13 =	simm.s32 $0x1100  }
0xa1: {  	[tilespmem:s7], [sflag:$0x4] =	stream.indirect.gather.add.f32 [hbm:s2], $0x80, s13, s1, $0xb8;
	[tilespmem:$0x1F400] =	vst v63  }
0xa2: {  	s18 =	simm.s32 $0x1180  }
0xa3: {  	[tilespmem:s7], [sflag:$0x4] =	stream.indirect.gather.add.f32 [hbm:s2], $0x80, s18, s1, $0xb8;
	[tilespmem:$0x1F400] =	vst v63  }
0xa4: {  	s13 =	simm.s32 $0x1200  }
0xa5: {  	[tilespmem:s7], [sflag:$0x4] =	stream.indirect.gather.add.f32 [hbm:s2], $0x80, s13, s1, $0xb8;
	[tilespmem:$0x1F400] =	vst v63  }
0xa6: {  	s18 =	simm.s32 $0x1280  }
0xa7: {  	[tilespmem:s7], [sflag:$0x4] =	stream.indirect.gather.add.f32 [hbm:s2], $0x80, s18, s1, $0xb8;
	[tilespmem:$0x1F400] =	vst v63  }
0xa8: {  	s13 =	simm.s32 $0x1300  }
0xa9: {  	[tilespmem:s7], [sflag:$0x4] =	stream.indirect.gather.add.f32 [hbm:s2], $0x80, s13, s1, $0xb8;
	[tilespmem:$0x1F400] =	vst v63  }
0xaa: {  	s18 =	simm.s32 $0x1380  }
0xab: {  	[tilespmem:s7], [sflag:$0x4] =	stream.indirect.gather.add.f32 [hbm:s2], $0x80, s18, s1, $0xb8;
	[tilespmem:$0x1F400] =	vst v63  }
0xac: {  	s13 =	simm.s32 $0x1400  }
0xad: {  	[tilespmem:s7], [sflag:$0x4] =	stream.indirect.gather.add.f32 [hbm:s2], $0x80, s13, s1, $0xb8;
	[tilespmem:$0x1F400] =	vst v63  }
0xae: {  	s18 =	simm.s32 $0x1480  }
0xaf: {  	[tilespmem:s7], [sflag:$0x4] =	stream.indirect.gather.add.f32 [hbm:s2], $0x80, s18, s1, $0xb8;
	[tilespmem:$0x1F400] =	vst v63  }
0xb0: {  	s13 =	simm.s32 $0x1500  }
0xb1: {  	[tilespmem:s7], [sflag:$0x4] =	stream.indirect.gather.add.f32 [hbm:s2], $0x80, s13, s1, $0xb8;
	[tilespmem:$0x1F400] =	vst v63  }
0xb2: {  	s18 =	simm.s32 $0x1580  }
0xb3: {  	[tilespmem:s7], [sflag:$0x4] =	stream.indirect.gather.add.f32 [hbm:s2], $0x80, s18, s1, $0xb8;
	[tilespmem:$0x1F400] =	vst v63  }
0xb4: {  	s13 =	simm.s32 $0x1600  }
0xb5: {  	[tilespmem:s7], [sflag:$0x4] =	stream.indirect.gather.add.f32 [hbm:s2], $0x80, s13, s1, $0xb8;
	[tilespmem:$0x1F400] =	vst v63  }
0xb6: {  	s18 =	simm.s32 $0x1680  }
0xb7: {  	[tilespmem:s7], [sflag:$0x4] =	stream.indirect.gather.add.f32 [hbm:s2], $0x80, s18, s1, $0xb8;
	[tilespmem:$0x1F400] =	vst v63  }
0xb8: {  	s13 =	simm.s32 $0x1700  }
0xb9: {  	[tilespmem:s7], [sflag:$0x4] =	stream.indirect.gather.add.f32 [hbm:s2], $0x80, s13, s1, $0xb8;
	[tilespmem:$0x1F400] =	vst v63  }
0xba: {  	s18 =	simm.s32 $0x1780  }
0xbb: {  	[tilespmem:s7], [sflag:$0x4] =	stream.indirect.gather.add.f32 [hbm:s2], $0x80, s18, s1, $0xb8;
	[tilespmem:$0x1F400] =	vst v63  }
0xbc: {  	s13 =	simm.s32 $0x1800  }
0xbd: {  	[tilespmem:s7], [sflag:$0x4] =	stream.indirect.gather.add.f32 [hbm:s2], $0x80, s13, s1, $0xb8;
	[tilespmem:$0x1F400] =	vst v63  }
0xbe: {  	s18 =	simm.s32 $0x1880  }
0xbf: {  	[tilespmem:s7], [sflag:$0x4] =	stream.indirect.gather.add.f32 [hbm:s2], $0x80, s18, s1, $0xb8;
	[tilespmem:$0x1F400] =	vst v63  }
0xc0: {  	s13 =	simm.s32 $0x1900  }
0xc1: {  	[tilespmem:s7], [sflag:$0x4] =	stream.indirect.gather.add.f32 [hbm:s2], $0x80, s13, s1, $0xb8;
	[tilespmem:$0x1F400] =	vst v63  }
0xc2: {  	s18 =	simm.s32 $0x1980  }
0xc3: {  	[tilespmem:s7], [sflag:$0x4] =	stream.indirect.gather.add.f32 [hbm:s2], $0x80, s18, s1, $0xb8;
	[tilespmem:$0x1F400] =	vst v63  }
0xc4: {  	_ =	swait.ge [sflag:s16], $0x4000  }
0xc5: {  	[sflag:s16] =	ssyncset.done $0x0  }
0xc6: {  	[sflag:s16] =	ssyncadd.s32 $0xFFFFC000  }
0xc7: {  	_ =	swait.ge [sflag:s16], $0x4000  }
0xc8: {  	[sflag:s16] =	ssyncset.done $0x0  }
0xc9: {  	[sflag:s16] =	ssyncadd.s32 $0xFFFFC000  }
0xca: {  	_ =	swait.ge [sflag:s16], $0x4000  }
0xcb: {  	[sflag:s16] =	ssyncset.done $0x0  }
0xcc: {  	[sflag:s16] =	ssyncadd.s32 $0xFFFFC000  }
0xcd: {  	_ =	swait.ge [sflag:s16], $0x4000  }
0xce: {  	[sflag:s16] =	ssyncset.done $0x0  }
0xcf: {  	[sflag:s16] =	ssyncadd.s32 $0xFFFFC000  }
0xd0: {  	_ =	swait.ge [sflag:s16], $0x4000  }
0xd1: {  	[sflag:s16] =	ssyncset.done $0x0  }
0xd2: {  	[sflag:s16] =	ssyncadd.s32 $0xFFFFC000  }
0xd3: {  	_ =	swait.ge [sflag:s16], $0x4000  }
0xd4: {  	[sflag:s16] =	ssyncset.done $0x0  }
0xd5: {  	[sflag:s16] =	ssyncadd.s32 $0xFFFFC000  }
0xd6: {  	_ =	swait.ge [sflag:s16], $0x4000  }
0xd7: {  	[sflag:s16] =	ssyncset.done $0x0  }
0xd8: {  	[sflag:s16] =	ssyncadd.s32 $0xFFFFC000  }
0xd9: {  	_ =	swait.ge [sflag:s16], $0x4000  }
0xda: {  	[sflag:s16] =	ssyncset.done $0x0  }
0xdb: {  	[sflag:s16] =	ssyncadd.s32 $0xFFFFC000  }
0xdc: {  	_ =	swait.ge [sflag:s16], $0x4000  }
0xdd: {  	[sflag:s16] =	ssyncset.done $0x0  }
0xde: {  	[sflag:s16] =	ssyncadd.s32 $0xFFFFC000  }
0xdf: {  	_ =	swait.ge [sflag:s16], $0x4000  }
0xe0: {  	[sflag:s16] =	ssyncset.done $0x0  }
0xe1: {  	[sflag:s16] =	ssyncadd.s32 $0xFFFFC000  }
0xe2: {  	_ =	swait.ge [sflag:s16], $0x4000  }
0xe3: {  	[sflag:s16] =	ssyncset.done $0x0  }
0xe4: {  	[sflag:s16] =	ssyncadd.s32 $0xFFFFC000  }
0xe5: {  	_ =	swait.ge [sflag:s16], $0x4000  }
0xe6: {  	[sflag:s16] =	ssyncset.done $0x0  }
0xe7: {  	[sflag:s16] =	ssyncadd.s32 $0xFFFFC000  }
0xe8: {  	_ =	swait.ge [sflag:s16], $0x4000  }
0xe9: {  	[sflag:s16] =	ssyncset.done $0x0  }
0xea: {  	[sflag:s16] =	ssyncadd.s32 $0xFFFFC000  }
0xeb: {  	_ =	swait.ge [sflag:s16], $0x4000  }
0xec: {  	[sflag:s16] =	ssyncset.done $0x0  }
0xed: {  	[sflag:s16] =	ssyncadd.s32 $0xFFFFC000  }
0xee: {  	_ =	swait.ge [sflag:s16], $0x4000  }
0xef: {  	[sflag:s16] =	ssyncset.done $0x0  }
0xf0: {  	[sflag:s16] =	ssyncadd.s32 $0xFFFFC000  }
0xf1: {  	_ =	swait.ge [sflag:s16], $0x4000  }
0xf2: {  	[sflag:s16] =	ssyncset.done $0x0  }
0xf3: {  	[sflag:s16] =	ssyncadd.s32 $0xFFFFC000  }
0xf4: {  	_ =	swait.ge [sflag:s16], $0x4000  }
0xf5: {  	[sflag:s16] =	ssyncset.done $0x0  }
0xf6: {  	[sflag:s16] =	ssyncadd.s32 $0xFFFFC000  }
0xf7: {  	_ =	swait.ge [sflag:s16], $0x4000  }
0xf8: {  	[sflag:s16] =	ssyncset.done $0x0  }
0xf9: {  	[sflag:s16] =	ssyncadd.s32 $0xFFFFC000  }
0xfa: {  	_ =	swait.ge [sflag:s16], $0x4000  }
0xfb: {  	[sflag:s16] =	ssyncset.done $0x0  }
0xfc: {  	[sflag:s16] =	ssyncadd.s32 $0xFFFFC000  }
0xfd: {  	_ =	swait.ge [sflag:s16], $0x4000  }
0xfe: {  	[sflag:s16] =	ssyncset.done $0x0  }
0xff: {  	[sflag:s16] =	ssyncadd.s32 $0xFFFFC000  }
0x100: {  	_ =	swait.ge [sflag:s16], $0x4000  }
0x101: {  	[sflag:s16] =	ssyncset.done $0x0  }
0x102: {  	[sflag:s16] =	ssyncadd.s32 $0xFFFFC000  }
0x103: {  	_ =	swait.ge [sflag:s10], $0x4000  }
0x104: {  	[sflag:s10] =	ssyncset.done $0x0  }
0x105: {  	s18 =	simm.s32 $0x0;
	[sflag:s10] =	ssyncadd.s32 $0xFFFFC000  }
0x106: {  	v1 =	vld [tilespmem:s18+$0x3400]  }
0x107: {  	v2 =	vld [tilespmem:s18+$0xF400]  }
0x108: {  	v10 =	vld [tilespmem:s18+$0x3410]  }
0x109: {  	v3 =	vld [tilespmem:s18+$0xF410]  }
0x10a: {  	v11 =	vld [tilespmem:s18+$0x3420]  }
0x10b: {  	v4 =	vld [tilespmem:s18+$0xF420]  }
0x10c: {  	v14 =	vld [tilespmem:s18+$0x3430];
	v5 =	vmul.f32 v2, v1  }
0x10d: {  	v6 =	vld [tilespmem:s18+$0xF430]  }
0x10e: {  	v8 =	vld [tilespmem:s18+$0xF440];
	v7 =	vmul.f32 v3, v10;
	v5 =	vadd.f32 $0.0e+00, v5  }
0x10f: {  	v2 =	vld [tilespmem:s18+$0x3440]  }
0x110: {  	v9 =	vld [tilespmem:s18+$0xF450];
	v5 =	vadd.f32 v7, v5;
	v7 =	vmul.f32 v4, v11  }
0x111: {  	v3 =	vld [tilespmem:s18+$0x3450]  }
0x112: {  	v12 =	vld [tilespmem:s18+$0xF460];
	v6 =	vmul.f32 v6, v14;
	v7 =	vadd.f32 v7, v5  }
0x113: {  	v4 =	vld [tilespmem:s18+$0x3460]  }
0x114: {  	v5 =	vld [tilespmem:s18+$0x3470];
	v6 =	vadd.f32 v6, v7;
	v7 =	vmul.f32 v8, v2  }
0x115: {  	v8 =	vld [tilespmem:s18+$0xF470]  }
0x116: {  	v13 =	vld [tilespmem:s18+$0xB400];
	v6 =	vadd.f32 v7, v6;
	v7 =	vmul.f32 v9, v3  }
0x117: {  	v15 =	vld [tilespmem:s18+$0xB410]  }
0x118: {  	v16 =	vld [tilespmem:s18+$0xB420];
	v9 =	vmul.f32 v12, v4;
	v6 =	vadd.f32 v7, v6  }
0x119: {  	v17 =	vld [tilespmem:s18+$0xB430]  }
0x11a: {  	v7 =	vld [tilespmem:s18+$0xB440];
	v8 =	vmul.f32 v8, v5;
	v12 =	vadd.f32 v9, v6  }
0x11b: {  	v13 =	vmul.f32 v13, v1;
	v9 =	vld [tilespmem:s18+$0xB450]  }
0x11c: {  	v6 =	vld [tilespmem:s18+$0xB460];
	v18 =	vadd.f32 v8, v12  }
0x11d: {  	s13 =	simm.s32 $0x80;
	v13 =	vadd.f32 $0.0e+00, v13;
	v8 =	vld [tilespmem:s18+$0xB470];
	v12 =	vmul.f32 v15, v10  }
0x11e: {  	s4 =	simm.s32 $0x400;
	v1 =	vld [tilespmem:s13+$0x3400];
	v11 =	vmul.f32 v16, v11;
	v10 =	vmul.f32 v17, v14;
	[tilespmem:s18+$0x1B400] =	vst v18  }
.LBB2_6:
0x11f: {  	p0 =	sne.s32 s4, $0xFE00;
	v14 =	vld [tilespmem:s13+$0xF400];
	v12 =	vadd.f32 v12, v13;
	v2 =	vmul.f32 v7, v2  }
0x120: {  	v13 =	vld [tilespmem:s13+$0x3410];
	v3 =	vmul.f32 v9, v3  }
0x121: {  	v7 =	vld [tilespmem:s13+$0xF410];
	v9 =	vadd.f32 v11, v12;
	v4 =	vmul.f32 v6, v4  }
0x122: {  	v11 =	vld [tilespmem:s13+$0x3420];
	v5 =	vmul.f32 v8, v5  }
0x123: {  	v6 =	vld [tilespmem:s13+$0xF420];
	v8 =	vadd.f32 v10, v9  }
0x124: {  	v9 =	vmul.f32 v14, v1;
	v10 =	vld [tilespmem:s13+$0x3430]  }
0x125: {  	v12 =	vld [tilespmem:s13+$0xF430];
	v8 =	vadd.f32 v2, v8  }
0x126: {  	v9 =	vadd.f32 $0.0e+00, v9;
	v7 =	vmul.f32 v7, v13;
	v2 =	vld [tilespmem:s13+$0x3440]  }
0x127: {  	v14 =	vld [tilespmem:s13+$0xF440];
	v8 =	vadd.f32 v3, v8  }
0x128: {  	v7 =	vadd.f32 v7, v9;
	v6 =	vmul.f32 v6, v11;
	v3 =	vld [tilespmem:s13+$0x3450]  }
0x129: {  	v9 =	vld [tilespmem:s13+$0xF450];
	v8 =	vadd.f32 v4, v8  }
0x12a: {  	v6 =	vadd.f32 v6, v7;
	v7 =	vmul.f32 v12, v10;
	v4 =	vld [tilespmem:s13+$0x3460]  }
0x12b: {  	v12 =	vld [tilespmem:s13+$0xF460];
	v8 =	vadd.f32 v5, v8  }
0x12c: {  	v6 =	vadd.f32 v7, v6;
	v7 =	vmul.f32 v14, v2;
	v5 =	vld [tilespmem:s13+$0x3470]  }
0x12d: {  	v14 =	vld [tilespmem:s13+$0xF470];
	[tilespmem:s18+$0x17400] =	vst v8;
	s18 =	smov.u32 s13  }
0x12e: {  	v8 =	vld [tilespmem:s18+$0xB400];
	v6 =	vadd.f32 v7, v6;
	v7 =	vmul.f32 v9, v3  }
0x12f: {  	v15 =	vld [tilespmem:s18+$0xB410]  }
0x130: {  	v16 =	vld [tilespmem:s18+$0xB420];
	v6 =	vadd.f32 v7, v6;
	v9 =	vmul.f32 v12, v4  }
0x131: {  	v17 =	vld [tilespmem:s18+$0xB430]  }
.Ltmp2:
0x132: {  	v7 =	vld [tilespmem:s18+$0xB440];
	v18 =	vadd.f32 v9, v6;
	v14 =	vmul.f32 v14, v5;
	(pc) =	sbr.rel @p0 .LBB2_6-.Ltmp2, $4  }
0x133: {  	v1 =	vmul.f32 v8, v1;
	v9 =	vld [tilespmem:s18+$0xB450]  }
0x134: {  	v12 =	vmul.f32 v15, v13;
	v6 =	vld [tilespmem:s18+$0xB460];
	v14 =	vadd.f32 v14, v18  }
0x135: {  	s13 =	sshra.s32 s4, $0x2;
	v13 =	vadd.f32 $0.0e+00, v1;
	v11 =	vmul.f32 v16, v11;
	v8 =	vld [tilespmem:s18+$0xB470]  }
0x136: {  	s4 =	sadd.s32 $0x200, s4;
	v1 =	vld [tilespmem:s13+$0x3400];
	v10 =	vmul.f32 v17, v10;
	[tilespmem:s18+$0x1B400] =	vst v14  }
0x137: {  	v14 =	vld [tilespmem:s13+$0xF400];
	v12 =	vadd.f32 v12, v13  }
0x138: {  	v45 =	vld [tilespmem:s13+$0x3410]  }
0x139: {  	v15 =	vld [tilespmem:s13+$0xF410];
	v11 =	vadd.f32 v11, v12  }
0x13a: {  	v46 =	vld [tilespmem:s13+$0x3420]  }
0x13b: {  	v16 =	vld [tilespmem:s13+$0xF420];
	v2 =	vmul.f32 v7, v2;
	v47 =	vadd.f32 v10, v11  }
0x13c: {  	v48 =	vld [tilespmem:s13+$0x3430]  }
0x13d: {  	v49 =	vld [tilespmem:s13+$0xF430];
	v3 =	vmul.f32 v9, v3;
	v2 =	vadd.f32 v2, v47  }
0x13e: {  	v50 =	vld [tilespmem:s13+$0x3440]  }
0x13f: {  	v51 =	vld [tilespmem:s13+$0xF440];
	v4 =	vmul.f32 v6, v4;
	v2 =	vadd.f32 v3, v2  }
0x140: {  	v52 =	vld [tilespmem:s13+$0xF450]  }
0x141: {  	v53 =	vld [tilespmem:s13+$0x3460];
	v5 =	vmul.f32 v8, v5;
	v2 =	vadd.f32 v4, v2  }
0x142: {  	v54 =	vld [tilespmem:s13+$0xF460]  }
0x143: {  	v55 =	vld [tilespmem:s13+$0x3470];
	v2 =	vadd.f32 v5, v2  }
0x144: {  	v17 =	vld [tilespmem:s13+$0xF470]  }
0x145: {  	v3 =	vld [tilespmem:s13+$0x3450];
	[tilespmem:s18+$0x17400] =	vst v2  }
0x146: {  	v2 =	vld [tilespmem:s13+$0xB400];
	_ =	sdelay $0x1  }
0x147: {  	v18 =	vld [tilespmem:s13+$0xB410];
	_ =	sdelay $0x1  }
0x148: {  	v14 =	vmul.f32 v14, v1;
	v19 =	vld [tilespmem:s13+$0xB420]  }
0x149: {  	v1 =	vmul.f32 v2, v1  }
0x14a: {  	v56 =	vmul.f32 v15, v45;
	v57 =	vld [tilespmem:s13+$0xB430];
	v2 =	vadd.f32 $0.0e+00, v14  }
0x14b: {  	v13 =	vmul.f32 v18, v45;
	v1 =	vadd.f32 $0.0e+00, v1  }
0x14c: {  	v58 =	vmul.f32 v16, v46;
	v59 =	vld [tilespmem:s13+$0xB440];
	v2 =	vadd.f32 v56, v2  }
0x14d: {  	v12 =	vmul.f32 v19, v46;
	v1 =	vadd.f32 v13, v1  }
0x14e: {  	v11 =	vmul.f32 v49, v48;
	v60 =	vld [tilespmem:s13+$0xB450];
	v2 =	vadd.f32 v58, v2  }
0x14f: {  	v10 =	vmul.f32 v57, v48;
	v1 =	vadd.f32 v12, v1  }
0x150: {  	v9 =	vmul.f32 v51, v50;
	v61 =	vld [tilespmem:s13+$0xB460];
	v2 =	vadd.f32 v11, v2  }
0x151: {  	v7 =	vmul.f32 v59, v50;
	v1 =	vadd.f32 v10, v1  }
0x152: {  	v6 =	vmul.f32 v52, v3;
	v62 =	vld [tilespmem:s13+$0xB470];
	v2 =	vadd.f32 v9, v2  }
0x153: {  	v3 =	vmul.f32 v60, v3;
	v1 =	vadd.f32 v7, v1  }
0x154: {  	v63 =	vmul.f32 v54, v53;
	v2 =	vadd.f32 v6, v2  }
0x155: {  	v4 =	vmul.f32 v61, v53;
	v1 =	vadd.f32 v3, v1  }
0x156: {  	v2 =	vadd.f32 v63, v2;
	v3 =	vmul.f32 v17, v55  }
0x157: {  	v5 =	vmul.f32 v62, v55;
	v1 =	vadd.f32 v4, v1  }
0x158: {  	v2 =	vadd.f32 v3, v2  }
0x159: {  	v1 =	vadd.f32 v5, v1  }
0x15a: {  	[tilespmem:s13+$0x1B400] =	vst v2  }
0x15b: {  	s4 =	simm.s32 $0x280;
	[tilespmem:s13+$0x17400] =	vst v1  }
0x15c: {  	[tilespmem:s29], [sflag:$0x5] =	stream.indirect.gather [hbm4b:s2+s1], $0x80, s4, s1, $0xb8;
	[tilespmem:$0x1F400] =	vst v63  }
0x15d: {  	s18 =	rddreg [dreg:$0xd];
	s4 =	simm.s32 $0x0  }
0x15e: {  	[hbm4b:s18+s4] =	stream.linear.scatter [tilespmem:s19], [sflag:$0x6], $0x4000, $0x38;
	[tilespmem:$0x1F400] =	vst v63  }
0x15f: {  	_ =	swait.ge [sflag:s20], $0x4000  }
0x160: {  	[sflag:s20] =	ssyncset.done $0x0  }
0x161: {  	s18 =	rddreg [dreg:$0xe];
	[sflag:s20] =	ssyncadd.s32 $0xFFFFC000  }
0x162: {  	[hbm4b:s18+s4] =	stream.linear.scatter [tilespmem:s21], [sflag:$0x6], $0x4000, $0x38;
	[tilespmem:$0x1F400] =	vst v63  }
0x163: {  	_ =	swait.ge [sflag:s20], $0x4000  }
0x164: {  	[sflag:s20] =	ssyncset.done $0x0  }
0x165: {  	s18 =	rddreg [dreg:$0xf];
	[sflag:s20] =	ssyncadd.s32 $0xFFFFC000  }
0x166: {  	[tilespmem:s22], [sflag:$0x2] =	stream.linear.gather [hbm4b:s18+s4], $0x80, $0x38;
	[tilespmem:$0x1F400] =	vst v63  }
0x167: {  	s18 =	rddreg [dreg:$0x10]  }
0x168: {  	[tilespmem:s23], [sflag:$0x2] =	stream.linear.gather [hbm4b:s18+s4], $0x80, $0x38;
	[tilespmem:$0x1F400] =	vst v63  }
0x169: {  	_ = 	snop  }
0x16a: {  	[tilespmem:s24], [sflag:$0x2] =	stream.strided.gather [hbm4b:s17+s31], $0x800, s30, s31, $0x38;
	[tilespmem:$0x1F400] =	vst v63  }
0x16b: {  	s18 =	sadd.s32 $0x8000, s17  }
0x16c: {  	[tilespmem:s25], [sflag:$0x2] =	stream.linear.gather [hbm4b:s18+s4], $0x200, $0x38;
	[tilespmem:$0x1F400] =	vst v63  }
0x16d: {  	s13 =	simm.s32 $0x200;
	s4 =	simm.s32 $0x0  }
.LBB2_8:
0x16e: {  	p0 =	sne.s32 s13, $0xFE00;
	[tilespmem:s4+$0xF470] =	vst v0  }
0x16f: {  	[tilespmem:s4+$0xF400] =	vst v0  }
0x170: {  	[tilespmem:s4+$0xF410] =	vst v0  }
.Ltmp3:
0x171: {  	[tilespmem:s4+$0xF420] =	vst v0;
	(pc) =	sbr.rel @p0 .LBB2_8-.Ltmp3, $4  }
0x172: {  	[tilespmem:s4+$0xF430] =	vst v0  }
0x173: {  	[tilespmem:s4+$0xF440] =	vst v0  }
0x174: {  	[tilespmem:s4+$0xF450] =	vst v0  }
0x175: {  	[tilespmem:s4+$0xF460] =	vst v0;
	s4 =	sshra.s32 s13, $0x2;
	s13 =	sadd.s32 $0x200, s13  }
0x176: {  	[tilespmem:s4+$0xF470] =	vst v0  }
0x177: {  	[tilespmem:s4+$0xF400] =	vst v0  }
0x178: {  	[tilespmem:s4+$0xF410] =	vst v0  }
0x179: {  	[tilespmem:s4+$0xF420] =	vst v0  }
0x17a: {  	[tilespmem:s4+$0xF430] =	vst v0  }
0x17b: {  	[tilespmem:s4+$0xF440] =	vst v0  }
0x17c: {  	[tilespmem:s4+$0xF450] =	vst v0  }
0x17d: {  	[tilespmem:s4+$0xF460] =	vst v0  }
0x17e: {  	_ =	swait.ge [sflag:s8], $0x80  }
0x17f: {  	[sflag:s8] =	ssyncset.done $0x0  }
0x180: {  	[sflag:s8] =	ssyncadd.s32 $0xFFFFFF80  }
0x181: {  	_ =	swait.ge [sflag:s8], $0x80  }
0x182: {  	[sflag:s8] =	ssyncset.done $0x0  }
0x183: {  	[sflag:s8] =	ssyncadd.s32 $0xFFFFFF80  }
0x184: {  	_ =	swait.ge [sflag:s8], $0xA00  }
0x185: {  	[sflag:s8] =	ssyncset.done $0x0  }
0x186: {  	s18 =	simm.s32 $0x3400;
	s13 =	simm.s32 $0x100;
	[sflag:s8] =	ssyncadd.s32 $0xFFFFF600  }
0x187: {  	[tilespmem:s18], [sflag:$0x3] =	stream.indirect.gather [hbm4b:s0+s1], $0x80, s13, s1, $0xb8;
	[tilespmem:$0x1F400] =	vst v63  }
0x188: {  	s18 =	simm.s32 $0x1C00  }
0x189: {  	[tilespmem:s11], [sflag:$0x3] =	stream.indirect.gather.add.f32 [hbm:s2], $0x80, s18, s1, $0xb8;
	[tilespmem:$0x1F400] =	vst v63  }
0x18a: {  	s13 =	simm.s32 $0x1C80  }
0x18b: {  	[tilespmem:s11], [sflag:$0x3] =	stream.indirect.gather.add.f32 [hbm:s2], $0x80, s13, s1, $0xb8;
	[tilespmem:$0x1F400] =	vst v63  }
0x18c: {  	s18 =	simm.s32 $0x1D00  }
0x18d: {  	[tilespmem:s11], [sflag:$0x3] =	stream.indirect.gather.add.f32 [hbm:s2], $0x80, s18, s1, $0xb8;
	[tilespmem:$0x1F400] =	vst v63  }
0x18e: {  	s13 =	simm.s32 $0x1D80  }
0x18f: {  	[tilespmem:s11], [sflag:$0x3] =	stream.indirect.gather.add.f32 [hbm:s2], $0x80, s13, s1, $0xb8;
	[tilespmem:$0x1F400] =	vst v63  }
0x190: {  	s18 =	simm.s32 $0x1E00  }
0x191: {  	[tilespmem:s11], [sflag:$0x3] =	stream.indirect.gather.add.f32 [hbm:s2], $0x80, s18, s1, $0xb8;
	[tilespmem:$0x1F400] =	vst v63  }
0x192: {  	s13 =	simm.s32 $0x1E80  }
0x193: {  	[tilespmem:s11], [sflag:$0x3] =	stream.indirect.gather.add.f32 [hbm:s2], $0x80, s13, s1, $0xb8;
	[tilespmem:$0x1F400] =	vst v63  }
0x194: {  	s18 =	simm.s32 $0x1F00  }
0x195: {  	[tilespmem:s11], [sflag:$0x3] =	stream.indirect.gather.add.f32 [hbm:s2], $0x80, s18, s1, $0xb8;
	[tilespmem:$0x1F400] =	vst v63  }
0x196: {  	s13 =	simm.s32 $0x1F80  }
0x197: {  	[tilespmem:s11], [sflag:$0x3] =	stream.indirect.gather.add.f32 [hbm:s2], $0x80, s13, s1, $0xb8;
	[tilespmem:$0x1F400] =	vst v63  }
0x198: {  	s18 =	simm.s32 $0x2000  }
0x199: {  	[tilespmem:s11], [sflag:$0x3] =	stream.indirect.gather.add.f32 [hbm:s2], $0x80, s18, s1, $0xb8;
	[tilespmem:$0x1F400] =	vst v63  }
0x19a: {  	s13 =	simm.s32 $0x2080  }
0x19b: {  	[tilespmem:s11], [sflag:$0x3] =	stream.indirect.gather.add.f32 [hbm:s2], $0x80, s13, s1, $0xb8;
	[tilespmem:$0x1F400] =	vst v63  }
0x19c: {  	s18 =	simm.s32 $0x2100  }
0x19d: {  	[tilespmem:s11], [sflag:$0x3] =	stream.indirect.gather.add.f32 [hbm:s2], $0x80, s18, s1, $0xb8;
	[tilespmem:$0x1F400] =	vst v63  }
0x19e: {  	s13 =	simm.s32 $0x2180  }
0x19f: {  	[tilespmem:s11], [sflag:$0x3] =	stream.indirect.gather.add.f32 [hbm:s2], $0x80, s13, s1, $0xb8;
	[tilespmem:$0x1F400] =	vst v63  }
0x1a0: {  	s18 =	simm.s32 $0x2200  }
0x1a1: {  	[tilespmem:s11], [sflag:$0x3] =	stream.indirect.gather.add.f32 [hbm:s2], $0x80, s18, s1, $0xb8;
	[tilespmem:$0x1F400] =	vst v63  }
0x1a2: {  	s13 =	simm.s32 $0x2280  }
0x1a3: {  	[tilespmem:s11], [sflag:$0x3] =	stream.indirect.gather.add.f32 [hbm:s2], $0x80, s13, s1, $0xb8;
	[tilespmem:$0x1F400] =	vst v63  }
0x1a4: {  	s18 =	simm.s32 $0x2300  }
0x1a5: {  	[tilespmem:s11], [sflag:$0x3] =	stream.indirect.gather.add.f32 [hbm:s2], $0x80, s18, s1, $0xb8;
	[tilespmem:$0x1F400] =	vst v63  }
0x1a6: {  	s13 =	simm.s32 $0x2380  }
0x1a7: {  	[tilespmem:s11], [sflag:$0x3] =	stream.indirect.gather.add.f32 [hbm:s2], $0x80, s13, s1, $0xb8;
	[tilespmem:$0x1F400] =	vst v63  }
0x1a8: {  	_ = 	snop  }
0x1a9: {  	[tilespmem:s11], [sflag:$0x3] =	stream.indirect.gather.add.f32 [hbm:s2], $0x80, s14, s1, $0xb8;
	[tilespmem:$0x1F400] =	vst v63  }
0x1aa: {  	s18 =	simm.s32 $0x2480  }
0x1ab: {  	[tilespmem:s11], [sflag:$0x3] =	stream.indirect.gather.add.f32 [hbm:s2], $0x80, s18, s1, $0xb8;
	[tilespmem:$0x1F400] =	vst v63  }
0x1ac: {  	s13 =	simm.s32 $0x2500  }
0x1ad: {  	[tilespmem:s11], [sflag:$0x3] =	stream.indirect.gather.add.f32 [hbm:s2], $0x80, s13, s1, $0xb8;
	[tilespmem:$0x1F400] =	vst v63  }
0x1ae: {  	s18 =	simm.s32 $0x2580  }
0x1af: {  	[tilespmem:s11], [sflag:$0x3] =	stream.indirect.gather.add.f32 [hbm:s2], $0x80, s18, s1, $0xb8;
	[tilespmem:$0x1F400] =	vst v63  }
0x1b0: {  	_ =	swait.ge [sflag:s26], $0x4000  }
0x1b1: {  	[sflag:s26] =	ssyncset.done $0x0  }
0x1b2: {  	[sflag:s26] =	ssyncadd.s32 $0xFFFFC000  }
0x1b3: {  	_ =	swait.ge [sflag:s26], $0x4000  }
0x1b4: {  	[sflag:s26] =	ssyncset.done $0x0  }
0x1b5: {  	[sflag:s26] =	ssyncadd.s32 $0xFFFFC000  }
0x1b6: {  	_ =	swait.ge [sflag:s26], $0x4000  }
0x1b7: {  	[sflag:s26] =	ssyncset.done $0x0  }
0x1b8: {  	[sflag:s26] =	ssyncadd.s32 $0xFFFFC000  }
0x1b9: {  	_ =	swait.ge [sflag:s26], $0x4000  }
0x1ba: {  	[sflag:s26] =	ssyncset.done $0x0  }
0x1bb: {  	[sflag:s26] =	ssyncadd.s32 $0xFFFFC000  }
0x1bc: {  	_ =	swait.ge [sflag:s26], $0x4000  }
0x1bd: {  	[sflag:s26] =	ssyncset.done $0x0  }
0x1be: {  	[sflag:s26] =	ssyncadd.s32 $0xFFFFC000  }
0x1bf: {  	_ =	swait.ge [sflag:s26], $0x4000  }
0x1c0: {  	[sflag:s26] =	ssyncset.done $0x0  }
0x1c1: {  	[sflag:s26] =	ssyncadd.s32 $0xFFFFC000  }
0x1c2: {  	_ =	swait.ge [sflag:s26], $0x4000  }
0x1c3: {  	[sflag:s26] =	ssyncset.done $0x0  }
0x1c4: {  	[sflag:s26] =	ssyncadd.s32 $0xFFFFC000  }
0x1c5: {  	_ =	swait.ge [sflag:s26], $0x4000  }
0x1c6: {  	[sflag:s26] =	ssyncset.done $0x0  }
0x1c7: {  	[sflag:s26] =	ssyncadd.s32 $0xFFFFC000  }
0x1c8: {  	_ =	swait.ge [sflag:s26], $0x4000  }
0x1c9: {  	[sflag:s26] =	ssyncset.done $0x0  }
0x1ca: {  	[sflag:s26] =	ssyncadd.s32 $0xFFFFC000  }
0x1cb: {  	_ =	swait.ge [sflag:s26], $0x4000  }
0x1cc: {  	[sflag:s26] =	ssyncset.done $0x0  }
0x1cd: {  	[sflag:s26] =	ssyncadd.s32 $0xFFFFC000  }
0x1ce: {  	_ =	swait.ge [sflag:s26], $0x4000  }
0x1cf: {  	[sflag:s26] =	ssyncset.done $0x0  }
0x1d0: {  	[sflag:s26] =	ssyncadd.s32 $0xFFFFC000  }
0x1d1: {  	_ =	swait.ge [sflag:s26], $0x4000  }
0x1d2: {  	[sflag:s26] =	ssyncset.done $0x0  }
0x1d3: {  	[sflag:s26] =	ssyncadd.s32 $0xFFFFC000  }
0x1d4: {  	_ =	swait.ge [sflag:s26], $0x4000  }
0x1d5: {  	[sflag:s26] =	ssyncset.done $0x0  }
0x1d6: {  	[sflag:s26] =	ssyncadd.s32 $0xFFFFC000  }
0x1d7: {  	_ =	swait.ge [sflag:s26], $0x4000  }
0x1d8: {  	[sflag:s26] =	ssyncset.done $0x0  }
0x1d9: {  	[sflag:s26] =	ssyncadd.s32 $0xFFFFC000  }
0x1da: {  	_ =	swait.ge [sflag:s26], $0x4000  }
0x1db: {  	[sflag:s26] =	ssyncset.done $0x0  }
0x1dc: {  	[sflag:s26] =	ssyncadd.s32 $0xFFFFC000  }
0x1dd: {  	_ =	swait.ge [sflag:s26], $0x4000  }
0x1de: {  	[sflag:s26] =	ssyncset.done $0x0  }
0x1df: {  	[sflag:s26] =	ssyncadd.s32 $0xFFFFC000  }
0x1e0: {  	_ =	swait.ge [sflag:s26], $0x4000  }
0x1e1: {  	[sflag:s26] =	ssyncset.done $0x0  }
0x1e2: {  	[sflag:s26] =	ssyncadd.s32 $0xFFFFC000  }
0x1e3: {  	_ =	swait.ge [sflag:s26], $0x4000  }
0x1e4: {  	[sflag:s26] =	ssyncset.done $0x0  }
0x1e5: {  	[sflag:s26] =	ssyncadd.s32 $0xFFFFC000  }
0x1e6: {  	_ =	swait.ge [sflag:s26], $0x4000  }
0x1e7: {  	[sflag:s26] =	ssyncset.done $0x0  }
0x1e8: {  	[sflag:s26] =	ssyncadd.s32 $0xFFFFC000  }
0x1e9: {  	_ =	swait.ge [sflag:s26], $0x4000  }
0x1ea: {  	[sflag:s26] =	ssyncset.done $0x0  }
0x1eb: {  	[sflag:s26] =	ssyncadd.s32 $0xFFFFC000  }
0x1ec: {  	_ =	swait.ge [sflag:s26], $0x4000  }
0x1ed: {  	[sflag:s26] =	ssyncset.done $0x0  }
0x1ee: {  	[sflag:s26] =	ssyncadd.s32 $0xFFFFC000  }
0x1ef: {  	_ =	swait.ge [sflag:s10], $0x4000  }
0x1f0: {  	[sflag:s10] =	ssyncset.done $0x0  }
0x1f1: {  	s18 =	simm.s32 $0x0;
	[sflag:s10] =	ssyncadd.s32 $0xFFFFC000  }
0x1f2: {  	v1 =	vld [tilespmem:s18+$0x7400]  }
0x1f3: {  	v2 =	vld [tilespmem:s18+$0x13400]  }
0x1f4: {  	v10 =	vld [tilespmem:s18+$0x7410]  }
0x1f5: {  	v3 =	vld [tilespmem:s18+$0x13410]  }
0x1f6: {  	v11 =	vld [tilespmem:s18+$0x7420]  }
0x1f7: {  	v4 =	vld [tilespmem:s18+$0x13420]  }
0x1f8: {  	v14 =	vld [tilespmem:s18+$0x7430];
	v5 =	vmul.f32 v2, v1  }
0x1f9: {  	v6 =	vld [tilespmem:s18+$0x13430]  }
0x1fa: {  	v8 =	vld [tilespmem:s18+$0x13440];
	v7 =	vmul.f32 v3, v10;
	v5 =	vadd.f32 $0.0e+00, v5  }
0x1fb: {  	v2 =	vld [tilespmem:s18+$0x7440]  }
0x1fc: {  	v9 =	vld [tilespmem:s18+$0x13450];
	v5 =	vadd.f32 v7, v5;
	v7 =	vmul.f32 v4, v11  }
0x1fd: {  	v3 =	vld [tilespmem:s18+$0x7450]  }
0x1fe: {  	v12 =	vld [tilespmem:s18+$0x13460];
	v6 =	vmul.f32 v6, v14;
	v7 =	vadd.f32 v7, v5  }
0x1ff: {  	v4 =	vld [tilespmem:s18+$0x7460]  }
0x200: {  	v5 =	vld [tilespmem:s18+$0x7470];
	v6 =	vadd.f32 v6, v7;
	v7 =	vmul.f32 v8, v2  }
0x201: {  	v8 =	vld [tilespmem:s18+$0x13470]  }
0x202: {  	v13 =	vld [tilespmem:s18+$0xB400];
	v6 =	vadd.f32 v7, v6;
	v7 =	vmul.f32 v9, v3  }
0x203: {  	v15 =	vld [tilespmem:s18+$0xB410]  }
0x204: {  	v16 =	vld [tilespmem:s18+$0xB420];
	v9 =	vmul.f32 v12, v4;
	v6 =	vadd.f32 v7, v6  }
0x205: {  	v17 =	vld [tilespmem:s18+$0xB430]  }
0x206: {  	v7 =	vld [tilespmem:s18+$0xB440];
	v8 =	vmul.f32 v8, v5;
	v12 =	vadd.f32 v9, v6  }
0x207: {  	v13 =	vmul.f32 v13, v1;
	v9 =	vld [tilespmem:s18+$0xB450]  }
0x208: {  	v6 =	vld [tilespmem:s18+$0xB460];
	v18 =	vadd.f32 v8, v12  }
0x209: {  	s13 =	simm.s32 $0x80;
	v13 =	vadd.f32 $0.0e+00, v13;
	v8 =	vld [tilespmem:s18+$0xB470];
	v12 =	vmul.f32 v15, v10  }
0x20a: {  	s4 =	simm.s32 $0x400;
	v1 =	vld [tilespmem:s13+$0x7400];
	v11 =	vmul.f32 v16, v11;
	v10 =	vmul.f32 v17, v14;
	[tilespmem:s18+$0x1B400] =	vst v18  }
.LBB2_10:
0x20b: {  	p0 =	sne.s32 s4, $0xFE00;
	v14 =	vld [tilespmem:s13+$0x13400];
	v12 =	vadd.f32 v12, v13;
	v2 =	vmul.f32 v7, v2  }
0x20c: {  	v13 =	vld [tilespmem:s13+$0x7410];
	v3 =	vmul.f32 v9, v3  }
0x20d: {  	v7 =	vld [tilespmem:s13+$0x13410];
	v9 =	vadd.f32 v11, v12;
	v4 =	vmul.f32 v6, v4  }
0x20e: {  	v11 =	vld [tilespmem:s13+$0x7420];
	v5 =	vmul.f32 v8, v5  }
0x20f: {  	v6 =	vld [tilespmem:s13+$0x13420];
	v8 =	vadd.f32 v10, v9  }
0x210: {  	v9 =	vmul.f32 v14, v1;
	v10 =	vld [tilespmem:s13+$0x7430]  }
0x211: {  	v12 =	vld [tilespmem:s13+$0x13430];
	v8 =	vadd.f32 v2, v8  }
0x212: {  	v9 =	vadd.f32 $0.0e+00, v9;
	v7 =	vmul.f32 v7, v13;
	v2 =	vld [tilespmem:s13+$0x7440]  }
0x213: {  	v14 =	vld [tilespmem:s13+$0x13440];
	v8 =	vadd.f32 v3, v8  }
0x214: {  	v7 =	vadd.f32 v7, v9;
	v6 =	vmul.f32 v6, v11;
	v3 =	vld [tilespmem:s13+$0x7450]  }
0x215: {  	v9 =	vld [tilespmem:s13+$0x13450];
	v8 =	vadd.f32 v4, v8  }
0x216: {  	v6 =	vadd.f32 v6, v7;
	v7 =	vmul.f32 v12, v10;
	v4 =	vld [tilespmem:s13+$0x7460]  }
0x217: {  	v12 =	vld [tilespmem:s13+$0x13460];
	v8 =	vadd.f32 v5, v8  }
0x218: {  	v6 =	vadd.f32 v7, v6;
	v7 =	vmul.f32 v14, v2;
	v5 =	vld [tilespmem:s13+$0x7470]  }
0x219: {  	v14 =	vld [tilespmem:s13+$0x13470];
	[tilespmem:s18+$0x17400] =	vst v8;
	s18 =	smov.u32 s13  }
0x21a: {  	v8 =	vld [tilespmem:s18+$0xB400];
	v6 =	vadd.f32 v7, v6;
	v7 =	vmul.f32 v9, v3  }
0x21b: {  	v15 =	vld [tilespmem:s18+$0xB410]  }
0x21c: {  	v16 =	vld [tilespmem:s18+$0xB420];
	v6 =	vadd.f32 v7, v6;
	v9 =	vmul.f32 v12, v4  }
0x21d: {  	v17 =	vld [tilespmem:s18+$0xB430]  }
.Ltmp4:
0x21e: {  	v7 =	vld [tilespmem:s18+$0xB440];
	v18 =	vadd.f32 v9, v6;
	v14 =	vmul.f32 v14, v5;
	(pc) =	sbr.rel @p0 .LBB2_10-.Ltmp4, $4  }
0x21f: {  	v1 =	vmul.f32 v8, v1;
	v9 =	vld [tilespmem:s18+$0xB450]  }
0x220: {  	v12 =	vmul.f32 v15, v13;
	v6 =	vld [tilespmem:s18+$0xB460];
	v14 =	vadd.f32 v14, v18  }
0x221: {  	s13 =	sshra.s32 s4, $0x2;
	v13 =	vadd.f32 $0.0e+00, v1;
	v11 =	vmul.f32 v16, v11;
	v8 =	vld [tilespmem:s18+$0xB470]  }
0x222: {  	s4 =	sadd.s32 $0x200, s4;
	v1 =	vld [tilespmem:s13+$0x7400];
	v10 =	vmul.f32 v17, v10;
	[tilespmem:s18+$0x1B400] =	vst v14  }
0x223: {  	v14 =	vld [tilespmem:s13+$0x13400];
	v12 =	vadd.f32 v12, v13  }
0x224: {  	v45 =	vld [tilespmem:s13+$0x7410]  }
0x225: {  	v15 =	vld [tilespmem:s13+$0x13410];
	v11 =	vadd.f32 v11, v12  }
0x226: {  	v46 =	vld [tilespmem:s13+$0x7420]  }
0x227: {  	v16 =	vld [tilespmem:s13+$0x13420];
	v2 =	vmul.f32 v7, v2;
	v47 =	vadd.f32 v10, v11  }
0x228: {  	v48 =	vld [tilespmem:s13+$0x7430]  }
0x229: {  	v49 =	vld [tilespmem:s13+$0x13430];
	v3 =	vmul.f32 v9, v3;
	v2 =	vadd.f32 v2, v47  }
0x22a: {  	v50 =	vld [tilespmem:s13+$0x7440]  }
0x22b: {  	v51 =	vld [tilespmem:s13+$0x13440];
	v4 =	vmul.f32 v6, v4;
	v2 =	vadd.f32 v3, v2  }
0x22c: {  	v52 =	vld [tilespmem:s13+$0x13450]  }
0x22d: {  	v53 =	vld [tilespmem:s13+$0x7460];
	v5 =	vmul.f32 v8, v5;
	v2 =	vadd.f32 v4, v2  }
0x22e: {  	v54 =	vld [tilespmem:s13+$0x13460]  }
0x22f: {  	v55 =	vld [tilespmem:s13+$0x7470];
	v2 =	vadd.f32 v5, v2  }
0x230: {  	v17 =	vld [tilespmem:s13+$0x13470]  }
0x231: {  	v3 =	vld [tilespmem:s13+$0x7450];
	[tilespmem:s18+$0x17400] =	vst v2  }
0x232: {  	v2 =	vld [tilespmem:s13+$0xB400];
	_ =	sdelay $0x1  }
0x233: {  	v18 =	vld [tilespmem:s13+$0xB410];
	_ =	sdelay $0x1  }
0x234: {  	v14 =	vmul.f32 v14, v1;
	v19 =	vld [tilespmem:s13+$0xB420]  }
0x235: {  	v1 =	vmul.f32 v2, v1  }
0x236: {  	v56 =	vmul.f32 v15, v45;
	v57 =	vld [tilespmem:s13+$0xB430];
	v2 =	vadd.f32 $0.0e+00, v14  }
0x237: {  	v13 =	vmul.f32 v18, v45;
	v1 =	vadd.f32 $0.0e+00, v1  }
0x238: {  	v58 =	vmul.f32 v16, v46;
	v59 =	vld [tilespmem:s13+$0xB440];
	v2 =	vadd.f32 v56, v2  }
0x239: {  	v12 =	vmul.f32 v19, v46;
	v1 =	vadd.f32 v13, v1  }
0x23a: {  	v11 =	vmul.f32 v49, v48;
	v60 =	vld [tilespmem:s13+$0xB450];
	v2 =	vadd.f32 v58, v2  }
0x23b: {  	v10 =	vmul.f32 v57, v48;
	v1 =	vadd.f32 v12, v1  }
0x23c: {  	v9 =	vmul.f32 v51, v50;
	v61 =	vld [tilespmem:s13+$0xB460];
	v2 =	vadd.f32 v11, v2  }
0x23d: {  	v7 =	vmul.f32 v59, v50;
	v1 =	vadd.f32 v10, v1  }
0x23e: {  	v6 =	vmul.f32 v52, v3;
	v62 =	vld [tilespmem:s13+$0xB470];
	v2 =	vadd.f32 v9, v2  }
0x23f: {  	v3 =	vmul.f32 v60, v3;
	v1 =	vadd.f32 v7, v1  }
0x240: {  	v63 =	vmul.f32 v54, v53;
	v2 =	vadd.f32 v6, v2  }
0x241: {  	v4 =	vmul.f32 v61, v53;
	v1 =	vadd.f32 v3, v1  }
0x242: {  	v2 =	vadd.f32 v63, v2;
	v3 =	vmul.f32 v17, v55  }
0x243: {  	v5 =	vmul.f32 v62, v55;
	v1 =	vadd.f32 v4, v1  }
0x244: {  	v2 =	vadd.f32 v3, v2  }
0x245: {  	v1 =	vadd.f32 v5, v1  }
0x246: {  	[tilespmem:s13+$0x1B400] =	vst v2  }
0x247: {  	s4 =	simm.s32 $0x300;
	[tilespmem:s13+$0x17400] =	vst v1  }
0x248: {  	[tilespmem:s29], [sflag:$0x5] =	stream.indirect.gather [hbm4b:s2+s1], $0x80, s4, s1, $0xb8;
	[tilespmem:$0x1F400] =	vst v63  }
0x249: {  	s18 =	rddreg [dreg:$0x11];
	s4 =	simm.s32 $0x0  }
0x24a: {  	[hbm4b:s18+s4] =	stream.linear.scatter [tilespmem:s19], [sflag:$0x6], $0x4000, $0x38;
	[tilespmem:$0x1F400] =	vst v63  }
0x24b: {  	_ =	swait.ge [sflag:s20], $0x4000  }
0x24c: {  	[sflag:s20] =	ssyncset.done $0x0  }
0x24d: {  	s18 =	rddreg [dreg:$0x12];
	[sflag:s20] =	ssyncadd.s32 $0xFFFFC000  }
0x24e: {  	[hbm4b:s18+s4] =	stream.linear.scatter [tilespmem:s21], [sflag:$0x6], $0x4000, $0x38;
	[tilespmem:$0x1F400] =	vst v63  }
0x24f: {  	_ =	swait.ge [sflag:s20], $0x4000  }
0x250: {  	[sflag:s20] =	ssyncset.done $0x0  }
0x251: {  	s13 =	simm.s32 $0x200;
	s4 =	simm.s32 $0x0;
	[sflag:s20] =	ssyncadd.s32 $0xFFFFC000  }
.LBB2_12:
0x252: {  	p0 =	sne.s32 s13, $0xFE00;
	[tilespmem:s4+$0x13470] =	vst v0  }
0x253: {  	[tilespmem:s4+$0x13400] =	vst v0  }
0x254: {  	[tilespmem:s4+$0x13410] =	vst v0  }
.Ltmp5:
0x255: {  	[tilespmem:s4+$0x13420] =	vst v0;
	(pc) =	sbr.rel @p0 .LBB2_12-.Ltmp5, $4  }
0x256: {  	[tilespmem:s4+$0x13430] =	vst v0  }
0x257: {  	[tilespmem:s4+$0x13440] =	vst v0  }
0x258: {  	[tilespmem:s4+$0x13450] =	vst v0  }
0x259: {  	[tilespmem:s4+$0x13460] =	vst v0;
	s4 =	sshra.s32 s13, $0x2;
	s13 =	sadd.s32 $0x200, s13  }
0x25a: {  	[tilespmem:s4+$0x13470] =	vst v0  }
0x25b: {  	[tilespmem:s4+$0x13400] =	vst v0  }
0x25c: {  	[tilespmem:s4+$0x13410] =	vst v0  }
0x25d: {  	[tilespmem:s4+$0x13420] =	vst v0  }
0x25e: {  	[tilespmem:s4+$0x13430] =	vst v0  }
0x25f: {  	[tilespmem:s4+$0x13440] =	vst v0  }
0x260: {  	[tilespmem:s4+$0x13450] =	vst v0  }
0x261: {  	[tilespmem:s4+$0x13460] =	vst v0  }
0x262: {  	_ =	swait.ge [sflag:s5], $0x80  }
0x263: {  	[sflag:s5] =	ssyncset.done $0x0  }
0x264: {  	[sflag:s5] =	ssyncadd.s32 $0xFFFFFF80  }
0x265: {  	_ =	swait.ge [sflag:s5], $0x80  }
0x266: {  	[sflag:s5] =	ssyncset.done $0x0  }
0x267: {  	[sflag:s5] =	ssyncadd.s32 $0xFFFFFF80  }
0x268: {  	_ =	swait.ge [sflag:s5], $0xA00  }
0x269: {  	[sflag:s5] =	ssyncset.done $0x0  }
0x26a: {  	[sflag:s5] =	ssyncadd.s32 $0xFFFFF600  }
0x26b: {  	[tilespmem:s15], [sflag:$0x4] =	stream.indirect.gather [hbm4b:s0+s1], $0x80, s22, s1, $0xb8;
	[tilespmem:$0x1F400] =	vst v63  }
0x26c: {  	_ = 	snop  }
0x26d: {  	[tilespmem:s7], [sflag:$0x4] =	stream.indirect.gather.add.f32 [hbm:s2], $0x80, s24, s1, $0xb8;
	[tilespmem:$0x1F400] =	vst v63  }
0x26e: {  	s13 =	simm.s32 $0x2880  }
0x26f: {  	[tilespmem:s7], [sflag:$0x4] =	stream.indirect.gather.add.f32 [hbm:s2], $0x80, s13, s1, $0xb8;
	[tilespmem:$0x1F400] =	vst v63  }
0x270: {  	s18 =	simm.s32 $0x2900  }
0x271: {  	[tilespmem:s7], [sflag:$0x4] =	stream.indirect.gather.add.f32 [hbm:s2], $0x80, s18, s1, $0xb8;
	[tilespmem:$0x1F400] =	vst v63  }
0x272: {  	s13 =	simm.s32 $0x2980  }
0x273: {  	[tilespmem:s7], [sflag:$0x4] =	stream.indirect.gather.add.f32 [hbm:s2], $0x80, s13, s1, $0xb8;
	[tilespmem:$0x1F400] =	vst v63  }
0x274: {  	s18 =	simm.s32 $0x2A00  }
0x275: {  	[tilespmem:s7], [sflag:$0x4] =	stream.indirect.gather.add.f32 [hbm:s2], $0x80, s18, s1, $0xb8;
	[tilespmem:$0x1F400] =	vst v63  }
0x276: {  	s13 =	simm.s32 $0x2A80  }
0x277: {  	[tilespmem:s7], [sflag:$0x4] =	stream.indirect.gather.add.f32 [hbm:s2], $0x80, s13, s1, $0xb8;
	[tilespmem:$0x1F400] =	vst v63  }
0x278: {  	s18 =	simm.s32 $0x2B00  }
0x279: {  	[tilespmem:s7], [sflag:$0x4] =	stream.indirect.gather.add.f32 [hbm:s2], $0x80, s18, s1, $0xb8;
	[tilespmem:$0x1F400] =	vst v63  }
0x27a: {  	s13 =	simm.s32 $0x2B80  }
0x27b: {  	[tilespmem:s7], [sflag:$0x4] =	stream.indirect.gather.add.f32 [hbm:s2], $0x80, s13, s1, $0xb8;
	[tilespmem:$0x1F400] =	vst v63  }
0x27c: {  	s18 =	simm.s32 $0x2C00  }
0x27d: {  	[tilespmem:s7], [sflag:$0x4] =	stream.indirect.gather.add.f32 [hbm:s2], $0x80, s18, s1, $0xb8;
	[tilespmem:$0x1F400] =	vst v63  }
0x27e: {  	s13 =	simm.s32 $0x2C80  }
0x27f: {  	[tilespmem:s7], [sflag:$0x4] =	stream.indirect.gather.add.f32 [hbm:s2], $0x80, s13, s1, $0xb8;
	[tilespmem:$0x1F400] =	vst v63  }
0x280: {  	s18 =	simm.s32 $0x2D00  }
0x281: {  	[tilespmem:s7], [sflag:$0x4] =	stream.indirect.gather.add.f32 [hbm:s2], $0x80, s18, s1, $0xb8;
	[tilespmem:$0x1F400] =	vst v63  }
0x282: {  	s13 =	simm.s32 $0x2D80  }
0x283: {  	[tilespmem:s7], [sflag:$0x4] =	stream.indirect.gather.add.f32 [hbm:s2], $0x80, s13, s1, $0xb8;
	[tilespmem:$0x1F400] =	vst v63  }
0x284: {  	s18 =	simm.s32 $0x2E00  }
0x285: {  	[tilespmem:s7], [sflag:$0x4] =	stream.indirect.gather.add.f32 [hbm:s2], $0x80, s18, s1, $0xb8;
	[tilespmem:$0x1F400] =	vst v63  }
0x286: {  	s13 =	simm.s32 $0x2E80  }
0x287: {  	[tilespmem:s7], [sflag:$0x4] =	stream.indirect.gather.add.f32 [hbm:s2], $0x80, s13, s1, $0xb8;
	[tilespmem:$0x1F400] =	vst v63  }
0x288: {  	s18 =	simm.s32 $0x2F00  }
0x289: {  	[tilespmem:s7], [sflag:$0x4] =	stream.indirect.gather.add.f32 [hbm:s2], $0x80, s18, s1, $0xb8;
	[tilespmem:$0x1F400] =	vst v63  }
0x28a: {  	s13 =	simm.s32 $0x2F80  }
0x28b: {  	[tilespmem:s7], [sflag:$0x4] =	stream.indirect.gather.add.f32 [hbm:s2], $0x80, s13, s1, $0xb8;
	[tilespmem:$0x1F400] =	vst v63  }
0x28c: {  	_ = 	snop  }
0x28d: {  	[tilespmem:s7], [sflag:$0x4] =	stream.indirect.gather.add.f32 [hbm:s2], $0x80, s25, s1, $0xb8;
	[tilespmem:$0x1F400] =	vst v63  }
0x28e: {  	s18 =	simm.s32 $0x3080  }
0x28f: {  	[tilespmem:s7], [sflag:$0x4] =	stream.indirect.gather.add.f32 [hbm:s2], $0x80, s18, s1, $0xb8;
	[tilespmem:$0x1F400] =	vst v63  }
0x290: {  	s13 =	simm.s32 $0x3100  }
0x291: {  	[tilespmem:s7], [sflag:$0x4] =	stream.indirect.gather.add.f32 [hbm:s2], $0x80, s13, s1, $0xb8;
	[tilespmem:$0x1F400] =	vst v63  }
0x292: {  	s18 =	simm.s32 $0x3180  }
0x293: {  	[tilespmem:s7], [sflag:$0x4] =	stream.indirect.gather.add.f32 [hbm:s2], $0x80, s18, s1, $0xb8;
	[tilespmem:$0x1F400] =	vst v63  }
0x294: {  	_ =	swait.ge [sflag:s16], $0x4000  }
0x295: {  	[sflag:s16] =	ssyncset.done $0x0  }
0x296: {  	[sflag:s16] =	ssyncadd.s32 $0xFFFFC000  }
0x297: {  	_ =	swait.ge [sflag:s16], $0x4000  }
0x298: {  	[sflag:s16] =	ssyncset.done $0x0  }
0x299: {  	[sflag:s16] =	ssyncadd.s32 $0xFFFFC000  }
0x29a: {  	_ =	swait.ge [sflag:s16], $0x4000  }
0x29b: {  	[sflag:s16] =	ssyncset.done $0x0  }
0x29c: {  	[sflag:s16] =	ssyncadd.s32 $0xFFFFC000  }
0x29d: {  	_ =	swait.ge [sflag:s16], $0x4000  }
0x29e: {  	[sflag:s16] =	ssyncset.done $0x0  }
0x29f: {  	[sflag:s16] =	ssyncadd.s32 $0xFFFFC000  }
0x2a0: {  	_ =	swait.ge [sflag:s16], $0x4000  }
0x2a1: {  	[sflag:s16] =	ssyncset.done $0x0  }
0x2a2: {  	[sflag:s16] =	ssyncadd.s32 $0xFFFFC000  }
0x2a3: {  	_ =	swait.ge [sflag:s16], $0x4000  }
0x2a4: {  	[sflag:s16] =	ssyncset.done $0x0  }
0x2a5: {  	[sflag:s16] =	ssyncadd.s32 $0xFFFFC000  }
0x2a6: {  	_ =	swait.ge [sflag:s16], $0x4000  }
0x2a7: {  	[sflag:s16] =	ssyncset.done $0x0  }
0x2a8: {  	[sflag:s16] =	ssyncadd.s32 $0xFFFFC000  }
0x2a9: {  	_ =	swait.ge [sflag:s16], $0x4000  }
0x2aa: {  	[sflag:s16] =	ssyncset.done $0x0  }
0x2ab: {  	[sflag:s16] =	ssyncadd.s32 $0xFFFFC000  }
0x2ac: {  	_ =	swait.ge [sflag:s16], $0x4000  }
0x2ad: {  	[sflag:s16] =	ssyncset.done $0x0  }
0x2ae: {  	[sflag:s16] =	ssyncadd.s32 $0xFFFFC000  }
0x2af: {  	_ =	swait.ge [sflag:s16], $0x4000  }
0x2b0: {  	[sflag:s16] =	ssyncset.done $0x0  }
0x2b1: {  	[sflag:s16] =	ssyncadd.s32 $0xFFFFC000  }
0x2b2: {  	_ =	swait.ge [sflag:s16], $0x4000  }
0x2b3: {  	[sflag:s16] =	ssyncset.done $0x0  }
0x2b4: {  	[sflag:s16] =	ssyncadd.s32 $0xFFFFC000  }
0x2b5: {  	_ =	swait.ge [sflag:s16], $0x4000  }
0x2b6: {  	[sflag:s16] =	ssyncset.done $0x0  }
0x2b7: {  	[sflag:s16] =	ssyncadd.s32 $0xFFFFC000  }
0x2b8: {  	_ =	swait.ge [sflag:s16], $0x4000  }
0x2b9: {  	[sflag:s16] =	ssyncset.done $0x0  }
0x2ba: {  	[sflag:s16] =	ssyncadd.s32 $0xFFFFC000  }
0x2bb: {  	_ =	swait.ge [sflag:s16], $0x4000  }
0x2bc: {  	[sflag:s16] =	ssyncset.done $0x0  }
0x2bd: {  	[sflag:s16] =	ssyncadd.s32 $0xFFFFC000  }
0x2be: {  	_ =	swait.ge [sflag:s16], $0x4000  }
0x2bf: {  	[sflag:s16] =	ssyncset.done $0x0  }
0x2c0: {  	[sflag:s16] =	ssyncadd.s32 $0xFFFFC000  }
0x2c1: {  	_ =	swait.ge [sflag:s16], $0x4000  }
0x2c2: {  	[sflag:s16] =	ssyncset.done $0x0  }
0x2c3: {  	[sflag:s16] =	ssyncadd.s32 $0xFFFFC000  }
0x2c4: {  	_ =	swait.ge [sflag:s16], $0x4000  }
0x2c5: {  	[sflag:s16] =	ssyncset.done $0x0  }
0x2c6: {  	[sflag:s16] =	ssyncadd.s32 $0xFFFFC000  }
0x2c7: {  	_ =	swait.ge [sflag:s16], $0x4000  }
0x2c8: {  	[sflag:s16] =	ssyncset.done $0x0  }
0x2c9: {  	[sflag:s16] =	ssyncadd.s32 $0xFFFFC000  }
0x2ca: {  	_ =	swait.ge [sflag:s16], $0x4000  }
0x2cb: {  	[sflag:s16] =	ssyncset.done $0x0  }
0x2cc: {  	[sflag:s16] =	ssyncadd.s32 $0xFFFFC000  }
0x2cd: {  	_ =	swait.ge [sflag:s16], $0x4000  }
0x2ce: {  	[sflag:s16] =	ssyncset.done $0x0  }
0x2cf: {  	[sflag:s16] =	ssyncadd.s32 $0xFFFFC000  }
0x2d0: {  	_ =	swait.ge [sflag:s16], $0x4000  }
0x2d1: {  	[sflag:s16] =	ssyncset.done $0x0  }
0x2d2: {  	[sflag:s16] =	ssyncadd.s32 $0xFFFFC000  }
0x2d3: {  	_ =	swait.ge [sflag:s10], $0x4000  }
0x2d4: {  	[sflag:s10] =	ssyncset.done $0x0  }
0x2d5: {  	s18 =	simm.s32 $0x0;
	[sflag:s10] =	ssyncadd.s32 $0xFFFFC000  }
0x2d6: {  	v1 =	vld [tilespmem:s18+$0x3400]  }
0x2d7: {  	v2 =	vld [tilespmem:s18+$0xF400]  }
0x2d8: {  	v10 =	vld [tilespmem:s18+$0x3410]  }
0x2d9: {  	v3 =	vld [tilespmem:s18+$0xF410]  }
0x2da: {  	v11 =	vld [tilespmem:s18+$0x3420]  }
0x2db: {  	v4 =	vld [tilespmem:s18+$0xF420]  }
0x2dc: {  	v14 =	vld [tilespmem:s18+$0x3430];
	v5 =	vmul.f32 v2, v1  }
0x2dd: {  	v6 =	vld [tilespmem:s18+$0xF430]  }
0x2de: {  	v8 =	vld [tilespmem:s18+$0xF440];
	v7 =	vmul.f32 v3, v10;
	v5 =	vadd.f32 $0.0e+00, v5  }
0x2df: {  	v2 =	vld [tilespmem:s18+$0x3440]  }
0x2e0: {  	v9 =	vld [tilespmem:s18+$0xF450];
	v5 =	vadd.f32 v7, v5;
	v7 =	vmul.f32 v4, v11  }
0x2e1: {  	v3 =	vld [tilespmem:s18+$0x3450]  }
0x2e2: {  	v12 =	vld [tilespmem:s18+$0xF460];
	v6 =	vmul.f32 v6, v14;
	v7 =	vadd.f32 v7, v5  }
0x2e3: {  	v4 =	vld [tilespmem:s18+$0x3460]  }
0x2e4: {  	v5 =	vld [tilespmem:s18+$0x3470];
	v6 =	vadd.f32 v6, v7;
	v7 =	vmul.f32 v8, v2  }
0x2e5: {  	v8 =	vld [tilespmem:s18+$0xF470]  }
0x2e6: {  	v13 =	vld [tilespmem:s18+$0xB400];
	v6 =	vadd.f32 v7, v6;
	v7 =	vmul.f32 v9, v3  }
0x2e7: {  	v15 =	vld [tilespmem:s18+$0xB410]  }
0x2e8: {  	v16 =	vld [tilespmem:s18+$0xB420];
	v9 =	vmul.f32 v12, v4;
	v6 =	vadd.f32 v7, v6  }
0x2e9: {  	v17 =	vld [tilespmem:s18+$0xB430]  }
0x2ea: {  	v7 =	vld [tilespmem:s18+$0xB440];
	v8 =	vmul.f32 v8, v5;
	v12 =	vadd.f32 v9, v6  }
0x2eb: {  	v13 =	vmul.f32 v13, v1;
	v9 =	vld [tilespmem:s18+$0xB450]  }
0x2ec: {  	v6 =	vld [tilespmem:s18+$0xB460];
	v18 =	vadd.f32 v8, v12  }
0x2ed: {  	s13 =	simm.s32 $0x80;
	v13 =	vadd.f32 $0.0e+00, v13;
	v8 =	vld [tilespmem:s18+$0xB470];
	v12 =	vmul.f32 v15, v10  }
0x2ee: {  	s4 =	simm.s32 $0x400;
	v1 =	vld [tilespmem:s13+$0x3400];
	v11 =	vmul.f32 v16, v11;
	v10 =	vmul.f32 v17, v14;
	[tilespmem:s18+$0x1B400] =	vst v18  }
.LBB2_14:
0x2ef: {  	p0 =	sne.s32 s4, $0xFE00;
	v14 =	vld [tilespmem:s13+$0xF400];
	v12 =	vadd.f32 v12, v13;
	v2 =	vmul.f32 v7, v2  }
0x2f0: {  	v13 =	vld [tilespmem:s13+$0x3410];
	v3 =	vmul.f32 v9, v3  }
0x2f1: {  	v7 =	vld [tilespmem:s13+$0xF410];
	v9 =	vadd.f32 v11, v12;
	v4 =	vmul.f32 v6, v4  }
0x2f2: {  	v11 =	vld [tilespmem:s13+$0x3420];
	v5 =	vmul.f32 v8, v5  }
0x2f3: {  	v6 =	vld [tilespmem:s13+$0xF420];
	v8 =	vadd.f32 v10, v9  }
0x2f4: {  	v9 =	vmul.f32 v14, v1;
	v10 =	vld [tilespmem:s13+$0x3430]  }
0x2f5: {  	v12 =	vld [tilespmem:s13+$0xF430];
	v8 =	vadd.f32 v2, v8  }
0x2f6: {  	v9 =	vadd.f32 $0.0e+00, v9;
	v7 =	vmul.f32 v7, v13;
	v2 =	vld [tilespmem:s13+$0x3440]  }
0x2f7: {  	v14 =	vld [tilespmem:s13+$0xF440];
	v8 =	vadd.f32 v3, v8  }
0x2f8: {  	v7 =	vadd.f32 v7, v9;
	v6 =	vmul.f32 v6, v11;
	v3 =	vld [tilespmem:s13+$0x3450]  }
0x2f9: {  	v9 =	vld [tilespmem:s13+$0xF450];
	v8 =	vadd.f32 v4, v8  }
0x2fa: {  	v6 =	vadd.f32 v6, v7;
	v7 =	vmul.f32 v12, v10;
	v4 =	vld [tilespmem:s13+$0x3460]  }
0x2fb: {  	v12 =	vld [tilespmem:s13+$0xF460];
	v8 =	vadd.f32 v5, v8  }
0x2fc: {  	v6 =	vadd.f32 v7, v6;
	v7 =	vmul.f32 v14, v2;
	v5 =	vld [tilespmem:s13+$0x3470]  }
0x2fd: {  	v14 =	vld [tilespmem:s13+$0xF470];
	[tilespmem:s18+$0x17400] =	vst v8;
	s18 =	smov.u32 s13  }
0x2fe: {  	v8 =	vld [tilespmem:s18+$0xB400];
	v6 =	vadd.f32 v7, v6;
	v7 =	vmul.f32 v9, v3  }
0x2ff: {  	v15 =	vld [tilespmem:s18+$0xB410]  }
0x300: {  	v16 =	vld [tilespmem:s18+$0xB420];
	v6 =	vadd.f32 v7, v6;
	v9 =	vmul.f32 v12, v4  }
0x301: {  	v17 =	vld [tilespmem:s18+$0xB430]  }
.Ltmp6:
0x302: {  	v7 =	vld [tilespmem:s18+$0xB440];
	v18 =	vadd.f32 v9, v6;
	v14 =	vmul.f32 v14, v5;
	(pc) =	sbr.rel @p0 .LBB2_14-.Ltmp6, $4  }
0x303: {  	v1 =	vmul.f32 v8, v1;
	v9 =	vld [tilespmem:s18+$0xB450]  }
0x304: {  	v12 =	vmul.f32 v15, v13;
	v6 =	vld [tilespmem:s18+$0xB460];
	v14 =	vadd.f32 v14, v18  }
0x305: {  	s13 =	sshra.s32 s4, $0x2;
	v13 =	vadd.f32 $0.0e+00, v1;
	v11 =	vmul.f32 v16, v11;
	v8 =	vld [tilespmem:s18+$0xB470]  }
0x306: {  	s4 =	sadd.s32 $0x200, s4;
	v1 =	vld [tilespmem:s13+$0x3400];
	v10 =	vmul.f32 v17, v10;
	[tilespmem:s18+$0x1B400] =	vst v14  }
0x307: {  	v14 =	vld [tilespmem:s13+$0xF400];
	v12 =	vadd.f32 v12, v13  }
0x308: {  	v13 =	vld [tilespmem:s13+$0x3410]  }
0x309: {  	v15 =	vld [tilespmem:s13+$0xF410];
	v11 =	vadd.f32 v11, v12  }
0x30a: {  	v16 =	vld [tilespmem:s13+$0xF420]  }
0x30b: {  	v2 =	vmul.f32 v7, v2;
	v17 =	vld [tilespmem:s13+$0xF470];
	v7 =	vadd.f32 v10, v11  }
0x30c: {  	v3 =	vmul.f32 v9, v3;
	v9 =	vld [tilespmem:s13+$0xF440]  }
0x30d: {  	v12 =	vld [tilespmem:s13+$0x3420];
	v2 =	vadd.f32 v2, v7  }
0x30e: {  	v4 =	vmul.f32 v6, v4;
	v6 =	vld [tilespmem:s13+$0xF450]  }
0x30f: {  	v5 =	vmul.f32 v8, v5;
	v8 =	vld [tilespmem:s13+$0xF460];
	v2 =	vadd.f32 v3, v2  }
0x310: {  	v10 =	vld [tilespmem:s13+$0x3430]  }
0x311: {  	v11 =	vld [tilespmem:s13+$0xF430];
	v2 =	vadd.f32 v4, v2  }
0x312: {  	v7 =	vld [tilespmem:s13+$0x3440]  }
0x313: {  	v3 =	vld [tilespmem:s13+$0x3450];
	v2 =	vadd.f32 v5, v2  }
0x314: {  	v4 =	vld [tilespmem:s13+$0x3460]  }
0x315: {  	v5 =	vld [tilespmem:s13+$0x3470];
	[tilespmem:s18+$0x17400] =	vst v2  }
0x316: {  	v2 =	vld [tilespmem:s13+$0xB400];
	_ =	sdelay $0x1  }
0x317: {  	v18 =	vld [tilespmem:s13+$0xB410];
	_ =	sdelay $0x1  }
0x318: {  	v14 =	vmul.f32 v14, v1;
	v19 =	vld [tilespmem:s13+$0xB420]  }
0x319: {  	v1 =	vmul.f32 v2, v1  }
0x31a: {  	v2 =	vadd.f32 $0.0e+00, v14;
	v14 =	vmul.f32 v15, v13;
	v15 =	vld [tilespmem:s13+$0xB430]  }
0x31b: {  	v13 =	vmul.f32 v18, v13;
	v1 =	vadd.f32 $0.0e+00, v1  }
0x31c: {  	v60 =	vld [tilespmem:s13+$0xB440];
	v2 =	vadd.f32 v14, v2;
	v14 =	vmul.f32 v16, v12  }
0x31d: {  	v12 =	vmul.f32 v19, v12;
	v1 =	vadd.f32 v13, v1  }
0x31e: {  	v11 =	vmul.f32 v11, v10;
	v2 =	vadd.f32 v14, v2;
	v13 =	vld [tilespmem:s13+$0xB450]  }
0x31f: {  	v10 =	vmul.f32 v15, v10;
	v1 =	vadd.f32 v12, v1  }
0x320: {  	v9 =	vmul.f32 v9, v7;
	v2 =	vadd.f32 v11, v2;
	v11 =	vld [tilespmem:s13+$0xB460]  }
0x321: {  	v7 =	vmul.f32 v60, v7;
	v1 =	vadd.f32 v10, v1  }
0x322: {  	v6 =	vmul.f32 v6, v3;
	v2 =	vadd.f32 v9, v2;
	v9 =	vld [tilespmem:s13+$0xB470]  }
0x323: {  	v3 =	vmul.f32 v13, v3;
	v1 =	vadd.f32 v7, v1  }
0x324: {  	v2 =	vadd.f32 v6, v2;
	v6 =	vmul.f32 v8, v4  }
0x325: {  	v4 =	vmul.f32 v11, v4;
	v1 =	vadd.f32 v3, v1  }
0x326: {  	v2 =	vadd.f32 v6, v2;
	v3 =	vmul.f32 v17, v5  }
0x327: {  	v5 =	vmul.f32 v9, v5;
	v1 =	vadd.f32 v4, v1  }
0x328: {  	v2 =	vadd.f32 v3, v2  }
0x329: {  	v1 =	vadd.f32 v5, v1  }
0x32a: {  	[tilespmem:s13+$0x1B400] =	vst v2  }
0x32b: {  	[tilespmem:s13+$0x17400] =	vst v1  }
0x32c: {  	[tilespmem:s29], [sflag:$0x5] =	stream.indirect.gather [hbm4b:s2+s1], $0x80, s23, s1, $0xb8;
	[tilespmem:$0x1F400] =	vst v63  }
0x32d: {  	s4 =	simm.s32 $0x0;
	s18 =	rddreg [dreg:$0x13]  }
0x32e: {  	[hbm4b:s18+s4] =	stream.linear.scatter [tilespmem:s19], [sflag:$0x6], $0x4000, $0x38;
	[tilespmem:$0x1F400] =	vst v63  }
0x32f: {  	_ =	swait.ge [sflag:s20], $0x4000  }
0x330: {  	[sflag:s20] =	ssyncset.done $0x0  }
0x331: {  	s18 =	rddreg [dreg:$0x14];
	[sflag:s20] =	ssyncadd.s32 $0xFFFFC000  }
0x332: {  	[hbm4b:s18+s4] =	stream.linear.scatter [tilespmem:s21], [sflag:$0x6], $0x4000, $0x38;
	[tilespmem:$0x1F400] =	vst v63  }
0x333: {  	_ =	swait.ge [sflag:s20], $0x4000  }
0x334: {  	[sflag:s20] =	ssyncset.done $0x0  }
0x335: {  	[sflag:s20] =	ssyncadd.s32 $0xFFFFC000  }
0x336: {  	_ =	swait.ge [sflag:s26], $0x4000  }
0x337: {  	[sflag:s26] =	ssyncset.done $0x0  }
0x338: {  	[sflag:s26] =	ssyncadd.s32 $0xFFFFC000  }
0x339: {  	_ =	swait.ge [sflag:s26], $0x4000  }
0x33a: {  	[sflag:s26] =	ssyncset.done $0x0  }
0x33b: {  	[sflag:s26] =	ssyncadd.s32 $0xFFFFC000  }
0x33c: {  	_ =	swait.ge [sflag:s26], $0x4000  }
0x33d: {  	[sflag:s26] =	ssyncset.done $0x0  }
0x33e: {  	[sflag:s26] =	ssyncadd.s32 $0xFFFFC000  }
0x33f: {  	_ =	swait.ge [sflag:s26], $0x4000  }
0x340: {  	[sflag:s26] =	ssyncset.done $0x0  }
0x341: {  	[sflag:s26] =	ssyncadd.s32 $0xFFFFC000  }
0x342: {  	_ =	swait.ge [sflag:s26], $0x4000  }
0x343: {  	[sflag:s26] =	ssyncset.done $0x0  }
0x344: {  	[sflag:s26] =	ssyncadd.s32 $0xFFFFC000  }
0x345: {  	_ =	swait.ge [sflag:s26], $0x4000  }
0x346: {  	[sflag:s26] =	ssyncset.done $0x0  }
0x347: {  	[sflag:s26] =	ssyncadd.s32 $0xFFFFC000  }
0x348: {  	_ =	swait.ge [sflag:s26], $0x4000  }
0x349: {  	[sflag:s26] =	ssyncset.done $0x0  }
0x34a: {  	[sflag:s26] =	ssyncadd.s32 $0xFFFFC000  }
0x34b: {  	_ =	swait.ge [sflag:s26], $0x4000  }
0x34c: {  	[sflag:s26] =	ssyncset.done $0x0  }
0x34d: {  	[sflag:s26] =	ssyncadd.s32 $0xFFFFC000  }
0x34e: {  	_ =	swait.ge [sflag:s26], $0x4000  }
0x34f: {  	[sflag:s26] =	ssyncset.done $0x0  }
0x350: {  	[sflag:s26] =	ssyncadd.s32 $0xFFFFC000  }
0x351: {  	_ =	swait.ge [sflag:s26], $0x4000  }
0x352: {  	[sflag:s26] =	ssyncset.done $0x0  }
0x353: {  	[sflag:s26] =	ssyncadd.s32 $0xFFFFC000  }
0x354: {  	_ =	swait.ge [sflag:s26], $0x4000  }
0x355: {  	[sflag:s26] =	ssyncset.done $0x0  }
0x356: {  	[sflag:s26] =	ssyncadd.s32 $0xFFFFC000  }
0x357: {  	_ =	swait.ge [sflag:s26], $0x4000  }
0x358: {  	[sflag:s26] =	ssyncset.done $0x0  }
0x359: {  	[sflag:s26] =	ssyncadd.s32 $0xFFFFC000  }
0x35a: {  	_ =	swait.ge [sflag:s26], $0x4000  }
0x35b: {  	[sflag:s26] =	ssyncset.done $0x0  }
0x35c: {  	[sflag:s26] =	ssyncadd.s32 $0xFFFFC000  }
0x35d: {  	_ =	swait.ge [sflag:s26], $0x4000  }
0x35e: {  	[sflag:s26] =	ssyncset.done $0x0  }
0x35f: {  	[sflag:s26] =	ssyncadd.s32 $0xFFFFC000  }
0x360: {  	_ =	swait.ge [sflag:s26], $0x4000  }
0x361: {  	[sflag:s26] =	ssyncset.done $0x0  }
0x362: {  	[sflag:s26] =	ssyncadd.s32 $0xFFFFC000  }
0x363: {  	_ =	swait.ge [sflag:s26], $0x4000  }
0x364: {  	[sflag:s26] =	ssyncset.done $0x0  }
0x365: {  	[sflag:s26] =	ssyncadd.s32 $0xFFFFC000  }
0x366: {  	_ =	swait.ge [sflag:s26], $0x4000  }
0x367: {  	[sflag:s26] =	ssyncset.done $0x0  }
0x368: {  	[sflag:s26] =	ssyncadd.s32 $0xFFFFC000  }
0x369: {  	_ =	swait.ge [sflag:s26], $0x4000  }
0x36a: {  	[sflag:s26] =	ssyncset.done $0x0  }
0x36b: {  	[sflag:s26] =	ssyncadd.s32 $0xFFFFC000  }
0x36c: {  	_ =	swait.ge [sflag:s26], $0x4000  }
0x36d: {  	[sflag:s26] =	ssyncset.done $0x0  }
0x36e: {  	[sflag:s26] =	ssyncadd.s32 $0xFFFFC000  }
0x36f: {  	_ =	swait.ge [sflag:s26], $0x4000  }
0x370: {  	[sflag:s26] =	ssyncset.done $0x0  }
0x371: {  	[sflag:s26] =	ssyncadd.s32 $0xFFFFC000  }
0x372: {  	_ =	swait.ge [sflag:s26], $0x4000  }
0x373: {  	[sflag:s26] =	ssyncset.done $0x0  }
0x374: {  	[sflag:s26] =	ssyncadd.s32 $0xFFFFC000  }
0x375: {  	_ =	swait.ge [sflag:s10], $0x4000  }
0x376: {  	[sflag:s10] =	ssyncset.done $0x0  }
0x377: {  	s18 =	simm.s32 $0x0;
	[sflag:s10] =	ssyncadd.s32 $0xFFFFC000  }
0x378: {  	v1 =	vld [tilespmem:s18+$0x7400]  }
0x379: {  	v2 =	vld [tilespmem:s18+$0x13400]  }
0x37a: {  	v10 =	vld [tilespmem:s18+$0x7410]  }
0x37b: {  	v3 =	vld [tilespmem:s18+$0x13410]  }
0x37c: {  	v11 =	vld [tilespmem:s18+$0x7420]  }
0x37d: {  	v4 =	vld [tilespmem:s18+$0x13420]  }
0x37e: {  	v14 =	vld [tilespmem:s18+$0x7430];
	v5 =	vmul.f32 v2, v1  }
0x37f: {  	v6 =	vld [tilespmem:s18+$0x13430]  }
0x380: {  	v8 =	vld [tilespmem:s18+$0x13440];
	v7 =	vmul.f32 v3, v10;
	v5 =	vadd.f32 $0.0e+00, v5  }
0x381: {  	v2 =	vld [tilespmem:s18+$0x7440]  }
0x382: {  	v9 =	vld [tilespmem:s18+$0x13450];
	v5 =	vadd.f32 v7, v5;
	v7 =	vmul.f32 v4, v11  }
0x383: {  	v3 =	vld [tilespmem:s18+$0x7450]  }
0x384: {  	v12 =	vld [tilespmem:s18+$0x13460];
	v6 =	vmul.f32 v6, v14;
	v7 =	vadd.f32 v7, v5  }
0x385: {  	v4 =	vld [tilespmem:s18+$0x7460]  }
0x386: {  	v5 =	vld [tilespmem:s18+$0x7470];
	v6 =	vadd.f32 v6, v7;
	v7 =	vmul.f32 v8, v2  }
0x387: {  	v8 =	vld [tilespmem:s18+$0x13470]  }
0x388: {  	v13 =	vld [tilespmem:s18+$0xB400];
	v6 =	vadd.f32 v7, v6;
	v7 =	vmul.f32 v9, v3  }
0x389: {  	v15 =	vld [tilespmem:s18+$0xB410]  }
0x38a: {  	v61 =	vld [tilespmem:s18+$0xB420];
	v9 =	vmul.f32 v12, v4;
	v6 =	vadd.f32 v7, v6  }
0x38b: {  	v62 =	vld [tilespmem:s18+$0xB430]  }
0x38c: {  	v7 =	vld [tilespmem:s18+$0xB440];
	v8 =	vmul.f32 v8, v5;
	v12 =	vadd.f32 v9, v6  }
0x38d: {  	v13 =	vmul.f32 v13, v1;
	v9 =	vld [tilespmem:s18+$0xB450]  }
0x38e: {  	v6 =	vld [tilespmem:s18+$0xB460];
	v63 =	vadd.f32 v8, v12  }
0x38f: {  	s13 =	simm.s32 $0x80;
	v13 =	vadd.f32 $0.0e+00, v13;
	v8 =	vld [tilespmem:s18+$0xB470];
	v12 =	vmul.f32 v15, v10  }
0x390: {  	s4 =	simm.s32 $0x400;
	v1 =	vld [tilespmem:s13+$0x7400];
	v11 =	vmul.f32 v61, v11;
	v10 =	vmul.f32 v62, v14;
	[tilespmem:s18+$0x1B400] =	vst v63  }
.LBB2_16:
0x391: {  	p0 =	sne.s32 s4, $0xFE00;
	v14 =	vld [tilespmem:s13+$0x13400];
	v12 =	vadd.f32 v12, v13;
	v2 =	vmul.f32 v7, v2  }
0x392: {  	v13 =	vld [tilespmem:s13+$0x7410];
	v3 =	vmul.f32 v9, v3  }
0x393: {  	v7 =	vld [tilespmem:s13+$0x13410];
	v9 =	vadd.f32 v11, v12;
	v4 =	vmul.f32 v6, v4  }
0x394: {  	v11 =	vld [tilespmem:s13+$0x7420];
	v5 =	vmul.f32 v8, v5  }
0x395: {  	v6 =	vld [tilespmem:s13+$0x13420];
	v8 =	vadd.f32 v10, v9  }
0x396: {  	v9 =	vmul.f32 v14, v1;
	v10 =	vld [tilespmem:s13+$0x7430]  }
0x397: {  	v12 =	vld [tilespmem:s13+$0x13430];
	v8 =	vadd.f32 v2, v8  }
0x398: {  	v9 =	vadd.f32 $0.0e+00, v9;
	v7 =	vmul.f32 v7, v13;
	v2 =	vld [tilespmem:s13+$0x7440]  }
0x399: {  	v14 =	vld [tilespmem:s13+$0x13440];
	v8 =	vadd.f32 v3, v8  }
0x39a: {  	v7 =	vadd.f32 v7, v9;
	v6 =	vmul.f32 v6, v11;
	v3 =	vld [tilespmem:s13+$0x7450]  }
0x39b: {  	v9 =	vld [tilespmem:s13+$0x13450];
	v8 =	vadd.f32 v4, v8  }
0x39c: {  	v6 =	vadd.f32 v6, v7;
	v7 =	vmul.f32 v12, v10;
	v4 =	vld [tilespmem:s13+$0x7460]  }
0x39d: {  	v12 =	vld [tilespmem:s13+$0x13460];
	v8 =	vadd.f32 v5, v8  }
0x39e: {  	v6 =	vadd.f32 v7, v6;
	v7 =	vmul.f32 v14, v2;
	v5 =	vld [tilespmem:s13+$0x7470]  }
0x39f: {  	v14 =	vld [tilespmem:s13+$0x13470];
	[tilespmem:s18+$0x17400] =	vst v8;
	s18 =	smov.u32 s13  }
0x3a0: {  	v8 =	vld [tilespmem:s18+$0xB400];
	v6 =	vadd.f32 v7, v6;
	v7 =	vmul.f32 v9, v3  }
0x3a1: {  	v15 =	vld [tilespmem:s18+$0xB410]  }
0x3a2: {  	v16 =	vld [tilespmem:s18+$0xB420];
	v6 =	vadd.f32 v7, v6;
	v9 =	vmul.f32 v12, v4  }
0x3a3: {  	v17 =	vld [tilespmem:s18+$0xB430]  }
.Ltmp7:
0x3a4: {  	v7 =	vld [tilespmem:s18+$0xB440];
	v18 =	vadd.f32 v9, v6;
	v14 =	vmul.f32 v14, v5;
	(pc) =	sbr.rel @p0 .LBB2_16-.Ltmp7, $4  }
0x3a5: {  	v1 =	vmul.f32 v8, v1;
	v9 =	vld [tilespmem:s18+$0xB450]  }
0x3a6: {  	v12 =	vmul.f32 v15, v13;
	v6 =	vld [tilespmem:s18+$0xB460];
	v14 =	vadd.f32 v14, v18  }
0x3a7: {  	s13 =	sshra.s32 s4, $0x2;
	v13 =	vadd.f32 $0.0e+00, v1;
	v11 =	vmul.f32 v16, v11;
	v8 =	vld [tilespmem:s18+$0xB470]  }
0x3a8: {  	s4 =	sadd.s32 $0x200, s4;
	v1 =	vld [tilespmem:s13+$0x7400];
	v10 =	vmul.f32 v17, v10;
	[tilespmem:s18+$0x1B400] =	vst v14  }
0x3a9: {  	v14 =	vld [tilespmem:s13+$0x13400];
	v12 =	vadd.f32 v12, v13  }
0x3aa: {  	v45 =	vld [tilespmem:s13+$0x7410]  }
0x3ab: {  	v15 =	vld [tilespmem:s13+$0x13410];
	v11 =	vadd.f32 v11, v12  }
0x3ac: {  	v46 =	vld [tilespmem:s13+$0x7420]  }
0x3ad: {  	v16 =	vld [tilespmem:s13+$0x13420];
	v2 =	vmul.f32 v7, v2;
	v47 =	vadd.f32 v10, v11  }
0x3ae: {  	v48 =	vld [tilespmem:s13+$0x7430]  }
0x3af: {  	v49 =	vld [tilespmem:s13+$0x13430];
	v3 =	vmul.f32 v9, v3;
	v2 =	vadd.f32 v2, v47  }
0x3b0: {  	v50 =	vld [tilespmem:s13+$0x7440]  }
0x3b1: {  	v51 =	vld [tilespmem:s13+$0x13440];
	v4 =	vmul.f32 v6, v4;
	v2 =	vadd.f32 v3, v2  }
0x3b2: {  	v52 =	vld [tilespmem:s13+$0x13450]  }
0x3b3: {  	v53 =	vld [tilespmem:s13+$0x7460];
	v5 =	vmul.f32 v8, v5;
	v2 =	vadd.f32 v4, v2  }
0x3b4: {  	v54 =	vld [tilespmem:s13+$0x13460]  }
0x3b5: {  	v55 =	vld [tilespmem:s13+$0x7470];
	v2 =	vadd.f32 v5, v2  }
0x3b6: {  	v17 =	vld [tilespmem:s13+$0x13470]  }
0x3b7: {  	v3 =	vld [tilespmem:s13+$0x7450];
	[tilespmem:s18+$0x17400] =	vst v2  }
0x3b8: {  	v2 =	vld [tilespmem:s13+$0xB400];
	_ =	sdelay $0x1  }
0x3b9: {  	v18 =	vld [tilespmem:s13+$0xB410];
	_ =	sdelay $0x1  }
0x3ba: {  	v14 =	vmul.f32 v14, v1;
	v19 =	vld [tilespmem:s13+$0xB420]  }
0x3bb: {  	v1 =	vmul.f32 v2, v1  }
0x3bc: {  	v56 =	vmul.f32 v15, v45;
	v57 =	vld [tilespmem:s13+$0xB430];
	v2 =	vadd.f32 $0.0e+00, v14  }
0x3bd: {  	v13 =	vmul.f32 v18, v45;
	v1 =	vadd.f32 $0.0e+00, v1  }
0x3be: {  	v58 =	vmul.f32 v16, v46;
	v59 =	vld [tilespmem:s13+$0xB440];
	v2 =	vadd.f32 v56, v2  }
0x3bf: {  	v12 =	vmul.f32 v19, v46;
	v1 =	vadd.f32 v13, v1  }
0x3c0: {  	v11 =	vmul.f32 v49, v48;
	v60 =	vld [tilespmem:s13+$0xB450];
	v2 =	vadd.f32 v58, v2  }
0x3c1: {  	v10 =	vmul.f32 v57, v48;
	v1 =	vadd.f32 v12, v1  }
0x3c2: {  	v9 =	vmul.f32 v51, v50;
	v61 =	vld [tilespmem:s13+$0xB460];
	v2 =	vadd.f32 v11, v2  }
0x3c3: {  	v7 =	vmul.f32 v59, v50;
	v1 =	vadd.f32 v10, v1  }
0x3c4: {  	v6 =	vmul.f32 v52, v3;
	v62 =	vld [tilespmem:s13+$0xB470];
	v2 =	vadd.f32 v9, v2  }
0x3c5: {  	v3 =	vmul.f32 v60, v3;
	v1 =	vadd.f32 v7, v1  }
0x3c6: {  	v63 =	vmul.f32 v54, v53;
	v2 =	vadd.f32 v6, v2  }
0x3c7: {  	v4 =	vmul.f32 v61, v53;
	v1 =	vadd.f32 v3, v1  }
0x3c8: {  	v2 =	vadd.f32 v63, v2;
	v3 =	vmul.f32 v17, v55  }
0x3c9: {  	v5 =	vmul.f32 v62, v55;
	v1 =	vadd.f32 v4, v1  }
0x3ca: {  	v2 =	vadd.f32 v3, v2  }
0x3cb: {  	v1 =	vadd.f32 v5, v1  }
0x3cc: {  	[tilespmem:s13+$0x1B400] =	vst v2  }
0x3cd: {  	s4 =	rddreg [dreg:$0x15];
	[tilespmem:s13+$0x17400] =	vst v1  }
0x3ce: {  	[hbm4b:s4+s3] =	stream.linear.scatter [tilespmem:s19], [sflag:$0x6], $0x4000, $0x38;
	[tilespmem:$0x1F400] =	vst v63  }
0x3cf: {  	_ =	swait.ge [sflag:s20], $0x4000  }
0x3d0: {  	[sflag:s20] =	ssyncset.done $0x0  }
0x3d1: {  	s13 =	rddreg [dreg:$0x16];
	[sflag:s20] =	ssyncadd.s32 $0xFFFFC000  }
0x3d2: {  	[hbm4b:s13+s3] =	stream.linear.scatter [tilespmem:s21], [sflag:$0x6], $0x4000, $0x38;
	[tilespmem:$0x1F400] =	vst v63  }
0x3d3: {  	_ =	swait.ge [sflag:s20], $0x4000  }
0x3d4: {  	s28 =	sadd.s32 $0x1, s28;
	s18 =	rddreg [dreg:$0x17]  }
0x3d5: {  	p0 =	sne.s32 s28, s18  }
.Ltmp8:
0x3d6: {  	_ = 	snop;
	(pc) =	sbr.rel @p0 .LBB2_1-.Ltmp8, $3  }
0x3d7: {  	_ =	sdelay $0x1  }
0x3d8: {  	[sflag:s20] =	ssyncset.done $0x0  }
0x3d9: {  	[sflag:s20] =	ssyncadd.s32 $0xFFFFC000;
	s18 =	simm.s32 $0x200  }
0x3da: {  	_ =	sfence.sel $0x180000  }
0x3db: {  	[bflag:$0x0] =	sbarrier.arrive $0xFFFF  }
0x3dc: {  	_ =	strace $0x90000047  }
0x3dd: {  	s0 =	stileid.u32;
	[bflag:$0x2] =	sbarrier.arrive $0xFFFF  }
0x3de: {  	p0 =	sne.s32 s0, $0x0;
	s0 =	rddreg [dreg:$0x6]  }
0x3df: {  	s0 =	sadd.s32 @!p0 $0x100000, s0  }
0x3e0: {  	[sflag:s0] =	ssyncadd.tile.s32 @!p0 $0x1;
	_ =	shalt  }
.Lfunc_end2:
_tile_overlayer_lowered:
.L_overlay_start_2:
0x3e1: {  	(tag) =	ssettag $0x2  }
0x3e2: {  	s0 =	rddreg [dreg:$0x0];
	s2 =	stileid.u32  }
0x3e3: {  	s1 =	rddreg [dreg:$0x1];
	p0 =	sne.s32 s2, $0x0  }
0x3e4: {  	s3 =	rddreg [dreg:$0x2];
	[bflag:$0x3] =	sbarrier.arrive $0xFFFF;
	s2 =	simm.s32 @!p0 $0x1C06  }
0x3e5: {  	[timem:s3], [sflag:s2] =	dma.local @!p0 [hbm:s0], s1  }
0x3e6: {  	s0 =	simm.s32 @!p0 $0x6  }
0x3e7: {  	_ =	swait.ge @!p0 [sflag:s0], s1  }
0x3e8: {  	s1 =	ssub.s32 @!p0 $0x0, s1;
	[sflag:s0] =	ssyncset.done @!p0 $0x0  }
0x3e9: {  	[sflag:s0] =	ssyncadd.s32 @!p0 s1  }
0x3ea: {  	[bflag:$0x3] =	sbarrier.arrive $0xFFFF  }
0x3eb: {  	_ =	shalt  }

</sc_bundles>
